<compile_context>
chip_gen: v7x
topology: tpu7x:2x2x1
jax: 0.10.2.dev20260603
libtpu: 0.0.44.dev20260713+nightly
codegen_flags: <defaults>
</compile_context>

<pallas_src>
import functools

import jax
import jax.numpy as jnp
from jax import lax
from jax.experimental import pallas as pl
from jax.experimental.pallas import tpu as pltpu
from jax.experimental.pallas import tpu_sc as plsc

N = 10000
NP = 10240
E = 320000
D = 128
NC = 2
NS = 16
CH = 80
ET = E // NS
TCHUNKS = ET // CH
ET2 = E // (NC * NS)
TCHUNKS2 = ET2 // CH
RPT = NP // NS

_MESH = plsc.VectorSubcoreMesh(
    core_axis_name="c", subcore_axis_name="s", num_cores=NC, num_subcores=NS)



@functools.partial(
    pl.kernel,
    out_type=jax.ShapeDtypeStruct((NC * NP,), jnp.float32),
    mesh=_MESH,
    scratch_types=[
        pltpu.VMEM((ET,), jnp.int32),
        pltpu.VMEM((3, CH), jnp.int32),
        pltpu.VMEM((CH,), jnp.float32),
        pltpu.VMEM_SHARED((NP,), jnp.float32),
        pltpu.SemaphoreType.DMA((3,)),
    ],
)
def _deg_kernel(eidx_hbm, zeros_hbm, ones_hbm, out_hbm,
                idx_v, didx_v, ones_v, deg_sh, sem_s):
    c = lax.axis_index("c")
    s = lax.axis_index("s")

    pltpu.sync_copy(ones_hbm, ones_v)
    base = pl.multiple_of(c * E + s * ET, 8)
    pltpu.sync_copy(eidx_hbm.at[pl.ds(base, ET)], idx_v)
    pltpu.sync_copy(zeros_hbm.at[pl.ds(s * RPT, RPT)], deg_sh.at[pl.ds(s * RPT, RPT)])
    plsc.subcore_barrier()

    def step(j, _):
        p = lax.rem(j, 3)

        @pl.when(j > 1)
        def _():
            q = lax.rem(j + 1, 3)
            pltpu.make_async_copy(ones_v, deg_sh.at[didx_v.at[q]], sem_s.at[q]).wait()

        for i in range(CH // 16):
            didx_v[p, pl.ds(i * 16, 16)] = idx_v[pl.ds(j * CH + i * 16, 16)]
        pltpu.async_copy(ones_v, deg_sh.at[didx_v.at[p]], sem_s.at[p], add=True)
        return 0
    lax.fori_loop(0, TCHUNKS, step, 0)
    for jj in (TCHUNKS - 2, TCHUNKS - 1):
        pltpu.make_async_copy(ones_v, deg_sh.at[didx_v.at[jj % 3]],
                              sem_s.at[jj % 3]).wait()

    plsc.subcore_barrier()
    obase = pl.multiple_of(c * NP + s * RPT, 8)
    pltpu.sync_copy(deg_sh.at[pl.ds(s * RPT, RPT)], out_hbm.at[pl.ds(obase, RPT)])


NROWS = 3
NDIDX = 4
CHS = 128
ESC = E // NC
NCHS = ESC // CHS
BCT = NCHS // NS
XTRA = NCHS % NS
NPA = 10112
RPTA = NPA // NS


@functools.partial(
    pl.kernel,
    out_type=jax.ShapeDtypeStruct((NC * NPA, D), jnp.float32),
    mesh=_MESH,
    scratch_types=[
        pltpu.VMEM((NROWS, CHS), jnp.int32),
        pltpu.VMEM((NDIDX, CHS), jnp.int32),
        pltpu.VMEM((NROWS, CHS, D), jnp.float32),
        pltpu.VMEM_SHARED((NPA, D), jnp.float32),
        pltpu.SemaphoreType.DMA((NDIDX,)),
        pltpu.SemaphoreType.DMA((NROWS,)),
        pltpu.SemaphoreType.DMA((NROWS,)),
    ],
)
def _scatter_kernel(hw_hbm, eidx_hbm, zeros_hbm, out_hbm,
                    sidx_v, didx_v, rows_v, agg_sh, sem_i, sem_g, sem_s):
    c = lax.axis_index("c")
    s = lax.axis_index("s")
    nchunks = BCT + (s < XTRA).astype(jnp.int32)
    cbase = BCT * s + jnp.minimum(s, XTRA)
    tbase = c * ESC + cbase * CHS

    def idx_refs(j, ss, ds):
        sb = pl.ds(pl.multiple_of(tbase + j * CHS, 8), CHS)
        db = pl.ds(pl.multiple_of(E + tbase + j * CHS, 8), CHS)
        return ((eidx_hbm.at[sb], sidx_v.at[ss], sem_i.at[ds]),
                (eidx_hbm.at[db], didx_v.at[ds], sem_i.at[ds]))

    def idx_start(j, ss, ds):
        for tr in idx_refs(j, ss, ds):
            pltpu.async_copy(*tr)

    def idx_wait(j, ss, ds):
        for tr in idx_refs(j, ss, ds):
            pltpu.make_async_copy(*tr).wait()

    def gather_refs(ri):
        return (hw_hbm.at[sidx_v.at[ri]], rows_v.at[ri], sem_g.at[ri])

    def scat_refs(ri, di):
        return (rows_v.at[ri], agg_sh.at[didx_v.at[di]], sem_s.at[ri])

    for jj in range(3):
        idx_start(jj, jj, jj)
    for jj in range(2):
        idx_wait(jj, jj, jj)
        pltpu.async_copy(*gather_refs(jj))

    pltpu.sync_copy(zeros_hbm.at[pl.ds(s * RPTA, RPTA)],
                    agg_sh.at[pl.ds(s * RPTA, RPTA)])
    plsc.subcore_barrier()

    def step(j, _):
        p3 = lax.rem(j, NROWS)
        p4 = lax.rem(j, NDIDX)

        pltpu.make_async_copy(*gather_refs(p3)).wait()

        @pl.when(j > 0)
        def _():
            pltpu.make_async_copy(
                *scat_refs(lax.rem(j + NROWS - 1, NROWS),
                           lax.rem(j + NDIDX - 1, NDIDX))).wait()

        pltpu.async_copy(*scat_refs(p3, p4), add=True)

        @pl.when(j + 3 < nchunks)
        def _():
            idx_start(j + 3, p3, lax.rem(j + 3, NDIDX))

        @pl.when(j + 2 < nchunks)
        def _():
            r3 = lax.rem(j + 2, NROWS)
            idx_wait(j + 2, r3, lax.rem(j + 2, NDIDX))
            pltpu.async_copy(*gather_refs(r3))
        return 0
    lax.fori_loop(0, nchunks, step, 0)
    pltpu.make_async_copy(
        *scat_refs(lax.rem(nchunks - 1, NROWS),
                   lax.rem(nchunks - 1, NDIDX))).wait()

    plsc.subcore_barrier()
    obase = pl.multiple_of(c * NPA + s * RPTA, 8)
    pltpu.sync_copy(agg_sh.at[pl.ds(s * RPTA, RPTA)], out_hbm.at[pl.ds(obase, RPTA)])



def _scale_of(deg_ref):
    return lax.rsqrt(jnp.maximum(deg_ref[...], 1.0))


def _f0_body(x_ref, do_ref, w_ref, out_ref):
    out_ref[0:N, :] = lax.dot_general(x_ref[...] * _scale_of(do_ref), w_ref[...],
                                      (((1,), (1,)), ((), ())),
                                      preferred_element_type=jnp.float32)


def _bn_relu(agg_ref, di_ref, g_ref, b_ref):
    a = agg_ref[...]
    h = a[0:N] + a[NPA:NPA + N]
    h = h * _scale_of(di_ref)
    m = jnp.mean(h, axis=0, keepdims=True)
    d = h - m
    v = jnp.mean(d * d, axis=0, keepdims=True)
    hn = d * lax.rsqrt(v + 1e-5) * g_ref[...] + b_ref[...]
    return jnp.maximum(hn, 0.0)


def _f1_body(agg_ref, do_ref, di_ref, g_ref, b_ref, w_ref, out_ref):
    hr = _bn_relu(agg_ref, di_ref, g_ref, b_ref)
    out_ref[0:N, :] = lax.dot_general(hr * _scale_of(do_ref), w_ref[...],
                                      (((1,), (1,)), ((), ())),
                                      preferred_element_type=jnp.float32)


def _fc_body(agg_ref, di_ref, g_ref, b_ref, wc_ref, bc_ref, out_ref):
    hr = _bn_relu(agg_ref, di_ref, g_ref, b_ref)
    out_ref[...] = lax.dot_general(hr, wc_ref[...],
                                   (((1,), (1,)), ((), ())),
                                   preferred_element_type=jnp.float32) + bc_ref[...]


_f0 = pl.pallas_call(_f0_body, out_shape=jax.ShapeDtypeStruct((NP, D), jnp.float32))
_f1 = pl.pallas_call(_f1_body, out_shape=jax.ShapeDtypeStruct((NP, D), jnp.float32))
_fc = pl.pallas_call(_fc_body, out_shape=jax.ShapeDtypeStruct((N, 40), jnp.float32))


def kernel(x, edge_index, W0, g0, b0, W1, g1, b1, W2, g2, b2, Wc, bc):
    eidx = edge_index.reshape(2 * E)
    zeros1 = jnp.zeros((NP,), jnp.float32)
    zeros128 = jnp.zeros((NPA, D), jnp.float32)
    g0r, g1r, g2r = g0.reshape(1, D), g1.reshape(1, D), g2.reshape(1, D)
    b0r, b1r, b2r = b0.reshape(1, D), b1.reshape(1, D), b2.reshape(1, D)
    bcr = bc.reshape(1, 40)

    degs = _deg_kernel(eidx, zeros1, jnp.ones((CH,), jnp.float32))
    do = degs[0:N].reshape(N, 1)
    di = degs[NP:NP + N].reshape(N, 1)

    hw = _f0(x, do, W0)
    agg = _scatter_kernel(hw, eidx, zeros128)
    hw = _f1(agg, do, di, g0r, b0r, W1)
    agg = _scatter_kernel(hw, eidx, zeros128)
    hw = _f1(agg, do, di, g1r, b1r, W2)
    agg = _scatter_kernel(hw, eidx, zeros128)
    return _fc(agg, di, g2r, b2r, Wc, bcr)

# --- scband reference (transcript-rebuilt; emitter-appended) ---
"""Pipeline reference for scband-gcnnode-37056977830250 (READ-ONLY COPY).

The authoritative reference and input builder live on the scoring server;
editing this copy changes nothing except your own understanding.
"""

import jax, jax.numpy as jnp
import numpy as np

N = 10000
E = 320000
D = 128
H = 128
C = 40


def setup_inputs(seed: int = 0) -> dict:
    key = jax.random.key(seed)
    ks = jax.random.split(key, 12)
    x = jax.random.normal(ks[0], (N, D), dtype=jnp.float32)
    edge_index = jax.random.randint(ks[1], (2, E), 0, N, dtype=jnp.int32)
    def lin_w(k, out_f, in_f):
        lim = 1.0 / np.sqrt(in_f)
        return jax.random.uniform(k, (out_f, in_f), minval=-lim, maxval=lim, dtype=jnp.float32)
    W0 = lin_w(ks[2], H, D)
    W1 = lin_w(ks[3], H, H)
    W2 = lin_w(ks[4], H, H)
    g0 = jnp.ones((H,), jnp.float32); b0 = jnp.zeros((H,), jnp.float32)
    g1 = jnp.ones((H,), jnp.float32); b1 = jnp.zeros((H,), jnp.float32)
    g2 = jnp.ones((H,), jnp.float32); b2 = jnp.zeros((H,), jnp.float32)
    Wc = lin_w(ks[5], C, H)
    bc = jax.random.uniform(ks[6], (C,), minval=-1.0/np.sqrt(H), maxval=1.0/np.sqrt(H), dtype=jnp.float32)
    return {"x": x, "edge_index": edge_index, "W0": W0, "g0": g0, "b0": b0,
            "W1": W1, "g1": g1, "b1": b1, "W2": W2, "g2": g2, "b2": b2,
            "Wc": Wc, "bc": bc}


def _gcn_conv(h, src, dst, W, n_nodes):
    # DGL GraphConv(norm='both', bias=False, allow_zero_in_degree=True)
    ones = jnp.ones((src.shape[0],), dtype=h.dtype)
    deg_out = jnp.clip(jax.ops.segment_sum(ones, src, num_segments=n_nodes), 1.0)
    deg_in = jnp.clip(jax.ops.segment_sum(ones, dst, num_segments=n_nodes), 1.0)
    h = h * (deg_out ** -0.5)[:, None]
    h = h @ W.T
    agg = jax.ops.segment_sum(h[src], dst, num_segments=n_nodes)
    return agg * (deg_in ** -0.5)[:, None]


def _bn(h, g, b, eps=1e-5):
    mean = jnp.mean(h, axis=0)
    var = jnp.var(h, axis=0)
    return (h - mean) / jnp.sqrt(var + eps) * g + b


def reference(x, edge_index, W0, g0, b0, W1, g1, b1, W2, g2, b2, Wc, bc):
    src = edge_index[0]
    dst = edge_index[1]
    n = x.shape[0]
    h = x  # dropout p=0.0 -> identity
    for (W, g, b) in ((W0, g0, b0), (W1, g1, b1), (W2, g2, b2)):
        h = _gcn_conv(h, src, dst, W, n)
        h = _bn(h, g, b)
        h = jax.nn.relu(h)
    # AdaptiveLinear classifier; all classes observed -> mask is a no-op
    out = h @ Wc.T + bc
    observed = jnp.ones((Wc.shape[0],), dtype=bool)
    out = jnp.where(observed[None, :], out, -1e12)
    return out

if __name__ == "__main__":
    import jax
    _d = setup_inputs()
    print(jax.jit(kernel)(*tuple(_d.values())))

</pallas_src>

<mosaic_0001>
#map = affine_map<(d0, d1) -> (0, 0)>
#map1 = affine_map<(d0, d1) -> (0)>
module attributes {stable_mosaic.version = 14 : i64} {
  func.func @_scatter_kernel(%arg0: i32, %arg1: i32, %arg2: memref<10240x128xf32, #tpu.memory_space<hbm>>, %arg3: memref<640000xi32, #tpu.memory_space<hbm>>, %arg4: memref<10112x128xf32, #tpu.memory_space<hbm>>, %arg5: memref<20224x128xf32, #tpu.memory_space<hbm>>, %arg6: memref<3x128xi32, #tpu.memory_space<vmem>>, %arg7: memref<4x128xi32, #tpu.memory_space<vmem>>, %arg8: memref<3x128x128xf32, #tpu.memory_space<vmem>>, %arg9: memref<10112x128xf32, #tpu.memory_space<vmem_shared>>, %arg10: memref<4x!tpu.dma_semaphore, #tpu.memory_space<semaphore_mem>>, %arg11: memref<3x!tpu.dma_semaphore, #tpu.memory_space<semaphore_mem>>, %arg12: memref<3x!tpu.dma_semaphore, #tpu.memory_space<semaphore_mem>>) attributes {dimension_semantics = [#tpu.dimension_semantics<core_parallel>, #tpu.dimension_semantics<subcore_parallel>], iteration_bounds = array<i64: 2, 16>, scalar_prefetch = 0 : i64, scratch_operands = 7 : i64, tpu.core_type = #tpu.core_type<sc_vector_subcore>, window_params = [{transform_indices = #map}, {transform_indices = #map1}, {transform_indices = #map}, {transform_indices = #map}]} {
    %lt3A = arith.constant 2 : i32
    %lt3A_0 = arith.cmpi slt, %arg1, %lt3A : i32
    %convert_element_type3A = arith.extui %lt3A_0 : i1 to i32
    %add3A = arith.constant 78 : i32
    %add3A_1 = arith.addi %add3A, %convert_element_type3A : i32
    %mul3A = arith.constant 78 : i32
    %mul3A_2 = arith.muli %mul3A, %arg1 : i32
    %min3A = arith.constant 2 : i32
    %min3A_3 = arith.minsi %arg1, %min3A : i32
    %add3A_4 = arith.addi %mul3A_2, %min3A_3 : i32
    %mul3A_5 = arith.constant 160000 : i32
    %mul3A_6 = arith.muli %arg0, %mul3A_5 : i32
    %mul3A_7 = arith.constant 128 : i32
    %mul3A_8 = arith.muli %add3A_4, %mul3A_7 : i32
    %add3A_9 = arith.addi %mul3A_6, %mul3A_8 : i32
    %add3A_10 = arith.constant 0 : i32
    %add3A_11 = arith.addi %add3A_9, %add3A_10 : i32
    %multiple_of3A = tpu.assume_multiple %add3A_11, 8 : i32
    %add3A_12 = arith.constant 320000 : i32
    %add3A_13 = arith.addi %add3A_12, %add3A_9 : i32
    %add3A_14 = arith.constant 0 : i32
    %add3A_15 = arith.addi %add3A_13, %add3A_14 : i32
    %multiple_of3A_16 = tpu.assume_multiple %add3A_15, 8 : i32
    %dma_start3A = arith.constant 0 : i32
    %dma_start3A_17 = arith.constant 0 : i32
    %dma_start3A_18 = arith.constant 0 : i32
    %dma_start3A_19 = tpu.memref_slice %arg6[%dma_start3A, %dma_start3A_18] : memref<3x128xi32, #tpu.memory_space<vmem>> -> memref<1x128xi32, #tpu.memory_space<vmem>>
    %dma_start3A_20 = tpu.memref_squeeze %dma_start3A_19 : memref<1x128xi32, #tpu.memory_space<vmem>> -> memref<128xi32, #tpu.memory_space<vmem>>
    %dma_start3A_21 = tpu.memref_slice %arg3[%multiple_of3A] : memref<640000xi32, #tpu.memory_space<hbm>> -> memref<128xi32, #tpu.memory_space<hbm>>
    %dma_start3A_22 = tpu.memref_slice %arg10[%dma_start3A_17] : memref<4x!tpu.dma_semaphore, #tpu.memory_space<semaphore_mem>> -> memref<1x!tpu.dma_semaphore, #tpu.memory_space<semaphore_mem>>
    %dma_start3A_23 = tpu.memref_squeeze %dma_start3A_22 : memref<1x!tpu.dma_semaphore, #tpu.memory_space<semaphore_mem>> -> memref<!tpu.dma_semaphore, #tpu.memory_space<semaphore_mem>>
    %dma_start3A_24 = arith.constant 0 : i32
    %dma_start3A_25 = tpu.memref_slice %arg6[%dma_start3A, %dma_start3A_24] : memref<3x128xi32, #tpu.memory_space<vmem>> -> memref<1x128xi32, #tpu.memory_space<vmem>>
    %dma_start3A_26 = tpu.memref_squeeze %dma_start3A_25 : memref<1x128xi32, #tpu.memory_space<vmem>> -> memref<128xi32, #tpu.memory_space<vmem>>
    %dma_start3A_27 = tpu.memref_slice %arg3[%multiple_of3A] : memref<640000xi32, #tpu.memory_space<hbm>> -> memref<128xi32, #tpu.memory_space<hbm>>
    tpu.enqueue_dma source(%dma_start3A_27 : memref<128xi32, #tpu.memory_space<hbm>>) target(%dma_start3A_26 : memref<128xi32, #tpu.memory_space<vmem>>) target_semaphore(%dma_start3A_23 : memref<!tpu.dma_semaphore, #tpu.memory_space<semaphore_mem>>)
    %dma_start3A_28 = arith.constant 0 : i32
    %dma_start3A_29 = arith.constant 0 : i32
    %dma_start3A_30 = arith.constant 0 : i32
    %dma_start3A_31 = tpu.memref_slice %arg7[%dma_start3A_28, %dma_start3A_30] : memref<4x128xi32, #tpu.memory_space<vmem>> -> memref<1x128xi32, #tpu.memory_space<vmem>>
    %dma_start3A_32 = tpu.memref_squeeze %dma_start3A_31 : memref<1x128xi32, #tpu.memory_space<vmem>> -> memref<128xi32, #tpu.memory_space<vmem>>
    %dma_start3A_33 = tpu.memref_slice %arg3[%multiple_of3A_16] : memref<640000xi32, #tpu.memory_space<hbm>> -> memref<128xi32, #tpu.memory_space<hbm>>
    %dma_start3A_34 = tpu.memref_slice %arg10[%dma_start3A_29] : memref<4x!tpu.dma_semaphore, #tpu.memory_space<semaphore_mem>> -> memref<1x!tpu.dma_semaphore, #tpu.memory_space<semaphore_mem>>
    %dma_start3A_35 = tpu.memref_squeeze %dma_start3A_34 : memref<1x!tpu.dma_semaphore, #tpu.memory_space<semaphore_mem>> -> memref<!tpu.dma_semaphore, #tpu.memory_space<semaphore_mem>>
    %dma_start3A_36 = arith.constant 0 : i32
    %dma_start3A_37 = tpu.memref_slice %arg7[%dma_start3A_28, %dma_start3A_36] : memref<4x128xi32, #tpu.memory_space<vmem>> -> memref<1x128xi32, #tpu.memory_space<vmem>>
    %dma_start3A_38 = tpu.memref_squeeze %dma_start3A_37 : memref<1x128xi32, #tpu.memory_space<vmem>> -> memref<128xi32, #tpu.memory_space<vmem>>
    %dma_start3A_39 = tpu.memref_slice %arg3[%multiple_of3A_16] : memref<640000xi32, #tpu.memory_space<hbm>> -> memref<128xi32, #tpu.memory_space<hbm>>
    tpu.enqueue_dma source(%dma_start3A_39 : memref<128xi32, #tpu.memory_space<hbm>>) target(%dma_start3A_38 : memref<128xi32, #tpu.memory_space<vmem>>) target_semaphore(%dma_start3A_35 : memref<!tpu.dma_semaphore, #tpu.memory_space<semaphore_mem>>)
    %add3A_40 = arith.constant 128 : i32
    %add3A_41 = arith.addi %add3A_9, %add3A_40 : i32
    %multiple_of3A_42 = tpu.assume_multiple %add3A_41, 8 : i32
    %add3A_43 = arith.constant 320000 : i32
    %add3A_44 = arith.addi %add3A_43, %add3A_9 : i32
    %add3A_45 = arith.constant 128 : i32
    %add3A_46 = arith.addi %add3A_44, %add3A_45 : i32
    %multiple_of3A_47 = tpu.assume_multiple %add3A_46, 8 : i32
    %dma_start3A_48 = arith.constant 1 : i32
    %dma_start3A_49 = arith.constant 1 : i32
    %dma_start3A_50 = arith.constant 0 : i32
    %dma_start3A_51 = tpu.memref_slice %arg6[%dma_start3A_48, %dma_start3A_50] : memref<3x128xi32, #tpu.memory_space<vmem>> -> memref<1x128xi32, #tpu.memory_space<vmem>>
    %dma_start3A_52 = tpu.memref_squeeze %dma_start3A_51 : memref<1x128xi32, #tpu.memory_space<vmem>> -> memref<128xi32, #tpu.memory_space<vmem>>
    %dma_start3A_53 = tpu.memref_slice %arg3[%multiple_of3A_42] : memref<640000xi32, #tpu.memory_space<hbm>> -> memref<128xi32, #tpu.memory_space<hbm>>
    %dma_start3A_54 = tpu.memref_slice %arg10[%dma_start3A_49] : memref<4x!tpu.dma_semaphore, #tpu.memory_space<semaphore_mem>> -> memref<1x!tpu.dma_semaphore, #tpu.memory_space<semaphore_mem>>
    %dma_start3A_55 = tpu.memref_squeeze %dma_start3A_54 : memref<1x!tpu.dma_semaphore, #tpu.memory_space<semaphore_mem>> -> memref<!tpu.dma_semaphore, #tpu.memory_space<semaphore_mem>>
    %dma_start3A_56 = arith.constant 0 : i32
    %dma_start3A_57 = tpu.memref_slice %arg6[%dma_start3A_48, %dma_start3A_56] : memref<3x128xi32, #tpu.memory_space<vmem>> -> memref<1x128xi32, #tpu.memory_space<vmem>>
    %dma_start3A_58 = tpu.memref_squeeze %dma_start3A_57 : memref<1x128xi32, #tpu.memory_space<vmem>> -> memref<128xi32, #tpu.memory_space<vmem>>
    %dma_start3A_59 = tpu.memref_slice %arg3[%multiple_of3A_42] : memref<640000xi32, #tpu.memory_space<hbm>> -> memref<128xi32, #tpu.memory_space<hbm>>
    tpu.enqueue_dma source(%dma_start3A_59 : memref<128xi32, #tpu.memory_space<hbm>>) target(%dma_start3A_58 : memref<128xi32, #tpu.memory_space<vmem>>) target_semaphore(%dma_start3A_55 : memref<!tpu.dma_semaphore, #tpu.memory_space<semaphore_mem>>)
    %dma_start3A_60 = arith.constant 1 : i32
    %dma_start3A_61 = arith.constant 1 : i32
    %dma_start3A_62 = arith.constant 0 : i32
    %dma_start3A_63 = tpu.memref_slice %arg7[%dma_start3A_60, %dma_start3A_62] : memref<4x128xi32, #tpu.memory_space<vmem>> -> memref<1x128xi32, #tpu.memory_space<vmem>>
    %dma_start3A_64 = tpu.memref_squeeze %dma_start3A_63 : memref<1x128xi32, #tpu.memory_space<vmem>> -> memref<128xi32, #tpu.memory_space<vmem>>
    %dma_start3A_65 = tpu.memref_slice %arg3[%multiple_of3A_47] : memref<640000xi32, #tpu.memory_space<hbm>> -> memref<128xi32, #tpu.memory_space<hbm>>
    %dma_start3A_66 = tpu.memref_slice %arg10[%dma_start3A_61] : memref<4x!tpu.dma_semaphore, #tpu.memory_space<semaphore_mem>> -> memref<1x!tpu.dma_semaphore, #tpu.memory_space<semaphore_mem>>
    %dma_start3A_67 = tpu.memref_squeeze %dma_start3A_66 : memref<1x!tpu.dma_semaphore, #tpu.memory_space<semaphore_mem>> -> memref<!tpu.dma_semaphore, #tpu.memory_space<semaphore_mem>>
    %dma_start3A_68 = arith.constant 0 : i32
    %dma_start3A_69 = tpu.memref_slice %arg7[%dma_start3A_60, %dma_start3A_68] : memref<4x128xi32, #tpu.memory_space<vmem>> -> memref<1x128xi32, #tpu.memory_space<vmem>>
    %dma_start3A_70 = tpu.memref_squeeze %dma_start3A_69 : memref<1x128xi32, #tpu.memory_space<vmem>> -> memref<128xi32, #tpu.memory_space<vmem>>
    %dma_start3A_71 = tpu.memref_slice %arg3[%multiple_of3A_47] : memref<640000xi32, #tpu.memory_space<hbm>> -> memref<128xi32, #tpu.memory_space<hbm>>
    tpu.enqueue_dma source(%dma_start3A_71 : memref<128xi32, #tpu.memory_space<hbm>>) target(%dma_start3A_70 : memref<128xi32, #tpu.memory_space<vmem>>) target_semaphore(%dma_start3A_67 : memref<!tpu.dma_semaphore, #tpu.memory_space<semaphore_mem>>)
    %add3A_72 = arith.constant 256 : i32
    %add3A_73 = arith.addi %add3A_9, %add3A_72 : i32
    %multiple_of3A_74 = tpu.assume_multiple %add3A_73, 8 : i32
    %add3A_75 = arith.constant 320000 : i32
    %add3A_76 = arith.addi %add3A_75, %add3A_9 : i32
    %add3A_77 = arith.constant 256 : i32
    %add3A_78 = arith.addi %add3A_76, %add3A_77 : i32
    %multiple_of3A_79 = tpu.assume_multiple %add3A_78, 8 : i32
    %dma_start3A_80 = arith.constant 2 : i32
    %dma_start3A_81 = arith.constant 2 : i32
    %dma_start3A_82 = arith.constant 0 : i32
    %dma_start3A_83 = tpu.memref_slice %arg6[%dma_start3A_80, %dma_start3A_82] : memref<3x128xi32, #tpu.memory_space<vmem>> -> memref<1x128xi32, #tpu.memory_space<vmem>>
    %dma_start3A_84 = tpu.memref_squeeze %dma_start3A_83 : memref<1x128xi32, #tpu.memory_space<vmem>> -> memref<128xi32, #tpu.memory_space<vmem>>
    %dma_start3A_85 = tpu.memref_slice %arg3[%multiple_of3A_74] : memref<640000xi32, #tpu.memory_space<hbm>> -> memref<128xi32, #tpu.memory_space<hbm>>
    %dma_start3A_86 = tpu.memref_slice %arg10[%dma_start3A_81] : memref<4x!tpu.dma_semaphore, #tpu.memory_space<semaphore_mem>> -> memref<1x!tpu.dma_semaphore, #tpu.memory_space<semaphore_mem>>
    %dma_start3A_87 = tpu.memref_squeeze %dma_start3A_86 : memref<1x!tpu.dma_semaphore, #tpu.memory_space<semaphore_mem>> -> memref<!tpu.dma_semaphore, #tpu.memory_space<semaphore_mem>>
    %dma_start3A_88 = arith.constant 0 : i32
    %dma_start3A_89 = tpu.memref_slice %arg6[%dma_start3A_80, %dma_start3A_88] : memref<3x128xi32, #tpu.memory_space<vmem>> -> memref<1x128xi32, #tpu.memory_space<vmem>>
    %dma_start3A_90 = tpu.memref_squeeze %dma_start3A_89 : memref<1x128xi32, #tpu.memory_space<vmem>> -> memref<128xi32, #tpu.memory_space<vmem>>
    %dma_start3A_91 = tpu.memref_slice %arg3[%multiple_of3A_74] : memref<640000xi32, #tpu.memory_space<hbm>> -> memref<128xi32, #tpu.memory_space<hbm>>
    tpu.enqueue_dma source(%dma_start3A_91 : memref<128xi32, #tpu.memory_space<hbm>>) target(%dma_start3A_90 : memref<128xi32, #tpu.memory_space<vmem>>) target_semaphore(%dma_start3A_87 : memref<!tpu.dma_semaphore, #tpu.memory_space<semaphore_mem>>)
    %dma_start3A_92 = arith.constant 2 : i32
    %dma_start3A_93 = arith.constant 2 : i32
    %dma_start3A_94 = arith.constant 0 : i32
    %dma_start3A_95 = tpu.memref_slice %arg7[%dma_start3A_92, %dma_start3A_94] : memref<4x128xi32, #tpu.memory_space<vmem>> -> memref<1x128xi32, #tpu.memory_space<vmem>>
    %dma_start3A_96 = tpu.memref_squeeze %dma_start3A_95 : memref<1x128xi32, #tpu.memory_space<vmem>> -> memref<128xi32, #tpu.memory_space<vmem>>
    %dma_start3A_97 = tpu.memref_slice %arg3[%multiple_of3A_79] : memref<640000xi32, #tpu.memory_space<hbm>> -> memref<128xi32, #tpu.memory_space<hbm>>
    %dma_start3A_98 = tpu.memref_slice %arg10[%dma_start3A_93] : memref<4x!tpu.dma_semaphore, #tpu.memory_space<semaphore_mem>> -> memref<1x!tpu.dma_semaphore, #tpu.memory_space<semaphore_mem>>
    %dma_start3A_99 = tpu.memref_squeeze %dma_start3A_98 : memref<1x!tpu.dma_semaphore, #tpu.memory_space<semaphore_mem>> -> memref<!tpu.dma_semaphore, #tpu.memory_space<semaphore_mem>>
    %dma_start3A_100 = arith.constant 0 : i32
    %dma_start3A_101 = tpu.memref_slice %arg7[%dma_start3A_92, %dma_start3A_100] : memref<4x128xi32, #tpu.memory_space<vmem>> -> memref<1x128xi32, #tpu.memory_space<vmem>>
    %dma_start3A_102 = tpu.memref_squeeze %dma_start3A_101 : memref<1x128xi32, #tpu.memory_space<vmem>> -> memref<128xi32, #tpu.memory_space<vmem>>
    %dma_start3A_103 = tpu.memref_slice %arg3[%multiple_of3A_79] : memref<640000xi32, #tpu.memory_space<hbm>> -> memref<128xi32, #tpu.memory_space<hbm>>
    tpu.enqueue_dma source(%dma_start3A_103 : memref<128xi32, #tpu.memory_space<hbm>>) target(%dma_start3A_102 : memref<128xi32, #tpu.memory_space<vmem>>) target_semaphore(%dma_start3A_99 : memref<!tpu.dma_semaphore, #tpu.memory_space<semaphore_mem>>)
    %add3A_104 = arith.constant 0 : i32
    %add3A_105 = arith.addi %add3A_9, %add3A_104 : i32
    %multiple_of3A_106 = tpu.assume_multiple %add3A_105, 8 : i32
    %add3A_107 = arith.constant 320000 : i32
    %add3A_108 = arith.addi %add3A_107, %add3A_9 : i32
    %add3A_109 = arith.constant 0 : i32
    %add3A_110 = arith.addi %add3A_108, %add3A_109 : i32
    %multiple_of3A_111 = tpu.assume_multiple %add3A_110, 8 : i32
    %dma_wait3A = arith.constant 0 : i32
    %dma_wait3A_112 = arith.constant 0 : i32
    %dma_wait3A_113 = arith.constant 0 : i32
    %dma_wait3A_114 = tpu.memref_slice %arg6[%dma_wait3A, %dma_wait3A_113] : memref<3x128xi32, #tpu.memory_space<vmem>> -> memref<1x128xi32, #tpu.memory_space<vmem>>
    %dma_wait3A_115 = tpu.memref_squeeze %dma_wait3A_114 : memref<1x128xi32, #tpu.memory_space<vmem>> -> memref<128xi32, #tpu.memory_space<vmem>>
    %dma_wait3A_116 = tpu.memref_slice %arg3[%multiple_of3A_106] : memref<640000xi32, #tpu.memory_space<hbm>> -> memref<128xi32, #tpu.memory_space<hbm>>
    %dma_wait3A_117 = tpu.memref_slice %arg10[%dma_wait3A_112] : memref<4x!tpu.dma_semaphore, #tpu.memory_space<semaphore_mem>> -> memref<1x!tpu.dma_semaphore, #tpu.memory_space<semaphore_mem>>
    %dma_wait3A_118 = tpu.memref_squeeze %dma_wait3A_117 : memref<1x!tpu.dma_semaphore, #tpu.memory_space<semaphore_mem>> -> memref<!tpu.dma_semaphore, #tpu.memory_space<semaphore_mem>>
    %dma_wait3A_119 = arith.constant 0 : i32
    %dma_wait3A_120 = tpu.memref_slice %arg6[%dma_wait3A, %dma_wait3A_119] : memref<3x128xi32, #tpu.memory_space<vmem>> -> memref<1x128xi32, #tpu.memory_space<vmem>>
    %dma_wait3A_121 = tpu.memref_squeeze %dma_wait3A_120 : memref<1x128xi32, #tpu.memory_space<vmem>> -> memref<128xi32, #tpu.memory_space<vmem>>
    %dma_wait3A_122 = tpu.memref_slice %arg3[%multiple_of3A_106] : memref<640000xi32, #tpu.memory_space<hbm>> -> memref<128xi32, #tpu.memory_space<hbm>>
    tpu.wait_dma2 semaphore(%dma_wait3A_118 : memref<!tpu.dma_semaphore, #tpu.memory_space<semaphore_mem>>) src(%dma_wait3A_122 : memref<128xi32, #tpu.memory_space<hbm>>) dst(%dma_wait3A_121 : memref<128xi32, #tpu.memory_space<vmem>>)
    %dma_wait3A_123 = arith.constant 0 : i32
    %dma_wait3A_124 = arith.constant 0 : i32
    %dma_wait3A_125 = arith.constant 0 : i32
    %dma_wait3A_126 = tpu.memref_slice %arg7[%dma_wait3A_123, %dma_wait3A_125] : memref<4x128xi32, #tpu.memory_space<vmem>> -> memref<1x128xi32, #tpu.memory_space<vmem>>
    %dma_wait3A_127 = tpu.memref_squeeze %dma_wait3A_126 : memref<1x128xi32, #tpu.memory_space<vmem>> -> memref<128xi32, #tpu.memory_space<vmem>>
    %dma_wait3A_128 = tpu.memref_slice %arg3[%multiple_of3A_111] : memref<640000xi32, #tpu.memory_space<hbm>> -> memref<128xi32, #tpu.memory_space<hbm>>
    %dma_wait3A_129 = tpu.memref_slice %arg10[%dma_wait3A_124] : memref<4x!tpu.dma_semaphore, #tpu.memory_space<semaphore_mem>> -> memref<1x!tpu.dma_semaphore, #tpu.memory_space<semaphore_mem>>
    %dma_wait3A_130 = tpu.memref_squeeze %dma_wait3A_129 : memref<1x!tpu.dma_semaphore, #tpu.memory_space<semaphore_mem>> -> memref<!tpu.dma_semaphore, #tpu.memory_space<semaphore_mem>>
    %dma_wait3A_131 = arith.constant 0 : i32
    %dma_wait3A_132 = tpu.memref_slice %arg7[%dma_wait3A_123, %dma_wait3A_131] : memref<4x128xi32, #tpu.memory_space<vmem>> -> memref<1x128xi32, #tpu.memory_space<vmem>>
    %dma_wait3A_133 = tpu.memref_squeeze %dma_wait3A_132 : memref<1x128xi32, #tpu.memory_space<vmem>> -> memref<128xi32, #tpu.memory_space<vmem>>
    %dma_wait3A_134 = tpu.memref_slice %arg3[%multiple_of3A_111] : memref<640000xi32, #tpu.memory_space<hbm>> -> memref<128xi32, #tpu.memory_space<hbm>>
    tpu.wait_dma2 semaphore(%dma_wait3A_130 : memref<!tpu.dma_semaphore, #tpu.memory_space<semaphore_mem>>) src(%dma_wait3A_134 : memref<128xi32, #tpu.memory_space<hbm>>) dst(%dma_wait3A_133 : memref<128xi32, #tpu.memory_space<vmem>>)
    %dma_start3A_135 = arith.constant 0 : i32
    %dma_start3A_136 = arith.constant 0 : i32
    %dma_start3A_137 = arith.constant 0 : i32
    %dma_start3A_138 = arith.constant 0 : i32
    %dma_start3A_139 = arith.constant 0 : i32
    %dma_start3A_140 = tpu.memref_slice %arg8[%dma_start3A_136, %dma_start3A_138, %dma_start3A_139] : memref<3x128x128xf32, #tpu.memory_space<vmem>> -> memref<1x128x128xf32, #tpu.memory_space<vmem>>
    %dma_start3A_141 = tpu.memref_squeeze %dma_start3A_140 : memref<1x128x128xf32, #tpu.memory_space<vmem>> -> memref<128x128xf32, #tpu.memory_space<vmem>>
    %dma_start3A_142 = arith.constant 0 : i32
    %dma_start3A_143 = tpu.memref_slice %arg6[%dma_start3A_135, %dma_start3A_142] : memref<3x128xi32, #tpu.memory_space<vmem>> -> memref<1x128xi32, #tpu.memory_space<vmem>>
    %dma_start3A_144 = tpu.memref_squeeze %dma_start3A_143 : memref<1x128xi32, #tpu.memory_space<vmem>> -> memref<128xi32, #tpu.memory_space<vmem>>
    %dma_start3A_145 = arith.constant 0 : i32
    %dma_start3A_146 = arith.constant 0 : i32
    %dma_start3A_147 = tpu.memref_slice %arg2[%dma_start3A_145, %dma_start3A_146] : memref<10240x128xf32, #tpu.memory_space<hbm>> -> memref<10240x128xf32, #tpu.memory_space<hbm>>
    %dma_start3A_148 = tpu.memref_slice %arg11[%dma_start3A_137] : memref<3x!tpu.dma_semaphore, #tpu.memory_space<semaphore_mem>> -> memref<1x!tpu.dma_semaphore, #tpu.memory_space<semaphore_mem>>
    %dma_start3A_149 = tpu.memref_squeeze %dma_start3A_148 : memref<1x!tpu.dma_semaphore, #tpu.memory_space<semaphore_mem>> -> memref<!tpu.dma_semaphore, #tpu.memory_space<semaphore_mem>>
    tpu.enqueue_indirect_dma source(%dma_start3A_147 : memref<10240x128xf32, #tpu.memory_space<hbm>>) target(%dma_start3A_141 : memref<128x128xf32, #tpu.memory_space<vmem>>) offsets(%dma_start3A_144 : memref<128xi32, #tpu.memory_space<vmem>>) semaphore(%dma_start3A_149 : memref<!tpu.dma_semaphore, #tpu.memory_space<semaphore_mem>>)
    %add3A_150 = arith.constant 128 : i32
    %add3A_151 = arith.addi %add3A_9, %add3A_150 : i32
    %multiple_of3A_152 = tpu.assume_multiple %add3A_151, 8 : i32
    %add3A_153 = arith.constant 320000 : i32
    %add3A_154 = arith.addi %add3A_153, %add3A_9 : i32
    %add3A_155 = arith.constant 128 : i32
    %add3A_156 = arith.addi %add3A_154, %add3A_155 : i32
    %multiple_of3A_157 = tpu.assume_multiple %add3A_156, 8 : i32
    %dma_wait3A_158 = arith.constant 1 : i32
    %dma_wait3A_159 = arith.constant 1 : i32
    %dma_wait3A_160 = arith.constant 0 : i32
    %dma_wait3A_161 = tpu.memref_slice %arg6[%dma_wait3A_158, %dma_wait3A_160] : memref<3x128xi32, #tpu.memory_space<vmem>> -> memref<1x128xi32, #tpu.memory_space<vmem>>
    %dma_wait3A_162 = tpu.memref_squeeze %dma_wait3A_161 : memref<1x128xi32, #tpu.memory_space<vmem>> -> memref<128xi32, #tpu.memory_space<vmem>>
    %dma_wait3A_163 = tpu.memref_slice %arg3[%multiple_of3A_152] : memref<640000xi32, #tpu.memory_space<hbm>> -> memref<128xi32, #tpu.memory_space<hbm>>
    %dma_wait3A_164 = tpu.memref_slice %arg10[%dma_wait3A_159] : memref<4x!tpu.dma_semaphore, #tpu.memory_space<semaphore_mem>> -> memref<1x!tpu.dma_semaphore, #tpu.memory_space<semaphore_mem>>
    %dma_wait3A_165 = tpu.memref_squeeze %dma_wait3A_164 : memref<1x!tpu.dma_semaphore, #tpu.memory_space<semaphore_mem>> -> memref<!tpu.dma_semaphore, #tpu.memory_space<semaphore_mem>>
    %dma_wait3A_166 = arith.constant 0 : i32
    %dma_wait3A_167 = tpu.memref_slice %arg6[%dma_wait3A_158, %dma_wait3A_166] : memref<3x128xi32, #tpu.memory_space<vmem>> -> memref<1x128xi32, #tpu.memory_space<vmem>>
    %dma_wait3A_168 = tpu.memref_squeeze %dma_wait3A_167 : memref<1x128xi32, #tpu.memory_space<vmem>> -> memref<128xi32, #tpu.memory_space<vmem>>
    %dma_wait3A_169 = tpu.memref_slice %arg3[%multiple_of3A_152] : memref<640000xi32, #tpu.memory_space<hbm>> -> memref<128xi32, #tpu.memory_space<hbm>>
    tpu.wait_dma2 semaphore(%dma_wait3A_165 : memref<!tpu.dma_semaphore, #tpu.memory_space<semaphore_mem>>) src(%dma_wait3A_169 : memref<128xi32, #tpu.memory_space<hbm>>) dst(%dma_wait3A_168 : memref<128xi32, #tpu.memory_space<vmem>>)
    %dma_wait3A_170 = arith.constant 1 : i32
    %dma_wait3A_171 = arith.constant 1 : i32
    %dma_wait3A_172 = arith.constant 0 : i32
    %dma_wait3A_173 = tpu.memref_slice %arg7[%dma_wait3A_170, %dma_wait3A_172] : memref<4x128xi32, #tpu.memory_space<vmem>> -> memref<1x128xi32, #tpu.memory_space<vmem>>
    %dma_wait3A_174 = tpu.memref_squeeze %dma_wait3A_173 : memref<1x128xi32, #tpu.memory_space<vmem>> -> memref<128xi32, #tpu.memory_space<vmem>>
    %dma_wait3A_175 = tpu.memref_slice %arg3[%multiple_of3A_157] : memref<640000xi32, #tpu.memory_space<hbm>> -> memref<128xi32, #tpu.memory_space<hbm>>
    %dma_wait3A_176 = tpu.memref_slice %arg10[%dma_wait3A_171] : memref<4x!tpu.dma_semaphore, #tpu.memory_space<semaphore_mem>> -> memref<1x!tpu.dma_semaphore, #tpu.memory_space<semaphore_mem>>
    %dma_wait3A_177 = tpu.memref_squeeze %dma_wait3A_176 : memref<1x!tpu.dma_semaphore, #tpu.memory_space<semaphore_mem>> -> memref<!tpu.dma_semaphore, #tpu.memory_space<semaphore_mem>>
    %dma_wait3A_178 = arith.constant 0 : i32
    %dma_wait3A_179 = tpu.memref_slice %arg7[%dma_wait3A_170, %dma_wait3A_178] : memref<4x128xi32, #tpu.memory_space<vmem>> -> memref<1x128xi32, #tpu.memory_space<vmem>>
    %dma_wait3A_180 = tpu.memref_squeeze %dma_wait3A_179 : memref<1x128xi32, #tpu.memory_space<vmem>> -> memref<128xi32, #tpu.memory_space<vmem>>
    %dma_wait3A_181 = tpu.memref_slice %arg3[%multiple_of3A_157] : memref<640000xi32, #tpu.memory_space<hbm>> -> memref<128xi32, #tpu.memory_space<hbm>>
    tpu.wait_dma2 semaphore(%dma_wait3A_177 : memref<!tpu.dma_semaphore, #tpu.memory_space<semaphore_mem>>) src(%dma_wait3A_181 : memref<128xi32, #tpu.memory_space<hbm>>) dst(%dma_wait3A_180 : memref<128xi32, #tpu.memory_space<vmem>>)
    %dma_start3A_182 = arith.constant 1 : i32
    %dma_start3A_183 = arith.constant 1 : i32
    %dma_start3A_184 = arith.constant 1 : i32
    %dma_start3A_185 = arith.constant 0 : i32
    %dma_start3A_186 = arith.constant 0 : i32
    %dma_start3A_187 = tpu.memref_slice %arg8[%dma_start3A_183, %dma_start3A_185, %dma_start3A_186] : memref<3x128x128xf32, #tpu.memory_space<vmem>> -> memref<1x128x128xf32, #tpu.memory_space<vmem>>
    %dma_start3A_188 = tpu.memref_squeeze %dma_start3A_187 : memref<1x128x128xf32, #tpu.memory_space<vmem>> -> memref<128x128xf32, #tpu.memory_space<vmem>>
    %dma_start3A_189 = arith.constant 0 : i32
    %dma_start3A_190 = tpu.memref_slice %arg6[%dma_start3A_182, %dma_start3A_189] : memref<3x128xi32, #tpu.memory_space<vmem>> -> memref<1x128xi32, #tpu.memory_space<vmem>>
    %dma_start3A_191 = tpu.memref_squeeze %dma_start3A_190 : memref<1x128xi32, #tpu.memory_space<vmem>> -> memref<128xi32, #tpu.memory_space<vmem>>
    %dma_start3A_192 = arith.constant 0 : i32
    %dma_start3A_193 = arith.constant 0 : i32
    %dma_start3A_194 = tpu.memref_slice %arg2[%dma_start3A_192, %dma_start3A_193] : memref<10240x128xf32, #tpu.memory_space<hbm>> -> memref<10240x128xf32, #tpu.memory_space<hbm>>
    %dma_start3A_195 = tpu.memref_slice %arg11[%dma_start3A_184] : memref<3x!tpu.dma_semaphore, #tpu.memory_space<semaphore_mem>> -> memref<1x!tpu.dma_semaphore, #tpu.memory_space<semaphore_mem>>
    %dma_start3A_196 = tpu.memref_squeeze %dma_start3A_195 : memref<1x!tpu.dma_semaphore, #tpu.memory_space<semaphore_mem>> -> memref<!tpu.dma_semaphore, #tpu.memory_space<semaphore_mem>>
    tpu.enqueue_indirect_dma source(%dma_start3A_194 : memref<10240x128xf32, #tpu.memory_space<hbm>>) target(%dma_start3A_188 : memref<128x128xf32, #tpu.memory_space<vmem>>) offsets(%dma_start3A_191 : memref<128xi32, #tpu.memory_space<vmem>>) semaphore(%dma_start3A_196 : memref<!tpu.dma_semaphore, #tpu.memory_space<semaphore_mem>>)
    %mul3A_197 = arith.constant 632 : i32
    %mul3A_198 = arith.muli %arg1, %mul3A_197 : i32
    %mul3A_199 = arith.constant 632 : i32
    %mul3A_200 = arith.muli %arg1, %mul3A_199 : i32
    "tpu.region"() ({
      %run_scoped3A = tpu.sem_alloc : memref<!tpu.dma_semaphore, #tpu.memory_space<semaphore_mem>>
      %dma_start3A_239 = arith.constant 0 : i32
      %dma_start3A_240 = tpu.memref_slice %arg9[%mul3A_200, %dma_start3A_239] : memref<10112x128xf32, #tpu.memory_space<vmem_shared>> -> memref<632x128xf32, #tpu.memory_space<vmem_shared>>
      %dma_start3A_241 = arith.constant 0 : i32
      %dma_start3A_242 = tpu.memref_slice %arg4[%mul3A_198, %dma_start3A_241] : memref<10112x128xf32, #tpu.memory_space<hbm>> -> memref<632x128xf32, #tpu.memory_space<hbm>>
      tpu.enqueue_dma source(%dma_start3A_242 : memref<632x128xf32, #tpu.memory_space<hbm>>) target(%dma_start3A_240 : memref<632x128xf32, #tpu.memory_space<vmem_shared>>) target_semaphore(%run_scoped3A : memref<!tpu.dma_semaphore, #tpu.memory_space<semaphore_mem>>)
      %dma_wait3A_243 = arith.constant 0 : i32
      %dma_wait3A_244 = tpu.memref_slice %arg9[%mul3A_200, %dma_wait3A_243] : memref<10112x128xf32, #tpu.memory_space<vmem_shared>> -> memref<632x128xf32, #tpu.memory_space<vmem_shared>>
      %dma_wait3A_245 = arith.constant 0 : i32
      %dma_wait3A_246 = tpu.memref_slice %arg4[%mul3A_198, %dma_wait3A_245] : memref<10112x128xf32, #tpu.memory_space<hbm>> -> memref<632x128xf32, #tpu.memory_space<hbm>>
      tpu.wait_dma2 semaphore(%run_scoped3A : memref<!tpu.dma_semaphore, #tpu.memory_space<semaphore_mem>>) src(%dma_wait3A_246 : memref<632x128xf32, #tpu.memory_space<hbm>>) dst(%dma_wait3A_244 : memref<632x128xf32, #tpu.memory_space<vmem_shared>>)
      tpu.yield
    }) : () -> ()
    %barrier3A = arith.constant 0 : index
    tpu.barrier barrier_id(%barrier3A)
    %while3A = arith.constant 0 : i32
    %while3A_201 = arith.constant 0 : i32
    %while3A_202 = arith.subi %add3A_1, %while3A : i32
    %while3A_203 = arith.addi %while3A, %while3A_202 : i32
    %while3A_204 = arith.constant 1 : i32
    %while3A_205 = arith.divsi %while3A_202, %while3A_204 : i32
    %while3A_206 = arith.muli %while3A_205, %while3A_204 : i32
    %while3A_207 = arith.addi %while3A, %while3A_206 : i32
    %while3A_208 = arith.constant 1 : i32
    %while3A_209 = scf.for %while3A_239 = %while3A to %while3A_207 step %while3A_208 iter_args(%while3A_240 = %while3A_201) -> (i32)  : i32 {
      %rem3A_241 = arith.constant 3 : i32
      %rem3A_242 = arith.remsi %while3A_239, %rem3A_241 : i32
      %rem3A_243 = arith.constant 4 : i32
      %rem3A_244 = arith.remsi %while3A_239, %rem3A_243 : i32
      %dma_wait3A_245 = arith.constant 0 : i32
      %dma_wait3A_246 = arith.constant 0 : i32
      %dma_wait3A_247 = tpu.memref_slice %arg8[%rem3A_242, %dma_wait3A_245, %dma_wait3A_246] : memref<3x128x128xf32, #tpu.memory_space<vmem>> -> memref<1x128x128xf32, #tpu.memory_space<vmem>>
      %dma_wait3A_248 = tpu.memref_squeeze %dma_wait3A_247 : memref<1x128x128xf32, #tpu.memory_space<vmem>> -> memref<128x128xf32, #tpu.memory_space<vmem>>
      %dma_wait3A_249 = arith.constant 0 : i32
      %dma_wait3A_250 = tpu.memref_slice %arg6[%rem3A_242, %dma_wait3A_249] : memref<3x128xi32, #tpu.memory_space<vmem>> -> memref<1x128xi32, #tpu.memory_space<vmem>>
      %dma_wait3A_251 = tpu.memref_squeeze %dma_wait3A_250 : memref<1x128xi32, #tpu.memory_space<vmem>> -> memref<128xi32, #tpu.memory_space<vmem>>
      %dma_wait3A_252 = arith.constant 0 : i32
      %dma_wait3A_253 = arith.constant 0 : i32
      %dma_wait3A_254 = tpu.memref_slice %arg2[%dma_wait3A_252, %dma_wait3A_253] : memref<10240x128xf32, #tpu.memory_space<hbm>> -> memref<10240x128xf32, #tpu.memory_space<hbm>>
      %dma_wait3A_255 = tpu.memref_slice %arg11[%rem3A_242] : memref<3x!tpu.dma_semaphore, #tpu.memory_space<semaphore_mem>> -> memref<1x!tpu.dma_semaphore, #tpu.memory_space<semaphore_mem>>
      %dma_wait3A_256 = tpu.memref_squeeze %dma_wait3A_255 : memref<1x!tpu.dma_semaphore, #tpu.memory_space<semaphore_mem>> -> memref<!tpu.dma_semaphore, #tpu.memory_space<semaphore_mem>>
      tpu.wait_indirect_dma semaphore(%dma_wait3A_256 : memref<!tpu.dma_semaphore, #tpu.memory_space<semaphore_mem>>) src(%dma_wait3A_254 : memref<10240x128xf32, #tpu.memory_space<hbm>>) dst(%dma_wait3A_248 : memref<128x128xf32, #tpu.memory_space<vmem>>)
      %gt3A = arith.constant 0 : i32
      %gt3A_257 = arith.cmpi sgt, %while3A_239, %gt3A : i32
      %convert_element_type3A_258 = arith.extui %gt3A_257 : i1 to i32
      %cond3A = arith.constant 0 : i32
      %cond3A_259 = arith.cmpi ne, %convert_element_type3A_258, %cond3A : i32
      scf.if %cond3A_259 {
        %add3A_285 = arith.constant 3 : i32
        %add3A_286 = arith.addi %while3A_239, %add3A_285 : i32
        %sub3A_287 = arith.constant 1 : i32
        %sub3A_288 = arith.subi %add3A_286, %sub3A_287 : i32
        %rem3A_289 = arith.constant 3 : i32
        %rem3A_290 = arith.remsi %sub3A_288, %rem3A_289 : i32
        %add3A_291 = arith.constant 4 : i32
        %add3A_292 = arith.addi %while3A_239, %add3A_291 : i32
        %sub3A_293 = arith.constant 1 : i32
        %sub3A_294 = arith.subi %add3A_292, %sub3A_293 : i32
        %rem3A_295 = arith.constant 4 : i32
        %rem3A_296 = arith.remsi %sub3A_294, %rem3A_295 : i32
        %dma_wait3A_297 = arith.constant 0 : i32
        %dma_wait3A_298 = arith.constant 0 : i32
        %dma_wait3A_299 = tpu.memref_slice %arg8[%rem3A_290, %dma_wait3A_297, %dma_wait3A_298] : memref<3x128x128xf32, #tpu.memory_space<vmem>> -> memref<1x128x128xf32, #tpu.memory_space<vmem>>
        %dma_wait3A_300 = tpu.memref_squeeze %dma_wait3A_299 : memref<1x128x128xf32, #tpu.memory_space<vmem>> -> memref<128x128xf32, #tpu.memory_space<vmem>>
        %dma_wait3A_301 = arith.constant 0 : i32
        %dma_wait3A_302 = tpu.memref_slice %arg7[%rem3A_296, %dma_wait3A_301] : memref<4x128xi32, #tpu.memory_space<vmem>> -> memref<1x128xi32, #tpu.memory_space<vmem>>
        %dma_wait3A_303 = tpu.memref_squeeze %dma_wait3A_302 : memref<1x128xi32, #tpu.memory_space<vmem>> -> memref<128xi32, #tpu.memory_space<vmem>>
        %dma_wait3A_304 = arith.constant 0 : i32
        %dma_wait3A_305 = arith.constant 0 : i32
        %dma_wait3A_306 = tpu.memref_slice %arg9[%dma_wait3A_304, %dma_wait3A_305] : memref<10112x128xf32, #tpu.memory_space<vmem_shared>> -> memref<10112x128xf32, #tpu.memory_space<vmem_shared>>
        %dma_wait3A_307 = tpu.memref_slice %arg12[%rem3A_290] : memref<3x!tpu.dma_semaphore, #tpu.memory_space<semaphore_mem>> -> memref<1x!tpu.dma_semaphore, #tpu.memory_space<semaphore_mem>>
        %dma_wait3A_308 = tpu.memref_squeeze %dma_wait3A_307 : memref<1x!tpu.dma_semaphore, #tpu.memory_space<semaphore_mem>> -> memref<!tpu.dma_semaphore, #tpu.memory_space<semaphore_mem>>
        tpu.wait_indirect_dma semaphore(%dma_wait3A_308 : memref<!tpu.dma_semaphore, #tpu.memory_space<semaphore_mem>>) src(%dma_wait3A_300 : memref<128x128xf32, #tpu.memory_space<vmem>>) dst(%dma_wait3A_306 : memref<10112x128xf32, #tpu.memory_space<vmem_shared>>)
      } else {
      }
      %dma_start3A_260 = arith.constant 0 : i32
      %dma_start3A_261 = arith.constant 0 : i32
      %dma_start3A_262 = tpu.memref_slice %arg8[%rem3A_242, %dma_start3A_260, %dma_start3A_261] : memref<3x128x128xf32, #tpu.memory_space<vmem>> -> memref<1x128x128xf32, #tpu.memory_space<vmem>>
      %dma_start3A_263 = tpu.memref_squeeze %dma_start3A_262 : memref<1x128x128xf32, #tpu.memory_space<vmem>> -> memref<128x128xf32, #tpu.memory_space<vmem>>
      %dma_start3A_264 = arith.constant 0 : i32
      %dma_start3A_265 = tpu.memref_slice %arg7[%rem3A_244, %dma_start3A_264] : memref<4x128xi32, #tpu.memory_space<vmem>> -> memref<1x128xi32, #tpu.memory_space<vmem>>
      %dma_start3A_266 = tpu.memref_squeeze %dma_start3A_265 : memref<1x128xi32, #tpu.memory_space<vmem>> -> memref<128xi32, #tpu.memory_space<vmem>>
      %dma_start3A_267 = arith.constant 0 : i32
      %dma_start3A_268 = arith.constant 0 : i32
      %dma_start3A_269 = tpu.memref_slice %arg9[%dma_start3A_267, %dma_start3A_268] : memref<10112x128xf32, #tpu.memory_space<vmem_shared>> -> memref<10112x128xf32, #tpu.memory_space<vmem_shared>>
      %dma_start3A_270 = tpu.memref_slice %arg12[%rem3A_242] : memref<3x!tpu.dma_semaphore, #tpu.memory_space<semaphore_mem>> -> memref<1x!tpu.dma_semaphore, #tpu.memory_space<semaphore_mem>>
      %dma_start3A_271 = tpu.memref_squeeze %dma_start3A_270 : memref<1x!tpu.dma_semaphore, #tpu.memory_space<semaphore_mem>> -> memref<!tpu.dma_semaphore, #tpu.memory_space<semaphore_mem>>
      tpu.enqueue_indirect_dma source(%dma_start3A_263 : memref<128x128xf32, #tpu.memory_space<vmem>>) target(%dma_start3A_269 : memref<10112x128xf32, #tpu.memory_space<vmem_shared>>) offsets(%dma_start3A_266 : memref<128xi32, #tpu.memory_space<vmem>>) semaphore(%dma_start3A_271 : memref<!tpu.dma_semaphore, #tpu.memory_space<semaphore_mem>>) {add = true}
      %add3A_272 = arith.constant 3 : i32
      %add3A_273 = arith.addi %while3A_239, %add3A_272 : i32
      %lt3A_274 = arith.cmpi slt, %add3A_273, %add3A_1 : i32
      %convert_element_type3A_275 = arith.extui %lt3A_274 : i1 to i32
      %cond3A_276 = arith.constant 0 : i32
      %cond3A_277 = arith.cmpi ne, %convert_element_type3A_275, %cond3A_276 : i32
      scf.if %cond3A_277 {
        %add3A_285 = arith.constant 3 : i32
        %add3A_286 = arith.addi %while3A_239, %add3A_285 : i32
        %add3A_287 = arith.constant 3 : i32
        %add3A_288 = arith.addi %while3A_239, %add3A_287 : i32
        %rem3A_289 = arith.constant 4 : i32
        %rem3A_290 = arith.remsi %add3A_288, %rem3A_289 : i32
        %mul3A_291 = arith.constant 128 : i32
        %mul3A_292 = arith.muli %add3A_286, %mul3A_291 : i32
        %add3A_293 = arith.addi %add3A_9, %mul3A_292 : i32
        %multiple_of3A_294 = tpu.assume_multiple %add3A_293, 8 : i32
        %add3A_295 = arith.constant 320000 : i32
        %add3A_296 = arith.addi %add3A_295, %add3A_9 : i32
        %mul3A_297 = arith.constant 128 : i32
        %mul3A_298 = arith.muli %add3A_286, %mul3A_297 : i32
        %add3A_299 = arith.addi %add3A_296, %mul3A_298 : i32
        %multiple_of3A_300 = tpu.assume_multiple %add3A_299, 8 : i32
        %dma_start3A_301 = arith.constant 0 : i32
        %dma_start3A_302 = tpu.memref_slice %arg6[%rem3A_242, %dma_start3A_301] : memref<3x128xi32, #tpu.memory_space<vmem>> -> memref<1x128xi32, #tpu.memory_space<vmem>>
        %dma_start3A_303 = tpu.memref_squeeze %dma_start3A_302 : memref<1x128xi32, #tpu.memory_space<vmem>> -> memref<128xi32, #tpu.memory_space<vmem>>
        %dma_start3A_304 = tpu.memref_slice %arg3[%multiple_of3A_294] : memref<640000xi32, #tpu.memory_space<hbm>> -> memref<128xi32, #tpu.memory_space<hbm>>
        %dma_start3A_305 = tpu.memref_slice %arg10[%rem3A_290] : memref<4x!tpu.dma_semaphore, #tpu.memory_space<semaphore_mem>> -> memref<1x!tpu.dma_semaphore, #tpu.memory_space<semaphore_mem>>
        %dma_start3A_306 = tpu.memref_squeeze %dma_start3A_305 : memref<1x!tpu.dma_semaphore, #tpu.memory_space<semaphore_mem>> -> memref<!tpu.dma_semaphore, #tpu.memory_space<semaphore_mem>>
        %dma_start3A_307 = arith.constant 0 : i32
        %dma_start3A_308 = tpu.memref_slice %arg6[%rem3A_242, %dma_start3A_307] : memref<3x128xi32, #tpu.memory_space<vmem>> -> memref<1x128xi32, #tpu.memory_space<vmem>>
        %dma_start3A_309 = tpu.memref_squeeze %dma_start3A_308 : memref<1x128xi32, #tpu.memory_space<vmem>> -> memref<128xi32, #tpu.memory_space<vmem>>
        %dma_start3A_310 = tpu.memref_slice %arg3[%multiple_of3A_294] : memref<640000xi32, #tpu.memory_space<hbm>> -> memref<128xi32, #tpu.memory_space<hbm>>
        tpu.enqueue_dma source(%dma_start3A_310 : memref<128xi32, #tpu.memory_space<hbm>>) target(%dma_start3A_309 : memref<128xi32, #tpu.memory_space<vmem>>) target_semaphore(%dma_start3A_306 : memref<!tpu.dma_semaphore, #tpu.memory_space<semaphore_mem>>)
        %dma_start3A_311 = arith.constant 0 : i32
        %dma_start3A_312 = tpu.memref_slice %arg7[%rem3A_290, %dma_start3A_311] : memref<4x128xi32, #tpu.memory_space<vmem>> -> memref<1x128xi32, #tpu.memory_space<vmem>>
        %dma_start3A_313 = tpu.memref_squeeze %dma_start3A_312 : memref<1x128xi32, #tpu.memory_space<vmem>> -> memref<128xi32, #tpu.memory_space<vmem>>
        %dma_start3A_314 = tpu.memref_slice %arg3[%multiple_of3A_300] : memref<640000xi32, #tpu.memory_space<hbm>> -> memref<128xi32, #tpu.memory_space<hbm>>
        %dma_start3A_315 = tpu.memref_slice %arg10[%rem3A_290] : memref<4x!tpu.dma_semaphore, #tpu.memory_space<semaphore_mem>> -> memref<1x!tpu.dma_semaphore, #tpu.memory_space<semaphore_mem>>
        %dma_start3A_316 = tpu.memref_squeeze %dma_start3A_315 : memref<1x!tpu.dma_semaphore, #tpu.memory_space<semaphore_mem>> -> memref<!tpu.dma_semaphore, #tpu.memory_space<semaphore_mem>>
        %dma_start3A_317 = arith.constant 0 : i32
        %dma_start3A_318 = tpu.memref_slice %arg7[%rem3A_290, %dma_start3A_317] : memref<4x128xi32, #tpu.memory_space<vmem>> -> memref<1x128xi32, #tpu.memory_space<vmem>>
        %dma_start3A_319 = tpu.memref_squeeze %dma_start3A_318 : memref<1x128xi32, #tpu.memory_space<vmem>> -> memref<128xi32, #tpu.memory_space<vmem>>
        %dma_start3A_320 = tpu.memref_slice %arg3[%multiple_of3A_300] : memref<640000xi32, #tpu.memory_space<hbm>> -> memref<128xi32, #tpu.memory_space<hbm>>
        tpu.enqueue_dma source(%dma_start3A_320 : memref<128xi32, #tpu.memory_space<hbm>>) target(%dma_start3A_319 : memref<128xi32, #tpu.memory_space<vmem>>) target_semaphore(%dma_start3A_316 : memref<!tpu.dma_semaphore, #tpu.memory_space<semaphore_mem>>)
      } else {
      }
      %add3A_278 = arith.constant 2 : i32
      %add3A_279 = arith.addi %while3A_239, %add3A_278 : i32
      %lt3A_280 = arith.cmpi slt, %add3A_279, %add3A_1 : i32
      %convert_element_type3A_281 = arith.extui %lt3A_280 : i1 to i32
      %cond3A_282 = arith.constant 0 : i32
      %cond3A_283 = arith.cmpi ne, %convert_element_type3A_281, %cond3A_282 : i32
      scf.if %cond3A_283 {
        %add3A_285 = arith.constant 2 : i32
        %add3A_286 = arith.addi %while3A_239, %add3A_285 : i32
        %rem3A_287 = arith.constant 3 : i32
        %rem3A_288 = arith.remsi %add3A_286, %rem3A_287 : i32
        %add3A_289 = arith.constant 2 : i32
        %add3A_290 = arith.addi %while3A_239, %add3A_289 : i32
        %add3A_291 = arith.constant 2 : i32
        %add3A_292 = arith.addi %while3A_239, %add3A_291 : i32
        %rem3A_293 = arith.constant 4 : i32
        %rem3A_294 = arith.remsi %add3A_292, %rem3A_293 : i32
        %mul3A_295 = arith.constant 128 : i32
        %mul3A_296 = arith.muli %add3A_290, %mul3A_295 : i32
        %add3A_297 = arith.addi %add3A_9, %mul3A_296 : i32
        %multiple_of3A_298 = tpu.assume_multiple %add3A_297, 8 : i32
        %add3A_299 = arith.constant 320000 : i32
        %add3A_300 = arith.addi %add3A_299, %add3A_9 : i32
        %mul3A_301 = arith.constant 128 : i32
        %mul3A_302 = arith.muli %add3A_290, %mul3A_301 : i32
        %add3A_303 = arith.addi %add3A_300, %mul3A_302 : i32
        %multiple_of3A_304 = tpu.assume_multiple %add3A_303, 8 : i32
        %dma_wait3A_305 = arith.constant 0 : i32
        %dma_wait3A_306 = tpu.memref_slice %arg6[%rem3A_288, %dma_wait3A_305] : memref<3x128xi32, #tpu.memory_space<vmem>> -> memref<1x128xi32, #tpu.memory_space<vmem>>
        %dma_wait3A_307 = tpu.memref_squeeze %dma_wait3A_306 : memref<1x128xi32, #tpu.memory_space<vmem>> -> memref<128xi32, #tpu.memory_space<vmem>>
        %dma_wait3A_308 = tpu.memref_slice %arg3[%multiple_of3A_298] : memref<640000xi32, #tpu.memory_space<hbm>> -> memref<128xi32, #tpu.memory_space<hbm>>
        %dma_wait3A_309 = tpu.memref_slice %arg10[%rem3A_294] : memref<4x!tpu.dma_semaphore, #tpu.memory_space<semaphore_mem>> -> memref<1x!tpu.dma_semaphore, #tpu.memory_space<semaphore_mem>>
        %dma_wait3A_310 = tpu.memref_squeeze %dma_wait3A_309 : memref<1x!tpu.dma_semaphore, #tpu.memory_space<semaphore_mem>> -> memref<!tpu.dma_semaphore, #tpu.memory_space<semaphore_mem>>
        %dma_wait3A_311 = arith.constant 0 : i32
        %dma_wait3A_312 = tpu.memref_slice %arg6[%rem3A_288, %dma_wait3A_311] : memref<3x128xi32, #tpu.memory_space<vmem>> -> memref<1x128xi32, #tpu.memory_space<vmem>>
        %dma_wait3A_313 = tpu.memref_squeeze %dma_wait3A_312 : memref<1x128xi32, #tpu.memory_space<vmem>> -> memref<128xi32, #tpu.memory_space<vmem>>
        %dma_wait3A_314 = tpu.memref_slice %arg3[%multiple_of3A_298] : memref<640000xi32, #tpu.memory_space<hbm>> -> memref<128xi32, #tpu.memory_space<hbm>>
        tpu.wait_dma2 semaphore(%dma_wait3A_310 : memref<!tpu.dma_semaphore, #tpu.memory_space<semaphore_mem>>) src(%dma_wait3A_314 : memref<128xi32, #tpu.memory_space<hbm>>) dst(%dma_wait3A_313 : memref<128xi32, #tpu.memory_space<vmem>>)
        %dma_wait3A_315 = arith.constant 0 : i32
        %dma_wait3A_316 = tpu.memref_slice %arg7[%rem3A_294, %dma_wait3A_315] : memref<4x128xi32, #tpu.memory_space<vmem>> -> memref<1x128xi32, #tpu.memory_space<vmem>>
        %dma_wait3A_317 = tpu.memref_squeeze %dma_wait3A_316 : memref<1x128xi32, #tpu.memory_space<vmem>> -> memref<128xi32, #tpu.memory_space<vmem>>
        %dma_wait3A_318 = tpu.memref_slice %arg3[%multiple_of3A_304] : memref<640000xi32, #tpu.memory_space<hbm>> -> memref<128xi32, #tpu.memory_space<hbm>>
        %dma_wait3A_319 = tpu.memref_slice %arg10[%rem3A_294] : memref<4x!tpu.dma_semaphore, #tpu.memory_space<semaphore_mem>> -> memref<1x!tpu.dma_semaphore, #tpu.memory_space<semaphore_mem>>
        %dma_wait3A_320 = tpu.memref_squeeze %dma_wait3A_319 : memref<1x!tpu.dma_semaphore, #tpu.memory_space<semaphore_mem>> -> memref<!tpu.dma_semaphore, #tpu.memory_space<semaphore_mem>>
        %dma_wait3A_321 = arith.constant 0 : i32
        %dma_wait3A_322 = tpu.memref_slice %arg7[%rem3A_294, %dma_wait3A_321] : memref<4x128xi32, #tpu.memory_space<vmem>> -> memref<1x128xi32, #tpu.memory_space<vmem>>
        %dma_wait3A_323 = tpu.memref_squeeze %dma_wait3A_322 : memref<1x128xi32, #tpu.memory_space<vmem>> -> memref<128xi32, #tpu.memory_space<vmem>>
        %dma_wait3A_324 = tpu.memref_slice %arg3[%multiple_of3A_304] : memref<640000xi32, #tpu.memory_space<hbm>> -> memref<128xi32, #tpu.memory_space<hbm>>
        tpu.wait_dma2 semaphore(%dma_wait3A_320 : memref<!tpu.dma_semaphore, #tpu.memory_space<semaphore_mem>>) src(%dma_wait3A_324 : memref<128xi32, #tpu.memory_space<hbm>>) dst(%dma_wait3A_323 : memref<128xi32, #tpu.memory_space<vmem>>)
        %dma_start3A_325 = arith.constant 0 : i32
        %dma_start3A_326 = arith.constant 0 : i32
        %dma_start3A_327 = tpu.memref_slice %arg8[%rem3A_288, %dma_start3A_325, %dma_start3A_326] : memref<3x128x128xf32, #tpu.memory_space<vmem>> -> memref<1x128x128xf32, #tpu.memory_space<vmem>>
        %dma_start3A_328 = tpu.memref_squeeze %dma_start3A_327 : memref<1x128x128xf32, #tpu.memory_space<vmem>> -> memref<128x128xf32, #tpu.memory_space<vmem>>
        %dma_start3A_329 = arith.constant 0 : i32
        %dma_start3A_330 = tpu.memref_slice %arg6[%rem3A_288, %dma_start3A_329] : memref<3x128xi32, #tpu.memory_space<vmem>> -> memref<1x128xi32, #tpu.memory_space<vmem>>
        %dma_start3A_331 = tpu.memref_squeeze %dma_start3A_330 : memref<1x128xi32, #tpu.memory_space<vmem>> -> memref<128xi32, #tpu.memory_space<vmem>>
        %dma_start3A_332 = arith.constant 0 : i32
        %dma_start3A_333 = arith.constant 0 : i32
        %dma_start3A_334 = tpu.memref_slice %arg2[%dma_start3A_332, %dma_start3A_333] : memref<10240x128xf32, #tpu.memory_space<hbm>> -> memref<10240x128xf32, #tpu.memory_space<hbm>>
        %dma_start3A_335 = tpu.memref_slice %arg11[%rem3A_288] : memref<3x!tpu.dma_semaphore, #tpu.memory_space<semaphore_mem>> -> memref<1x!tpu.dma_semaphore, #tpu.memory_space<semaphore_mem>>
        %dma_start3A_336 = tpu.memref_squeeze %dma_start3A_335 : memref<1x!tpu.dma_semaphore, #tpu.memory_space<semaphore_mem>> -> memref<!tpu.dma_semaphore, #tpu.memory_space<semaphore_mem>>
        tpu.enqueue_indirect_dma source(%dma_start3A_334 : memref<10240x128xf32, #tpu.memory_space<hbm>>) target(%dma_start3A_328 : memref<128x128xf32, #tpu.memory_space<vmem>>) offsets(%dma_start3A_331 : memref<128xi32, #tpu.memory_space<vmem>>) semaphore(%dma_start3A_336 : memref<!tpu.dma_semaphore, #tpu.memory_space<semaphore_mem>>)
      } else {
      }
      %while3A_284 = arith.constant 0 : i32
      scf.yield %while3A_284 : i32
    }
    %while3A_210 = arith.constant 1 : i32
    %while3A_211 = scf.for %while3A_239 = %while3A_207 to %while3A_203 step %while3A_210 iter_args(%while3A_240 = %while3A_209) -> (i32)  : i32 {
      %rem3A_241 = arith.constant 3 : i32
      %rem3A_242 = arith.remsi %while3A_239, %rem3A_241 : i32
      %rem3A_243 = arith.constant 4 : i32
      %rem3A_244 = arith.remsi %while3A_239, %rem3A_243 : i32
      %dma_wait3A_245 = arith.constant 0 : i32
      %dma_wait3A_246 = arith.constant 0 : i32
      %dma_wait3A_247 = tpu.memref_slice %arg8[%rem3A_242, %dma_wait3A_245, %dma_wait3A_246] : memref<3x128x128xf32, #tpu.memory_space<vmem>> -> memref<1x128x128xf32, #tpu.memory_space<vmem>>
      %dma_wait3A_248 = tpu.memref_squeeze %dma_wait3A_247 : memref<1x128x128xf32, #tpu.memory_space<vmem>> -> memref<128x128xf32, #tpu.memory_space<vmem>>
      %dma_wait3A_249 = arith.constant 0 : i32
      %dma_wait3A_250 = tpu.memref_slice %arg6[%rem3A_242, %dma_wait3A_249] : memref<3x128xi32, #tpu.memory_space<vmem>> -> memref<1x128xi32, #tpu.memory_space<vmem>>
      %dma_wait3A_251 = tpu.memref_squeeze %dma_wait3A_250 : memref<1x128xi32, #tpu.memory_space<vmem>> -> memref<128xi32, #tpu.memory_space<vmem>>
      %dma_wait3A_252 = arith.constant 0 : i32
      %dma_wait3A_253 = arith.constant 0 : i32
      %dma_wait3A_254 = tpu.memref_slice %arg2[%dma_wait3A_252, %dma_wait3A_253] : memref<10240x128xf32, #tpu.memory_space<hbm>> -> memref<10240x128xf32, #tpu.memory_space<hbm>>
      %dma_wait3A_255 = tpu.memref_slice %arg11[%rem3A_242] : memref<3x!tpu.dma_semaphore, #tpu.memory_space<semaphore_mem>> -> memref<1x!tpu.dma_semaphore, #tpu.memory_space<semaphore_mem>>
      %dma_wait3A_256 = tpu.memref_squeeze %dma_wait3A_255 : memref<1x!tpu.dma_semaphore, #tpu.memory_space<semaphore_mem>> -> memref<!tpu.dma_semaphore, #tpu.memory_space<semaphore_mem>>
      tpu.wait_indirect_dma semaphore(%dma_wait3A_256 : memref<!tpu.dma_semaphore, #tpu.memory_space<semaphore_mem>>) src(%dma_wait3A_254 : memref<10240x128xf32, #tpu.memory_space<hbm>>) dst(%dma_wait3A_248 : memref<128x128xf32, #tpu.memory_space<vmem>>)
      %gt3A = arith.constant 0 : i32
      %gt3A_257 = arith.cmpi sgt, %while3A_239, %gt3A : i32
      %convert_element_type3A_258 = arith.extui %gt3A_257 : i1 to i32
      %cond3A = arith.constant 0 : i32
      %cond3A_259 = arith.cmpi ne, %convert_element_type3A_258, %cond3A : i32
      scf.if %cond3A_259 {
        %add3A_285 = arith.constant 3 : i32
        %add3A_286 = arith.addi %while3A_239, %add3A_285 : i32
        %sub3A_287 = arith.constant 1 : i32
        %sub3A_288 = arith.subi %add3A_286, %sub3A_287 : i32
        %rem3A_289 = arith.constant 3 : i32
        %rem3A_290 = arith.remsi %sub3A_288, %rem3A_289 : i32
        %add3A_291 = arith.constant 4 : i32
        %add3A_292 = arith.addi %while3A_239, %add3A_291 : i32
        %sub3A_293 = arith.constant 1 : i32
        %sub3A_294 = arith.subi %add3A_292, %sub3A_293 : i32
        %rem3A_295 = arith.constant 4 : i32
        %rem3A_296 = arith.remsi %sub3A_294, %rem3A_295 : i32
        %dma_wait3A_297 = arith.constant 0 : i32
        %dma_wait3A_298 = arith.constant 0 : i32
        %dma_wait3A_299 = tpu.memref_slice %arg8[%rem3A_290, %dma_wait3A_297, %dma_wait3A_298] : memref<3x128x128xf32, #tpu.memory_space<vmem>> -> memref<1x128x128xf32, #tpu.memory_space<vmem>>
        %dma_wait3A_300 = tpu.memref_squeeze %dma_wait3A_299 : memref<1x128x128xf32, #tpu.memory_space<vmem>> -> memref<128x128xf32, #tpu.memory_space<vmem>>
        %dma_wait3A_301 = arith.constant 0 : i32
        %dma_wait3A_302 = tpu.memref_slice %arg7[%rem3A_296, %dma_wait3A_301] : memref<4x128xi32, #tpu.memory_space<vmem>> -> memref<1x128xi32, #tpu.memory_space<vmem>>
        %dma_wait3A_303 = tpu.memref_squeeze %dma_wait3A_302 : memref<1x128xi32, #tpu.memory_space<vmem>> -> memref<128xi32, #tpu.memory_space<vmem>>
        %dma_wait3A_304 = arith.constant 0 : i32
        %dma_wait3A_305 = arith.constant 0 : i32
        %dma_wait3A_306 = tpu.memref_slice %arg9[%dma_wait3A_304, %dma_wait3A_305] : memref<10112x128xf32, #tpu.memory_space<vmem_shared>> -> memref<10112x128xf32, #tpu.memory_space<vmem_shared>>
        %dma_wait3A_307 = tpu.memref_slice %arg12[%rem3A_290] : memref<3x!tpu.dma_semaphore, #tpu.memory_space<semaphore_mem>> -> memref<1x!tpu.dma_semaphore, #tpu.memory_space<semaphore_mem>>
        %dma_wait3A_308 = tpu.memref_squeeze %dma_wait3A_307 : memref<1x!tpu.dma_semaphore, #tpu.memory_space<semaphore_mem>> -> memref<!tpu.dma_semaphore, #tpu.memory_space<semaphore_mem>>
        tpu.wait_indirect_dma semaphore(%dma_wait3A_308 : memref<!tpu.dma_semaphore, #tpu.memory_space<semaphore_mem>>) src(%dma_wait3A_300 : memref<128x128xf32, #tpu.memory_space<vmem>>) dst(%dma_wait3A_306 : memref<10112x128xf32, #tpu.memory_space<vmem_shared>>)
      } else {
      }
      %dma_start3A_260 = arith.constant 0 : i32
      %dma_start3A_261 = arith.constant 0 : i32
      %dma_start3A_262 = tpu.memref_slice %arg8[%rem3A_242, %dma_start3A_260, %dma_start3A_261] : memref<3x128x128xf32, #tpu.memory_space<vmem>> -> memref<1x128x128xf32, #tpu.memory_space<vmem>>
      %dma_start3A_263 = tpu.memref_squeeze %dma_start3A_262 : memref<1x128x128xf32, #tpu.memory_space<vmem>> -> memref<128x128xf32, #tpu.memory_space<vmem>>
      %dma_start3A_264 = arith.constant 0 : i32
      %dma_start3A_265 = tpu.memref_slice %arg7[%rem3A_244, %dma_start3A_264] : memref<4x128xi32, #tpu.memory_space<vmem>> -> memref<1x128xi32, #tpu.memory_space<vmem>>
      %dma_start3A_266 = tpu.memref_squeeze %dma_start3A_265 : memref<1x128xi32, #tpu.memory_space<vmem>> -> memref<128xi32, #tpu.memory_space<vmem>>
      %dma_start3A_267 = arith.constant 0 : i32
      %dma_start3A_268 = arith.constant 0 : i32
      %dma_start3A_269 = tpu.memref_slice %arg9[%dma_start3A_267, %dma_start3A_268] : memref<10112x128xf32, #tpu.memory_space<vmem_shared>> -> memref<10112x128xf32, #tpu.memory_space<vmem_shared>>
      %dma_start3A_270 = tpu.memref_slice %arg12[%rem3A_242] : memref<3x!tpu.dma_semaphore, #tpu.memory_space<semaphore_mem>> -> memref<1x!tpu.dma_semaphore, #tpu.memory_space<semaphore_mem>>
      %dma_start3A_271 = tpu.memref_squeeze %dma_start3A_270 : memref<1x!tpu.dma_semaphore, #tpu.memory_space<semaphore_mem>> -> memref<!tpu.dma_semaphore, #tpu.memory_space<semaphore_mem>>
      tpu.enqueue_indirect_dma source(%dma_start3A_263 : memref<128x128xf32, #tpu.memory_space<vmem>>) target(%dma_start3A_269 : memref<10112x128xf32, #tpu.memory_space<vmem_shared>>) offsets(%dma_start3A_266 : memref<128xi32, #tpu.memory_space<vmem>>) semaphore(%dma_start3A_271 : memref<!tpu.dma_semaphore, #tpu.memory_space<semaphore_mem>>) {add = true}
      %add3A_272 = arith.constant 3 : i32
      %add3A_273 = arith.addi %while3A_239, %add3A_272 : i32
      %lt3A_274 = arith.cmpi slt, %add3A_273, %add3A_1 : i32
      %convert_element_type3A_275 = arith.extui %lt3A_274 : i1 to i32
      %cond3A_276 = arith.constant 0 : i32
      %cond3A_277 = arith.cmpi ne, %convert_element_type3A_275, %cond3A_276 : i32
      scf.if %cond3A_277 {
        %add3A_285 = arith.constant 3 : i32
        %add3A_286 = arith.addi %while3A_239, %add3A_285 : i32
        %add3A_287 = arith.constant 3 : i32
        %add3A_288 = arith.addi %while3A_239, %add3A_287 : i32
        %rem3A_289 = arith.constant 4 : i32
        %rem3A_290 = arith.remsi %add3A_288, %rem3A_289 : i32
        %mul3A_291 = arith.constant 128 : i32
        %mul3A_292 = arith.muli %add3A_286, %mul3A_291 : i32
        %add3A_293 = arith.addi %add3A_9, %mul3A_292 : i32
        %multiple_of3A_294 = tpu.assume_multiple %add3A_293, 8 : i32
        %add3A_295 = arith.constant 320000 : i32
        %add3A_296 = arith.addi %add3A_295, %add3A_9 : i32
        %mul3A_297 = arith.constant 128 : i32
        %mul3A_298 = arith.muli %add3A_286, %mul3A_297 : i32
        %add3A_299 = arith.addi %add3A_296, %mul3A_298 : i32
        %multiple_of3A_300 = tpu.assume_multiple %add3A_299, 8 : i32
        %dma_start3A_301 = arith.constant 0 : i32
        %dma_start3A_302 = tpu.memref_slice %arg6[%rem3A_242, %dma_start3A_301] : memref<3x128xi32, #tpu.memory_space<vmem>> -> memref<1x128xi32, #tpu.memory_space<vmem>>
        %dma_start3A_303 = tpu.memref_squeeze %dma_start3A_302 : memref<1x128xi32, #tpu.memory_space<vmem>> -> memref<128xi32, #tpu.memory_space<vmem>>
        %dma_start3A_304 = tpu.memref_slice %arg3[%multiple_of3A_294] : memref<640000xi32, #tpu.memory_space<hbm>> -> memref<128xi32, #tpu.memory_space<hbm>>
        %dma_start3A_305 = tpu.memref_slice %arg10[%rem3A_290] : memref<4x!tpu.dma_semaphore, #tpu.memory_space<semaphore_mem>> -> memref<1x!tpu.dma_semaphore, #tpu.memory_space<semaphore_mem>>
        %dma_start3A_306 = tpu.memref_squeeze %dma_start3A_305 : memref<1x!tpu.dma_semaphore, #tpu.memory_space<semaphore_mem>> -> memref<!tpu.dma_semaphore, #tpu.memory_space<semaphore_mem>>
        %dma_start3A_307 = arith.constant 0 : i32
        %dma_start3A_308 = tpu.memref_slice %arg6[%rem3A_242, %dma_start3A_307] : memref<3x128xi32, #tpu.memory_space<vmem>> -> memref<1x128xi32, #tpu.memory_space<vmem>>
        %dma_start3A_309 = tpu.memref_squeeze %dma_start3A_308 : memref<1x128xi32, #tpu.memory_space<vmem>> -> memref<128xi32, #tpu.memory_space<vmem>>
        %dma_start3A_310 = tpu.memref_slice %arg3[%multiple_of3A_294] : memref<640000xi32, #tpu.memory_space<hbm>> -> memref<128xi32, #tpu.memory_space<hbm>>
        tpu.enqueue_dma source(%dma_start3A_310 : memref<128xi32, #tpu.memory_space<hbm>>) target(%dma_start3A_309 : memref<128xi32, #tpu.memory_space<vmem>>) target_semaphore(%dma_start3A_306 : memref<!tpu.dma_semaphore, #tpu.memory_space<semaphore_mem>>)
        %dma_start3A_311 = arith.constant 0 : i32
        %dma_start3A_312 = tpu.memref_slice %arg7[%rem3A_290, %dma_start3A_311] : memref<4x128xi32, #tpu.memory_space<vmem>> -> memref<1x128xi32, #tpu.memory_space<vmem>>
        %dma_start3A_313 = tpu.memref_squeeze %dma_start3A_312 : memref<1x128xi32, #tpu.memory_space<vmem>> -> memref<128xi32, #tpu.memory_space<vmem>>
        %dma_start3A_314 = tpu.memref_slice %arg3[%multiple_of3A_300] : memref<640000xi32, #tpu.memory_space<hbm>> -> memref<128xi32, #tpu.memory_space<hbm>>
        %dma_start3A_315 = tpu.memref_slice %arg10[%rem3A_290] : memref<4x!tpu.dma_semaphore, #tpu.memory_space<semaphore_mem>> -> memref<1x!tpu.dma_semaphore, #tpu.memory_space<semaphore_mem>>
        %dma_start3A_316 = tpu.memref_squeeze %dma_start3A_315 : memref<1x!tpu.dma_semaphore, #tpu.memory_space<semaphore_mem>> -> memref<!tpu.dma_semaphore, #tpu.memory_space<semaphore_mem>>
        %dma_start3A_317 = arith.constant 0 : i32
        %dma_start3A_318 = tpu.memref_slice %arg7[%rem3A_290, %dma_start3A_317] : memref<4x128xi32, #tpu.memory_space<vmem>> -> memref<1x128xi32, #tpu.memory_space<vmem>>
        %dma_start3A_319 = tpu.memref_squeeze %dma_start3A_318 : memref<1x128xi32, #tpu.memory_space<vmem>> -> memref<128xi32, #tpu.memory_space<vmem>>
        %dma_start3A_320 = tpu.memref_slice %arg3[%multiple_of3A_300] : memref<640000xi32, #tpu.memory_space<hbm>> -> memref<128xi32, #tpu.memory_space<hbm>>
        tpu.enqueue_dma source(%dma_start3A_320 : memref<128xi32, #tpu.memory_space<hbm>>) target(%dma_start3A_319 : memref<128xi32, #tpu.memory_space<vmem>>) target_semaphore(%dma_start3A_316 : memref<!tpu.dma_semaphore, #tpu.memory_space<semaphore_mem>>)
      } else {
      }
      %add3A_278 = arith.constant 2 : i32
      %add3A_279 = arith.addi %while3A_239, %add3A_278 : i32
      %lt3A_280 = arith.cmpi slt, %add3A_279, %add3A_1 : i32
      %convert_element_type3A_281 = arith.extui %lt3A_280 : i1 to i32
      %cond3A_282 = arith.constant 0 : i32
      %cond3A_283 = arith.cmpi ne, %convert_element_type3A_281, %cond3A_282 : i32
      scf.if %cond3A_283 {
        %add3A_285 = arith.constant 2 : i32
        %add3A_286 = arith.addi %while3A_239, %add3A_285 : i32
        %rem3A_287 = arith.constant 3 : i32
        %rem3A_288 = arith.remsi %add3A_286, %rem3A_287 : i32
        %add3A_289 = arith.constant 2 : i32
        %add3A_290 = arith.addi %while3A_239, %add3A_289 : i32
        %add3A_291 = arith.constant 2 : i32
        %add3A_292 = arith.addi %while3A_239, %add3A_291 : i32
        %rem3A_293 = arith.constant 4 : i32
        %rem3A_294 = arith.remsi %add3A_292, %rem3A_293 : i32
        %mul3A_295 = arith.constant 128 : i32
        %mul3A_296 = arith.muli %add3A_290, %mul3A_295 : i32
        %add3A_297 = arith.addi %add3A_9, %mul3A_296 : i32
        %multiple_of3A_298 = tpu.assume_multiple %add3A_297, 8 : i32
        %add3A_299 = arith.constant 320000 : i32
        %add3A_300 = arith.addi %add3A_299, %add3A_9 : i32
        %mul3A_301 = arith.constant 128 : i32
        %mul3A_302 = arith.muli %add3A_290, %mul3A_301 : i32
        %add3A_303 = arith.addi %add3A_300, %mul3A_302 : i32
        %multiple_of3A_304 = tpu.assume_multiple %add3A_303, 8 : i32
        %dma_wait3A_305 = arith.constant 0 : i32
        %dma_wait3A_306 = tpu.memref_slice %arg6[%rem3A_288, %dma_wait3A_305] : memref<3x128xi32, #tpu.memory_space<vmem>> -> memref<1x128xi32, #tpu.memory_space<vmem>>
        %dma_wait3A_307 = tpu.memref_squeeze %dma_wait3A_306 : memref<1x128xi32, #tpu.memory_space<vmem>> -> memref<128xi32, #tpu.memory_space<vmem>>
        %dma_wait3A_308 = tpu.memref_slice %arg3[%multiple_of3A_298] : memref<640000xi32, #tpu.memory_space<hbm>> -> memref<128xi32, #tpu.memory_space<hbm>>
        %dma_wait3A_309 = tpu.memref_slice %arg10[%rem3A_294] : memref<4x!tpu.dma_semaphore, #tpu.memory_space<semaphore_mem>> -> memref<1x!tpu.dma_semaphore, #tpu.memory_space<semaphore_mem>>
        %dma_wait3A_310 = tpu.memref_squeeze %dma_wait3A_309 : memref<1x!tpu.dma_semaphore, #tpu.memory_space<semaphore_mem>> -> memref<!tpu.dma_semaphore, #tpu.memory_space<semaphore_mem>>
        %dma_wait3A_311 = arith.constant 0 : i32
        %dma_wait3A_312 = tpu.memref_slice %arg6[%rem3A_288, %dma_wait3A_311] : memref<3x128xi32, #tpu.memory_space<vmem>> -> memref<1x128xi32, #tpu.memory_space<vmem>>
        %dma_wait3A_313 = tpu.memref_squeeze %dma_wait3A_312 : memref<1x128xi32, #tpu.memory_space<vmem>> -> memref<128xi32, #tpu.memory_space<vmem>>
        %dma_wait3A_314 = tpu.memref_slice %arg3[%multiple_of3A_298] : memref<640000xi32, #tpu.memory_space<hbm>> -> memref<128xi32, #tpu.memory_space<hbm>>
        tpu.wait_dma2 semaphore(%dma_wait3A_310 : memref<!tpu.dma_semaphore, #tpu.memory_space<semaphore_mem>>) src(%dma_wait3A_314 : memref<128xi32, #tpu.memory_space<hbm>>) dst(%dma_wait3A_313 : memref<128xi32, #tpu.memory_space<vmem>>)
        %dma_wait3A_315 = arith.constant 0 : i32
        %dma_wait3A_316 = tpu.memref_slice %arg7[%rem3A_294, %dma_wait3A_315] : memref<4x128xi32, #tpu.memory_space<vmem>> -> memref<1x128xi32, #tpu.memory_space<vmem>>
        %dma_wait3A_317 = tpu.memref_squeeze %dma_wait3A_316 : memref<1x128xi32, #tpu.memory_space<vmem>> -> memref<128xi32, #tpu.memory_space<vmem>>
        %dma_wait3A_318 = tpu.memref_slice %arg3[%multiple_of3A_304] : memref<640000xi32, #tpu.memory_space<hbm>> -> memref<128xi32, #tpu.memory_space<hbm>>
        %dma_wait3A_319 = tpu.memref_slice %arg10[%rem3A_294] : memref<4x!tpu.dma_semaphore, #tpu.memory_space<semaphore_mem>> -> memref<1x!tpu.dma_semaphore, #tpu.memory_space<semaphore_mem>>
        %dma_wait3A_320 = tpu.memref_squeeze %dma_wait3A_319 : memref<1x!tpu.dma_semaphore, #tpu.memory_space<semaphore_mem>> -> memref<!tpu.dma_semaphore, #tpu.memory_space<semaphore_mem>>
        %dma_wait3A_321 = arith.constant 0 : i32
        %dma_wait3A_322 = tpu.memref_slice %arg7[%rem3A_294, %dma_wait3A_321] : memref<4x128xi32, #tpu.memory_space<vmem>> -> memref<1x128xi32, #tpu.memory_space<vmem>>
        %dma_wait3A_323 = tpu.memref_squeeze %dma_wait3A_322 : memref<1x128xi32, #tpu.memory_space<vmem>> -> memref<128xi32, #tpu.memory_space<vmem>>
        %dma_wait3A_324 = tpu.memref_slice %arg3[%multiple_of3A_304] : memref<640000xi32, #tpu.memory_space<hbm>> -> memref<128xi32, #tpu.memory_space<hbm>>
        tpu.wait_dma2 semaphore(%dma_wait3A_320 : memref<!tpu.dma_semaphore, #tpu.memory_space<semaphore_mem>>) src(%dma_wait3A_324 : memref<128xi32, #tpu.memory_space<hbm>>) dst(%dma_wait3A_323 : memref<128xi32, #tpu.memory_space<vmem>>)
        %dma_start3A_325 = arith.constant 0 : i32
        %dma_start3A_326 = arith.constant 0 : i32
        %dma_start3A_327 = tpu.memref_slice %arg8[%rem3A_288, %dma_start3A_325, %dma_start3A_326] : memref<3x128x128xf32, #tpu.memory_space<vmem>> -> memref<1x128x128xf32, #tpu.memory_space<vmem>>
        %dma_start3A_328 = tpu.memref_squeeze %dma_start3A_327 : memref<1x128x128xf32, #tpu.memory_space<vmem>> -> memref<128x128xf32, #tpu.memory_space<vmem>>
        %dma_start3A_329 = arith.constant 0 : i32
        %dma_start3A_330 = tpu.memref_slice %arg6[%rem3A_288, %dma_start3A_329] : memref<3x128xi32, #tpu.memory_space<vmem>> -> memref<1x128xi32, #tpu.memory_space<vmem>>
        %dma_start3A_331 = tpu.memref_squeeze %dma_start3A_330 : memref<1x128xi32, #tpu.memory_space<vmem>> -> memref<128xi32, #tpu.memory_space<vmem>>
        %dma_start3A_332 = arith.constant 0 : i32
        %dma_start3A_333 = arith.constant 0 : i32
        %dma_start3A_334 = tpu.memref_slice %arg2[%dma_start3A_332, %dma_start3A_333] : memref<10240x128xf32, #tpu.memory_space<hbm>> -> memref<10240x128xf32, #tpu.memory_space<hbm>>
        %dma_start3A_335 = tpu.memref_slice %arg11[%rem3A_288] : memref<3x!tpu.dma_semaphore, #tpu.memory_space<semaphore_mem>> -> memref<1x!tpu.dma_semaphore, #tpu.memory_space<semaphore_mem>>
        %dma_start3A_336 = tpu.memref_squeeze %dma_start3A_335 : memref<1x!tpu.dma_semaphore, #tpu.memory_space<semaphore_mem>> -> memref<!tpu.dma_semaphore, #tpu.memory_space<semaphore_mem>>
        tpu.enqueue_indirect_dma source(%dma_start3A_334 : memref<10240x128xf32, #tpu.memory_space<hbm>>) target(%dma_start3A_328 : memref<128x128xf32, #tpu.memory_space<vmem>>) offsets(%dma_start3A_331 : memref<128xi32, #tpu.memory_space<vmem>>) semaphore(%dma_start3A_336 : memref<!tpu.dma_semaphore, #tpu.memory_space<semaphore_mem>>)
      } else {
      }
      %while3A_284 = arith.constant 0 : i32
      scf.yield %while3A_284 : i32
    }
    %sub3A = arith.constant 1 : i32
    %sub3A_212 = arith.subi %add3A_1, %sub3A : i32
    %rem3A = arith.constant 3 : i32
    %rem3A_213 = arith.remsi %sub3A_212, %rem3A : i32
    %sub3A_214 = arith.constant 1 : i32
    %sub3A_215 = arith.subi %add3A_1, %sub3A_214 : i32
    %rem3A_216 = arith.constant 4 : i32
    %rem3A_217 = arith.remsi %sub3A_215, %rem3A_216 : i32
    %dma_wait3A_218 = arith.constant 0 : i32
    %dma_wait3A_219 = arith.constant 0 : i32
    %dma_wait3A_220 = tpu.memref_slice %arg8[%rem3A_213, %dma_wait3A_218, %dma_wait3A_219] : memref<3x128x128xf32, #tpu.memory_space<vmem>> -> memref<1x128x128xf32, #tpu.memory_space<vmem>>
    %dma_wait3A_221 = tpu.memref_squeeze %dma_wait3A_220 : memref<1x128x128xf32, #tpu.memory_space<vmem>> -> memref<128x128xf32, #tpu.memory_space<vmem>>
    %dma_wait3A_222 = arith.constant 0 : i32
    %dma_wait3A_223 = tpu.memref_slice %arg7[%rem3A_217, %dma_wait3A_222] : memref<4x128xi32, #tpu.memory_space<vmem>> -> memref<1x128xi32, #tpu.memory_space<vmem>>
    %dma_wait3A_224 = tpu.memref_squeeze %dma_wait3A_223 : memref<1x128xi32, #tpu.memory_space<vmem>> -> memref<128xi32, #tpu.memory_space<vmem>>
    %dma_wait3A_225 = arith.constant 0 : i32
    %dma_wait3A_226 = arith.constant 0 : i32
    %dma_wait3A_227 = tpu.memref_slice %arg9[%dma_wait3A_225, %dma_wait3A_226] : memref<10112x128xf32, #tpu.memory_space<vmem_shared>> -> memref<10112x128xf32, #tpu.memory_space<vmem_shared>>
    %dma_wait3A_228 = tpu.memref_slice %arg12[%rem3A_213] : memref<3x!tpu.dma_semaphore, #tpu.memory_space<semaphore_mem>> -> memref<1x!tpu.dma_semaphore, #tpu.memory_space<semaphore_mem>>
    %dma_wait3A_229 = tpu.memref_squeeze %dma_wait3A_228 : memref<1x!tpu.dma_semaphore, #tpu.memory_space<semaphore_mem>> -> memref<!tpu.dma_semaphore, #tpu.memory_space<semaphore_mem>>
    tpu.wait_indirect_dma semaphore(%dma_wait3A_229 : memref<!tpu.dma_semaphore, #tpu.memory_space<semaphore_mem>>) src(%dma_wait3A_221 : memref<128x128xf32, #tpu.memory_space<vmem>>) dst(%dma_wait3A_227 : memref<10112x128xf32, #tpu.memory_space<vmem_shared>>)
    %barrier3A_230 = arith.constant 0 : index
    tpu.barrier barrier_id(%barrier3A_230)
    %mul3A_231 = arith.constant 10112 : i32
    %mul3A_232 = arith.muli %arg0, %mul3A_231 : i32
    %mul3A_233 = arith.constant 632 : i32
    %mul3A_234 = arith.muli %arg1, %mul3A_233 : i32
    %add3A_235 = arith.addi %mul3A_232, %mul3A_234 : i32
    %multiple_of3A_236 = tpu.assume_multiple %add3A_235, 8 : i32
    %mul3A_237 = arith.constant 632 : i32
    %mul3A_238 = arith.muli %arg1, %mul3A_237 : i32
    "tpu.region"() ({
      %run_scoped3A = tpu.sem_alloc : memref<!tpu.dma_semaphore, #tpu.memory_space<semaphore_mem>>
      %dma_start3A_239 = arith.constant 0 : i32
      %dma_start3A_240 = tpu.memref_slice %arg5[%multiple_of3A_236, %dma_start3A_239] : memref<20224x128xf32, #tpu.memory_space<hbm>> -> memref<632x128xf32, #tpu.memory_space<hbm>>
      %dma_start3A_241 = arith.constant 0 : i32
      %dma_start3A_242 = tpu.memref_slice %arg9[%mul3A_238, %dma_start3A_241] : memref<10112x128xf32, #tpu.memory_space<vmem_shared>> -> memref<632x128xf32, #tpu.memory_space<vmem_shared>>
      tpu.enqueue_dma source(%dma_start3A_242 : memref<632x128xf32, #tpu.memory_space<vmem_shared>>) target(%dma_start3A_240 : memref<632x128xf32, #tpu.memory_space<hbm>>) target_semaphore(%run_scoped3A : memref<!tpu.dma_semaphore, #tpu.memory_space<semaphore_mem>>)
      %dma_wait3A_243 = arith.constant 0 : i32
      %dma_wait3A_244 = tpu.memref_slice %arg5[%multiple_of3A_236, %dma_wait3A_243] : memref<20224x128xf32, #tpu.memory_space<hbm>> -> memref<632x128xf32, #tpu.memory_space<hbm>>
      %dma_wait3A_245 = arith.constant 0 : i32
      %dma_wait3A_246 = tpu.memref_slice %arg9[%mul3A_238, %dma_wait3A_245] : memref<10112x128xf32, #tpu.memory_space<vmem_shared>> -> memref<632x128xf32, #tpu.memory_space<vmem_shared>>
      tpu.wait_dma2 semaphore(%run_scoped3A : memref<!tpu.dma_semaphore, #tpu.memory_space<semaphore_mem>>) src(%dma_wait3A_246 : memref<632x128xf32, #tpu.memory_space<vmem_shared>>) dst(%dma_wait3A_244 : memref<632x128xf32, #tpu.memory_space<hbm>>)
      tpu.yield
    }) : () -> ()
    return
  }
}

#map = affine_map<(d0, d1) -> (0)>
module attributes {stable_mosaic.version = 14 : i64} {
  func.func @_deg_kernel(%arg0: i32, %arg1: i32, %arg2: memref<640000xi32, #tpu.memory_space<hbm>>, %arg3: memref<10240xf32, #tpu.memory_space<hbm>>, %arg4: memref<80xf32, #tpu.memory_space<hbm>>, %arg5: memref<20480xf32, #tpu.memory_space<hbm>>, %arg6: memref<20000xi32, #tpu.memory_space<vmem>>, %arg7: memref<3x80xi32, #tpu.memory_space<vmem>>, %arg8: memref<80xf32, #tpu.memory_space<vmem>>, %arg9: memref<10240xf32, #tpu.memory_space<vmem_shared>>, %arg10: memref<3x!tpu.dma_semaphore, #tpu.memory_space<semaphore_mem>>) attributes {dimension_semantics = [#tpu.dimension_semantics<core_parallel>, #tpu.dimension_semantics<subcore_parallel>], iteration_bounds = array<i64: 2, 16>, scalar_prefetch = 0 : i64, scratch_operands = 5 : i64, tpu.core_type = #tpu.core_type<sc_vector_subcore>, window_params = [{transform_indices = #map}, {transform_indices = #map}, {transform_indices = #map}, {transform_indices = #map}]} {
    "tpu.region"() ({
      %run_scoped3A = tpu.sem_alloc : memref<!tpu.dma_semaphore, #tpu.memory_space<semaphore_mem>>
      tpu.enqueue_dma source(%arg4 : memref<80xf32, #tpu.memory_space<hbm>>) target(%arg8 : memref<80xf32, #tpu.memory_space<vmem>>) target_semaphore(%run_scoped3A : memref<!tpu.dma_semaphore, #tpu.memory_space<semaphore_mem>>)
      tpu.wait_dma2 semaphore(%run_scoped3A : memref<!tpu.dma_semaphore, #tpu.memory_space<semaphore_mem>>) src(%arg4 : memref<80xf32, #tpu.memory_space<hbm>>) dst(%arg8 : memref<80xf32, #tpu.memory_space<vmem>>)
      tpu.yield
    }) : () -> ()
    %mul3A = arith.constant 320000 : i32
    %mul3A_0 = arith.muli %arg0, %mul3A : i32
    %mul3A_1 = arith.constant 20000 : i32
    %mul3A_2 = arith.muli %arg1, %mul3A_1 : i32
    %add3A = arith.addi %mul3A_0, %mul3A_2 : i32
    %multiple_of3A = tpu.assume_multiple %add3A, 8 : i32
    "tpu.region"() ({
      %run_scoped3A = tpu.sem_alloc : memref<!tpu.dma_semaphore, #tpu.memory_space<semaphore_mem>>
      %dma_start3A = tpu.memref_slice %arg2[%multiple_of3A] : memref<640000xi32, #tpu.memory_space<hbm>> -> memref<20000xi32, #tpu.memory_space<hbm>>
      %dma_start3A_39 = tpu.memref_slice %arg2[%multiple_of3A] : memref<640000xi32, #tpu.memory_space<hbm>> -> memref<20000xi32, #tpu.memory_space<hbm>>
      tpu.enqueue_dma source(%dma_start3A_39 : memref<20000xi32, #tpu.memory_space<hbm>>) target(%arg6 : memref<20000xi32, #tpu.memory_space<vmem>>) target_semaphore(%run_scoped3A : memref<!tpu.dma_semaphore, #tpu.memory_space<semaphore_mem>>)
      %dma_wait3A_40 = tpu.memref_slice %arg2[%multiple_of3A] : memref<640000xi32, #tpu.memory_space<hbm>> -> memref<20000xi32, #tpu.memory_space<hbm>>
      %dma_wait3A_41 = tpu.memref_slice %arg2[%multiple_of3A] : memref<640000xi32, #tpu.memory_space<hbm>> -> memref<20000xi32, #tpu.memory_space<hbm>>
      tpu.wait_dma2 semaphore(%run_scoped3A : memref<!tpu.dma_semaphore, #tpu.memory_space<semaphore_mem>>) src(%dma_wait3A_41 : memref<20000xi32, #tpu.memory_space<hbm>>) dst(%arg6 : memref<20000xi32, #tpu.memory_space<vmem>>)
      tpu.yield
    }) : () -> ()
    %mul3A_3 = arith.constant 640 : i32
    %mul3A_4 = arith.muli %arg1, %mul3A_3 : i32
    %mul3A_5 = arith.constant 640 : i32
    %mul3A_6 = arith.muli %arg1, %mul3A_5 : i32
    "tpu.region"() ({
      %run_scoped3A = tpu.sem_alloc : memref<!tpu.dma_semaphore, #tpu.memory_space<semaphore_mem>>
      %dma_start3A = tpu.memref_slice %arg9[%mul3A_6] : memref<10240xf32, #tpu.memory_space<vmem_shared>> -> memref<640xf32, #tpu.memory_space<vmem_shared>>
      %dma_start3A_39 = tpu.memref_slice %arg3[%mul3A_4] : memref<10240xf32, #tpu.memory_space<hbm>> -> memref<640xf32, #tpu.memory_space<hbm>>
      tpu.enqueue_dma source(%dma_start3A_39 : memref<640xf32, #tpu.memory_space<hbm>>) target(%dma_start3A : memref<640xf32, #tpu.memory_space<vmem_shared>>) target_semaphore(%run_scoped3A : memref<!tpu.dma_semaphore, #tpu.memory_space<semaphore_mem>>)
      %dma_wait3A_40 = tpu.memref_slice %arg9[%mul3A_6] : memref<10240xf32, #tpu.memory_space<vmem_shared>> -> memref<640xf32, #tpu.memory_space<vmem_shared>>
      %dma_wait3A_41 = tpu.memref_slice %arg3[%mul3A_4] : memref<10240xf32, #tpu.memory_space<hbm>> -> memref<640xf32, #tpu.memory_space<hbm>>
      tpu.wait_dma2 semaphore(%run_scoped3A : memref<!tpu.dma_semaphore, #tpu.memory_space<semaphore_mem>>) src(%dma_wait3A_41 : memref<640xf32, #tpu.memory_space<hbm>>) dst(%dma_wait3A_40 : memref<640xf32, #tpu.memory_space<vmem_shared>>)
      tpu.yield
    }) : () -> ()
    %barrier3A = arith.constant 0 : index
    tpu.barrier barrier_id(%barrier3A)
    %scan3A = arith.constant 0 : i32
    %scan3A_7 = arith.constant 0 : i32
    %scan3A_8 = arith.constant 250 : i32
    %scan3A_9 = arith.addi %scan3A_7, %scan3A_8 : i32
    %scan3A_10 = arith.constant 1 : i32
    %scan3A_11 = scf.for %scan3A_39 = %scan3A_7 to %scan3A_9 step %scan3A_10 iter_args(%scan3A_40 = %scan3A) -> (i32)  : i32 {
      %rem3A = arith.constant 3 : i32
      %rem3A_41 = arith.remsi %scan3A_39, %rem3A : i32
      %gt3A = arith.constant 1 : i32
      %gt3A_42 = arith.cmpi sgt, %scan3A_39, %gt3A : i32
      %convert_element_type3A = arith.extui %gt3A_42 : i1 to i32
      %cond3A = arith.constant 0 : i32
      %cond3A_43 = arith.cmpi ne, %convert_element_type3A, %cond3A : i32
      scf.if %cond3A_43 {
        %add3A_109 = arith.constant 1 : i32
        %add3A_110 = arith.addi %scan3A_39, %add3A_109 : i32
        %rem3A_111 = arith.constant 3 : i32
        %rem3A_112 = arith.remsi %add3A_110, %rem3A_111 : i32
        %dma_wait3A_113 = arith.constant 0 : i32
        %dma_wait3A_114 = tpu.memref_slice %arg7[%rem3A_112, %dma_wait3A_113] : memref<3x80xi32, #tpu.memory_space<vmem>> -> memref<1x80xi32, #tpu.memory_space<vmem>>
        %dma_wait3A_115 = tpu.memref_squeeze %dma_wait3A_114 : memref<1x80xi32, #tpu.memory_space<vmem>> -> memref<80xi32, #tpu.memory_space<vmem>>
        %dma_wait3A_116 = arith.constant 0 : i32
        %dma_wait3A_117 = tpu.memref_slice %arg9[%dma_wait3A_116] : memref<10240xf32, #tpu.memory_space<vmem_shared>> -> memref<10240xf32, #tpu.memory_space<vmem_shared>>
        %dma_wait3A_118 = tpu.memref_slice %arg10[%rem3A_112] : memref<3x!tpu.dma_semaphore, #tpu.memory_space<semaphore_mem>> -> memref<1x!tpu.dma_semaphore, #tpu.memory_space<semaphore_mem>>
        %dma_wait3A_119 = tpu.memref_squeeze %dma_wait3A_118 : memref<1x!tpu.dma_semaphore, #tpu.memory_space<semaphore_mem>> -> memref<!tpu.dma_semaphore, #tpu.memory_space<semaphore_mem>>
        tpu.wait_indirect_dma semaphore(%dma_wait3A_119 : memref<!tpu.dma_semaphore, #tpu.memory_space<semaphore_mem>>) src(%arg8 : memref<80xf32, #tpu.memory_space<vmem>>) dst(%dma_wait3A_117 : memref<10240xf32, #tpu.memory_space<vmem_shared>>)
      } else {
      }
      %mul3A_44 = arith.constant 80 : i32
      %mul3A_45 = arith.muli %scan3A_39, %mul3A_44 : i32
      %add3A_46 = arith.constant 0 : i32
      %add3A_47 = arith.addi %mul3A_45, %add3A_46 : i32
      %get3A = arith.index_cast %add3A_47 : i32 to index
      %get3A_48 = tpu.vector_load %arg6[%get3A] {strides = array<i32>} : memref<20000xi32, #tpu.memory_space<vmem>>, vector<16xi32>,
      %get3A_49 = vector.shape_cast %get3A_48 : vector<16xi32> to vector<16xi32>
      %swap3A = arith.index_cast %rem3A_41 : i32 to index
      %swap3A_50 = arith.constant 0 : index
      %swap3A_51 = tpu.vector_load %arg7[%swap3A, %swap3A_50] {strides = array<i32>} : memref<3x80xi32, #tpu.memory_space<vmem>>, vector<1x16xi32>,
      %swap3A_52 = vector.shape_cast %swap3A_51 : vector<1x16xi32> to vector<16xi32>
      %swap3A_53 = vector.shape_cast %get3A_49 : vector<16xi32> to vector<1x16xi32>
      tpu.vector_store %arg7[%swap3A, %swap3A_50], %swap3A_53 {strides = array<i32>} : memref<3x80xi32, #tpu.memory_space<vmem>>, vector<1x16xi32>,
      %mul3A_54 = arith.constant 80 : i32
      %mul3A_55 = arith.muli %scan3A_39, %mul3A_54 : i32
      %add3A_56 = arith.constant 16 : i32
      %add3A_57 = arith.addi %mul3A_55, %add3A_56 : i32
      %get3A_58 = arith.index_cast %add3A_57 : i32 to index
      %get3A_59 = tpu.vector_load %arg6[%get3A_58] {strides = array<i32>} : memref<20000xi32, #tpu.memory_space<vmem>>, vector<16xi32>,
      %get3A_60 = vector.shape_cast %get3A_59 : vector<16xi32> to vector<16xi32>
      %swap3A_61 = arith.index_cast %rem3A_41 : i32 to index
      %swap3A_62 = arith.constant 16 : index
      %swap3A_63 = tpu.vector_load %arg7[%swap3A_61, %swap3A_62] {strides = array<i32>} : memref<3x80xi32, #tpu.memory_space<vmem>>, vector<1x16xi32>,
      %swap3A_64 = vector.shape_cast %swap3A_63 : vector<1x16xi32> to vector<16xi32>
      %swap3A_65 = vector.shape_cast %get3A_60 : vector<16xi32> to vector<1x16xi32>
      tpu.vector_store %arg7[%swap3A_61, %swap3A_62], %swap3A_65 {strides = array<i32>} : memref<3x80xi32, #tpu.memory_space<vmem>>, vector<1x16xi32>,
      %mul3A_66 = arith.constant 80 : i32
      %mul3A_67 = arith.muli %scan3A_39, %mul3A_66 : i32
      %add3A_68 = arith.constant 32 : i32
      %add3A_69 = arith.addi %mul3A_67, %add3A_68 : i32
      %get3A_70 = arith.index_cast %add3A_69 : i32 to index
      %get3A_71 = tpu.vector_load %arg6[%get3A_70] {strides = array<i32>} : memref<20000xi32, #tpu.memory_space<vmem>>, vector<16xi32>,
      %get3A_72 = vector.shape_cast %get3A_71 : vector<16xi32> to vector<16xi32>
      %swap3A_73 = arith.index_cast %rem3A_41 : i32 to index
      %swap3A_74 = arith.constant 32 : index
      %swap3A_75 = tpu.vector_load %arg7[%swap3A_73, %swap3A_74] {strides = array<i32>} : memref<3x80xi32, #tpu.memory_space<vmem>>, vector<1x16xi32>,
      %swap3A_76 = vector.shape_cast %swap3A_75 : vector<1x16xi32> to vector<16xi32>
      %swap3A_77 = vector.shape_cast %get3A_72 : vector<16xi32> to vector<1x16xi32>
      tpu.vector_store %arg7[%swap3A_73, %swap3A_74], %swap3A_77 {strides = array<i32>} : memref<3x80xi32, #tpu.memory_space<vmem>>, vector<1x16xi32>,
      %mul3A_78 = arith.constant 80 : i32
      %mul3A_79 = arith.muli %scan3A_39, %mul3A_78 : i32
      %add3A_80 = arith.constant 48 : i32
      %add3A_81 = arith.addi %mul3A_79, %add3A_80 : i32
      %get3A_82 = arith.index_cast %add3A_81 : i32 to index
      %get3A_83 = tpu.vector_load %arg6[%get3A_82] {strides = array<i32>} : memref<20000xi32, #tpu.memory_space<vmem>>, vector<16xi32>,
      %get3A_84 = vector.shape_cast %get3A_83 : vector<16xi32> to vector<16xi32>
      %swap3A_85 = arith.index_cast %rem3A_41 : i32 to index
      %swap3A_86 = arith.constant 48 : index
      %swap3A_87 = tpu.vector_load %arg7[%swap3A_85, %swap3A_86] {strides = array<i32>} : memref<3x80xi32, #tpu.memory_space<vmem>>, vector<1x16xi32>,
      %swap3A_88 = vector.shape_cast %swap3A_87 : vector<1x16xi32> to vector<16xi32>
      %swap3A_89 = vector.shape_cast %get3A_84 : vector<16xi32> to vector<1x16xi32>
      tpu.vector_store %arg7[%swap3A_85, %swap3A_86], %swap3A_89 {strides = array<i32>} : memref<3x80xi32, #tpu.memory_space<vmem>>, vector<1x16xi32>,
      %mul3A_90 = arith.constant 80 : i32
      %mul3A_91 = arith.muli %scan3A_39, %mul3A_90 : i32
      %add3A_92 = arith.constant 64 : i32
      %add3A_93 = arith.addi %mul3A_91, %add3A_92 : i32
      %get3A_94 = arith.index_cast %add3A_93 : i32 to index
      %get3A_95 = tpu.vector_load %arg6[%get3A_94] {strides = array<i32>} : memref<20000xi32, #tpu.memory_space<vmem>>, vector<16xi32>,
      %get3A_96 = vector.shape_cast %get3A_95 : vector<16xi32> to vector<16xi32>
      %swap3A_97 = arith.index_cast %rem3A_41 : i32 to index
      %swap3A_98 = arith.constant 64 : index
      %swap3A_99 = tpu.vector_load %arg7[%swap3A_97, %swap3A_98] {strides = array<i32>} : memref<3x80xi32, #tpu.memory_space<vmem>>, vector<1x16xi32>,
      %swap3A_100 = vector.shape_cast %swap3A_99 : vector<1x16xi32> to vector<16xi32>
      %swap3A_101 = vector.shape_cast %get3A_96 : vector<16xi32> to vector<1x16xi32>
      tpu.vector_store %arg7[%swap3A_97, %swap3A_98], %swap3A_101 {strides = array<i32>} : memref<3x80xi32, #tpu.memory_space<vmem>>, vector<1x16xi32>,
      %dma_start3A = arith.constant 0 : i32
      %dma_start3A_102 = tpu.memref_slice %arg7[%rem3A_41, %dma_start3A] : memref<3x80xi32, #tpu.memory_space<vmem>> -> memref<1x80xi32, #tpu.memory_space<vmem>>
      %dma_start3A_103 = tpu.memref_squeeze %dma_start3A_102 : memref<1x80xi32, #tpu.memory_space<vmem>> -> memref<80xi32, #tpu.memory_space<vmem>>
      %dma_start3A_104 = arith.constant 0 : i32
      %dma_start3A_105 = tpu.memref_slice %arg9[%dma_start3A_104] : memref<10240xf32, #tpu.memory_space<vmem_shared>> -> memref<10240xf32, #tpu.memory_space<vmem_shared>>
      %dma_start3A_106 = tpu.memref_slice %arg10[%rem3A_41] : memref<3x!tpu.dma_semaphore, #tpu.memory_space<semaphore_mem>> -> memref<1x!tpu.dma_semaphore, #tpu.memory_space<semaphore_mem>>
      %dma_start3A_107 = tpu.memref_squeeze %dma_start3A_106 : memref<1x!tpu.dma_semaphore, #tpu.memory_space<semaphore_mem>> -> memref<!tpu.dma_semaphore, #tpu.memory_space<semaphore_mem>>
      tpu.enqueue_indirect_dma source(%arg8 : memref<80xf32, #tpu.memory_space<vmem>>) target(%dma_start3A_105 : memref<10240xf32, #tpu.memory_space<vmem_shared>>) offsets(%dma_start3A_103 : memref<80xi32, #tpu.memory_space<vmem>>) semaphore(%dma_start3A_107 : memref<!tpu.dma_semaphore, #tpu.memory_space<semaphore_mem>>) {add = true}
      %scan3A_108 = arith.constant 0 : i32
      scf.yield %scan3A_108 : i32
    }
    %scan3A_12 = arith.constant 250 : i32
    %dma_wait3A = arith.constant 2 : i32
    %dma_wait3A_13 = arith.constant 2 : i32
    %dma_wait3A_14 = arith.constant 0 : i32
    %dma_wait3A_15 = tpu.memref_slice %arg7[%dma_wait3A, %dma_wait3A_14] : memref<3x80xi32, #tpu.memory_space<vmem>> -> memref<1x80xi32, #tpu.memory_space<vmem>>
    %dma_wait3A_16 = tpu.memref_squeeze %dma_wait3A_15 : memref<1x80xi32, #tpu.memory_space<vmem>> -> memref<80xi32, #tpu.memory_space<vmem>>
    %dma_wait3A_17 = arith.constant 0 : i32
    %dma_wait3A_18 = tpu.memref_slice %arg9[%dma_wait3A_17] : memref<10240xf32, #tpu.memory_space<vmem_shared>> -> memref<10240xf32, #tpu.memory_space<vmem_shared>>
    %dma_wait3A_19 = tpu.memref_slice %arg10[%dma_wait3A_13] : memref<3x!tpu.dma_semaphore, #tpu.memory_space<semaphore_mem>> -> memref<1x!tpu.dma_semaphore, #tpu.memory_space<semaphore_mem>>
    %dma_wait3A_20 = tpu.memref_squeeze %dma_wait3A_19 : memref<1x!tpu.dma_semaphore, #tpu.memory_space<semaphore_mem>> -> memref<!tpu.dma_semaphore, #tpu.memory_space<semaphore_mem>>
    tpu.wait_indirect_dma semaphore(%dma_wait3A_20 : memref<!tpu.dma_semaphore, #tpu.memory_space<semaphore_mem>>) src(%arg8 : memref<80xf32, #tpu.memory_space<vmem>>) dst(%dma_wait3A_18 : memref<10240xf32, #tpu.memory_space<vmem_shared>>)
    %dma_wait3A_21 = arith.constant 0 : i32
    %dma_wait3A_22 = arith.constant 0 : i32
    %dma_wait3A_23 = arith.constant 0 : i32
    %dma_wait3A_24 = tpu.memref_slice %arg7[%dma_wait3A_21, %dma_wait3A_23] : memref<3x80xi32, #tpu.memory_space<vmem>> -> memref<1x80xi32, #tpu.memory_space<vmem>>
    %dma_wait3A_25 = tpu.memref_squeeze %dma_wait3A_24 : memref<1x80xi32, #tpu.memory_space<vmem>> -> memref<80xi32, #tpu.memory_space<vmem>>
    %dma_wait3A_26 = arith.constant 0 : i32
    %dma_wait3A_27 = tpu.memref_slice %arg9[%dma_wait3A_26] : memref<10240xf32, #tpu.memory_space<vmem_shared>> -> memref<10240xf32, #tpu.memory_space<vmem_shared>>
    %dma_wait3A_28 = tpu.memref_slice %arg10[%dma_wait3A_22] : memref<3x!tpu.dma_semaphore, #tpu.memory_space<semaphore_mem>> -> memref<1x!tpu.dma_semaphore, #tpu.memory_space<semaphore_mem>>
    %dma_wait3A_29 = tpu.memref_squeeze %dma_wait3A_28 : memref<1x!tpu.dma_semaphore, #tpu.memory_space<semaphore_mem>> -> memref<!tpu.dma_semaphore, #tpu.memory_space<semaphore_mem>>
    tpu.wait_indirect_dma semaphore(%dma_wait3A_29 : memref<!tpu.dma_semaphore, #tpu.memory_space<semaphore_mem>>) src(%arg8 : memref<80xf32, #tpu.memory_space<vmem>>) dst(%dma_wait3A_27 : memref<10240xf32, #tpu.memory_space<vmem_shared>>)
    %barrier3A_30 = arith.constant 0 : index
    tpu.barrier barrier_id(%barrier3A_30)
    %mul3A_31 = arith.constant 10240 : i32
    %mul3A_32 = arith.muli %arg0, %mul3A_31 : i32
    %mul3A_33 = arith.constant 640 : i32
    %mul3A_34 = arith.muli %arg1, %mul3A_33 : i32
    %add3A_35 = arith.addi %mul3A_32, %mul3A_34 : i32
    %multiple_of3A_36 = tpu.assume_multiple %add3A_35, 8 : i32
    %mul3A_37 = arith.constant 640 : i32
    %mul3A_38 = arith.muli %arg1, %mul3A_37 : i32
    "tpu.region"() ({
      %run_scoped3A = tpu.sem_alloc : memref<!tpu.dma_semaphore, #tpu.memory_space<semaphore_mem>>
      %dma_start3A = tpu.memref_slice %arg5[%multiple_of3A_36] : memref<20480xf32, #tpu.memory_space<hbm>> -> memref<640xf32, #tpu.memory_space<hbm>>
      %dma_start3A_39 = tpu.memref_slice %arg9[%mul3A_38] : memref<10240xf32, #tpu.memory_space<vmem_shared>> -> memref<640xf32, #tpu.memory_space<vmem_shared>>
      tpu.enqueue_dma source(%dma_start3A_39 : memref<640xf32, #tpu.memory_space<vmem_shared>>) target(%dma_start3A : memref<640xf32, #tpu.memory_space<hbm>>) target_semaphore(%run_scoped3A : memref<!tpu.dma_semaphore, #tpu.memory_space<semaphore_mem>>)
      %dma_wait3A_40 = tpu.memref_slice %arg5[%multiple_of3A_36] : memref<20480xf32, #tpu.memory_space<hbm>> -> memref<640xf32, #tpu.memory_space<hbm>>
      %dma_wait3A_41 = tpu.memref_slice %arg9[%mul3A_38] : memref<10240xf32, #tpu.memory_space<vmem_shared>> -> memref<640xf32, #tpu.memory_space<vmem_shared>>
      tpu.wait_dma2 semaphore(%run_scoped3A : memref<!tpu.dma_semaphore, #tpu.memory_space<semaphore_mem>>) src(%dma_wait3A_41 : memref<640xf32, #tpu.memory_space<vmem_shared>>) dst(%dma_wait3A_40 : memref<640xf32, #tpu.memory_space<hbm>>)
      tpu.yield
    }) : () -> ()
    return
  }
}

#map = affine_map<(d0, d1) -> (0, 0)>
#map1 = affine_map<(d0, d1) -> (0)>
module attributes {stable_mosaic.version = 14 : i64} {
  func.func @_scatter_kernel(%arg0: i32, %arg1: i32, %arg2: memref<10240x128xf32, #tpu.memory_space<hbm>>, %arg3: memref<640000xi32, #tpu.memory_space<hbm>>, %arg4: memref<10112x128xf32, #tpu.memory_space<hbm>>, %arg5: memref<20224x128xf32, #tpu.memory_space<hbm>>, %arg6: memref<3x128xi32, #tpu.memory_space<vmem>>, %arg7: memref<4x128xi32, #tpu.memory_space<vmem>>, %arg8: memref<3x128x128xf32, #tpu.memory_space<vmem>>, %arg9: memref<10112x128xf32, #tpu.memory_space<vmem_shared>>, %arg10: memref<4x!tpu.dma_semaphore, #tpu.memory_space<semaphore_mem>>, %arg11: memref<3x!tpu.dma_semaphore, #tpu.memory_space<semaphore_mem>>, %arg12: memref<3x!tpu.dma_semaphore, #tpu.memory_space<semaphore_mem>>) attributes {dimension_semantics = [#tpu.dimension_semantics<core_parallel>, #tpu.dimension_semantics<subcore_parallel>], iteration_bounds = array<i64: 2, 16>, scalar_prefetch = 0 : i64, scratch_operands = 7 : i64, tpu.core_type = #tpu.core_type<sc_vector_subcore>, window_params = [{transform_indices = #map}, {transform_indices = #map1}, {transform_indices = #map}, {transform_indices = #map}]} {
    %lt3A = arith.constant 2 : i32
    %lt3A_0 = arith.cmpi slt, %arg1, %lt3A : i32
    %convert_element_type3A = arith.extui %lt3A_0 : i1 to i32
    %add3A = arith.constant 78 : i32
    %add3A_1 = arith.addi %add3A, %convert_element_type3A : i32
    %mul3A = arith.constant 78 : i32
    %mul3A_2 = arith.muli %mul3A, %arg1 : i32
    %min3A = arith.constant 2 : i32
    %min3A_3 = arith.minsi %arg1, %min3A : i32
    %add3A_4 = arith.addi %mul3A_2, %min3A_3 : i32
    %mul3A_5 = arith.constant 160000 : i32
    %mul3A_6 = arith.muli %arg0, %mul3A_5 : i32
    %mul3A_7 = arith.constant 128 : i32
    %mul3A_8 = arith.muli %add3A_4, %mul3A_7 : i32
    %add3A_9 = arith.addi %mul3A_6, %mul3A_8 : i32
    %add3A_10 = arith.constant 0 : i32
    %add3A_11 = arith.addi %add3A_9, %add3A_10 : i32
    %multiple_of3A = tpu.assume_multiple %add3A_11, 8 : i32
    %add3A_12 = arith.constant 320000 : i32
    %add3A_13 = arith.addi %add3A_12, %add3A_9 : i32
    %add3A_14 = arith.constant 0 : i32
    %add3A_15 = arith.addi %add3A_13, %add3A_14 : i32
    %multiple_of3A_16 = tpu.assume_multiple %add3A_15, 8 : i32
    %dma_start3A = arith.constant 0 : i32
    %dma_start3A_17 = arith.constant 0 : i32
    %dma_start3A_18 = arith.constant 0 : i32
    %dma_start3A_19 = tpu.memref_slice %arg6[%dma_start3A, %dma_start3A_18] : memref<3x128xi32, #tpu.memory_space<vmem>> -> memref<1x128xi32, #tpu.memory_space<vmem>>
    %dma_start3A_20 = tpu.memref_squeeze %dma_start3A_19 : memref<1x128xi32, #tpu.memory_space<vmem>> -> memref<128xi32, #tpu.memory_space<vmem>>
    %dma_start3A_21 = tpu.memref_slice %arg3[%multiple_of3A] : memref<640000xi32, #tpu.memory_space<hbm>> -> memref<128xi32, #tpu.memory_space<hbm>>
    %dma_start3A_22 = tpu.memref_slice %arg10[%dma_start3A_17] : memref<4x!tpu.dma_semaphore, #tpu.memory_space<semaphore_mem>> -> memref<1x!tpu.dma_semaphore, #tpu.memory_space<semaphore_mem>>
    %dma_start3A_23 = tpu.memref_squeeze %dma_start3A_22 : memref<1x!tpu.dma_semaphore, #tpu.memory_space<semaphore_mem>> -> memref<!tpu.dma_semaphore, #tpu.memory_space<semaphore_mem>>
    %dma_start3A_24 = arith.constant 0 : i32
    %dma_start3A_25 = tpu.memref_slice %arg6[%dma_start3A, %dma_start3A_24] : memref<3x128xi32, #tpu.memory_space<vmem>> -> memref<1x128xi32, #tpu.memory_space<vmem>>
    %dma_start3A_26 = tpu.memref_squeeze %dma_start3A_25 : memref<1x128xi32, #tpu.memory_space<vmem>> -> memref<128xi32, #tpu.memory_space<vmem>>
    %dma_start3A_27 = tpu.memref_slice %arg3[%multiple_of3A] : memref<640000xi32, #tpu.memory_space<hbm>> -> memref<128xi32, #tpu.memory_space<hbm>>
    tpu.enqueue_dma source(%dma_start3A_27 : memref<128xi32, #tpu.memory_space<hbm>>) target(%dma_start3A_26 : memref<128xi32, #tpu.memory_space<vmem>>) target_semaphore(%dma_start3A_23 : memref<!tpu.dma_semaphore, #tpu.memory_space<semaphore_mem>>)
    %dma_start3A_28 = arith.constant 0 : i32
    %dma_start3A_29 = arith.constant 0 : i32
    %dma_start3A_30 = arith.constant 0 : i32
    %dma_start3A_31 = tpu.memref_slice %arg7[%dma_start3A_28, %dma_start3A_30] : memref<4x128xi32, #tpu.memory_space<vmem>> -> memref<1x128xi32, #tpu.memory_space<vmem>>
    %dma_start3A_32 = tpu.memref_squeeze %dma_start3A_31 : memref<1x128xi32, #tpu.memory_space<vmem>> -> memref<128xi32, #tpu.memory_space<vmem>>
    %dma_start3A_33 = tpu.memref_slice %arg3[%multiple_of3A_16] : memref<640000xi32, #tpu.memory_space<hbm>> -> memref<128xi32, #tpu.memory_space<hbm>>
    %dma_start3A_34 = tpu.memref_slice %arg10[%dma_start3A_29] : memref<4x!tpu.dma_semaphore, #tpu.memory_space<semaphore_mem>> -> memref<1x!tpu.dma_semaphore, #tpu.memory_space<semaphore_mem>>
    %dma_start3A_35 = tpu.memref_squeeze %dma_start3A_34 : memref<1x!tpu.dma_semaphore, #tpu.memory_space<semaphore_mem>> -> memref<!tpu.dma_semaphore, #tpu.memory_space<semaphore_mem>>
    %dma_start3A_36 = arith.constant 0 : i32
    %dma_start3A_37 = tpu.memref_slice %arg7[%dma_start3A_28, %dma_start3A_36] : memref<4x128xi32, #tpu.memory_space<vmem>> -> memref<1x128xi32, #tpu.memory_space<vmem>>
    %dma_start3A_38 = tpu.memref_squeeze %dma_start3A_37 : memref<1x128xi32, #tpu.memory_space<vmem>> -> memref<128xi32, #tpu.memory_space<vmem>>
    %dma_start3A_39 = tpu.memref_slice %arg3[%multiple_of3A_16] : memref<640000xi32, #tpu.memory_space<hbm>> -> memref<128xi32, #tpu.memory_space<hbm>>
    tpu.enqueue_dma source(%dma_start3A_39 : memref<128xi32, #tpu.memory_space<hbm>>) target(%dma_start3A_38 : memref<128xi32, #tpu.memory_space<vmem>>) target_semaphore(%dma_start3A_35 : memref<!tpu.dma_semaphore, #tpu.memory_space<semaphore_mem>>)
    %add3A_40 = arith.constant 128 : i32
    %add3A_41 = arith.addi %add3A_9, %add3A_40 : i32
    %multiple_of3A_42 = tpu.assume_multiple %add3A_41, 8 : i32
    %add3A_43 = arith.constant 320000 : i32
    %add3A_44 = arith.addi %add3A_43, %add3A_9 : i32
    %add3A_45 = arith.constant 128 : i32
    %add3A_46 = arith.addi %add3A_44, %add3A_45 : i32
    %multiple_of3A_47 = tpu.assume_multiple %add3A_46, 8 : i32
    %dma_start3A_48 = arith.constant 1 : i32
    %dma_start3A_49 = arith.constant 1 : i32
    %dma_start3A_50 = arith.constant 0 : i32
    %dma_start3A_51 = tpu.memref_slice %arg6[%dma_start3A_48, %dma_start3A_50] : memref<3x128xi32, #tpu.memory_space<vmem>> -> memref<1x128xi32, #tpu.memory_space<vmem>>
    %dma_start3A_52 = tpu.memref_squeeze %dma_start3A_51 : memref<1x128xi32, #tpu.memory_space<vmem>> -> memref<128xi32, #tpu.memory_space<vmem>>
    %dma_start3A_53 = tpu.memref_slice %arg3[%multiple_of3A_42] : memref<640000xi32, #tpu.memory_space<hbm>> -> memref<128xi32, #tpu.memory_space<hbm>>
    %dma_start3A_54 = tpu.memref_slice %arg10[%dma_start3A_49] : memref<4x!tpu.dma_semaphore, #tpu.memory_space<semaphore_mem>> -> memref<1x!tpu.dma_semaphore, #tpu.memory_space<semaphore_mem>>
    %dma_start3A_55 = tpu.memref_squeeze %dma_start3A_54 : memref<1x!tpu.dma_semaphore, #tpu.memory_space<semaphore_mem>> -> memref<!tpu.dma_semaphore, #tpu.memory_space<semaphore_mem>>
    %dma_start3A_56 = arith.constant 0 : i32
    %dma_start3A_57 = tpu.memref_slice %arg6[%dma_start3A_48, %dma_start3A_56] : memref<3x128xi32, #tpu.memory_space<vmem>> -> memref<1x128xi32, #tpu.memory_space<vmem>>
    %dma_start3A_58 = tpu.memref_squeeze %dma_start3A_57 : memref<1x128xi32, #tpu.memory_space<vmem>> -> memref<128xi32, #tpu.memory_space<vmem>>
    %dma_start3A_59 = tpu.memref_slice %arg3[%multiple_of3A_42] : memref<640000xi32, #tpu.memory_space<hbm>> -> memref<128xi32, #tpu.memory_space<hbm>>
    tpu.enqueue_dma source(%dma_start3A_59 : memref<128xi32, #tpu.memory_space<hbm>>) target(%dma_start3A_58 : memref<128xi32, #tpu.memory_space<vmem>>) target_semaphore(%dma_start3A_55 : memref<!tpu.dma_semaphore, #tpu.memory_space<semaphore_mem>>)
    %dma_start3A_60 = arith.constant 1 : i32
    %dma_start3A_61 = arith.constant 1 : i32
    %dma_start3A_62 = arith.constant 0 : i32
    %dma_start3A_63 = tpu.memref_slice %arg7[%dma_start3A_60, %dma_start3A_62] : memref<4x128xi32, #tpu.memory_space<vmem>> -> memref<1x128xi32, #tpu.memory_space<vmem>>
    %dma_start3A_64 = tpu.memref_squeeze %dma_start3A_63 : memref<1x128xi32, #tpu.memory_space<vmem>> -> memref<128xi32, #tpu.memory_space<vmem>>
    %dma_start3A_65 = tpu.memref_slice %arg3[%multiple_of3A_47] : memref<640000xi32, #tpu.memory_space<hbm>> -> memref<128xi32, #tpu.memory_space<hbm>>
    %dma_start3A_66 = tpu.memref_slice %arg10[%dma_start3A_61] : memref<4x!tpu.dma_semaphore, #tpu.memory_space<semaphore_mem>> -> memref<1x!tpu.dma_semaphore, #tpu.memory_space<semaphore_mem>>
    %dma_start3A_67 = tpu.memref_squeeze %dma_start3A_66 : memref<1x!tpu.dma_semaphore, #tpu.memory_space<semaphore_mem>> -> memref<!tpu.dma_semaphore, #tpu.memory_space<semaphore_mem>>
    %dma_start3A_68 = arith.constant 0 : i32
    %dma_start3A_69 = tpu.memref_slice %arg7[%dma_start3A_60, %dma_start3A_68] : memref<4x128xi32, #tpu.memory_space<vmem>> -> memref<1x128xi32, #tpu.memory_space<vmem>>
    %dma_start3A_70 = tpu.memref_squeeze %dma_start3A_69 : memref<1x128xi32, #tpu.memory_space<vmem>> -> memref<128xi32, #tpu.memory_space<vmem>>
    %dma_start3A_71 = tpu.memref_slice %arg3[%multiple_of3A_47] : memref<640000xi32, #tpu.memory_space<hbm>> -> memref<128xi32, #tpu.memory_space<hbm>>
    tpu.enqueue_dma source(%dma_start3A_71 : memref<128xi32, #tpu.memory_space<hbm>>) target(%dma_start3A_70 : memref<128xi32, #tpu.memory_space<vmem>>) target_semaphore(%dma_start3A_67 : memref<!tpu.dma_semaphore, #tpu.memory_space<semaphore_mem>>)
    %add3A_72 = arith.constant 256 : i32
    %add3A_73 = arith.addi %add3A_9, %add3A_72 : i32
    %multiple_of3A_74 = tpu.assume_multiple %add3A_73, 8 : i32
    %add3A_75 = arith.constant 320000 : i32
    %add3A_76 = arith.addi %add3A_75, %add3A_9 : i32
    %add3A_77 = arith.constant 256 : i32
    %add3A_78 = arith.addi %add3A_76, %add3A_77 : i32
    %multiple_of3A_79 = tpu.assume_multiple %add3A_78, 8 : i32
    %dma_start3A_80 = arith.constant 2 : i32
    %dma_start3A_81 = arith.constant 2 : i32
    %dma_start3A_82 = arith.constant 0 : i32
    %dma_start3A_83 = tpu.memref_slice %arg6[%dma_start3A_80, %dma_start3A_82] : memref<3x128xi32, #tpu.memory_space<vmem>> -> memref<1x128xi32, #tpu.memory_space<vmem>>
    %dma_start3A_84 = tpu.memref_squeeze %dma_start3A_83 : memref<1x128xi32, #tpu.memory_space<vmem>> -> memref<128xi32, #tpu.memory_space<vmem>>
    %dma_start3A_85 = tpu.memref_slice %arg3[%multiple_of3A_74] : memref<640000xi32, #tpu.memory_space<hbm>> -> memref<128xi32, #tpu.memory_space<hbm>>
    %dma_start3A_86 = tpu.memref_slice %arg10[%dma_start3A_81] : memref<4x!tpu.dma_semaphore, #tpu.memory_space<semaphore_mem>> -> memref<1x!tpu.dma_semaphore, #tpu.memory_space<semaphore_mem>>
    %dma_start3A_87 = tpu.memref_squeeze %dma_start3A_86 : memref<1x!tpu.dma_semaphore, #tpu.memory_space<semaphore_mem>> -> memref<!tpu.dma_semaphore, #tpu.memory_space<semaphore_mem>>
    %dma_start3A_88 = arith.constant 0 : i32
    %dma_start3A_89 = tpu.memref_slice %arg6[%dma_start3A_80, %dma_start3A_88] : memref<3x128xi32, #tpu.memory_space<vmem>> -> memref<1x128xi32, #tpu.memory_space<vmem>>
    %dma_start3A_90 = tpu.memref_squeeze %dma_start3A_89 : memref<1x128xi32, #tpu.memory_space<vmem>> -> memref<128xi32, #tpu.memory_space<vmem>>
    %dma_start3A_91 = tpu.memref_slice %arg3[%multiple_of3A_74] : memref<640000xi32, #tpu.memory_space<hbm>> -> memref<128xi32, #tpu.memory_space<hbm>>
    tpu.enqueue_dma source(%dma_start3A_91 : memref<128xi32, #tpu.memory_space<hbm>>) target(%dma_start3A_90 : memref<128xi32, #tpu.memory_space<vmem>>) target_semaphore(%dma_start3A_87 : memref<!tpu.dma_semaphore, #tpu.memory_space<semaphore_mem>>)
    %dma_start3A_92 = arith.constant 2 : i32
    %dma_start3A_93 = arith.constant 2 : i32
    %dma_start3A_94 = arith.constant 0 : i32
    %dma_start3A_95 = tpu.memref_slice %arg7[%dma_start3A_92, %dma_start3A_94] : memref<4x128xi32, #tpu.memory_space<vmem>> -> memref<1x128xi32, #tpu.memory_space<vmem>>
    %dma_start3A_96 = tpu.memref_squeeze %dma_start3A_95 : memref<1x128xi32, #tpu.memory_space<vmem>> -> memref<128xi32, #tpu.memory_space<vmem>>
    %dma_start3A_97 = tpu.memref_slice %arg3[%multiple_of3A_79] : memref<640000xi32, #tpu.memory_space<hbm>> -> memref<128xi32, #tpu.memory_space<hbm>>
    %dma_start3A_98 = tpu.memref_slice %arg10[%dma_start3A_93] : memref<4x!tpu.dma_semaphore, #tpu.memory_space<semaphore_mem>> -> memref<1x!tpu.dma_semaphore, #tpu.memory_space<semaphore_mem>>
    %dma_start3A_99 = tpu.memref_squeeze %dma_start3A_98 : memref<1x!tpu.dma_semaphore, #tpu.memory_space<semaphore_mem>> -> memref<!tpu.dma_semaphore, #tpu.memory_space<semaphore_mem>>
    %dma_start3A_100 = arith.constant 0 : i32
    %dma_start3A_101 = tpu.memref_slice %arg7[%dma_start3A_92, %dma_start3A_100] : memref<4x128xi32, #tpu.memory_space<vmem>> -> memref<1x128xi32, #tpu.memory_space<vmem>>
    %dma_start3A_102 = tpu.memref_squeeze %dma_start3A_101 : memref<1x128xi32, #tpu.memory_space<vmem>> -> memref<128xi32, #tpu.memory_space<vmem>>
    %dma_start3A_103 = tpu.memref_slice %arg3[%multiple_of3A_79] : memref<640000xi32, #tpu.memory_space<hbm>> -> memref<128xi32, #tpu.memory_space<hbm>>
    tpu.enqueue_dma source(%dma_start3A_103 : memref<128xi32, #tpu.memory_space<hbm>>) target(%dma_start3A_102 : memref<128xi32, #tpu.memory_space<vmem>>) target_semaphore(%dma_start3A_99 : memref<!tpu.dma_semaphore, #tpu.memory_space<semaphore_mem>>)
    %add3A_104 = arith.constant 0 : i32
    %add3A_105 = arith.addi %add3A_9, %add3A_104 : i32
    %multiple_of3A_106 = tpu.assume_multiple %add3A_105, 8 : i32
    %add3A_107 = arith.constant 320000 : i32
    %add3A_108 = arith.addi %add3A_107, %add3A_9 : i32
    %add3A_109 = arith.constant 0 : i32
    %add3A_110 = arith.addi %add3A_108, %add3A_109 : i32
    %multiple_of3A_111 = tpu.assume_multiple %add3A_110, 8 : i32
    %dma_wait3A = arith.constant 0 : i32
    %dma_wait3A_112 = arith.constant 0 : i32
    %dma_wait3A_113 = arith.constant 0 : i32
    %dma_wait3A_114 = tpu.memref_slice %arg6[%dma_wait3A, %dma_wait3A_113] : memref<3x128xi32, #tpu.memory_space<vmem>> -> memref<1x128xi32, #tpu.memory_space<vmem>>
    %dma_wait3A_115 = tpu.memref_squeeze %dma_wait3A_114 : memref<1x128xi32, #tpu.memory_space<vmem>> -> memref<128xi32, #tpu.memory_space<vmem>>
    %dma_wait3A_116 = tpu.memref_slice %arg3[%multiple_of3A_106] : memref<640000xi32, #tpu.memory_space<hbm>> -> memref<128xi32, #tpu.memory_space<hbm>>
    %dma_wait3A_117 = tpu.memref_slice %arg10[%dma_wait3A_112] : memref<4x!tpu.dma_semaphore, #tpu.memory_space<semaphore_mem>> -> memref<1x!tpu.dma_semaphore, #tpu.memory_space<semaphore_mem>>
    %dma_wait3A_118 = tpu.memref_squeeze %dma_wait3A_117 : memref<1x!tpu.dma_semaphore, #tpu.memory_space<semaphore_mem>> -> memref<!tpu.dma_semaphore, #tpu.memory_space<semaphore_mem>>
    %dma_wait3A_119 = arith.constant 0 : i32
    %dma_wait3A_120 = tpu.memref_slice %arg6[%dma_wait3A, %dma_wait3A_119] : memref<3x128xi32, #tpu.memory_space<vmem>> -> memref<1x128xi32, #tpu.memory_space<vmem>>
    %dma_wait3A_121 = tpu.memref_squeeze %dma_wait3A_120 : memref<1x128xi32, #tpu.memory_space<vmem>> -> memref<128xi32, #tpu.memory_space<vmem>>
    %dma_wait3A_122 = tpu.memref_slice %arg3[%multiple_of3A_106] : memref<640000xi32, #tpu.memory_space<hbm>> -> memref<128xi32, #tpu.memory_space<hbm>>
    tpu.wait_dma2 semaphore(%dma_wait3A_118 : memref<!tpu.dma_semaphore, #tpu.memory_space<semaphore_mem>>) src(%dma_wait3A_122 : memref<128xi32, #tpu.memory_space<hbm>>) dst(%dma_wait3A_121 : memref<128xi32, #tpu.memory_space<vmem>>)
    %dma_wait3A_123 = arith.constant 0 : i32
    %dma_wait3A_124 = arith.constant 0 : i32
    %dma_wait3A_125 = arith.constant 0 : i32
    %dma_wait3A_126 = tpu.memref_slice %arg7[%dma_wait3A_123, %dma_wait3A_125] : memref<4x128xi32, #tpu.memory_space<vmem>> -> memref<1x128xi32, #tpu.memory_space<vmem>>
    %dma_wait3A_127 = tpu.memref_squeeze %dma_wait3A_126 : memref<1x128xi32, #tpu.memory_space<vmem>> -> memref<128xi32, #tpu.memory_space<vmem>>
    %dma_wait3A_128 = tpu.memref_slice %arg3[%multiple_of3A_111] : memref<640000xi32, #tpu.memory_space<hbm>> -> memref<128xi32, #tpu.memory_space<hbm>>
    %dma_wait3A_129 = tpu.memref_slice %arg10[%dma_wait3A_124] : memref<4x!tpu.dma_semaphore, #tpu.memory_space<semaphore_mem>> -> memref<1x!tpu.dma_semaphore, #tpu.memory_space<semaphore_mem>>
    %dma_wait3A_130 = tpu.memref_squeeze %dma_wait3A_129 : memref<1x!tpu.dma_semaphore, #tpu.memory_space<semaphore_mem>> -> memref<!tpu.dma_semaphore, #tpu.memory_space<semaphore_mem>>
    %dma_wait3A_131 = arith.constant 0 : i32
    %dma_wait3A_132 = tpu.memref_slice %arg7[%dma_wait3A_123, %dma_wait3A_131] : memref<4x128xi32, #tpu.memory_space<vmem>> -> memref<1x128xi32, #tpu.memory_space<vmem>>
    %dma_wait3A_133 = tpu.memref_squeeze %dma_wait3A_132 : memref<1x128xi32, #tpu.memory_space<vmem>> -> memref<128xi32, #tpu.memory_space<vmem>>
    %dma_wait3A_134 = tpu.memref_slice %arg3[%multiple_of3A_111] : memref<640000xi32, #tpu.memory_space<hbm>> -> memref<128xi32, #tpu.memory_space<hbm>>
    tpu.wait_dma2 semaphore(%dma_wait3A_130 : memref<!tpu.dma_semaphore, #tpu.memory_space<semaphore_mem>>) src(%dma_wait3A_134 : memref<128xi32, #tpu.memory_space<hbm>>) dst(%dma_wait3A_133 : memref<128xi32, #tpu.memory_space<vmem>>)
    %dma_start3A_135 = arith.constant 0 : i32
    %dma_start3A_136 = arith.constant 0 : i32
    %dma_start3A_137 = arith.constant 0 : i32
    %dma_start3A_138 = arith.constant 0 : i32
    %dma_start3A_139 = arith.constant 0 : i32
    %dma_start3A_140 = tpu.memref_slice %arg8[%dma_start3A_136, %dma_start3A_138, %dma_start3A_139] : memref<3x128x128xf32, #tpu.memory_space<vmem>> -> memref<1x128x128xf32, #tpu.memory_space<vmem>>
    %dma_start3A_141 = tpu.memref_squeeze %dma_start3A_140 : memref<1x128x128xf32, #tpu.memory_space<vmem>> -> memref<128x128xf32, #tpu.memory_space<vmem>>
    %dma_start3A_142 = arith.constant 0 : i32
    %dma_start3A_143 = tpu.memref_slice %arg6[%dma_start3A_135, %dma_start3A_142] : memref<3x128xi32, #tpu.memory_space<vmem>> -> memref<1x128xi32, #tpu.memory_space<vmem>>
    %dma_start3A_144 = tpu.memref_squeeze %dma_start3A_143 : memref<1x128xi32, #tpu.memory_space<vmem>> -> memref<128xi32, #tpu.memory_space<vmem>>
    %dma_start3A_145 = arith.constant 0 : i32
    %dma_start3A_146 = arith.constant 0 : i32
    %dma_start3A_147 = tpu.memref_slice %arg2[%dma_start3A_145, %dma_start3A_146] : memref<10240x128xf32, #tpu.memory_space<hbm>> -> memref<10240x128xf32, #tpu.memory_space<hbm>>
    %dma_start3A_148 = tpu.memref_slice %arg11[%dma_start3A_137] : memref<3x!tpu.dma_semaphore, #tpu.memory_space<semaphore_mem>> -> memref<1x!tpu.dma_semaphore, #tpu.memory_space<semaphore_mem>>
    %dma_start3A_149 = tpu.memref_squeeze %dma_start3A_148 : memref<1x!tpu.dma_semaphore, #tpu.memory_space<semaphore_mem>> -> memref<!tpu.dma_semaphore, #tpu.memory_space<semaphore_mem>>
    tpu.enqueue_indirect_dma source(%dma_start3A_147 : memref<10240x128xf32, #tpu.memory_space<hbm>>) target(%dma_start3A_141 : memref<128x128xf32, #tpu.memory_space<vmem>>) offsets(%dma_start3A_144 : memref<128xi32, #tpu.memory_space<vmem>>) semaphore(%dma_start3A_149 : memref<!tpu.dma_semaphore, #tpu.memory_space<semaphore_mem>>)
    %add3A_150 = arith.constant 128 : i32
    %add3A_151 = arith.addi %add3A_9, %add3A_150 : i32
    %multiple_of3A_152 = tpu.assume_multiple %add3A_151, 8 : i32
    %add3A_153 = arith.constant 320000 : i32
    %add3A_154 = arith.addi %add3A_153, %add3A_9 : i32
    %add3A_155 = arith.constant 128 : i32
    %add3A_156 = arith.addi %add3A_154, %add3A_155 : i32
    %multiple_of3A_157 = tpu.assume_multiple %add3A_156, 8 : i32
    %dma_wait3A_158 = arith.constant 1 : i32
    %dma_wait3A_159 = arith.constant 1 : i32
    %dma_wait3A_160 = arith.constant 0 : i32
    %dma_wait3A_161 = tpu.memref_slice %arg6[%dma_wait3A_158, %dma_wait3A_160] : memref<3x128xi32, #tpu.memory_space<vmem>> -> memref<1x128xi32, #tpu.memory_space<vmem>>
    %dma_wait3A_162 = tpu.memref_squeeze %dma_wait3A_161 : memref<1x128xi32, #tpu.memory_space<vmem>> -> memref<128xi32, #tpu.memory_space<vmem>>
    %dma_wait3A_163 = tpu.memref_slice %arg3[%multiple_of3A_152] : memref<640000xi32, #tpu.memory_space<hbm>> -> memref<128xi32, #tpu.memory_space<hbm>>
    %dma_wait3A_164 = tpu.memref_slice %arg10[%dma_wait3A_159] : memref<4x!tpu.dma_semaphore, #tpu.memory_space<semaphore_mem>> -> memref<1x!tpu.dma_semaphore, #tpu.memory_space<semaphore_mem>>
    %dma_wait3A_165 = tpu.memref_squeeze %dma_wait3A_164 : memref<1x!tpu.dma_semaphore, #tpu.memory_space<semaphore_mem>> -> memref<!tpu.dma_semaphore, #tpu.memory_space<semaphore_mem>>
    %dma_wait3A_166 = arith.constant 0 : i32
    %dma_wait3A_167 = tpu.memref_slice %arg6[%dma_wait3A_158, %dma_wait3A_166] : memref<3x128xi32, #tpu.memory_space<vmem>> -> memref<1x128xi32, #tpu.memory_space<vmem>>
    %dma_wait3A_168 = tpu.memref_squeeze %dma_wait3A_167 : memref<1x128xi32, #tpu.memory_space<vmem>> -> memref<128xi32, #tpu.memory_space<vmem>>
    %dma_wait3A_169 = tpu.memref_slice %arg3[%multiple_of3A_152] : memref<640000xi32, #tpu.memory_space<hbm>> -> memref<128xi32, #tpu.memory_space<hbm>>
    tpu.wait_dma2 semaphore(%dma_wait3A_165 : memref<!tpu.dma_semaphore, #tpu.memory_space<semaphore_mem>>) src(%dma_wait3A_169 : memref<128xi32, #tpu.memory_space<hbm>>) dst(%dma_wait3A_168 : memref<128xi32, #tpu.memory_space<vmem>>)
    %dma_wait3A_170 = arith.constant 1 : i32
    %dma_wait3A_171 = arith.constant 1 : i32
    %dma_wait3A_172 = arith.constant 0 : i32
    %dma_wait3A_173 = tpu.memref_slice %arg7[%dma_wait3A_170, %dma_wait3A_172] : memref<4x128xi32, #tpu.memory_space<vmem>> -> memref<1x128xi32, #tpu.memory_space<vmem>>
    %dma_wait3A_174 = tpu.memref_squeeze %dma_wait3A_173 : memref<1x128xi32, #tpu.memory_space<vmem>> -> memref<128xi32, #tpu.memory_space<vmem>>
    %dma_wait3A_175 = tpu.memref_slice %arg3[%multiple_of3A_157] : memref<640000xi32, #tpu.memory_space<hbm>> -> memref<128xi32, #tpu.memory_space<hbm>>
    %dma_wait3A_176 = tpu.memref_slice %arg10[%dma_wait3A_171] : memref<4x!tpu.dma_semaphore, #tpu.memory_space<semaphore_mem>> -> memref<1x!tpu.dma_semaphore, #tpu.memory_space<semaphore_mem>>
    %dma_wait3A_177 = tpu.memref_squeeze %dma_wait3A_176 : memref<1x!tpu.dma_semaphore, #tpu.memory_space<semaphore_mem>> -> memref<!tpu.dma_semaphore, #tpu.memory_space<semaphore_mem>>
    %dma_wait3A_178 = arith.constant 0 : i32
    %dma_wait3A_179 = tpu.memref_slice %arg7[%dma_wait3A_170, %dma_wait3A_178] : memref<4x128xi32, #tpu.memory_space<vmem>> -> memref<1x128xi32, #tpu.memory_space<vmem>>
    %dma_wait3A_180 = tpu.memref_squeeze %dma_wait3A_179 : memref<1x128xi32, #tpu.memory_space<vmem>> -> memref<128xi32, #tpu.memory_space<vmem>>
    %dma_wait3A_181 = tpu.memref_slice %arg3[%multiple_of3A_157] : memref<640000xi32, #tpu.memory_space<hbm>> -> memref<128xi32, #tpu.memory_space<hbm>>
    tpu.wait_dma2 semaphore(%dma_wait3A_177 : memref<!tpu.dma_semaphore, #tpu.memory_space<semaphore_mem>>) src(%dma_wait3A_181 : memref<128xi32, #tpu.memory_space<hbm>>) dst(%dma_wait3A_180 : memref<128xi32, #tpu.memory_space<vmem>>)
    %dma_start3A_182 = arith.constant 1 : i32
    %dma_start3A_183 = arith.constant 1 : i32
    %dma_start3A_184 = arith.constant 1 : i32
    %dma_start3A_185 = arith.constant 0 : i32
    %dma_start3A_186 = arith.constant 0 : i32
    %dma_start3A_187 = tpu.memref_slice %arg8[%dma_start3A_183, %dma_start3A_185, %dma_start3A_186] : memref<3x128x128xf32, #tpu.memory_space<vmem>> -> memref<1x128x128xf32, #tpu.memory_space<vmem>>
    %dma_start3A_188 = tpu.memref_squeeze %dma_start3A_187 : memref<1x128x128xf32, #tpu.memory_space<vmem>> -> memref<128x128xf32, #tpu.memory_space<vmem>>
    %dma_start3A_189 = arith.constant 0 : i32
    %dma_start3A_190 = tpu.memref_slice %arg6[%dma_start3A_182, %dma_start3A_189] : memref<3x128xi32, #tpu.memory_space<vmem>> -> memref<1x128xi32, #tpu.memory_space<vmem>>
    %dma_start3A_191 = tpu.memref_squeeze %dma_start3A_190 : memref<1x128xi32, #tpu.memory_space<vmem>> -> memref<128xi32, #tpu.memory_space<vmem>>
    %dma_start3A_192 = arith.constant 0 : i32
    %dma_start3A_193 = arith.constant 0 : i32
    %dma_start3A_194 = tpu.memref_slice %arg2[%dma_start3A_192, %dma_start3A_193] : memref<10240x128xf32, #tpu.memory_space<hbm>> -> memref<10240x128xf32, #tpu.memory_space<hbm>>
    %dma_start3A_195 = tpu.memref_slice %arg11[%dma_start3A_184] : memref<3x!tpu.dma_semaphore, #tpu.memory_space<semaphore_mem>> -> memref<1x!tpu.dma_semaphore, #tpu.memory_space<semaphore_mem>>
    %dma_start3A_196 = tpu.memref_squeeze %dma_start3A_195 : memref<1x!tpu.dma_semaphore, #tpu.memory_space<semaphore_mem>> -> memref<!tpu.dma_semaphore, #tpu.memory_space<semaphore_mem>>
    tpu.enqueue_indirect_dma source(%dma_start3A_194 : memref<10240x128xf32, #tpu.memory_space<hbm>>) target(%dma_start3A_188 : memref<128x128xf32, #tpu.memory_space<vmem>>) offsets(%dma_start3A_191 : memref<128xi32, #tpu.memory_space<vmem>>) semaphore(%dma_start3A_196 : memref<!tpu.dma_semaphore, #tpu.memory_space<semaphore_mem>>)
    %mul3A_197 = arith.constant 632 : i32
    %mul3A_198 = arith.muli %arg1, %mul3A_197 : i32
    %mul3A_199 = arith.constant 632 : i32
    %mul3A_200 = arith.muli %arg1, %mul3A_199 : i32
    "tpu.region"() ({
      %run_scoped3A = tpu.sem_alloc : memref<!tpu.dma_semaphore, #tpu.memory_space<semaphore_mem>>
      %dma_start3A_239 = arith.constant 0 : i32
      %dma_start3A_240 = tpu.memref_slice %arg9[%mul3A_200, %dma_start3A_239] : memref<10112x128xf32, #tpu.memory_space<vmem_shared>> -> memref<632x128xf32, #tpu.memory_space<vmem_shared>>
      %dma_start3A_241 = arith.constant 0 : i32
      %dma_start3A_242 = tpu.memref_slice %arg4[%mul3A_198, %dma_start3A_241] : memref<10112x128xf32, #tpu.memory_space<hbm>> -> memref<632x128xf32, #tpu.memory_space<hbm>>
      tpu.enqueue_dma source(%dma_start3A_242 : memref<632x128xf32, #tpu.memory_space<hbm>>) target(%dma_start3A_240 : memref<632x128xf32, #tpu.memory_space<vmem_shared>>) target_semaphore(%run_scoped3A : memref<!tpu.dma_semaphore, #tpu.memory_space<semaphore_mem>>)
      %dma_wait3A_243 = arith.constant 0 : i32
      %dma_wait3A_244 = tpu.memref_slice %arg9[%mul3A_200, %dma_wait3A_243] : memref<10112x128xf32, #tpu.memory_space<vmem_shared>> -> memref<632x128xf32, #tpu.memory_space<vmem_shared>>
      %dma_wait3A_245 = arith.constant 0 : i32
      %dma_wait3A_246 = tpu.memref_slice %arg4[%mul3A_198, %dma_wait3A_245] : memref<10112x128xf32, #tpu.memory_space<hbm>> -> memref<632x128xf32, #tpu.memory_space<hbm>>
      tpu.wait_dma2 semaphore(%run_scoped3A : memref<!tpu.dma_semaphore, #tpu.memory_space<semaphore_mem>>) src(%dma_wait3A_246 : memref<632x128xf32, #tpu.memory_space<hbm>>) dst(%dma_wait3A_244 : memref<632x128xf32, #tpu.memory_space<vmem_shared>>)
      tpu.yield
    }) : () -> ()
    %barrier3A = arith.constant 0 : index
    tpu.barrier barrier_id(%barrier3A)
    %while3A = arith.constant 0 : i32
    %while3A_201 = arith.constant 0 : i32
    %while3A_202 = arith.subi %add3A_1, %while3A : i32
    %while3A_203 = arith.addi %while3A, %while3A_202 : i32
    %while3A_204 = arith.constant 1 : i32
    %while3A_205 = arith.divsi %while3A_202, %while3A_204 : i32
    %while3A_206 = arith.muli %while3A_205, %while3A_204 : i32
    %while3A_207 = arith.addi %while3A, %while3A_206 : i32
    %while3A_208 = arith.constant 1 : i32
    %while3A_209 = scf.for %while3A_239 = %while3A to %while3A_207 step %while3A_208 iter_args(%while3A_240 = %while3A_201) -> (i32)  : i32 {
      %rem3A_241 = arith.constant 3 : i32
      %rem3A_242 = arith.remsi %while3A_239, %rem3A_241 : i32
      %rem3A_243 = arith.constant 4 : i32
      %rem3A_244 = arith.remsi %while3A_239, %rem3A_243 : i32
      %dma_wait3A_245 = arith.constant 0 : i32
      %dma_wait3A_246 = arith.constant 0 : i32
      %dma_wait3A_247 = tpu.memref_slice %arg8[%rem3A_242, %dma_wait3A_245, %dma_wait3A_246] : memref<3x128x128xf32, #tpu.memory_space<vmem>> -> memref<1x128x128xf32, #tpu.memory_space<vmem>>
      %dma_wait3A_248 = tpu.memref_squeeze %dma_wait3A_247 : memref<1x128x128xf32, #tpu.memory_space<vmem>> -> memref<128x128xf32, #tpu.memory_space<vmem>>
      %dma_wait3A_249 = arith.constant 0 : i32
      %dma_wait3A_250 = tpu.memref_slice %arg6[%rem3A_242, %dma_wait3A_249] : memref<3x128xi32, #tpu.memory_space<vmem>> -> memref<1x128xi32, #tpu.memory_space<vmem>>
      %dma_wait3A_251 = tpu.memref_squeeze %dma_wait3A_250 : memref<1x128xi32, #tpu.memory_space<vmem>> -> memref<128xi32, #tpu.memory_space<vmem>>
      %dma_wait3A_252 = arith.constant 0 : i32
      %dma_wait3A_253 = arith.constant 0 : i32
      %dma_wait3A_254 = tpu.memref_slice %arg2[%dma_wait3A_252, %dma_wait3A_253] : memref<10240x128xf32, #tpu.memory_space<hbm>> -> memref<10240x128xf32, #tpu.memory_space<hbm>>
      %dma_wait3A_255 = tpu.memref_slice %arg11[%rem3A_242] : memref<3x!tpu.dma_semaphore, #tpu.memory_space<semaphore_mem>> -> memref<1x!tpu.dma_semaphore, #tpu.memory_space<semaphore_mem>>
      %dma_wait3A_256 = tpu.memref_squeeze %dma_wait3A_255 : memref<1x!tpu.dma_semaphore, #tpu.memory_space<semaphore_mem>> -> memref<!tpu.dma_semaphore, #tpu.memory_space<semaphore_mem>>
      tpu.wait_indirect_dma semaphore(%dma_wait3A_256 : memref<!tpu.dma_semaphore, #tpu.memory_space<semaphore_mem>>) src(%dma_wait3A_254 : memref<10240x128xf32, #tpu.memory_space<hbm>>) dst(%dma_wait3A_248 : memref<128x128xf32, #tpu.memory_space<vmem>>)
      %gt3A = arith.constant 0 : i32
      %gt3A_257 = arith.cmpi sgt, %while3A_239, %gt3A : i32
      %convert_element_type3A_258 = arith.extui %gt3A_257 : i1 to i32
      %cond3A = arith.constant 0 : i32
      %cond3A_259 = arith.cmpi ne, %convert_element_type3A_258, %cond3A : i32
      scf.if %cond3A_259 {
        %add3A_285 = arith.constant 3 : i32
        %add3A_286 = arith.addi %while3A_239, %add3A_285 : i32
        %sub3A_287 = arith.constant 1 : i32
        %sub3A_288 = arith.subi %add3A_286, %sub3A_287 : i32
        %rem3A_289 = arith.constant 3 : i32
        %rem3A_290 = arith.remsi %sub3A_288, %rem3A_289 : i32
        %add3A_291 = arith.constant 4 : i32
        %add3A_292 = arith.addi %while3A_239, %add3A_291 : i32
        %sub3A_293 = arith.constant 1 : i32
        %sub3A_294 = arith.subi %add3A_292, %sub3A_293 : i32
        %rem3A_295 = arith.constant 4 : i32
        %rem3A_296 = arith.remsi %sub3A_294, %rem3A_295 : i32
        %dma_wait3A_297 = arith.constant 0 : i32
        %dma_wait3A_298 = arith.constant 0 : i32
        %dma_wait3A_299 = tpu.memref_slice %arg8[%rem3A_290, %dma_wait3A_297, %dma_wait3A_298] : memref<3x128x128xf32, #tpu.memory_space<vmem>> -> memref<1x128x128xf32, #tpu.memory_space<vmem>>
        %dma_wait3A_300 = tpu.memref_squeeze %dma_wait3A_299 : memref<1x128x128xf32, #tpu.memory_space<vmem>> -> memref<128x128xf32, #tpu.memory_space<vmem>>
        %dma_wait3A_301 = arith.constant 0 : i32
        %dma_wait3A_302 = tpu.memref_slice %arg7[%rem3A_296, %dma_wait3A_301] : memref<4x128xi32, #tpu.memory_space<vmem>> -> memref<1x128xi32, #tpu.memory_space<vmem>>
        %dma_wait3A_303 = tpu.memref_squeeze %dma_wait3A_302 : memref<1x128xi32, #tpu.memory_space<vmem>> -> memref<128xi32, #tpu.memory_space<vmem>>
        %dma_wait3A_304 = arith.constant 0 : i32
        %dma_wait3A_305 = arith.constant 0 : i32
        %dma_wait3A_306 = tpu.memref_slice %arg9[%dma_wait3A_304, %dma_wait3A_305] : memref<10112x128xf32, #tpu.memory_space<vmem_shared>> -> memref<10112x128xf32, #tpu.memory_space<vmem_shared>>
        %dma_wait3A_307 = tpu.memref_slice %arg12[%rem3A_290] : memref<3x!tpu.dma_semaphore, #tpu.memory_space<semaphore_mem>> -> memref<1x!tpu.dma_semaphore, #tpu.memory_space<semaphore_mem>>
        %dma_wait3A_308 = tpu.memref_squeeze %dma_wait3A_307 : memref<1x!tpu.dma_semaphore, #tpu.memory_space<semaphore_mem>> -> memref<!tpu.dma_semaphore, #tpu.memory_space<semaphore_mem>>
        tpu.wait_indirect_dma semaphore(%dma_wait3A_308 : memref<!tpu.dma_semaphore, #tpu.memory_space<semaphore_mem>>) src(%dma_wait3A_300 : memref<128x128xf32, #tpu.memory_space<vmem>>) dst(%dma_wait3A_306 : memref<10112x128xf32, #tpu.memory_space<vmem_shared>>)
      } else {
      }
      %dma_start3A_260 = arith.constant 0 : i32
      %dma_start3A_261 = arith.constant 0 : i32
      %dma_start3A_262 = tpu.memref_slice %arg8[%rem3A_242, %dma_start3A_260, %dma_start3A_261] : memref<3x128x128xf32, #tpu.memory_space<vmem>> -> memref<1x128x128xf32, #tpu.memory_space<vmem>>
      %dma_start3A_263 = tpu.memref_squeeze %dma_start3A_262 : memref<1x128x128xf32, #tpu.memory_space<vmem>> -> memref<128x128xf32, #tpu.memory_space<vmem>>
      %dma_start3A_264 = arith.constant 0 : i32
      %dma_start3A_265 = tpu.memref_slice %arg7[%rem3A_244, %dma_start3A_264] : memref<4x128xi32, #tpu.memory_space<vmem>> -> memref<1x128xi32, #tpu.memory_space<vmem>>
      %dma_start3A_266 = tpu.memref_squeeze %dma_start3A_265 : memref<1x128xi32, #tpu.memory_space<vmem>> -> memref<128xi32, #tpu.memory_space<vmem>>
      %dma_start3A_267 = arith.constant 0 : i32
      %dma_start3A_268 = arith.constant 0 : i32
      %dma_start3A_269 = tpu.memref_slice %arg9[%dma_start3A_267, %dma_start3A_268] : memref<10112x128xf32, #tpu.memory_space<vmem_shared>> -> memref<10112x128xf32, #tpu.memory_space<vmem_shared>>
      %dma_start3A_270 = tpu.memref_slice %arg12[%rem3A_242] : memref<3x!tpu.dma_semaphore, #tpu.memory_space<semaphore_mem>> -> memref<1x!tpu.dma_semaphore, #tpu.memory_space<semaphore_mem>>
      %dma_start3A_271 = tpu.memref_squeeze %dma_start3A_270 : memref<1x!tpu.dma_semaphore, #tpu.memory_space<semaphore_mem>> -> memref<!tpu.dma_semaphore, #tpu.memory_space<semaphore_mem>>
      tpu.enqueue_indirect_dma source(%dma_start3A_263 : memref<128x128xf32, #tpu.memory_space<vmem>>) target(%dma_start3A_269 : memref<10112x128xf32, #tpu.memory_space<vmem_shared>>) offsets(%dma_start3A_266 : memref<128xi32, #tpu.memory_space<vmem>>) semaphore(%dma_start3A_271 : memref<!tpu.dma_semaphore, #tpu.memory_space<semaphore_mem>>) {add = true}
      %add3A_272 = arith.constant 3 : i32
      %add3A_273 = arith.addi %while3A_239, %add3A_272 : i32
      %lt3A_274 = arith.cmpi slt, %add3A_273, %add3A_1 : i32
      %convert_element_type3A_275 = arith.extui %lt3A_274 : i1 to i32
      %cond3A_276 = arith.constant 0 : i32
      %cond3A_277 = arith.cmpi ne, %convert_element_type3A_275, %cond3A_276 : i32
      scf.if %cond3A_277 {
        %add3A_285 = arith.constant 3 : i32
        %add3A_286 = arith.addi %while3A_239, %add3A_285 : i32
        %add3A_287 = arith.constant 3 : i32
        %add3A_288 = arith.addi %while3A_239, %add3A_287 : i32
        %rem3A_289 = arith.constant 4 : i32
        %rem3A_290 = arith.remsi %add3A_288, %rem3A_289 : i32
        %mul3A_291 = arith.constant 128 : i32
        %mul3A_292 = arith.muli %add3A_286, %mul3A_291 : i32
        %add3A_293 = arith.addi %add3A_9, %mul3A_292 : i32
        %multiple_of3A_294 = tpu.assume_multiple %add3A_293, 8 : i32
        %add3A_295 = arith.constant 320000 : i32
        %add3A_296 = arith.addi %add3A_295, %add3A_9 : i32
        %mul3A_297 = arith.constant 128 : i32
        %mul3A_298 = arith.muli %add3A_286, %mul3A_297 : i32
        %add3A_299 = arith.addi %add3A_296, %mul3A_298 : i32
        %multiple_of3A_300 = tpu.assume_multiple %add3A_299, 8 : i32
        %dma_start3A_301 = arith.constant 0 : i32
        %dma_start3A_302 = tpu.memref_slice %arg6[%rem3A_242, %dma_start3A_301] : memref<3x128xi32, #tpu.memory_space<vmem>> -> memref<1x128xi32, #tpu.memory_space<vmem>>
        %dma_start3A_303 = tpu.memref_squeeze %dma_start3A_302 : memref<1x128xi32, #tpu.memory_space<vmem>> -> memref<128xi32, #tpu.memory_space<vmem>>
        %dma_start3A_304 = tpu.memref_slice %arg3[%multiple_of3A_294] : memref<640000xi32, #tpu.memory_space<hbm>> -> memref<128xi32, #tpu.memory_space<hbm>>
        %dma_start3A_305 = tpu.memref_slice %arg10[%rem3A_290] : memref<4x!tpu.dma_semaphore, #tpu.memory_space<semaphore_mem>> -> memref<1x!tpu.dma_semaphore, #tpu.memory_space<semaphore_mem>>
        %dma_start3A_306 = tpu.memref_squeeze %dma_start3A_305 : memref<1x!tpu.dma_semaphore, #tpu.memory_space<semaphore_mem>> -> memref<!tpu.dma_semaphore, #tpu.memory_space<semaphore_mem>>
        %dma_start3A_307 = arith.constant 0 : i32
        %dma_start3A_308 = tpu.memref_slice %arg6[%rem3A_242, %dma_start3A_307] : memref<3x128xi32, #tpu.memory_space<vmem>> -> memref<1x128xi32, #tpu.memory_space<vmem>>
        %dma_start3A_309 = tpu.memref_squeeze %dma_start3A_308 : memref<1x128xi32, #tpu.memory_space<vmem>> -> memref<128xi32, #tpu.memory_space<vmem>>
        %dma_start3A_310 = tpu.memref_slice %arg3[%multiple_of3A_294] : memref<640000xi32, #tpu.memory_space<hbm>> -> memref<128xi32, #tpu.memory_space<hbm>>
        tpu.enqueue_dma source(%dma_start3A_310 : memref<128xi32, #tpu.memory_space<hbm>>) target(%dma_start3A_309 : memref<128xi32, #tpu.memory_space<vmem>>) target_semaphore(%dma_start3A_306 : memref<!tpu.dma_semaphore, #tpu.memory_space<semaphore_mem>>)
        %dma_start3A_311 = arith.constant 0 : i32
        %dma_start3A_312 = tpu.memref_slice %arg7[%rem3A_290, %dma_start3A_311] : memref<4x128xi32, #tpu.memory_space<vmem>> -> memref<1x128xi32, #tpu.memory_space<vmem>>
        %dma_start3A_313 = tpu.memref_squeeze %dma_start3A_312 : memref<1x128xi32, #tpu.memory_space<vmem>> -> memref<128xi32, #tpu.memory_space<vmem>>
        %dma_start3A_314 = tpu.memref_slice %arg3[%multiple_of3A_300] : memref<640000xi32, #tpu.memory_space<hbm>> -> memref<128xi32, #tpu.memory_space<hbm>>
        %dma_start3A_315 = tpu.memref_slice %arg10[%rem3A_290] : memref<4x!tpu.dma_semaphore, #tpu.memory_space<semaphore_mem>> -> memref<1x!tpu.dma_semaphore, #tpu.memory_space<semaphore_mem>>
        %dma_start3A_316 = tpu.memref_squeeze %dma_start3A_315 : memref<1x!tpu.dma_semaphore, #tpu.memory_space<semaphore_mem>> -> memref<!tpu.dma_semaphore, #tpu.memory_space<semaphore_mem>>
        %dma_start3A_317 = arith.constant 0 : i32
        %dma_start3A_318 = tpu.memref_slice %arg7[%rem3A_290, %dma_start3A_317] : memref<4x128xi32, #tpu.memory_space<vmem>> -> memref<1x128xi32, #tpu.memory_space<vmem>>
        %dma_start3A_319 = tpu.memref_squeeze %dma_start3A_318 : memref<1x128xi32, #tpu.memory_space<vmem>> -> memref<128xi32, #tpu.memory_space<vmem>>
        %dma_start3A_320 = tpu.memref_slice %arg3[%multiple_of3A_300] : memref<640000xi32, #tpu.memory_space<hbm>> -> memref<128xi32, #tpu.memory_space<hbm>>
        tpu.enqueue_dma source(%dma_start3A_320 : memref<128xi32, #tpu.memory_space<hbm>>) target(%dma_start3A_319 : memref<128xi32, #tpu.memory_space<vmem>>) target_semaphore(%dma_start3A_316 : memref<!tpu.dma_semaphore, #tpu.memory_space<semaphore_mem>>)
      } else {
      }
      %add3A_278 = arith.constant 2 : i32
      %add3A_279 = arith.addi %while3A_239, %add3A_278 : i32
      %lt3A_280 = arith.cmpi slt, %add3A_279, %add3A_1 : i32
      %convert_element_type3A_281 = arith.extui %lt3A_280 : i1 to i32
      %cond3A_282 = arith.constant 0 : i32
      %cond3A_283 = arith.cmpi ne, %convert_element_type3A_281, %cond3A_282 : i32
      scf.if %cond3A_283 {
        %add3A_285 = arith.constant 2 : i32
        %add3A_286 = arith.addi %while3A_239, %add3A_285 : i32
        %rem3A_287 = arith.constant 3 : i32
        %rem3A_288 = arith.remsi %add3A_286, %rem3A_287 : i32
        %add3A_289 = arith.constant 2 : i32
        %add3A_290 = arith.addi %while3A_239, %add3A_289 : i32
        %add3A_291 = arith.constant 2 : i32
        %add3A_292 = arith.addi %while3A_239, %add3A_291 : i32
        %rem3A_293 = arith.constant 4 : i32
        %rem3A_294 = arith.remsi %add3A_292, %rem3A_293 : i32
        %mul3A_295 = arith.constant 128 : i32
        %mul3A_296 = arith.muli %add3A_290, %mul3A_295 : i32
        %add3A_297 = arith.addi %add3A_9, %mul3A_296 : i32
        %multiple_of3A_298 = tpu.assume_multiple %add3A_297, 8 : i32
        %add3A_299 = arith.constant 320000 : i32
        %add3A_300 = arith.addi %add3A_299, %add3A_9 : i32
        %mul3A_301 = arith.constant 128 : i32
        %mul3A_302 = arith.muli %add3A_290, %mul3A_301 : i32
        %add3A_303 = arith.addi %add3A_300, %mul3A_302 : i32
        %multiple_of3A_304 = tpu.assume_multiple %add3A_303, 8 : i32
        %dma_wait3A_305 = arith.constant 0 : i32
        %dma_wait3A_306 = tpu.memref_slice %arg6[%rem3A_288, %dma_wait3A_305] : memref<3x128xi32, #tpu.memory_space<vmem>> -> memref<1x128xi32, #tpu.memory_space<vmem>>
        %dma_wait3A_307 = tpu.memref_squeeze %dma_wait3A_306 : memref<1x128xi32, #tpu.memory_space<vmem>> -> memref<128xi32, #tpu.memory_space<vmem>>
        %dma_wait3A_308 = tpu.memref_slice %arg3[%multiple_of3A_298] : memref<640000xi32, #tpu.memory_space<hbm>> -> memref<128xi32, #tpu.memory_space<hbm>>
        %dma_wait3A_309 = tpu.memref_slice %arg10[%rem3A_294] : memref<4x!tpu.dma_semaphore, #tpu.memory_space<semaphore_mem>> -> memref<1x!tpu.dma_semaphore, #tpu.memory_space<semaphore_mem>>
        %dma_wait3A_310 = tpu.memref_squeeze %dma_wait3A_309 : memref<1x!tpu.dma_semaphore, #tpu.memory_space<semaphore_mem>> -> memref<!tpu.dma_semaphore, #tpu.memory_space<semaphore_mem>>
        %dma_wait3A_311 = arith.constant 0 : i32
        %dma_wait3A_312 = tpu.memref_slice %arg6[%rem3A_288, %dma_wait3A_311] : memref<3x128xi32, #tpu.memory_space<vmem>> -> memref<1x128xi32, #tpu.memory_space<vmem>>
        %dma_wait3A_313 = tpu.memref_squeeze %dma_wait3A_312 : memref<1x128xi32, #tpu.memory_space<vmem>> -> memref<128xi32, #tpu.memory_space<vmem>>
        %dma_wait3A_314 = tpu.memref_slice %arg3[%multiple_of3A_298] : memref<640000xi32, #tpu.memory_space<hbm>> -> memref<128xi32, #tpu.memory_space<hbm>>
        tpu.wait_dma2 semaphore(%dma_wait3A_310 : memref<!tpu.dma_semaphore, #tpu.memory_space<semaphore_mem>>) src(%dma_wait3A_314 : memref<128xi32, #tpu.memory_space<hbm>>) dst(%dma_wait3A_313 : memref<128xi32, #tpu.memory_space<vmem>>)
        %dma_wait3A_315 = arith.constant 0 : i32
        %dma_wait3A_316 = tpu.memref_slice %arg7[%rem3A_294, %dma_wait3A_315] : memref<4x128xi32, #tpu.memory_space<vmem>> -> memref<1x128xi32, #tpu.memory_space<vmem>>
        %dma_wait3A_317 = tpu.memref_squeeze %dma_wait3A_316 : memref<1x128xi32, #tpu.memory_space<vmem>> -> memref<128xi32, #tpu.memory_space<vmem>>
        %dma_wait3A_318 = tpu.memref_slice %arg3[%multiple_of3A_304] : memref<640000xi32, #tpu.memory_space<hbm>> -> memref<128xi32, #tpu.memory_space<hbm>>
        %dma_wait3A_319 = tpu.memref_slice %arg10[%rem3A_294] : memref<4x!tpu.dma_semaphore, #tpu.memory_space<semaphore_mem>> -> memref<1x!tpu.dma_semaphore, #tpu.memory_space<semaphore_mem>>
        %dma_wait3A_320 = tpu.memref_squeeze %dma_wait3A_319 : memref<1x!tpu.dma_semaphore, #tpu.memory_space<semaphore_mem>> -> memref<!tpu.dma_semaphore, #tpu.memory_space<semaphore_mem>>
        %dma_wait3A_321 = arith.constant 0 : i32
        %dma_wait3A_322 = tpu.memref_slice %arg7[%rem3A_294, %dma_wait3A_321] : memref<4x128xi32, #tpu.memory_space<vmem>> -> memref<1x128xi32, #tpu.memory_space<vmem>>
        %dma_wait3A_323 = tpu.memref_squeeze %dma_wait3A_322 : memref<1x128xi32, #tpu.memory_space<vmem>> -> memref<128xi32, #tpu.memory_space<vmem>>
        %dma_wait3A_324 = tpu.memref_slice %arg3[%multiple_of3A_304] : memref<640000xi32, #tpu.memory_space<hbm>> -> memref<128xi32, #tpu.memory_space<hbm>>
        tpu.wait_dma2 semaphore(%dma_wait3A_320 : memref<!tpu.dma_semaphore, #tpu.memory_space<semaphore_mem>>) src(%dma_wait3A_324 : memref<128xi32, #tpu.memory_space<hbm>>) dst(%dma_wait3A_323 : memref<128xi32, #tpu.memory_space<vmem>>)
        %dma_start3A_325 = arith.constant 0 : i32
        %dma_start3A_326 = arith.constant 0 : i32
        %dma_start3A_327 = tpu.memref_slice %arg8[%rem3A_288, %dma_start3A_325, %dma_start3A_326] : memref<3x128x128xf32, #tpu.memory_space<vmem>> -> memref<1x128x128xf32, #tpu.memory_space<vmem>>
        %dma_start3A_328 = tpu.memref_squeeze %dma_start3A_327 : memref<1x128x128xf32, #tpu.memory_space<vmem>> -> memref<128x128xf32, #tpu.memory_space<vmem>>
        %dma_start3A_329 = arith.constant 0 : i32
        %dma_start3A_330 = tpu.memref_slice %arg6[%rem3A_288, %dma_start3A_329] : memref<3x128xi32, #tpu.memory_space<vmem>> -> memref<1x128xi32, #tpu.memory_space<vmem>>
        %dma_start3A_331 = tpu.memref_squeeze %dma_start3A_330 : memref<1x128xi32, #tpu.memory_space<vmem>> -> memref<128xi32, #tpu.memory_space<vmem>>
        %dma_start3A_332 = arith.constant 0 : i32
        %dma_start3A_333 = arith.constant 0 : i32
        %dma_start3A_334 = tpu.memref_slice %arg2[%dma_start3A_332, %dma_start3A_333] : memref<10240x128xf32, #tpu.memory_space<hbm>> -> memref<10240x128xf32, #tpu.memory_space<hbm>>
        %dma_start3A_335 = tpu.memref_slice %arg11[%rem3A_288] : memref<3x!tpu.dma_semaphore, #tpu.memory_space<semaphore_mem>> -> memref<1x!tpu.dma_semaphore, #tpu.memory_space<semaphore_mem>>
        %dma_start3A_336 = tpu.memref_squeeze %dma_start3A_335 : memref<1x!tpu.dma_semaphore, #tpu.memory_space<semaphore_mem>> -> memref<!tpu.dma_semaphore, #tpu.memory_space<semaphore_mem>>
        tpu.enqueue_indirect_dma source(%dma_start3A_334 : memref<10240x128xf32, #tpu.memory_space<hbm>>) target(%dma_start3A_328 : memref<128x128xf32, #tpu.memory_space<vmem>>) offsets(%dma_start3A_331 : memref<128xi32, #tpu.memory_space<vmem>>) semaphore(%dma_start3A_336 : memref<!tpu.dma_semaphore, #tpu.memory_space<semaphore_mem>>)
      } else {
      }
      %while3A_284 = arith.constant 0 : i32
      scf.yield %while3A_284 : i32
    }
    %while3A_210 = arith.constant 1 : i32
    %while3A_211 = scf.for %while3A_239 = %while3A_207 to %while3A_203 step %while3A_210 iter_args(%while3A_240 = %while3A_209) -> (i32)  : i32 {
      %rem3A_241 = arith.constant 3 : i32
      %rem3A_242 = arith.remsi %while3A_239, %rem3A_241 : i32
      %rem3A_243 = arith.constant 4 : i32
      %rem3A_244 = arith.remsi %while3A_239, %rem3A_243 : i32
      %dma_wait3A_245 = arith.constant 0 : i32
      %dma_wait3A_246 = arith.constant 0 : i32
      %dma_wait3A_247 = tpu.memref_slice %arg8[%rem3A_242, %dma_wait3A_245, %dma_wait3A_246] : memref<3x128x128xf32, #tpu.memory_space<vmem>> -> memref<1x128x128xf32, #tpu.memory_space<vmem>>
      %dma_wait3A_248 = tpu.memref_squeeze %dma_wait3A_247 : memref<1x128x128xf32, #tpu.memory_space<vmem>> -> memref<128x128xf32, #tpu.memory_space<vmem>>
      %dma_wait3A_249 = arith.constant 0 : i32
      %dma_wait3A_250 = tpu.memref_slice %arg6[%rem3A_242, %dma_wait3A_249] : memref<3x128xi32, #tpu.memory_space<vmem>> -> memref<1x128xi32, #tpu.memory_space<vmem>>
      %dma_wait3A_251 = tpu.memref_squeeze %dma_wait3A_250 : memref<1x128xi32, #tpu.memory_space<vmem>> -> memref<128xi32, #tpu.memory_space<vmem>>
      %dma_wait3A_252 = arith.constant 0 : i32
      %dma_wait3A_253 = arith.constant 0 : i32
      %dma_wait3A_254 = tpu.memref_slice %arg2[%dma_wait3A_252, %dma_wait3A_253] : memref<10240x128xf32, #tpu.memory_space<hbm>> -> memref<10240x128xf32, #tpu.memory_space<hbm>>
      %dma_wait3A_255 = tpu.memref_slice %arg11[%rem3A_242] : memref<3x!tpu.dma_semaphore, #tpu.memory_space<semaphore_mem>> -> memref<1x!tpu.dma_semaphore, #tpu.memory_space<semaphore_mem>>
      %dma_wait3A_256 = tpu.memref_squeeze %dma_wait3A_255 : memref<1x!tpu.dma_semaphore, #tpu.memory_space<semaphore_mem>> -> memref<!tpu.dma_semaphore, #tpu.memory_space<semaphore_mem>>
      tpu.wait_indirect_dma semaphore(%dma_wait3A_256 : memref<!tpu.dma_semaphore, #tpu.memory_space<semaphore_mem>>) src(%dma_wait3A_254 : memref<10240x128xf32, #tpu.memory_space<hbm>>) dst(%dma_wait3A_248 : memref<128x128xf32, #tpu.memory_space<vmem>>)
      %gt3A = arith.constant 0 : i32
      %gt3A_257 = arith.cmpi sgt, %while3A_239, %gt3A : i32
      %convert_element_type3A_258 = arith.extui %gt3A_257 : i1 to i32
      %cond3A = arith.constant 0 : i32
      %cond3A_259 = arith.cmpi ne, %convert_element_type3A_258, %cond3A : i32
      scf.if %cond3A_259 {
        %add3A_285 = arith.constant 3 : i32
        %add3A_286 = arith.addi %while3A_239, %add3A_285 : i32
        %sub3A_287 = arith.constant 1 : i32
        %sub3A_288 = arith.subi %add3A_286, %sub3A_287 : i32
        %rem3A_289 = arith.constant 3 : i32
        %rem3A_290 = arith.remsi %sub3A_288, %rem3A_289 : i32
        %add3A_291 = arith.constant 4 : i32
        %add3A_292 = arith.addi %while3A_239, %add3A_291 : i32
        %sub3A_293 = arith.constant 1 : i32
        %sub3A_294 = arith.subi %add3A_292, %sub3A_293 : i32
        %rem3A_295 = arith.constant 4 : i32
        %rem3A_296 = arith.remsi %sub3A_294, %rem3A_295 : i32
        %dma_wait3A_297 = arith.constant 0 : i32
        %dma_wait3A_298 = arith.constant 0 : i32
        %dma_wait3A_299 = tpu.memref_slice %arg8[%rem3A_290, %dma_wait3A_297, %dma_wait3A_298] : memref<3x128x128xf32, #tpu.memory_space<vmem>> -> memref<1x128x128xf32, #tpu.memory_space<vmem>>
        %dma_wait3A_300 = tpu.memref_squeeze %dma_wait3A_299 : memref<1x128x128xf32, #tpu.memory_space<vmem>> -> memref<128x128xf32, #tpu.memory_space<vmem>>
        %dma_wait3A_301 = arith.constant 0 : i32
        %dma_wait3A_302 = tpu.memref_slice %arg7[%rem3A_296, %dma_wait3A_301] : memref<4x128xi32, #tpu.memory_space<vmem>> -> memref<1x128xi32, #tpu.memory_space<vmem>>
        %dma_wait3A_303 = tpu.memref_squeeze %dma_wait3A_302 : memref<1x128xi32, #tpu.memory_space<vmem>> -> memref<128xi32, #tpu.memory_space<vmem>>
        %dma_wait3A_304 = arith.constant 0 : i32
        %dma_wait3A_305 = arith.constant 0 : i32
        %dma_wait3A_306 = tpu.memref_slice %arg9[%dma_wait3A_304, %dma_wait3A_305] : memref<10112x128xf32, #tpu.memory_space<vmem_shared>> -> memref<10112x128xf32, #tpu.memory_space<vmem_shared>>
        %dma_wait3A_307 = tpu.memref_slice %arg12[%rem3A_290] : memref<3x!tpu.dma_semaphore, #tpu.memory_space<semaphore_mem>> -> memref<1x!tpu.dma_semaphore, #tpu.memory_space<semaphore_mem>>
        %dma_wait3A_308 = tpu.memref_squeeze %dma_wait3A_307 : memref<1x!tpu.dma_semaphore, #tpu.memory_space<semaphore_mem>> -> memref<!tpu.dma_semaphore, #tpu.memory_space<semaphore_mem>>
        tpu.wait_indirect_dma semaphore(%dma_wait3A_308 : memref<!tpu.dma_semaphore, #tpu.memory_space<semaphore_mem>>) src(%dma_wait3A_300 : memref<128x128xf32, #tpu.memory_space<vmem>>) dst(%dma_wait3A_306 : memref<10112x128xf32, #tpu.memory_space<vmem_shared>>)
      } else {
      }
      %dma_start3A_260 = arith.constant 0 : i32
      %dma_start3A_261 = arith.constant 0 : i32
      %dma_start3A_262 = tpu.memref_slice %arg8[%rem3A_242, %dma_start3A_260, %dma_start3A_261] : memref<3x128x128xf32, #tpu.memory_space<vmem>> -> memref<1x128x128xf32, #tpu.memory_space<vmem>>
      %dma_start3A_263 = tpu.memref_squeeze %dma_start3A_262 : memref<1x128x128xf32, #tpu.memory_space<vmem>> -> memref<128x128xf32, #tpu.memory_space<vmem>>
      %dma_start3A_264 = arith.constant 0 : i32
      %dma_start3A_265 = tpu.memref_slice %arg7[%rem3A_244, %dma_start3A_264] : memref<4x128xi32, #tpu.memory_space<vmem>> -> memref<1x128xi32, #tpu.memory_space<vmem>>
      %dma_start3A_266 = tpu.memref_squeeze %dma_start3A_265 : memref<1x128xi32, #tpu.memory_space<vmem>> -> memref<128xi32, #tpu.memory_space<vmem>>
      %dma_start3A_267 = arith.constant 0 : i32
      %dma_start3A_268 = arith.constant 0 : i32
      %dma_start3A_269 = tpu.memref_slice %arg9[%dma_start3A_267, %dma_start3A_268] : memref<10112x128xf32, #tpu.memory_space<vmem_shared>> -> memref<10112x128xf32, #tpu.memory_space<vmem_shared>>
      %dma_start3A_270 = tpu.memref_slice %arg12[%rem3A_242] : memref<3x!tpu.dma_semaphore, #tpu.memory_space<semaphore_mem>> -> memref<1x!tpu.dma_semaphore, #tpu.memory_space<semaphore_mem>>
      %dma_start3A_271 = tpu.memref_squeeze %dma_start3A_270 : memref<1x!tpu.dma_semaphore, #tpu.memory_space<semaphore_mem>> -> memref<!tpu.dma_semaphore, #tpu.memory_space<semaphore_mem>>
      tpu.enqueue_indirect_dma source(%dma_start3A_263 : memref<128x128xf32, #tpu.memory_space<vmem>>) target(%dma_start3A_269 : memref<10112x128xf32, #tpu.memory_space<vmem_shared>>) offsets(%dma_start3A_266 : memref<128xi32, #tpu.memory_space<vmem>>) semaphore(%dma_start3A_271 : memref<!tpu.dma_semaphore, #tpu.memory_space<semaphore_mem>>) {add = true}
      %add3A_272 = arith.constant 3 : i32
      %add3A_273 = arith.addi %while3A_239, %add3A_272 : i32
      %lt3A_274 = arith.cmpi slt, %add3A_273, %add3A_1 : i32
      %convert_element_type3A_275 = arith.extui %lt3A_274 : i1 to i32
      %cond3A_276 = arith.constant 0 : i32
      %cond3A_277 = arith.cmpi ne, %convert_element_type3A_275, %cond3A_276 : i32
      scf.if %cond3A_277 {
        %add3A_285 = arith.constant 3 : i32
        %add3A_286 = arith.addi %while3A_239, %add3A_285 : i32
        %add3A_287 = arith.constant 3 : i32
        %add3A_288 = arith.addi %while3A_239, %add3A_287 : i32
        %rem3A_289 = arith.constant 4 : i32
        %rem3A_290 = arith.remsi %add3A_288, %rem3A_289 : i32
        %mul3A_291 = arith.constant 128 : i32
        %mul3A_292 = arith.muli %add3A_286, %mul3A_291 : i32
        %add3A_293 = arith.addi %add3A_9, %mul3A_292 : i32
        %multiple_of3A_294 = tpu.assume_multiple %add3A_293, 8 : i32
        %add3A_295 = arith.constant 320000 : i32
        %add3A_296 = arith.addi %add3A_295, %add3A_9 : i32
        %mul3A_297 = arith.constant 128 : i32
        %mul3A_298 = arith.muli %add3A_286, %mul3A_297 : i32
        %add3A_299 = arith.addi %add3A_296, %mul3A_298 : i32
        %multiple_of3A_300 = tpu.assume_multiple %add3A_299, 8 : i32
        %dma_start3A_301 = arith.constant 0 : i32
        %dma_start3A_302 = tpu.memref_slice %arg6[%rem3A_242, %dma_start3A_301] : memref<3x128xi32, #tpu.memory_space<vmem>> -> memref<1x128xi32, #tpu.memory_space<vmem>>
        %dma_start3A_303 = tpu.memref_squeeze %dma_start3A_302 : memref<1x128xi32, #tpu.memory_space<vmem>> -> memref<128xi32, #tpu.memory_space<vmem>>
        %dma_start3A_304 = tpu.memref_slice %arg3[%multiple_of3A_294] : memref<640000xi32, #tpu.memory_space<hbm>> -> memref<128xi32, #tpu.memory_space<hbm>>
        %dma_start3A_305 = tpu.memref_slice %arg10[%rem3A_290] : memref<4x!tpu.dma_semaphore, #tpu.memory_space<semaphore_mem>> -> memref<1x!tpu.dma_semaphore, #tpu.memory_space<semaphore_mem>>
        %dma_start3A_306 = tpu.memref_squeeze %dma_start3A_305 : memref<1x!tpu.dma_semaphore, #tpu.memory_space<semaphore_mem>> -> memref<!tpu.dma_semaphore, #tpu.memory_space<semaphore_mem>>
        %dma_start3A_307 = arith.constant 0 : i32
        %dma_start3A_308 = tpu.memref_slice %arg6[%rem3A_242, %dma_start3A_307] : memref<3x128xi32, #tpu.memory_space<vmem>> -> memref<1x128xi32, #tpu.memory_space<vmem>>
        %dma_start3A_309 = tpu.memref_squeeze %dma_start3A_308 : memref<1x128xi32, #tpu.memory_space<vmem>> -> memref<128xi32, #tpu.memory_space<vmem>>
        %dma_start3A_310 = tpu.memref_slice %arg3[%multiple_of3A_294] : memref<640000xi32, #tpu.memory_space<hbm>> -> memref<128xi32, #tpu.memory_space<hbm>>
        tpu.enqueue_dma source(%dma_start3A_310 : memref<128xi32, #tpu.memory_space<hbm>>) target(%dma_start3A_309 : memref<128xi32, #tpu.memory_space<vmem>>) target_semaphore(%dma_start3A_306 : memref<!tpu.dma_semaphore, #tpu.memory_space<semaphore_mem>>)
        %dma_start3A_311 = arith.constant 0 : i32
        %dma_start3A_312 = tpu.memref_slice %arg7[%rem3A_290, %dma_start3A_311] : memref<4x128xi32, #tpu.memory_space<vmem>> -> memref<1x128xi32, #tpu.memory_space<vmem>>
        %dma_start3A_313 = tpu.memref_squeeze %dma_start3A_312 : memref<1x128xi32, #tpu.memory_space<vmem>> -> memref<128xi32, #tpu.memory_space<vmem>>
        %dma_start3A_314 = tpu.memref_slice %arg3[%multiple_of3A_300] : memref<640000xi32, #tpu.memory_space<hbm>> -> memref<128xi32, #tpu.memory_space<hbm>>
        %dma_start3A_315 = tpu.memref_slice %arg10[%rem3A_290] : memref<4x!tpu.dma_semaphore, #tpu.memory_space<semaphore_mem>> -> memref<1x!tpu.dma_semaphore, #tpu.memory_space<semaphore_mem>>
        %dma_start3A_316 = tpu.memref_squeeze %dma_start3A_315 : memref<1x!tpu.dma_semaphore, #tpu.memory_space<semaphore_mem>> -> memref<!tpu.dma_semaphore, #tpu.memory_space<semaphore_mem>>
        %dma_start3A_317 = arith.constant 0 : i32
        %dma_start3A_318 = tpu.memref_slice %arg7[%rem3A_290, %dma_start3A_317] : memref<4x128xi32, #tpu.memory_space<vmem>> -> memref<1x128xi32, #tpu.memory_space<vmem>>
        %dma_start3A_319 = tpu.memref_squeeze %dma_start3A_318 : memref<1x128xi32, #tpu.memory_space<vmem>> -> memref<128xi32, #tpu.memory_space<vmem>>
        %dma_start3A_320 = tpu.memref_slice %arg3[%multiple_of3A_300] : memref<640000xi32, #tpu.memory_space<hbm>> -> memref<128xi32, #tpu.memory_space<hbm>>
        tpu.enqueue_dma source(%dma_start3A_320 : memref<128xi32, #tpu.memory_space<hbm>>) target(%dma_start3A_319 : memref<128xi32, #tpu.memory_space<vmem>>) target_semaphore(%dma_start3A_316 : memref<!tpu.dma_semaphore, #tpu.memory_space<semaphore_mem>>)
      } else {
      }
      %add3A_278 = arith.constant 2 : i32
      %add3A_279 = arith.addi %while3A_239, %add3A_278 : i32
      %lt3A_280 = arith.cmpi slt, %add3A_279, %add3A_1 : i32
      %convert_element_type3A_281 = arith.extui %lt3A_280 : i1 to i32
      %cond3A_282 = arith.constant 0 : i32
      %cond3A_283 = arith.cmpi ne, %convert_element_type3A_281, %cond3A_282 : i32
      scf.if %cond3A_283 {
        %add3A_285 = arith.constant 2 : i32
        %add3A_286 = arith.addi %while3A_239, %add3A_285 : i32
        %rem3A_287 = arith.constant 3 : i32
        %rem3A_288 = arith.remsi %add3A_286, %rem3A_287 : i32
        %add3A_289 = arith.constant 2 : i32
        %add3A_290 = arith.addi %while3A_239, %add3A_289 : i32
        %add3A_291 = arith.constant 2 : i32
        %add3A_292 = arith.addi %while3A_239, %add3A_291 : i32
        %rem3A_293 = arith.constant 4 : i32
        %rem3A_294 = arith.remsi %add3A_292, %rem3A_293 : i32
        %mul3A_295 = arith.constant 128 : i32
        %mul3A_296 = arith.muli %add3A_290, %mul3A_295 : i32
        %add3A_297 = arith.addi %add3A_9, %mul3A_296 : i32
        %multiple_of3A_298 = tpu.assume_multiple %add3A_297, 8 : i32
        %add3A_299 = arith.constant 320000 : i32
        %add3A_300 = arith.addi %add3A_299, %add3A_9 : i32
        %mul3A_301 = arith.constant 128 : i32
        %mul3A_302 = arith.muli %add3A_290, %mul3A_301 : i32
        %add3A_303 = arith.addi %add3A_300, %mul3A_302 : i32
        %multiple_of3A_304 = tpu.assume_multiple %add3A_303, 8 : i32
        %dma_wait3A_305 = arith.constant 0 : i32
        %dma_wait3A_306 = tpu.memref_slice %arg6[%rem3A_288, %dma_wait3A_305] : memref<3x128xi32, #tpu.memory_space<vmem>> -> memref<1x128xi32, #tpu.memory_space<vmem>>
        %dma_wait3A_307 = tpu.memref_squeeze %dma_wait3A_306 : memref<1x128xi32, #tpu.memory_space<vmem>> -> memref<128xi32, #tpu.memory_space<vmem>>
        %dma_wait3A_308 = tpu.memref_slice %arg3[%multiple_of3A_298] : memref<640000xi32, #tpu.memory_space<hbm>> -> memref<128xi32, #tpu.memory_space<hbm>>
        %dma_wait3A_309 = tpu.memref_slice %arg10[%rem3A_294] : memref<4x!tpu.dma_semaphore, #tpu.memory_space<semaphore_mem>> -> memref<1x!tpu.dma_semaphore, #tpu.memory_space<semaphore_mem>>
        %dma_wait3A_310 = tpu.memref_squeeze %dma_wait3A_309 : memref<1x!tpu.dma_semaphore, #tpu.memory_space<semaphore_mem>> -> memref<!tpu.dma_semaphore, #tpu.memory_space<semaphore_mem>>
        %dma_wait3A_311 = arith.constant 0 : i32
        %dma_wait3A_312 = tpu.memref_slice %arg6[%rem3A_288, %dma_wait3A_311] : memref<3x128xi32, #tpu.memory_space<vmem>> -> memref<1x128xi32, #tpu.memory_space<vmem>>
        %dma_wait3A_313 = tpu.memref_squeeze %dma_wait3A_312 : memref<1x128xi32, #tpu.memory_space<vmem>> -> memref<128xi32, #tpu.memory_space<vmem>>
        %dma_wait3A_314 = tpu.memref_slice %arg3[%multiple_of3A_298] : memref<640000xi32, #tpu.memory_space<hbm>> -> memref<128xi32, #tpu.memory_space<hbm>>
        tpu.wait_dma2 semaphore(%dma_wait3A_310 : memref<!tpu.dma_semaphore, #tpu.memory_space<semaphore_mem>>) src(%dma_wait3A_314 : memref<128xi32, #tpu.memory_space<hbm>>) dst(%dma_wait3A_313 : memref<128xi32, #tpu.memory_space<vmem>>)
        %dma_wait3A_315 = arith.constant 0 : i32
        %dma_wait3A_316 = tpu.memref_slice %arg7[%rem3A_294, %dma_wait3A_315] : memref<4x128xi32, #tpu.memory_space<vmem>> -> memref<1x128xi32, #tpu.memory_space<vmem>>
        %dma_wait3A_317 = tpu.memref_squeeze %dma_wait3A_316 : memref<1x128xi32, #tpu.memory_space<vmem>> -> memref<128xi32, #tpu.memory_space<vmem>>
        %dma_wait3A_318 = tpu.memref_slice %arg3[%multiple_of3A_304] : memref<640000xi32, #tpu.memory_space<hbm>> -> memref<128xi32, #tpu.memory_space<hbm>>
        %dma_wait3A_319 = tpu.memref_slice %arg10[%rem3A_294] : memref<4x!tpu.dma_semaphore, #tpu.memory_space<semaphore_mem>> -> memref<1x!tpu.dma_semaphore, #tpu.memory_space<semaphore_mem>>
        %dma_wait3A_320 = tpu.memref_squeeze %dma_wait3A_319 : memref<1x!tpu.dma_semaphore, #tpu.memory_space<semaphore_mem>> -> memref<!tpu.dma_semaphore, #tpu.memory_space<semaphore_mem>>
        %dma_wait3A_321 = arith.constant 0 : i32
        %dma_wait3A_322 = tpu.memref_slice %arg7[%rem3A_294, %dma_wait3A_321] : memref<4x128xi32, #tpu.memory_space<vmem>> -> memref<1x128xi32, #tpu.memory_space<vmem>>
        %dma_wait3A_323 = tpu.memref_squeeze %dma_wait3A_322 : memref<1x128xi32, #tpu.memory_space<vmem>> -> memref<128xi32, #tpu.memory_space<vmem>>
        %dma_wait3A_324 = tpu.memref_slice %arg3[%multiple_of3A_304] : memref<640000xi32, #tpu.memory_space<hbm>> -> memref<128xi32, #tpu.memory_space<hbm>>
        tpu.wait_dma2 semaphore(%dma_wait3A_320 : memref<!tpu.dma_semaphore, #tpu.memory_space<semaphore_mem>>) src(%dma_wait3A_324 : memref<128xi32, #tpu.memory_space<hbm>>) dst(%dma_wait3A_323 : memref<128xi32, #tpu.memory_space<vmem>>)
        %dma_start3A_325 = arith.constant 0 : i32
        %dma_start3A_326 = arith.constant 0 : i32
        %dma_start3A_327 = tpu.memref_slice %arg8[%rem3A_288, %dma_start3A_325, %dma_start3A_326] : memref<3x128x128xf32, #tpu.memory_space<vmem>> -> memref<1x128x128xf32, #tpu.memory_space<vmem>>
        %dma_start3A_328 = tpu.memref_squeeze %dma_start3A_327 : memref<1x128x128xf32, #tpu.memory_space<vmem>> -> memref<128x128xf32, #tpu.memory_space<vmem>>
        %dma_start3A_329 = arith.constant 0 : i32
        %dma_start3A_330 = tpu.memref_slice %arg6[%rem3A_288, %dma_start3A_329] : memref<3x128xi32, #tpu.memory_space<vmem>> -> memref<1x128xi32, #tpu.memory_space<vmem>>
        %dma_start3A_331 = tpu.memref_squeeze %dma_start3A_330 : memref<1x128xi32, #tpu.memory_space<vmem>> -> memref<128xi32, #tpu.memory_space<vmem>>
        %dma_start3A_332 = arith.constant 0 : i32
        %dma_start3A_333 = arith.constant 0 : i32
        %dma_start3A_334 = tpu.memref_slice %arg2[%dma_start3A_332, %dma_start3A_333] : memref<10240x128xf32, #tpu.memory_space<hbm>> -> memref<10240x128xf32, #tpu.memory_space<hbm>>
        %dma_start3A_335 = tpu.memref_slice %arg11[%rem3A_288] : memref<3x!tpu.dma_semaphore, #tpu.memory_space<semaphore_mem>> -> memref<1x!tpu.dma_semaphore, #tpu.memory_space<semaphore_mem>>
        %dma_start3A_336 = tpu.memref_squeeze %dma_start3A_335 : memref<1x!tpu.dma_semaphore, #tpu.memory_space<semaphore_mem>> -> memref<!tpu.dma_semaphore, #tpu.memory_space<semaphore_mem>>
        tpu.enqueue_indirect_dma source(%dma_start3A_334 : memref<10240x128xf32, #tpu.memory_space<hbm>>) target(%dma_start3A_328 : memref<128x128xf32, #tpu.memory_space<vmem>>) offsets(%dma_start3A_331 : memref<128xi32, #tpu.memory_space<vmem>>) semaphore(%dma_start3A_336 : memref<!tpu.dma_semaphore, #tpu.memory_space<semaphore_mem>>)
      } else {
      }
      %while3A_284 = arith.constant 0 : i32
      scf.yield %while3A_284 : i32
    }
    %sub3A = arith.constant 1 : i32
    %sub3A_212 = arith.subi %add3A_1, %sub3A : i32
    %rem3A = arith.constant 3 : i32
    %rem3A_213 = arith.remsi %sub3A_212, %rem3A : i32
    %sub3A_214 = arith.constant 1 : i32
    %sub3A_215 = arith.subi %add3A_1, %sub3A_214 : i32
    %rem3A_216 = arith.constant 4 : i32
    %rem3A_217 = arith.remsi %sub3A_215, %rem3A_216 : i32
    %dma_wait3A_218 = arith.constant 0 : i32
    %dma_wait3A_219 = arith.constant 0 : i32
    %dma_wait3A_220 = tpu.memref_slice %arg8[%rem3A_213, %dma_wait3A_218, %dma_wait3A_219] : memref<3x128x128xf32, #tpu.memory_space<vmem>> -> memref<1x128x128xf32, #tpu.memory_space<vmem>>
    %dma_wait3A_221 = tpu.memref_squeeze %dma_wait3A_220 : memref<1x128x128xf32, #tpu.memory_space<vmem>> -> memref<128x128xf32, #tpu.memory_space<vmem>>
    %dma_wait3A_222 = arith.constant 0 : i32
    %dma_wait3A_223 = tpu.memref_slice %arg7[%rem3A_217, %dma_wait3A_222] : memref<4x128xi32, #tpu.memory_space<vmem>> -> memref<1x128xi32, #tpu.memory_space<vmem>>
    %dma_wait3A_224 = tpu.memref_squeeze %dma_wait3A_223 : memref<1x128xi32, #tpu.memory_space<vmem>> -> memref<128xi32, #tpu.memory_space<vmem>>
    %dma_wait3A_225 = arith.constant 0 : i32
    %dma_wait3A_226 = arith.constant 0 : i32
    %dma_wait3A_227 = tpu.memref_slice %arg9[%dma_wait3A_225, %dma_wait3A_226] : memref<10112x128xf32, #tpu.memory_space<vmem_shared>> -> memref<10112x128xf32, #tpu.memory_space<vmem_shared>>
    %dma_wait3A_228 = tpu.memref_slice %arg12[%rem3A_213] : memref<3x!tpu.dma_semaphore, #tpu.memory_space<semaphore_mem>> -> memref<1x!tpu.dma_semaphore, #tpu.memory_space<semaphore_mem>>
    %dma_wait3A_229 = tpu.memref_squeeze %dma_wait3A_228 : memref<1x!tpu.dma_semaphore, #tpu.memory_space<semaphore_mem>> -> memref<!tpu.dma_semaphore, #tpu.memory_space<semaphore_mem>>
    tpu.wait_indirect_dma semaphore(%dma_wait3A_229 : memref<!tpu.dma_semaphore, #tpu.memory_space<semaphore_mem>>) src(%dma_wait3A_221 : memref<128x128xf32, #tpu.memory_space<vmem>>) dst(%dma_wait3A_227 : memref<10112x128xf32, #tpu.memory_space<vmem_shared>>)
    %barrier3A_230 = arith.constant 0 : index
    tpu.barrier barrier_id(%barrier3A_230)
    %mul3A_231 = arith.constant 10112 : i32
    %mul3A_232 = arith.muli %arg0, %mul3A_231 : i32
    %mul3A_233 = arith.constant 632 : i32
    %mul3A_234 = arith.muli %arg1, %mul3A_233 : i32
    %add3A_235 = arith.addi %mul3A_232, %mul3A_234 : i32
    %multiple_of3A_236 = tpu.assume_multiple %add3A_235, 8 : i32
    %mul3A_237 = arith.constant 632 : i32
    %mul3A_238 = arith.muli %arg1, %mul3A_237 : i32
    "tpu.region"() ({
      %run_scoped3A = tpu.sem_alloc : memref<!tpu.dma_semaphore, #tpu.memory_space<semaphore_mem>>
      %dma_start3A_239 = arith.constant 0 : i32
      %dma_start3A_240 = tpu.memref_slice %arg5[%multiple_of3A_236, %dma_start3A_239] : memref<20224x128xf32, #tpu.memory_space<hbm>> -> memref<632x128xf32, #tpu.memory_space<hbm>>
      %dma_start3A_241 = arith.constant 0 : i32
      %dma_start3A_242 = tpu.memref_slice %arg9[%mul3A_238, %dma_start3A_241] : memref<10112x128xf32, #tpu.memory_space<vmem_shared>> -> memref<632x128xf32, #tpu.memory_space<vmem_shared>>
      tpu.enqueue_dma source(%dma_start3A_242 : memref<632x128xf32, #tpu.memory_space<vmem_shared>>) target(%dma_start3A_240 : memref<632x128xf32, #tpu.memory_space<hbm>>) target_semaphore(%run_scoped3A : memref<!tpu.dma_semaphore, #tpu.memory_space<semaphore_mem>>)
      %dma_wait3A_243 = arith.constant 0 : i32
      %dma_wait3A_244 = tpu.memref_slice %arg5[%multiple_of3A_236, %dma_wait3A_243] : memref<20224x128xf32, #tpu.memory_space<hbm>> -> memref<632x128xf32, #tpu.memory_space<hbm>>
      %dma_wait3A_245 = arith.constant 0 : i32
      %dma_wait3A_246 = tpu.memref_slice %arg9[%mul3A_238, %dma_wait3A_245] : memref<10112x128xf32, #tpu.memory_space<vmem_shared>> -> memref<632x128xf32, #tpu.memory_space<vmem_shared>>
      tpu.wait_dma2 semaphore(%run_scoped3A : memref<!tpu.dma_semaphore, #tpu.memory_space<semaphore_mem>>) src(%dma_wait3A_246 : memref<632x128xf32, #tpu.memory_space<vmem_shared>>) dst(%dma_wait3A_244 : memref<632x128xf32, #tpu.memory_space<hbm>>)
      tpu.yield
    }) : () -> ()
    return
  }
}

#map = affine_map<(d0, d1) -> (0, 0)>
#map1 = affine_map<(d0, d1) -> (0)>
module attributes {stable_mosaic.version = 14 : i64} {
  func.func @_scatter_kernel(%arg0: i32, %arg1: i32, %arg2: memref<10240x128xf32, #tpu.memory_space<hbm>>, %arg3: memref<640000xi32, #tpu.memory_space<hbm>>, %arg4: memref<10112x128xf32, #tpu.memory_space<hbm>>, %arg5: memref<20224x128xf32, #tpu.memory_space<hbm>>, %arg6: memref<3x128xi32, #tpu.memory_space<vmem>>, %arg7: memref<4x128xi32, #tpu.memory_space<vmem>>, %arg8: memref<3x128x128xf32, #tpu.memory_space<vmem>>, %arg9: memref<10112x128xf32, #tpu.memory_space<vmem_shared>>, %arg10: memref<4x!tpu.dma_semaphore, #tpu.memory_space<semaphore_mem>>, %arg11: memref<3x!tpu.dma_semaphore, #tpu.memory_space<semaphore_mem>>, %arg12: memref<3x!tpu.dma_semaphore, #tpu.memory_space<semaphore_mem>>) attributes {dimension_semantics = [#tpu.dimension_semantics<core_parallel>, #tpu.dimension_semantics<subcore_parallel>], iteration_bounds = array<i64: 2, 16>, scalar_prefetch = 0 : i64, scratch_operands = 7 : i64, tpu.core_type = #tpu.core_type<sc_vector_subcore>, window_params = [{transform_indices = #map}, {transform_indices = #map1}, {transform_indices = #map}, {transform_indices = #map}]} {
    %lt3A = arith.constant 2 : i32
    %lt3A_0 = arith.cmpi slt, %arg1, %lt3A : i32
    %convert_element_type3A = arith.extui %lt3A_0 : i1 to i32
    %add3A = arith.constant 78 : i32
    %add3A_1 = arith.addi %add3A, %convert_element_type3A : i32
    %mul3A = arith.constant 78 : i32
    %mul3A_2 = arith.muli %mul3A, %arg1 : i32
    %min3A = arith.constant 2 : i32
    %min3A_3 = arith.minsi %arg1, %min3A : i32
    %add3A_4 = arith.addi %mul3A_2, %min3A_3 : i32
    %mul3A_5 = arith.constant 160000 : i32
    %mul3A_6 = arith.muli %arg0, %mul3A_5 : i32
    %mul3A_7 = arith.constant 128 : i32
    %mul3A_8 = arith.muli %add3A_4, %mul3A_7 : i32
    %add3A_9 = arith.addi %mul3A_6, %mul3A_8 : i32
    %add3A_10 = arith.constant 0 : i32
    %add3A_11 = arith.addi %add3A_9, %add3A_10 : i32
    %multiple_of3A = tpu.assume_multiple %add3A_11, 8 : i32
    %add3A_12 = arith.constant 320000 : i32
    %add3A_13 = arith.addi %add3A_12, %add3A_9 : i32
    %add3A_14 = arith.constant 0 : i32
    %add3A_15 = arith.addi %add3A_13, %add3A_14 : i32
    %multiple_of3A_16 = tpu.assume_multiple %add3A_15, 8 : i32
    %dma_start3A = arith.constant 0 : i32
    %dma_start3A_17 = arith.constant 0 : i32
    %dma_start3A_18 = arith.constant 0 : i32
    %dma_start3A_19 = tpu.memref_slice %arg6[%dma_start3A, %dma_start3A_18] : memref<3x128xi32, #tpu.memory_space<vmem>> -> memref<1x128xi32, #tpu.memory_space<vmem>>
    %dma_start3A_20 = tpu.memref_squeeze %dma_start3A_19 : memref<1x128xi32, #tpu.memory_space<vmem>> -> memref<128xi32, #tpu.memory_space<vmem>>
    %dma_start3A_21 = tpu.memref_slice %arg3[%multiple_of3A] : memref<640000xi32, #tpu.memory_space<hbm>> -> memref<128xi32, #tpu.memory_space<hbm>>
    %dma_start3A_22 = tpu.memref_slice %arg10[%dma_start3A_17] : memref<4x!tpu.dma_semaphore, #tpu.memory_space<semaphore_mem>> -> memref<1x!tpu.dma_semaphore, #tpu.memory_space<semaphore_mem>>
    %dma_start3A_23 = tpu.memref_squeeze %dma_start3A_22 : memref<1x!tpu.dma_semaphore, #tpu.memory_space<semaphore_mem>> -> memref<!tpu.dma_semaphore, #tpu.memory_space<semaphore_mem>>
    %dma_start3A_24 = arith.constant 0 : i32
    %dma_start3A_25 = tpu.memref_slice %arg6[%dma_start3A, %dma_start3A_24] : memref<3x128xi32, #tpu.memory_space<vmem>> -> memref<1x128xi32, #tpu.memory_space<vmem>>
    %dma_start3A_26 = tpu.memref_squeeze %dma_start3A_25 : memref<1x128xi32, #tpu.memory_space<vmem>> -> memref<128xi32, #tpu.memory_space<vmem>>
    %dma_start3A_27 = tpu.memref_slice %arg3[%multiple_of3A] : memref<640000xi32, #tpu.memory_space<hbm>> -> memref<128xi32, #tpu.memory_space<hbm>>
    tpu.enqueue_dma source(%dma_start3A_27 : memref<128xi32, #tpu.memory_space<hbm>>) target(%dma_start3A_26 : memref<128xi32, #tpu.memory_space<vmem>>) target_semaphore(%dma_start3A_23 : memref<!tpu.dma_semaphore, #tpu.memory_space<semaphore_mem>>)
    %dma_start3A_28 = arith.constant 0 : i32
    %dma_start3A_29 = arith.constant 0 : i32
    %dma_start3A_30 = arith.constant 0 : i32
    %dma_start3A_31 = tpu.memref_slice %arg7[%dma_start3A_28, %dma_start3A_30] : memref<4x128xi32, #tpu.memory_space<vmem>> -> memref<1x128xi32, #tpu.memory_space<vmem>>
    %dma_start3A_32 = tpu.memref_squeeze %dma_start3A_31 : memref<1x128xi32, #tpu.memory_space<vmem>> -> memref<128xi32, #tpu.memory_space<vmem>>
    %dma_start3A_33 = tpu.memref_slice %arg3[%multiple_of3A_16] : memref<640000xi32, #tpu.memory_space<hbm>> -> memref<128xi32, #tpu.memory_space<hbm>>
    %dma_start3A_34 = tpu.memref_slice %arg10[%dma_start3A_29] : memref<4x!tpu.dma_semaphore, #tpu.memory_space<semaphore_mem>> -> memref<1x!tpu.dma_semaphore, #tpu.memory_space<semaphore_mem>>
    %dma_start3A_35 = tpu.memref_squeeze %dma_start3A_34 : memref<1x!tpu.dma_semaphore, #tpu.memory_space<semaphore_mem>> -> memref<!tpu.dma_semaphore, #tpu.memory_space<semaphore_mem>>
    %dma_start3A_36 = arith.constant 0 : i32
    %dma_start3A_37 = tpu.memref_slice %arg7[%dma_start3A_28, %dma_start3A_36] : memref<4x128xi32, #tpu.memory_space<vmem>> -> memref<1x128xi32, #tpu.memory_space<vmem>>
    %dma_start3A_38 = tpu.memref_squeeze %dma_start3A_37 : memref<1x128xi32, #tpu.memory_space<vmem>> -> memref<128xi32, #tpu.memory_space<vmem>>
    %dma_start3A_39 = tpu.memref_slice %arg3[%multiple_of3A_16] : memref<640000xi32, #tpu.memory_space<hbm>> -> memref<128xi32, #tpu.memory_space<hbm>>
    tpu.enqueue_dma source(%dma_start3A_39 : memref<128xi32, #tpu.memory_space<hbm>>) target(%dma_start3A_38 : memref<128xi32, #tpu.memory_space<vmem>>) target_semaphore(%dma_start3A_35 : memref<!tpu.dma_semaphore, #tpu.memory_space<semaphore_mem>>)
    %add3A_40 = arith.constant 128 : i32
    %add3A_41 = arith.addi %add3A_9, %add3A_40 : i32
    %multiple_of3A_42 = tpu.assume_multiple %add3A_41, 8 : i32
    %add3A_43 = arith.constant 320000 : i32
    %add3A_44 = arith.addi %add3A_43, %add3A_9 : i32
    %add3A_45 = arith.constant 128 : i32
    %add3A_46 = arith.addi %add3A_44, %add3A_45 : i32
    %multiple_of3A_47 = tpu.assume_multiple %add3A_46, 8 : i32
    %dma_start3A_48 = arith.constant 1 : i32
    %dma_start3A_49 = arith.constant 1 : i32
    %dma_start3A_50 = arith.constant 0 : i32
    %dma_start3A_51 = tpu.memref_slice %arg6[%dma_start3A_48, %dma_start3A_50] : memref<3x128xi32, #tpu.memory_space<vmem>> -> memref<1x128xi32, #tpu.memory_space<vmem>>
    %dma_start3A_52 = tpu.memref_squeeze %dma_start3A_51 : memref<1x128xi32, #tpu.memory_space<vmem>> -> memref<128xi32, #tpu.memory_space<vmem>>
    %dma_start3A_53 = tpu.memref_slice %arg3[%multiple_of3A_42] : memref<640000xi32, #tpu.memory_space<hbm>> -> memref<128xi32, #tpu.memory_space<hbm>>
    %dma_start3A_54 = tpu.memref_slice %arg10[%dma_start3A_49] : memref<4x!tpu.dma_semaphore, #tpu.memory_space<semaphore_mem>> -> memref<1x!tpu.dma_semaphore, #tpu.memory_space<semaphore_mem>>
    %dma_start3A_55 = tpu.memref_squeeze %dma_start3A_54 : memref<1x!tpu.dma_semaphore, #tpu.memory_space<semaphore_mem>> -> memref<!tpu.dma_semaphore, #tpu.memory_space<semaphore_mem>>
    %dma_start3A_56 = arith.constant 0 : i32
    %dma_start3A_57 = tpu.memref_slice %arg6[%dma_start3A_48, %dma_start3A_56] : memref<3x128xi32, #tpu.memory_space<vmem>> -> memref<1x128xi32, #tpu.memory_space<vmem>>
    %dma_start3A_58 = tpu.memref_squeeze %dma_start3A_57 : memref<1x128xi32, #tpu.memory_space<vmem>> -> memref<128xi32, #tpu.memory_space<vmem>>
    %dma_start3A_59 = tpu.memref_slice %arg3[%multiple_of3A_42] : memref<640000xi32, #tpu.memory_space<hbm>> -> memref<128xi32, #tpu.memory_space<hbm>>
    tpu.enqueue_dma source(%dma_start3A_59 : memref<128xi32, #tpu.memory_space<hbm>>) target(%dma_start3A_58 : memref<128xi32, #tpu.memory_space<vmem>>) target_semaphore(%dma_start3A_55 : memref<!tpu.dma_semaphore, #tpu.memory_space<semaphore_mem>>)
    %dma_start3A_60 = arith.constant 1 : i32
    %dma_start3A_61 = arith.constant 1 : i32
    %dma_start3A_62 = arith.constant 0 : i32
    %dma_start3A_63 = tpu.memref_slice %arg7[%dma_start3A_60, %dma_start3A_62] : memref<4x128xi32, #tpu.memory_space<vmem>> -> memref<1x128xi32, #tpu.memory_space<vmem>>
    %dma_start3A_64 = tpu.memref_squeeze %dma_start3A_63 : memref<1x128xi32, #tpu.memory_space<vmem>> -> memref<128xi32, #tpu.memory_space<vmem>>
    %dma_start3A_65 = tpu.memref_slice %arg3[%multiple_of3A_47] : memref<640000xi32, #tpu.memory_space<hbm>> -> memref<128xi32, #tpu.memory_space<hbm>>
    %dma_start3A_66 = tpu.memref_slice %arg10[%dma_start3A_61] : memref<4x!tpu.dma_semaphore, #tpu.memory_space<semaphore_mem>> -> memref<1x!tpu.dma_semaphore, #tpu.memory_space<semaphore_mem>>
    %dma_start3A_67 = tpu.memref_squeeze %dma_start3A_66 : memref<1x!tpu.dma_semaphore, #tpu.memory_space<semaphore_mem>> -> memref<!tpu.dma_semaphore, #tpu.memory_space<semaphore_mem>>
    %dma_start3A_68 = arith.constant 0 : i32
    %dma_start3A_69 = tpu.memref_slice %arg7[%dma_start3A_60, %dma_start3A_68] : memref<4x128xi32, #tpu.memory_space<vmem>> -> memref<1x128xi32, #tpu.memory_space<vmem>>
    %dma_start3A_70 = tpu.memref_squeeze %dma_start3A_69 : memref<1x128xi32, #tpu.memory_space<vmem>> -> memref<128xi32, #tpu.memory_space<vmem>>
    %dma_start3A_71 = tpu.memref_slice %arg3[%multiple_of3A_47] : memref<640000xi32, #tpu.memory_space<hbm>> -> memref<128xi32, #tpu.memory_space<hbm>>
    tpu.enqueue_dma source(%dma_start3A_71 : memref<128xi32, #tpu.memory_space<hbm>>) target(%dma_start3A_70 : memref<128xi32, #tpu.memory_space<vmem>>) target_semaphore(%dma_start3A_67 : memref<!tpu.dma_semaphore, #tpu.memory_space<semaphore_mem>>)
    %add3A_72 = arith.constant 256 : i32
    %add3A_73 = arith.addi %add3A_9, %add3A_72 : i32
    %multiple_of3A_74 = tpu.assume_multiple %add3A_73, 8 : i32
    %add3A_75 = arith.constant 320000 : i32
    %add3A_76 = arith.addi %add3A_75, %add3A_9 : i32
    %add3A_77 = arith.constant 256 : i32
    %add3A_78 = arith.addi %add3A_76, %add3A_77 : i32
    %multiple_of3A_79 = tpu.assume_multiple %add3A_78, 8 : i32
    %dma_start3A_80 = arith.constant 2 : i32
    %dma_start3A_81 = arith.constant 2 : i32
    %dma_start3A_82 = arith.constant 0 : i32
    %dma_start3A_83 = tpu.memref_slice %arg6[%dma_start3A_80, %dma_start3A_82] : memref<3x128xi32, #tpu.memory_space<vmem>> -> memref<1x128xi32, #tpu.memory_space<vmem>>
    %dma_start3A_84 = tpu.memref_squeeze %dma_start3A_83 : memref<1x128xi32, #tpu.memory_space<vmem>> -> memref<128xi32, #tpu.memory_space<vmem>>
    %dma_start3A_85 = tpu.memref_slice %arg3[%multiple_of3A_74] : memref<640000xi32, #tpu.memory_space<hbm>> -> memref<128xi32, #tpu.memory_space<hbm>>
    %dma_start3A_86 = tpu.memref_slice %arg10[%dma_start3A_81] : memref<4x!tpu.dma_semaphore, #tpu.memory_space<semaphore_mem>> -> memref<1x!tpu.dma_semaphore, #tpu.memory_space<semaphore_mem>>
    %dma_start3A_87 = tpu.memref_squeeze %dma_start3A_86 : memref<1x!tpu.dma_semaphore, #tpu.memory_space<semaphore_mem>> -> memref<!tpu.dma_semaphore, #tpu.memory_space<semaphore_mem>>
    %dma_start3A_88 = arith.constant 0 : i32
    %dma_start3A_89 = tpu.memref_slice %arg6[%dma_start3A_80, %dma_start3A_88] : memref<3x128xi32, #tpu.memory_space<vmem>> -> memref<1x128xi32, #tpu.memory_space<vmem>>
    %dma_start3A_90 = tpu.memref_squeeze %dma_start3A_89 : memref<1x128xi32, #tpu.memory_space<vmem>> -> memref<128xi32, #tpu.memory_space<vmem>>
    %dma_start3A_91 = tpu.memref_slice %arg3[%multiple_of3A_74] : memref<640000xi32, #tpu.memory_space<hbm>> -> memref<128xi32, #tpu.memory_space<hbm>>
    tpu.enqueue_dma source(%dma_start3A_91 : memref<128xi32, #tpu.memory_space<hbm>>) target(%dma_start3A_90 : memref<128xi32, #tpu.memory_space<vmem>>) target_semaphore(%dma_start3A_87 : memref<!tpu.dma_semaphore, #tpu.memory_space<semaphore_mem>>)
    %dma_start3A_92 = arith.constant 2 : i32
    %dma_start3A_93 = arith.constant 2 : i32
    %dma_start3A_94 = arith.constant 0 : i32
    %dma_start3A_95 = tpu.memref_slice %arg7[%dma_start3A_92, %dma_start3A_94] : memref<4x128xi32, #tpu.memory_space<vmem>> -> memref<1x128xi32, #tpu.memory_space<vmem>>
    %dma_start3A_96 = tpu.memref_squeeze %dma_start3A_95 : memref<1x128xi32, #tpu.memory_space<vmem>> -> memref<128xi32, #tpu.memory_space<vmem>>
    %dma_start3A_97 = tpu.memref_slice %arg3[%multiple_of3A_79] : memref<640000xi32, #tpu.memory_space<hbm>> -> memref<128xi32, #tpu.memory_space<hbm>>
    %dma_start3A_98 = tpu.memref_slice %arg10[%dma_start3A_93] : memref<4x!tpu.dma_semaphore, #tpu.memory_space<semaphore_mem>> -> memref<1x!tpu.dma_semaphore, #tpu.memory_space<semaphore_mem>>
    %dma_start3A_99 = tpu.memref_squeeze %dma_start3A_98 : memref<1x!tpu.dma_semaphore, #tpu.memory_space<semaphore_mem>> -> memref<!tpu.dma_semaphore, #tpu.memory_space<semaphore_mem>>
    %dma_start3A_100 = arith.constant 0 : i32
    %dma_start3A_101 = tpu.memref_slice %arg7[%dma_start3A_92, %dma_start3A_100] : memref<4x128xi32, #tpu.memory_space<vmem>> -> memref<1x128xi32, #tpu.memory_space<vmem>>
    %dma_start3A_102 = tpu.memref_squeeze %dma_start3A_101 : memref<1x128xi32, #tpu.memory_space<vmem>> -> memref<128xi32, #tpu.memory_space<vmem>>
    %dma_start3A_103 = tpu.memref_slice %arg3[%multiple_of3A_79] : memref<640000xi32, #tpu.memory_space<hbm>> -> memref<128xi32, #tpu.memory_space<hbm>>
    tpu.enqueue_dma source(%dma_start3A_103 : memref<128xi32, #tpu.memory_space<hbm>>) target(%dma_start3A_102 : memref<128xi32, #tpu.memory_space<vmem>>) target_semaphore(%dma_start3A_99 : memref<!tpu.dma_semaphore, #tpu.memory_space<semaphore_mem>>)
    %add3A_104 = arith.constant 0 : i32
    %add3A_105 = arith.addi %add3A_9, %add3A_104 : i32
    %multiple_of3A_106 = tpu.assume_multiple %add3A_105, 8 : i32
    %add3A_107 = arith.constant 320000 : i32
    %add3A_108 = arith.addi %add3A_107, %add3A_9 : i32
    %add3A_109 = arith.constant 0 : i32
    %add3A_110 = arith.addi %add3A_108, %add3A_109 : i32
    %multiple_of3A_111 = tpu.assume_multiple %add3A_110, 8 : i32
    %dma_wait3A = arith.constant 0 : i32
    %dma_wait3A_112 = arith.constant 0 : i32
    %dma_wait3A_113 = arith.constant 0 : i32
    %dma_wait3A_114 = tpu.memref_slice %arg6[%dma_wait3A, %dma_wait3A_113] : memref<3x128xi32, #tpu.memory_space<vmem>> -> memref<1x128xi32, #tpu.memory_space<vmem>>
    %dma_wait3A_115 = tpu.memref_squeeze %dma_wait3A_114 : memref<1x128xi32, #tpu.memory_space<vmem>> -> memref<128xi32, #tpu.memory_space<vmem>>
    %dma_wait3A_116 = tpu.memref_slice %arg3[%multiple_of3A_106] : memref<640000xi32, #tpu.memory_space<hbm>> -> memref<128xi32, #tpu.memory_space<hbm>>
    %dma_wait3A_117 = tpu.memref_slice %arg10[%dma_wait3A_112] : memref<4x!tpu.dma_semaphore, #tpu.memory_space<semaphore_mem>> -> memref<1x!tpu.dma_semaphore, #tpu.memory_space<semaphore_mem>>
    %dma_wait3A_118 = tpu.memref_squeeze %dma_wait3A_117 : memref<1x!tpu.dma_semaphore, #tpu.memory_space<semaphore_mem>> -> memref<!tpu.dma_semaphore, #tpu.memory_space<semaphore_mem>>
    %dma_wait3A_119 = arith.constant 0 : i32
    %dma_wait3A_120 = tpu.memref_slice %arg6[%dma_wait3A, %dma_wait3A_119] : memref<3x128xi32, #tpu.memory_space<vmem>> -> memref<1x128xi32, #tpu.memory_space<vmem>>
    %dma_wait3A_121 = tpu.memref_squeeze %dma_wait3A_120 : memref<1x128xi32, #tpu.memory_space<vmem>> -> memref<128xi32, #tpu.memory_space<vmem>>
    %dma_wait3A_122 = tpu.memref_slice %arg3[%multiple_of3A_106] : memref<640000xi32, #tpu.memory_space<hbm>> -> memref<128xi32, #tpu.memory_space<hbm>>
    tpu.wait_dma2 semaphore(%dma_wait3A_118 : memref<!tpu.dma_semaphore, #tpu.memory_space<semaphore_mem>>) src(%dma_wait3A_122 : memref<128xi32, #tpu.memory_space<hbm>>) dst(%dma_wait3A_121 : memref<128xi32, #tpu.memory_space<vmem>>)
    %dma_wait3A_123 = arith.constant 0 : i32
    %dma_wait3A_124 = arith.constant 0 : i32
    %dma_wait3A_125 = arith.constant 0 : i32
    %dma_wait3A_126 = tpu.memref_slice %arg7[%dma_wait3A_123, %dma_wait3A_125] : memref<4x128xi32, #tpu.memory_space<vmem>> -> memref<1x128xi32, #tpu.memory_space<vmem>>
    %dma_wait3A_127 = tpu.memref_squeeze %dma_wait3A_126 : memref<1x128xi32, #tpu.memory_space<vmem>> -> memref<128xi32, #tpu.memory_space<vmem>>
    %dma_wait3A_128 = tpu.memref_slice %arg3[%multiple_of3A_111] : memref<640000xi32, #tpu.memory_space<hbm>> -> memref<128xi32, #tpu.memory_space<hbm>>
    %dma_wait3A_129 = tpu.memref_slice %arg10[%dma_wait3A_124] : memref<4x!tpu.dma_semaphore, #tpu.memory_space<semaphore_mem>> -> memref<1x!tpu.dma_semaphore, #tpu.memory_space<semaphore_mem>>
    %dma_wait3A_130 = tpu.memref_squeeze %dma_wait3A_129 : memref<1x!tpu.dma_semaphore, #tpu.memory_space<semaphore_mem>> -> memref<!tpu.dma_semaphore, #tpu.memory_space<semaphore_mem>>
    %dma_wait3A_131 = arith.constant 0 : i32
    %dma_wait3A_132 = tpu.memref_slice %arg7[%dma_wait3A_123, %dma_wait3A_131] : memref<4x128xi32, #tpu.memory_space<vmem>> -> memref<1x128xi32, #tpu.memory_space<vmem>>
    %dma_wait3A_133 = tpu.memref_squeeze %dma_wait3A_132 : memref<1x128xi32, #tpu.memory_space<vmem>> -> memref<128xi32, #tpu.memory_space<vmem>>
    %dma_wait3A_134 = tpu.memref_slice %arg3[%multiple_of3A_111] : memref<640000xi32, #tpu.memory_space<hbm>> -> memref<128xi32, #tpu.memory_space<hbm>>
    tpu.wait_dma2 semaphore(%dma_wait3A_130 : memref<!tpu.dma_semaphore, #tpu.memory_space<semaphore_mem>>) src(%dma_wait3A_134 : memref<128xi32, #tpu.memory_space<hbm>>) dst(%dma_wait3A_133 : memref<128xi32, #tpu.memory_space<vmem>>)
    %dma_start3A_135 = arith.constant 0 : i32
    %dma_start3A_136 = arith.constant 0 : i32
    %dma_start3A_137 = arith.constant 0 : i32
    %dma_start3A_138 = arith.constant 0 : i32
    %dma_start3A_139 = arith.constant 0 : i32
    %dma_start3A_140 = tpu.memref_slice %arg8[%dma_start3A_136, %dma_start3A_138, %dma_start3A_139] : memref<3x128x128xf32, #tpu.memory_space<vmem>> -> memref<1x128x128xf32, #tpu.memory_space<vmem>>
    %dma_start3A_141 = tpu.memref_squeeze %dma_start3A_140 : memref<1x128x128xf32, #tpu.memory_space<vmem>> -> memref<128x128xf32, #tpu.memory_space<vmem>>
    %dma_start3A_142 = arith.constant 0 : i32
    %dma_start3A_143 = tpu.memref_slice %arg6[%dma_start3A_135, %dma_start3A_142] : memref<3x128xi32, #tpu.memory_space<vmem>> -> memref<1x128xi32, #tpu.memory_space<vmem>>
    %dma_start3A_144 = tpu.memref_squeeze %dma_start3A_143 : memref<1x128xi32, #tpu.memory_space<vmem>> -> memref<128xi32, #tpu.memory_space<vmem>>
    %dma_start3A_145 = arith.constant 0 : i32
    %dma_start3A_146 = arith.constant 0 : i32
    %dma_start3A_147 = tpu.memref_slice %arg2[%dma_start3A_145, %dma_start3A_146] : memref<10240x128xf32, #tpu.memory_space<hbm>> -> memref<10240x128xf32, #tpu.memory_space<hbm>>
    %dma_start3A_148 = tpu.memref_slice %arg11[%dma_start3A_137] : memref<3x!tpu.dma_semaphore, #tpu.memory_space<semaphore_mem>> -> memref<1x!tpu.dma_semaphore, #tpu.memory_space<semaphore_mem>>
    %dma_start3A_149 = tpu.memref_squeeze %dma_start3A_148 : memref<1x!tpu.dma_semaphore, #tpu.memory_space<semaphore_mem>> -> memref<!tpu.dma_semaphore, #tpu.memory_space<semaphore_mem>>
    tpu.enqueue_indirect_dma source(%dma_start3A_147 : memref<10240x128xf32, #tpu.memory_space<hbm>>) target(%dma_start3A_141 : memref<128x128xf32, #tpu.memory_space<vmem>>) offsets(%dma_start3A_144 : memref<128xi32, #tpu.memory_space<vmem>>) semaphore(%dma_start3A_149 : memref<!tpu.dma_semaphore, #tpu.memory_space<semaphore_mem>>)
    %add3A_150 = arith.constant 128 : i32
    %add3A_151 = arith.addi %add3A_9, %add3A_150 : i32
    %multiple_of3A_152 = tpu.assume_multiple %add3A_151, 8 : i32
    %add3A_153 = arith.constant 320000 : i32
    %add3A_154 = arith.addi %add3A_153, %add3A_9 : i32
    %add3A_155 = arith.constant 128 : i32
    %add3A_156 = arith.addi %add3A_154, %add3A_155 : i32
    %multiple_of3A_157 = tpu.assume_multiple %add3A_156, 8 : i32
    %dma_wait3A_158 = arith.constant 1 : i32
    %dma_wait3A_159 = arith.constant 1 : i32
    %dma_wait3A_160 = arith.constant 0 : i32
    %dma_wait3A_161 = tpu.memref_slice %arg6[%dma_wait3A_158, %dma_wait3A_160] : memref<3x128xi32, #tpu.memory_space<vmem>> -> memref<1x128xi32, #tpu.memory_space<vmem>>
    %dma_wait3A_162 = tpu.memref_squeeze %dma_wait3A_161 : memref<1x128xi32, #tpu.memory_space<vmem>> -> memref<128xi32, #tpu.memory_space<vmem>>
    %dma_wait3A_163 = tpu.memref_slice %arg3[%multiple_of3A_152] : memref<640000xi32, #tpu.memory_space<hbm>> -> memref<128xi32, #tpu.memory_space<hbm>>
    %dma_wait3A_164 = tpu.memref_slice %arg10[%dma_wait3A_159] : memref<4x!tpu.dma_semaphore, #tpu.memory_space<semaphore_mem>> -> memref<1x!tpu.dma_semaphore, #tpu.memory_space<semaphore_mem>>
    %dma_wait3A_165 = tpu.memref_squeeze %dma_wait3A_164 : memref<1x!tpu.dma_semaphore, #tpu.memory_space<semaphore_mem>> -> memref<!tpu.dma_semaphore, #tpu.memory_space<semaphore_mem>>
    %dma_wait3A_166 = arith.constant 0 : i32
    %dma_wait3A_167 = tpu.memref_slice %arg6[%dma_wait3A_158, %dma_wait3A_166] : memref<3x128xi32, #tpu.memory_space<vmem>> -> memref<1x128xi32, #tpu.memory_space<vmem>>
    %dma_wait3A_168 = tpu.memref_squeeze %dma_wait3A_167 : memref<1x128xi32, #tpu.memory_space<vmem>> -> memref<128xi32, #tpu.memory_space<vmem>>
    %dma_wait3A_169 = tpu.memref_slice %arg3[%multiple_of3A_152] : memref<640000xi32, #tpu.memory_space<hbm>> -> memref<128xi32, #tpu.memory_space<hbm>>
    tpu.wait_dma2 semaphore(%dma_wait3A_165 : memref<!tpu.dma_semaphore, #tpu.memory_space<semaphore_mem>>) src(%dma_wait3A_169 : memref<128xi32, #tpu.memory_space<hbm>>) dst(%dma_wait3A_168 : memref<128xi32, #tpu.memory_space<vmem>>)
    %dma_wait3A_170 = arith.constant 1 : i32
    %dma_wait3A_171 = arith.constant 1 : i32
    %dma_wait3A_172 = arith.constant 0 : i32
    %dma_wait3A_173 = tpu.memref_slice %arg7[%dma_wait3A_170, %dma_wait3A_172] : memref<4x128xi32, #tpu.memory_space<vmem>> -> memref<1x128xi32, #tpu.memory_space<vmem>>
    %dma_wait3A_174 = tpu.memref_squeeze %dma_wait3A_173 : memref<1x128xi32, #tpu.memory_space<vmem>> -> memref<128xi32, #tpu.memory_space<vmem>>
    %dma_wait3A_175 = tpu.memref_slice %arg3[%multiple_of3A_157] : memref<640000xi32, #tpu.memory_space<hbm>> -> memref<128xi32, #tpu.memory_space<hbm>>
    %dma_wait3A_176 = tpu.memref_slice %arg10[%dma_wait3A_171] : memref<4x!tpu.dma_semaphore, #tpu.memory_space<semaphore_mem>> -> memref<1x!tpu.dma_semaphore, #tpu.memory_space<semaphore_mem>>
    %dma_wait3A_177 = tpu.memref_squeeze %dma_wait3A_176 : memref<1x!tpu.dma_semaphore, #tpu.memory_space<semaphore_mem>> -> memref<!tpu.dma_semaphore, #tpu.memory_space<semaphore_mem>>
    %dma_wait3A_178 = arith.constant 0 : i32
    %dma_wait3A_179 = tpu.memref_slice %arg7[%dma_wait3A_170, %dma_wait3A_178] : memref<4x128xi32, #tpu.memory_space<vmem>> -> memref<1x128xi32, #tpu.memory_space<vmem>>
    %dma_wait3A_180 = tpu.memref_squeeze %dma_wait3A_179 : memref<1x128xi32, #tpu.memory_space<vmem>> -> memref<128xi32, #tpu.memory_space<vmem>>
    %dma_wait3A_181 = tpu.memref_slice %arg3[%multiple_of3A_157] : memref<640000xi32, #tpu.memory_space<hbm>> -> memref<128xi32, #tpu.memory_space<hbm>>
    tpu.wait_dma2 semaphore(%dma_wait3A_177 : memref<!tpu.dma_semaphore, #tpu.memory_space<semaphore_mem>>) src(%dma_wait3A_181 : memref<128xi32, #tpu.memory_space<hbm>>) dst(%dma_wait3A_180 : memref<128xi32, #tpu.memory_space<vmem>>)
    %dma_start3A_182 = arith.constant 1 : i32
    %dma_start3A_183 = arith.constant 1 : i32
    %dma_start3A_184 = arith.constant 1 : i32
    %dma_start3A_185 = arith.constant 0 : i32
    %dma_start3A_186 = arith.constant 0 : i32
    %dma_start3A_187 = tpu.memref_slice %arg8[%dma_start3A_183, %dma_start3A_185, %dma_start3A_186] : memref<3x128x128xf32, #tpu.memory_space<vmem>> -> memref<1x128x128xf32, #tpu.memory_space<vmem>>
    %dma_start3A_188 = tpu.memref_squeeze %dma_start3A_187 : memref<1x128x128xf32, #tpu.memory_space<vmem>> -> memref<128x128xf32, #tpu.memory_space<vmem>>
    %dma_start3A_189 = arith.constant 0 : i32
    %dma_start3A_190 = tpu.memref_slice %arg6[%dma_start3A_182, %dma_start3A_189] : memref<3x128xi32, #tpu.memory_space<vmem>> -> memref<1x128xi32, #tpu.memory_space<vmem>>
    %dma_start3A_191 = tpu.memref_squeeze %dma_start3A_190 : memref<1x128xi32, #tpu.memory_space<vmem>> -> memref<128xi32, #tpu.memory_space<vmem>>
    %dma_start3A_192 = arith.constant 0 : i32
    %dma_start3A_193 = arith.constant 0 : i32
    %dma_start3A_194 = tpu.memref_slice %arg2[%dma_start3A_192, %dma_start3A_193] : memref<10240x128xf32, #tpu.memory_space<hbm>> -> memref<10240x128xf32, #tpu.memory_space<hbm>>
    %dma_start3A_195 = tpu.memref_slice %arg11[%dma_start3A_184] : memref<3x!tpu.dma_semaphore, #tpu.memory_space<semaphore_mem>> -> memref<1x!tpu.dma_semaphore, #tpu.memory_space<semaphore_mem>>
    %dma_start3A_196 = tpu.memref_squeeze %dma_start3A_195 : memref<1x!tpu.dma_semaphore, #tpu.memory_space<semaphore_mem>> -> memref<!tpu.dma_semaphore, #tpu.memory_space<semaphore_mem>>
    tpu.enqueue_indirect_dma source(%dma_start3A_194 : memref<10240x128xf32, #tpu.memory_space<hbm>>) target(%dma_start3A_188 : memref<128x128xf32, #tpu.memory_space<vmem>>) offsets(%dma_start3A_191 : memref<128xi32, #tpu.memory_space<vmem>>) semaphore(%dma_start3A_196 : memref<!tpu.dma_semaphore, #tpu.memory_space<semaphore_mem>>)
    %mul3A_197 = arith.constant 632 : i32
    %mul3A_198 = arith.muli %arg1, %mul3A_197 : i32
    %mul3A_199 = arith.constant 632 : i32
    %mul3A_200 = arith.muli %arg1, %mul3A_199 : i32
    "tpu.region"() ({
      %run_scoped3A = tpu.sem_alloc : memref<!tpu.dma_semaphore, #tpu.memory_space<semaphore_mem>>
      %dma_start3A_239 = arith.constant 0 : i32
      %dma_start3A_240 = tpu.memref_slice %arg9[%mul3A_200, %dma_start3A_239] : memref<10112x128xf32, #tpu.memory_space<vmem_shared>> -> memref<632x128xf32, #tpu.memory_space<vmem_shared>>
      %dma_start3A_241 = arith.constant 0 : i32
      %dma_start3A_242 = tpu.memref_slice %arg4[%mul3A_198, %dma_start3A_241] : memref<10112x128xf32, #tpu.memory_space<hbm>> -> memref<632x128xf32, #tpu.memory_space<hbm>>
      tpu.enqueue_dma source(%dma_start3A_242 : memref<632x128xf32, #tpu.memory_space<hbm>>) target(%dma_start3A_240 : memref<632x128xf32, #tpu.memory_space<vmem_shared>>) target_semaphore(%run_scoped3A : memref<!tpu.dma_semaphore, #tpu.memory_space<semaphore_mem>>)
      %dma_wait3A_243 = arith.constant 0 : i32
      %dma_wait3A_244 = tpu.memref_slice %arg9[%mul3A_200, %dma_wait3A_243] : memref<10112x128xf32, #tpu.memory_space<vmem_shared>> -> memref<632x128xf32, #tpu.memory_space<vmem_shared>>
      %dma_wait3A_245 = arith.constant 0 : i32
      %dma_wait3A_246 = tpu.memref_slice %arg4[%mul3A_198, %dma_wait3A_245] : memref<10112x128xf32, #tpu.memory_space<hbm>> -> memref<632x128xf32, #tpu.memory_space<hbm>>
      tpu.wait_dma2 semaphore(%run_scoped3A : memref<!tpu.dma_semaphore, #tpu.memory_space<semaphore_mem>>) src(%dma_wait3A_246 : memref<632x128xf32, #tpu.memory_space<hbm>>) dst(%dma_wait3A_244 : memref<632x128xf32, #tpu.memory_space<vmem_shared>>)
      tpu.yield
    }) : () -> ()
    %barrier3A = arith.constant 0 : index
    tpu.barrier barrier_id(%barrier3A)
    %while3A = arith.constant 0 : i32
    %while3A_201 = arith.constant 0 : i32
    %while3A_202 = arith.subi %add3A_1, %while3A : i32
    %while3A_203 = arith.addi %while3A, %while3A_202 : i32
    %while3A_204 = arith.constant 1 : i32
    %while3A_205 = arith.divsi %while3A_202, %while3A_204 : i32
    %while3A_206 = arith.muli %while3A_205, %while3A_204 : i32
    %while3A_207 = arith.addi %while3A, %while3A_206 : i32
    %while3A_208 = arith.constant 1 : i32
    %while3A_209 = scf.for %while3A_239 = %while3A to %while3A_207 step %while3A_208 iter_args(%while3A_240 = %while3A_201) -> (i32)  : i32 {
      %rem3A_241 = arith.constant 3 : i32
      %rem3A_242 = arith.remsi %while3A_239, %rem3A_241 : i32
      %rem3A_243 = arith.constant 4 : i32
      %rem3A_244 = arith.remsi %while3A_239, %rem3A_243 : i32
      %dma_wait3A_245 = arith.constant 0 : i32
      %dma_wait3A_246 = arith.constant 0 : i32
      %dma_wait3A_247 = tpu.memref_slice %arg8[%rem3A_242, %dma_wait3A_245, %dma_wait3A_246] : memref<3x128x128xf32, #tpu.memory_space<vmem>> -> memref<1x128x128xf32, #tpu.memory_space<vmem>>
      %dma_wait3A_248 = tpu.memref_squeeze %dma_wait3A_247 : memref<1x128x128xf32, #tpu.memory_space<vmem>> -> memref<128x128xf32, #tpu.memory_space<vmem>>
      %dma_wait3A_249 = arith.constant 0 : i32
      %dma_wait3A_250 = tpu.memref_slice %arg6[%rem3A_242, %dma_wait3A_249] : memref<3x128xi32, #tpu.memory_space<vmem>> -> memref<1x128xi32, #tpu.memory_space<vmem>>
      %dma_wait3A_251 = tpu.memref_squeeze %dma_wait3A_250 : memref<1x128xi32, #tpu.memory_space<vmem>> -> memref<128xi32, #tpu.memory_space<vmem>>
      %dma_wait3A_252 = arith.constant 0 : i32
      %dma_wait3A_253 = arith.constant 0 : i32
      %dma_wait3A_254 = tpu.memref_slice %arg2[%dma_wait3A_252, %dma_wait3A_253] : memref<10240x128xf32, #tpu.memory_space<hbm>> -> memref<10240x128xf32, #tpu.memory_space<hbm>>
      %dma_wait3A_255 = tpu.memref_slice %arg11[%rem3A_242] : memref<3x!tpu.dma_semaphore, #tpu.memory_space<semaphore_mem>> -> memref<1x!tpu.dma_semaphore, #tpu.memory_space<semaphore_mem>>
      %dma_wait3A_256 = tpu.memref_squeeze %dma_wait3A_255 : memref<1x!tpu.dma_semaphore, #tpu.memory_space<semaphore_mem>> -> memref<!tpu.dma_semaphore, #tpu.memory_space<semaphore_mem>>
      tpu.wait_indirect_dma semaphore(%dma_wait3A_256 : memref<!tpu.dma_semaphore, #tpu.memory_space<semaphore_mem>>) src(%dma_wait3A_254 : memref<10240x128xf32, #tpu.memory_space<hbm>>) dst(%dma_wait3A_248 : memref<128x128xf32, #tpu.memory_space<vmem>>)
      %gt3A = arith.constant 0 : i32
      %gt3A_257 = arith.cmpi sgt, %while3A_239, %gt3A : i32
      %convert_element_type3A_258 = arith.extui %gt3A_257 : i1 to i32
      %cond3A = arith.constant 0 : i32
      %cond3A_259 = arith.cmpi ne, %convert_element_type3A_258, %cond3A : i32
      scf.if %cond3A_259 {
        %add3A_285 = arith.constant 3 : i32
        %add3A_286 = arith.addi %while3A_239, %add3A_285 : i32
        %sub3A_287 = arith.constant 1 : i32
        %sub3A_288 = arith.subi %add3A_286, %sub3A_287 : i32
        %rem3A_289 = arith.constant 3 : i32
        %rem3A_290 = arith.remsi %sub3A_288, %rem3A_289 : i32
        %add3A_291 = arith.constant 4 : i32
        %add3A_292 = arith.addi %while3A_239, %add3A_291 : i32
        %sub3A_293 = arith.constant 1 : i32
        %sub3A_294 = arith.subi %add3A_292, %sub3A_293 : i32
        %rem3A_295 = arith.constant 4 : i32
        %rem3A_296 = arith.remsi %sub3A_294, %rem3A_295 : i32
        %dma_wait3A_297 = arith.constant 0 : i32
        %dma_wait3A_298 = arith.constant 0 : i32
        %dma_wait3A_299 = tpu.memref_slice %arg8[%rem3A_290, %dma_wait3A_297, %dma_wait3A_298] : memref<3x128x128xf32, #tpu.memory_space<vmem>> -> memref<1x128x128xf32, #tpu.memory_space<vmem>>
        %dma_wait3A_300 = tpu.memref_squeeze %dma_wait3A_299 : memref<1x128x128xf32, #tpu.memory_space<vmem>> -> memref<128x128xf32, #tpu.memory_space<vmem>>
        %dma_wait3A_301 = arith.constant 0 : i32
        %dma_wait3A_302 = tpu.memref_slice %arg7[%rem3A_296, %dma_wait3A_301] : memref<4x128xi32, #tpu.memory_space<vmem>> -> memref<1x128xi32, #tpu.memory_space<vmem>>
        %dma_wait3A_303 = tpu.memref_squeeze %dma_wait3A_302 : memref<1x128xi32, #tpu.memory_space<vmem>> -> memref<128xi32, #tpu.memory_space<vmem>>
        %dma_wait3A_304 = arith.constant 0 : i32
        %dma_wait3A_305 = arith.constant 0 : i32
        %dma_wait3A_306 = tpu.memref_slice %arg9[%dma_wait3A_304, %dma_wait3A_305] : memref<10112x128xf32, #tpu.memory_space<vmem_shared>> -> memref<10112x128xf32, #tpu.memory_space<vmem_shared>>
        %dma_wait3A_307 = tpu.memref_slice %arg12[%rem3A_290] : memref<3x!tpu.dma_semaphore, #tpu.memory_space<semaphore_mem>> -> memref<1x!tpu.dma_semaphore, #tpu.memory_space<semaphore_mem>>
        %dma_wait3A_308 = tpu.memref_squeeze %dma_wait3A_307 : memref<1x!tpu.dma_semaphore, #tpu.memory_space<semaphore_mem>> -> memref<!tpu.dma_semaphore, #tpu.memory_space<semaphore_mem>>
        tpu.wait_indirect_dma semaphore(%dma_wait3A_308 : memref<!tpu.dma_semaphore, #tpu.memory_space<semaphore_mem>>) src(%dma_wait3A_300 : memref<128x128xf32, #tpu.memory_space<vmem>>) dst(%dma_wait3A_306 : memref<10112x128xf32, #tpu.memory_space<vmem_shared>>)
      } else {
      }
      %dma_start3A_260 = arith.constant 0 : i32
      %dma_start3A_261 = arith.constant 0 : i32
      %dma_start3A_262 = tpu.memref_slice %arg8[%rem3A_242, %dma_start3A_260, %dma_start3A_261] : memref<3x128x128xf32, #tpu.memory_space<vmem>> -> memref<1x128x128xf32, #tpu.memory_space<vmem>>
      %dma_start3A_263 = tpu.memref_squeeze %dma_start3A_262 : memref<1x128x128xf32, #tpu.memory_space<vmem>> -> memref<128x128xf32, #tpu.memory_space<vmem>>
      %dma_start3A_264 = arith.constant 0 : i32
      %dma_start3A_265 = tpu.memref_slice %arg7[%rem3A_244, %dma_start3A_264] : memref<4x128xi32, #tpu.memory_space<vmem>> -> memref<1x128xi32, #tpu.memory_space<vmem>>
      %dma_start3A_266 = tpu.memref_squeeze %dma_start3A_265 : memref<1x128xi32, #tpu.memory_space<vmem>> -> memref<128xi32, #tpu.memory_space<vmem>>
      %dma_start3A_267 = arith.constant 0 : i32
      %dma_start3A_268 = arith.constant 0 : i32
      %dma_start3A_269 = tpu.memref_slice %arg9[%dma_start3A_267, %dma_start3A_268] : memref<10112x128xf32, #tpu.memory_space<vmem_shared>> -> memref<10112x128xf32, #tpu.memory_space<vmem_shared>>
      %dma_start3A_270 = tpu.memref_slice %arg12[%rem3A_242] : memref<3x!tpu.dma_semaphore, #tpu.memory_space<semaphore_mem>> -> memref<1x!tpu.dma_semaphore, #tpu.memory_space<semaphore_mem>>
      %dma_start3A_271 = tpu.memref_squeeze %dma_start3A_270 : memref<1x!tpu.dma_semaphore, #tpu.memory_space<semaphore_mem>> -> memref<!tpu.dma_semaphore, #tpu.memory_space<semaphore_mem>>
      tpu.enqueue_indirect_dma source(%dma_start3A_263 : memref<128x128xf32, #tpu.memory_space<vmem>>) target(%dma_start3A_269 : memref<10112x128xf32, #tpu.memory_space<vmem_shared>>) offsets(%dma_start3A_266 : memref<128xi32, #tpu.memory_space<vmem>>) semaphore(%dma_start3A_271 : memref<!tpu.dma_semaphore, #tpu.memory_space<semaphore_mem>>) {add = true}
      %add3A_272 = arith.constant 3 : i32
      %add3A_273 = arith.addi %while3A_239, %add3A_272 : i32
      %lt3A_274 = arith.cmpi slt, %add3A_273, %add3A_1 : i32
      %convert_element_type3A_275 = arith.extui %lt3A_274 : i1 to i32
      %cond3A_276 = arith.constant 0 : i32
      %cond3A_277 = arith.cmpi ne, %convert_element_type3A_275, %cond3A_276 : i32
      scf.if %cond3A_277 {
        %add3A_285 = arith.constant 3 : i32
        %add3A_286 = arith.addi %while3A_239, %add3A_285 : i32
        %add3A_287 = arith.constant 3 : i32
        %add3A_288 = arith.addi %while3A_239, %add3A_287 : i32
        %rem3A_289 = arith.constant 4 : i32
        %rem3A_290 = arith.remsi %add3A_288, %rem3A_289 : i32
        %mul3A_291 = arith.constant 128 : i32
        %mul3A_292 = arith.muli %add3A_286, %mul3A_291 : i32
        %add3A_293 = arith.addi %add3A_9, %mul3A_292 : i32
        %multiple_of3A_294 = tpu.assume_multiple %add3A_293, 8 : i32
        %add3A_295 = arith.constant 320000 : i32
        %add3A_296 = arith.addi %add3A_295, %add3A_9 : i32
        %mul3A_297 = arith.constant 128 : i32
        %mul3A_298 = arith.muli %add3A_286, %mul3A_297 : i32
        %add3A_299 = arith.addi %add3A_296, %mul3A_298 : i32
        %multiple_of3A_300 = tpu.assume_multiple %add3A_299, 8 : i32
        %dma_start3A_301 = arith.constant 0 : i32
        %dma_start3A_302 = tpu.memref_slice %arg6[%rem3A_242, %dma_start3A_301] : memref<3x128xi32, #tpu.memory_space<vmem>> -> memref<1x128xi32, #tpu.memory_space<vmem>>
        %dma_start3A_303 = tpu.memref_squeeze %dma_start3A_302 : memref<1x128xi32, #tpu.memory_space<vmem>> -> memref<128xi32, #tpu.memory_space<vmem>>
        %dma_start3A_304 = tpu.memref_slice %arg3[%multiple_of3A_294] : memref<640000xi32, #tpu.memory_space<hbm>> -> memref<128xi32, #tpu.memory_space<hbm>>
        %dma_start3A_305 = tpu.memref_slice %arg10[%rem3A_290] : memref<4x!tpu.dma_semaphore, #tpu.memory_space<semaphore_mem>> -> memref<1x!tpu.dma_semaphore, #tpu.memory_space<semaphore_mem>>
        %dma_start3A_306 = tpu.memref_squeeze %dma_start3A_305 : memref<1x!tpu.dma_semaphore, #tpu.memory_space<semaphore_mem>> -> memref<!tpu.dma_semaphore, #tpu.memory_space<semaphore_mem>>
        %dma_start3A_307 = arith.constant 0 : i32
        %dma_start3A_308 = tpu.memref_slice %arg6[%rem3A_242, %dma_start3A_307] : memref<3x128xi32, #tpu.memory_space<vmem>> -> memref<1x128xi32, #tpu.memory_space<vmem>>
        %dma_start3A_309 = tpu.memref_squeeze %dma_start3A_308 : memref<1x128xi32, #tpu.memory_space<vmem>> -> memref<128xi32, #tpu.memory_space<vmem>>
        %dma_start3A_310 = tpu.memref_slice %arg3[%multiple_of3A_294] : memref<640000xi32, #tpu.memory_space<hbm>> -> memref<128xi32, #tpu.memory_space<hbm>>
        tpu.enqueue_dma source(%dma_start3A_310 : memref<128xi32, #tpu.memory_space<hbm>>) target(%dma_start3A_309 : memref<128xi32, #tpu.memory_space<vmem>>) target_semaphore(%dma_start3A_306 : memref<!tpu.dma_semaphore, #tpu.memory_space<semaphore_mem>>)
        %dma_start3A_311 = arith.constant 0 : i32
        %dma_start3A_312 = tpu.memref_slice %arg7[%rem3A_290, %dma_start3A_311] : memref<4x128xi32, #tpu.memory_space<vmem>> -> memref<1x128xi32, #tpu.memory_space<vmem>>
        %dma_start3A_313 = tpu.memref_squeeze %dma_start3A_312 : memref<1x128xi32, #tpu.memory_space<vmem>> -> memref<128xi32, #tpu.memory_space<vmem>>
        %dma_start3A_314 = tpu.memref_slice %arg3[%multiple_of3A_300] : memref<640000xi32, #tpu.memory_space<hbm>> -> memref<128xi32, #tpu.memory_space<hbm>>
        %dma_start3A_315 = tpu.memref_slice %arg10[%rem3A_290] : memref<4x!tpu.dma_semaphore, #tpu.memory_space<semaphore_mem>> -> memref<1x!tpu.dma_semaphore, #tpu.memory_space<semaphore_mem>>
        %dma_start3A_316 = tpu.memref_squeeze %dma_start3A_315 : memref<1x!tpu.dma_semaphore, #tpu.memory_space<semaphore_mem>> -> memref<!tpu.dma_semaphore, #tpu.memory_space<semaphore_mem>>
        %dma_start3A_317 = arith.constant 0 : i32
        %dma_start3A_318 = tpu.memref_slice %arg7[%rem3A_290, %dma_start3A_317] : memref<4x128xi32, #tpu.memory_space<vmem>> -> memref<1x128xi32, #tpu.memory_space<vmem>>
        %dma_start3A_319 = tpu.memref_squeeze %dma_start3A_318 : memref<1x128xi32, #tpu.memory_space<vmem>> -> memref<128xi32, #tpu.memory_space<vmem>>
        %dma_start3A_320 = tpu.memref_slice %arg3[%multiple_of3A_300] : memref<640000xi32, #tpu.memory_space<hbm>> -> memref<128xi32, #tpu.memory_space<hbm>>
        tpu.enqueue_dma source(%dma_start3A_320 : memref<128xi32, #tpu.memory_space<hbm>>) target(%dma_start3A_319 : memref<128xi32, #tpu.memory_space<vmem>>) target_semaphore(%dma_start3A_316 : memref<!tpu.dma_semaphore, #tpu.memory_space<semaphore_mem>>)
      } else {
      }
      %add3A_278 = arith.constant 2 : i32
      %add3A_279 = arith.addi %while3A_239, %add3A_278 : i32
      %lt3A_280 = arith.cmpi slt, %add3A_279, %add3A_1 : i32
      %convert_element_type3A_281 = arith.extui %lt3A_280 : i1 to i32
      %cond3A_282 = arith.constant 0 : i32
      %cond3A_283 = arith.cmpi ne, %convert_element_type3A_281, %cond3A_282 : i32
      scf.if %cond3A_283 {
        %add3A_285 = arith.constant 2 : i32
        %add3A_286 = arith.addi %while3A_239, %add3A_285 : i32
        %rem3A_287 = arith.constant 3 : i32
        %rem3A_288 = arith.remsi %add3A_286, %rem3A_287 : i32
        %add3A_289 = arith.constant 2 : i32
        %add3A_290 = arith.addi %while3A_239, %add3A_289 : i32
        %add3A_291 = arith.constant 2 : i32
        %add3A_292 = arith.addi %while3A_239, %add3A_291 : i32
        %rem3A_293 = arith.constant 4 : i32
        %rem3A_294 = arith.remsi %add3A_292, %rem3A_293 : i32
        %mul3A_295 = arith.constant 128 : i32
        %mul3A_296 = arith.muli %add3A_290, %mul3A_295 : i32
        %add3A_297 = arith.addi %add3A_9, %mul3A_296 : i32
        %multiple_of3A_298 = tpu.assume_multiple %add3A_297, 8 : i32
        %add3A_299 = arith.constant 320000 : i32
        %add3A_300 = arith.addi %add3A_299, %add3A_9 : i32
        %mul3A_301 = arith.constant 128 : i32
        %mul3A_302 = arith.muli %add3A_290, %mul3A_301 : i32
        %add3A_303 = arith.addi %add3A_300, %mul3A_302 : i32
        %multiple_of3A_304 = tpu.assume_multiple %add3A_303, 8 : i32
        %dma_wait3A_305 = arith.constant 0 : i32
        %dma_wait3A_306 = tpu.memref_slice %arg6[%rem3A_288, %dma_wait3A_305] : memref<3x128xi32, #tpu.memory_space<vmem>> -> memref<1x128xi32, #tpu.memory_space<vmem>>
        %dma_wait3A_307 = tpu.memref_squeeze %dma_wait3A_306 : memref<1x128xi32, #tpu.memory_space<vmem>> -> memref<128xi32, #tpu.memory_space<vmem>>
        %dma_wait3A_308 = tpu.memref_slice %arg3[%multiple_of3A_298] : memref<640000xi32, #tpu.memory_space<hbm>> -> memref<128xi32, #tpu.memory_space<hbm>>
        %dma_wait3A_309 = tpu.memref_slice %arg10[%rem3A_294] : memref<4x!tpu.dma_semaphore, #tpu.memory_space<semaphore_mem>> -> memref<1x!tpu.dma_semaphore, #tpu.memory_space<semaphore_mem>>
        %dma_wait3A_310 = tpu.memref_squeeze %dma_wait3A_309 : memref<1x!tpu.dma_semaphore, #tpu.memory_space<semaphore_mem>> -> memref<!tpu.dma_semaphore, #tpu.memory_space<semaphore_mem>>
        %dma_wait3A_311 = arith.constant 0 : i32
        %dma_wait3A_312 = tpu.memref_slice %arg6[%rem3A_288, %dma_wait3A_311] : memref<3x128xi32, #tpu.memory_space<vmem>> -> memref<1x128xi32, #tpu.memory_space<vmem>>
        %dma_wait3A_313 = tpu.memref_squeeze %dma_wait3A_312 : memref<1x128xi32, #tpu.memory_space<vmem>> -> memref<128xi32, #tpu.memory_space<vmem>>
        %dma_wait3A_314 = tpu.memref_slice %arg3[%multiple_of3A_298] : memref<640000xi32, #tpu.memory_space<hbm>> -> memref<128xi32, #tpu.memory_space<hbm>>
        tpu.wait_dma2 semaphore(%dma_wait3A_310 : memref<!tpu.dma_semaphore, #tpu.memory_space<semaphore_mem>>) src(%dma_wait3A_314 : memref<128xi32, #tpu.memory_space<hbm>>) dst(%dma_wait3A_313 : memref<128xi32, #tpu.memory_space<vmem>>)
        %dma_wait3A_315 = arith.constant 0 : i32
        %dma_wait3A_316 = tpu.memref_slice %arg7[%rem3A_294, %dma_wait3A_315] : memref<4x128xi32, #tpu.memory_space<vmem>> -> memref<1x128xi32, #tpu.memory_space<vmem>>
        %dma_wait3A_317 = tpu.memref_squeeze %dma_wait3A_316 : memref<1x128xi32, #tpu.memory_space<vmem>> -> memref<128xi32, #tpu.memory_space<vmem>>
        %dma_wait3A_318 = tpu.memref_slice %arg3[%multiple_of3A_304] : memref<640000xi32, #tpu.memory_space<hbm>> -> memref<128xi32, #tpu.memory_space<hbm>>
        %dma_wait3A_319 = tpu.memref_slice %arg10[%rem3A_294] : memref<4x!tpu.dma_semaphore, #tpu.memory_space<semaphore_mem>> -> memref<1x!tpu.dma_semaphore, #tpu.memory_space<semaphore_mem>>
        %dma_wait3A_320 = tpu.memref_squeeze %dma_wait3A_319 : memref<1x!tpu.dma_semaphore, #tpu.memory_space<semaphore_mem>> -> memref<!tpu.dma_semaphore, #tpu.memory_space<semaphore_mem>>
        %dma_wait3A_321 = arith.constant 0 : i32
        %dma_wait3A_322 = tpu.memref_slice %arg7[%rem3A_294, %dma_wait3A_321] : memref<4x128xi32, #tpu.memory_space<vmem>> -> memref<1x128xi32, #tpu.memory_space<vmem>>
        %dma_wait3A_323 = tpu.memref_squeeze %dma_wait3A_322 : memref<1x128xi32, #tpu.memory_space<vmem>> -> memref<128xi32, #tpu.memory_space<vmem>>
        %dma_wait3A_324 = tpu.memref_slice %arg3[%multiple_of3A_304] : memref<640000xi32, #tpu.memory_space<hbm>> -> memref<128xi32, #tpu.memory_space<hbm>>
        tpu.wait_dma2 semaphore(%dma_wait3A_320 : memref<!tpu.dma_semaphore, #tpu.memory_space<semaphore_mem>>) src(%dma_wait3A_324 : memref<128xi32, #tpu.memory_space<hbm>>) dst(%dma_wait3A_323 : memref<128xi32, #tpu.memory_space<vmem>>)
        %dma_start3A_325 = arith.constant 0 : i32
        %dma_start3A_326 = arith.constant 0 : i32
        %dma_start3A_327 = tpu.memref_slice %arg8[%rem3A_288, %dma_start3A_325, %dma_start3A_326] : memref<3x128x128xf32, #tpu.memory_space<vmem>> -> memref<1x128x128xf32, #tpu.memory_space<vmem>>
        %dma_start3A_328 = tpu.memref_squeeze %dma_start3A_327 : memref<1x128x128xf32, #tpu.memory_space<vmem>> -> memref<128x128xf32, #tpu.memory_space<vmem>>
        %dma_start3A_329 = arith.constant 0 : i32
        %dma_start3A_330 = tpu.memref_slice %arg6[%rem3A_288, %dma_start3A_329] : memref<3x128xi32, #tpu.memory_space<vmem>> -> memref<1x128xi32, #tpu.memory_space<vmem>>
        %dma_start3A_331 = tpu.memref_squeeze %dma_start3A_330 : memref<1x128xi32, #tpu.memory_space<vmem>> -> memref<128xi32, #tpu.memory_space<vmem>>
        %dma_start3A_332 = arith.constant 0 : i32
        %dma_start3A_333 = arith.constant 0 : i32
        %dma_start3A_334 = tpu.memref_slice %arg2[%dma_start3A_332, %dma_start3A_333] : memref<10240x128xf32, #tpu.memory_space<hbm>> -> memref<10240x128xf32, #tpu.memory_space<hbm>>
        %dma_start3A_335 = tpu.memref_slice %arg11[%rem3A_288] : memref<3x!tpu.dma_semaphore, #tpu.memory_space<semaphore_mem>> -> memref<1x!tpu.dma_semaphore, #tpu.memory_space<semaphore_mem>>
        %dma_start3A_336 = tpu.memref_squeeze %dma_start3A_335 : memref<1x!tpu.dma_semaphore, #tpu.memory_space<semaphore_mem>> -> memref<!tpu.dma_semaphore, #tpu.memory_space<semaphore_mem>>
        tpu.enqueue_indirect_dma source(%dma_start3A_334 : memref<10240x128xf32, #tpu.memory_space<hbm>>) target(%dma_start3A_328 : memref<128x128xf32, #tpu.memory_space<vmem>>) offsets(%dma_start3A_331 : memref<128xi32, #tpu.memory_space<vmem>>) semaphore(%dma_start3A_336 : memref<!tpu.dma_semaphore, #tpu.memory_space<semaphore_mem>>)
      } else {
      }
      %while3A_284 = arith.constant 0 : i32
      scf.yield %while3A_284 : i32
    }
    %while3A_210 = arith.constant 1 : i32
    %while3A_211 = scf.for %while3A_239 = %while3A_207 to %while3A_203 step %while3A_210 iter_args(%while3A_240 = %while3A_209) -> (i32)  : i32 {
      %rem3A_241 = arith.constant 3 : i32
      %rem3A_242 = arith.remsi %while3A_239, %rem3A_241 : i32
      %rem3A_243 = arith.constant 4 : i32
      %rem3A_244 = arith.remsi %while3A_239, %rem3A_243 : i32
      %dma_wait3A_245 = arith.constant 0 : i32
      %dma_wait3A_246 = arith.constant 0 : i32
      %dma_wait3A_247 = tpu.memref_slice %arg8[%rem3A_242, %dma_wait3A_245, %dma_wait3A_246] : memref<3x128x128xf32, #tpu.memory_space<vmem>> -> memref<1x128x128xf32, #tpu.memory_space<vmem>>
      %dma_wait3A_248 = tpu.memref_squeeze %dma_wait3A_247 : memref<1x128x128xf32, #tpu.memory_space<vmem>> -> memref<128x128xf32, #tpu.memory_space<vmem>>
      %dma_wait3A_249 = arith.constant 0 : i32
      %dma_wait3A_250 = tpu.memref_slice %arg6[%rem3A_242, %dma_wait3A_249] : memref<3x128xi32, #tpu.memory_space<vmem>> -> memref<1x128xi32, #tpu.memory_space<vmem>>
      %dma_wait3A_251 = tpu.memref_squeeze %dma_wait3A_250 : memref<1x128xi32, #tpu.memory_space<vmem>> -> memref<128xi32, #tpu.memory_space<vmem>>
      %dma_wait3A_252 = arith.constant 0 : i32
      %dma_wait3A_253 = arith.constant 0 : i32
      %dma_wait3A_254 = tpu.memref_slice %arg2[%dma_wait3A_252, %dma_wait3A_253] : memref<10240x128xf32, #tpu.memory_space<hbm>> -> memref<10240x128xf32, #tpu.memory_space<hbm>>
      %dma_wait3A_255 = tpu.memref_slice %arg11[%rem3A_242] : memref<3x!tpu.dma_semaphore, #tpu.memory_space<semaphore_mem>> -> memref<1x!tpu.dma_semaphore, #tpu.memory_space<semaphore_mem>>
      %dma_wait3A_256 = tpu.memref_squeeze %dma_wait3A_255 : memref<1x!tpu.dma_semaphore, #tpu.memory_space<semaphore_mem>> -> memref<!tpu.dma_semaphore, #tpu.memory_space<semaphore_mem>>
      tpu.wait_indirect_dma semaphore(%dma_wait3A_256 : memref<!tpu.dma_semaphore, #tpu.memory_space<semaphore_mem>>) src(%dma_wait3A_254 : memref<10240x128xf32, #tpu.memory_space<hbm>>) dst(%dma_wait3A_248 : memref<128x128xf32, #tpu.memory_space<vmem>>)
      %gt3A = arith.constant 0 : i32
      %gt3A_257 = arith.cmpi sgt, %while3A_239, %gt3A : i32
      %convert_element_type3A_258 = arith.extui %gt3A_257 : i1 to i32
      %cond3A = arith.constant 0 : i32
      %cond3A_259 = arith.cmpi ne, %convert_element_type3A_258, %cond3A : i32
      scf.if %cond3A_259 {
        %add3A_285 = arith.constant 3 : i32
        %add3A_286 = arith.addi %while3A_239, %add3A_285 : i32
        %sub3A_287 = arith.constant 1 : i32
        %sub3A_288 = arith.subi %add3A_286, %sub3A_287 : i32
        %rem3A_289 = arith.constant 3 : i32
        %rem3A_290 = arith.remsi %sub3A_288, %rem3A_289 : i32
        %add3A_291 = arith.constant 4 : i32
        %add3A_292 = arith.addi %while3A_239, %add3A_291 : i32
        %sub3A_293 = arith.constant 1 : i32
        %sub3A_294 = arith.subi %add3A_292, %sub3A_293 : i32
        %rem3A_295 = arith.constant 4 : i32
        %rem3A_296 = arith.remsi %sub3A_294, %rem3A_295 : i32
        %dma_wait3A_297 = arith.constant 0 : i32
        %dma_wait3A_298 = arith.constant 0 : i32
        %dma_wait3A_299 = tpu.memref_slice %arg8[%rem3A_290, %dma_wait3A_297, %dma_wait3A_298] : memref<3x128x128xf32, #tpu.memory_space<vmem>> -> memref<1x128x128xf32, #tpu.memory_space<vmem>>
        %dma_wait3A_300 = tpu.memref_squeeze %dma_wait3A_299 : memref<1x128x128xf32, #tpu.memory_space<vmem>> -> memref<128x128xf32, #tpu.memory_space<vmem>>
        %dma_wait3A_301 = arith.constant 0 : i32
        %dma_wait3A_302 = tpu.memref_slice %arg7[%rem3A_296, %dma_wait3A_301] : memref<4x128xi32, #tpu.memory_space<vmem>> -> memref<1x128xi32, #tpu.memory_space<vmem>>
        %dma_wait3A_303 = tpu.memref_squeeze %dma_wait3A_302 : memref<1x128xi32, #tpu.memory_space<vmem>> -> memref<128xi32, #tpu.memory_space<vmem>>
        %dma_wait3A_304 = arith.constant 0 : i32
        %dma_wait3A_305 = arith.constant 0 : i32
        %dma_wait3A_306 = tpu.memref_slice %arg9[%dma_wait3A_304, %dma_wait3A_305] : memref<10112x128xf32, #tpu.memory_space<vmem_shared>> -> memref<10112x128xf32, #tpu.memory_space<vmem_shared>>
        %dma_wait3A_307 = tpu.memref_slice %arg12[%rem3A_290] : memref<3x!tpu.dma_semaphore, #tpu.memory_space<semaphore_mem>> -> memref<1x!tpu.dma_semaphore, #tpu.memory_space<semaphore_mem>>
        %dma_wait3A_308 = tpu.memref_squeeze %dma_wait3A_307 : memref<1x!tpu.dma_semaphore, #tpu.memory_space<semaphore_mem>> -> memref<!tpu.dma_semaphore, #tpu.memory_space<semaphore_mem>>
        tpu.wait_indirect_dma semaphore(%dma_wait3A_308 : memref<!tpu.dma_semaphore, #tpu.memory_space<semaphore_mem>>) src(%dma_wait3A_300 : memref<128x128xf32, #tpu.memory_space<vmem>>) dst(%dma_wait3A_306 : memref<10112x128xf32, #tpu.memory_space<vmem_shared>>)
      } else {
      }
      %dma_start3A_260 = arith.constant 0 : i32
      %dma_start3A_261 = arith.constant 0 : i32
      %dma_start3A_262 = tpu.memref_slice %arg8[%rem3A_242, %dma_start3A_260, %dma_start3A_261] : memref<3x128x128xf32, #tpu.memory_space<vmem>> -> memref<1x128x128xf32, #tpu.memory_space<vmem>>
      %dma_start3A_263 = tpu.memref_squeeze %dma_start3A_262 : memref<1x128x128xf32, #tpu.memory_space<vmem>> -> memref<128x128xf32, #tpu.memory_space<vmem>>
      %dma_start3A_264 = arith.constant 0 : i32
      %dma_start3A_265 = tpu.memref_slice %arg7[%rem3A_244, %dma_start3A_264] : memref<4x128xi32, #tpu.memory_space<vmem>> -> memref<1x128xi32, #tpu.memory_space<vmem>>
      %dma_start3A_266 = tpu.memref_squeeze %dma_start3A_265 : memref<1x128xi32, #tpu.memory_space<vmem>> -> memref<128xi32, #tpu.memory_space<vmem>>
      %dma_start3A_267 = arith.constant 0 : i32
      %dma_start3A_268 = arith.constant 0 : i32
      %dma_start3A_269 = tpu.memref_slice %arg9[%dma_start3A_267, %dma_start3A_268] : memref<10112x128xf32, #tpu.memory_space<vmem_shared>> -> memref<10112x128xf32, #tpu.memory_space<vmem_shared>>
      %dma_start3A_270 = tpu.memref_slice %arg12[%rem3A_242] : memref<3x!tpu.dma_semaphore, #tpu.memory_space<semaphore_mem>> -> memref<1x!tpu.dma_semaphore, #tpu.memory_space<semaphore_mem>>
      %dma_start3A_271 = tpu.memref_squeeze %dma_start3A_270 : memref<1x!tpu.dma_semaphore, #tpu.memory_space<semaphore_mem>> -> memref<!tpu.dma_semaphore, #tpu.memory_space<semaphore_mem>>
      tpu.enqueue_indirect_dma source(%dma_start3A_263 : memref<128x128xf32, #tpu.memory_space<vmem>>) target(%dma_start3A_269 : memref<10112x128xf32, #tpu.memory_space<vmem_shared>>) offsets(%dma_start3A_266 : memref<128xi32, #tpu.memory_space<vmem>>) semaphore(%dma_start3A_271 : memref<!tpu.dma_semaphore, #tpu.memory_space<semaphore_mem>>) {add = true}
      %add3A_272 = arith.constant 3 : i32
      %add3A_273 = arith.addi %while3A_239, %add3A_272 : i32
      %lt3A_274 = arith.cmpi slt, %add3A_273, %add3A_1 : i32
      %convert_element_type3A_275 = arith.extui %lt3A_274 : i1 to i32
      %cond3A_276 = arith.constant 0 : i32
      %cond3A_277 = arith.cmpi ne, %convert_element_type3A_275, %cond3A_276 : i32
      scf.if %cond3A_277 {
        %add3A_285 = arith.constant 3 : i32
        %add3A_286 = arith.addi %while3A_239, %add3A_285 : i32
        %add3A_287 = arith.constant 3 : i32
        %add3A_288 = arith.addi %while3A_239, %add3A_287 : i32
        %rem3A_289 = arith.constant 4 : i32
        %rem3A_290 = arith.remsi %add3A_288, %rem3A_289 : i32
        %mul3A_291 = arith.constant 128 : i32
        %mul3A_292 = arith.muli %add3A_286, %mul3A_291 : i32
        %add3A_293 = arith.addi %add3A_9, %mul3A_292 : i32
        %multiple_of3A_294 = tpu.assume_multiple %add3A_293, 8 : i32
        %add3A_295 = arith.constant 320000 : i32
        %add3A_296 = arith.addi %add3A_295, %add3A_9 : i32
        %mul3A_297 = arith.constant 128 : i32
        %mul3A_298 = arith.muli %add3A_286, %mul3A_297 : i32
        %add3A_299 = arith.addi %add3A_296, %mul3A_298 : i32
        %multiple_of3A_300 = tpu.assume_multiple %add3A_299, 8 : i32
        %dma_start3A_301 = arith.constant 0 : i32
        %dma_start3A_302 = tpu.memref_slice %arg6[%rem3A_242, %dma_start3A_301] : memref<3x128xi32, #tpu.memory_space<vmem>> -> memref<1x128xi32, #tpu.memory_space<vmem>>
        %dma_start3A_303 = tpu.memref_squeeze %dma_start3A_302 : memref<1x128xi32, #tpu.memory_space<vmem>> -> memref<128xi32, #tpu.memory_space<vmem>>
        %dma_start3A_304 = tpu.memref_slice %arg3[%multiple_of3A_294] : memref<640000xi32, #tpu.memory_space<hbm>> -> memref<128xi32, #tpu.memory_space<hbm>>
        %dma_start3A_305 = tpu.memref_slice %arg10[%rem3A_290] : memref<4x!tpu.dma_semaphore, #tpu.memory_space<semaphore_mem>> -> memref<1x!tpu.dma_semaphore, #tpu.memory_space<semaphore_mem>>
        %dma_start3A_306 = tpu.memref_squeeze %dma_start3A_305 : memref<1x!tpu.dma_semaphore, #tpu.memory_space<semaphore_mem>> -> memref<!tpu.dma_semaphore, #tpu.memory_space<semaphore_mem>>
        %dma_start3A_307 = arith.constant 0 : i32
        %dma_start3A_308 = tpu.memref_slice %arg6[%rem3A_242, %dma_start3A_307] : memref<3x128xi32, #tpu.memory_space<vmem>> -> memref<1x128xi32, #tpu.memory_space<vmem>>
        %dma_start3A_309 = tpu.memref_squeeze %dma_start3A_308 : memref<1x128xi32, #tpu.memory_space<vmem>> -> memref<128xi32, #tpu.memory_space<vmem>>
        %dma_start3A_310 = tpu.memref_slice %arg3[%multiple_of3A_294] : memref<640000xi32, #tpu.memory_space<hbm>> -> memref<128xi32, #tpu.memory_space<hbm>>
        tpu.enqueue_dma source(%dma_start3A_310 : memref<128xi32, #tpu.memory_space<hbm>>) target(%dma_start3A_309 : memref<128xi32, #tpu.memory_space<vmem>>) target_semaphore(%dma_start3A_306 : memref<!tpu.dma_semaphore, #tpu.memory_space<semaphore_mem>>)
        %dma_start3A_311 = arith.constant 0 : i32
        %dma_start3A_312 = tpu.memref_slice %arg7[%rem3A_290, %dma_start3A_311] : memref<4x128xi32, #tpu.memory_space<vmem>> -> memref<1x128xi32, #tpu.memory_space<vmem>>
        %dma_start3A_313 = tpu.memref_squeeze %dma_start3A_312 : memref<1x128xi32, #tpu.memory_space<vmem>> -> memref<128xi32, #tpu.memory_space<vmem>>
        %dma_start3A_314 = tpu.memref_slice %arg3[%multiple_of3A_300] : memref<640000xi32, #tpu.memory_space<hbm>> -> memref<128xi32, #tpu.memory_space<hbm>>
        %dma_start3A_315 = tpu.memref_slice %arg10[%rem3A_290] : memref<4x!tpu.dma_semaphore, #tpu.memory_space<semaphore_mem>> -> memref<1x!tpu.dma_semaphore, #tpu.memory_space<semaphore_mem>>
        %dma_start3A_316 = tpu.memref_squeeze %dma_start3A_315 : memref<1x!tpu.dma_semaphore, #tpu.memory_space<semaphore_mem>> -> memref<!tpu.dma_semaphore, #tpu.memory_space<semaphore_mem>>
        %dma_start3A_317 = arith.constant 0 : i32
        %dma_start3A_318 = tpu.memref_slice %arg7[%rem3A_290, %dma_start3A_317] : memref<4x128xi32, #tpu.memory_space<vmem>> -> memref<1x128xi32, #tpu.memory_space<vmem>>
        %dma_start3A_319 = tpu.memref_squeeze %dma_start3A_318 : memref<1x128xi32, #tpu.memory_space<vmem>> -> memref<128xi32, #tpu.memory_space<vmem>>
        %dma_start3A_320 = tpu.memref_slice %arg3[%multiple_of3A_300] : memref<640000xi32, #tpu.memory_space<hbm>> -> memref<128xi32, #tpu.memory_space<hbm>>
        tpu.enqueue_dma source(%dma_start3A_320 : memref<128xi32, #tpu.memory_space<hbm>>) target(%dma_start3A_319 : memref<128xi32, #tpu.memory_space<vmem>>) target_semaphore(%dma_start3A_316 : memref<!tpu.dma_semaphore, #tpu.memory_space<semaphore_mem>>)
      } else {
      }
      %add3A_278 = arith.constant 2 : i32
      %add3A_279 = arith.addi %while3A_239, %add3A_278 : i32
      %lt3A_280 = arith.cmpi slt, %add3A_279, %add3A_1 : i32
      %convert_element_type3A_281 = arith.extui %lt3A_280 : i1 to i32
      %cond3A_282 = arith.constant 0 : i32
      %cond3A_283 = arith.cmpi ne, %convert_element_type3A_281, %cond3A_282 : i32
      scf.if %cond3A_283 {
        %add3A_285 = arith.constant 2 : i32
        %add3A_286 = arith.addi %while3A_239, %add3A_285 : i32
        %rem3A_287 = arith.constant 3 : i32
        %rem3A_288 = arith.remsi %add3A_286, %rem3A_287 : i32
        %add3A_289 = arith.constant 2 : i32
        %add3A_290 = arith.addi %while3A_239, %add3A_289 : i32
        %add3A_291 = arith.constant 2 : i32
        %add3A_292 = arith.addi %while3A_239, %add3A_291 : i32
        %rem3A_293 = arith.constant 4 : i32
        %rem3A_294 = arith.remsi %add3A_292, %rem3A_293 : i32
        %mul3A_295 = arith.constant 128 : i32
        %mul3A_296 = arith.muli %add3A_290, %mul3A_295 : i32
        %add3A_297 = arith.addi %add3A_9, %mul3A_296 : i32
        %multiple_of3A_298 = tpu.assume_multiple %add3A_297, 8 : i32
        %add3A_299 = arith.constant 320000 : i32
        %add3A_300 = arith.addi %add3A_299, %add3A_9 : i32
        %mul3A_301 = arith.constant 128 : i32
        %mul3A_302 = arith.muli %add3A_290, %mul3A_301 : i32
        %add3A_303 = arith.addi %add3A_300, %mul3A_302 : i32
        %multiple_of3A_304 = tpu.assume_multiple %add3A_303, 8 : i32
        %dma_wait3A_305 = arith.constant 0 : i32
        %dma_wait3A_306 = tpu.memref_slice %arg6[%rem3A_288, %dma_wait3A_305] : memref<3x128xi32, #tpu.memory_space<vmem>> -> memref<1x128xi32, #tpu.memory_space<vmem>>
        %dma_wait3A_307 = tpu.memref_squeeze %dma_wait3A_306 : memref<1x128xi32, #tpu.memory_space<vmem>> -> memref<128xi32, #tpu.memory_space<vmem>>
        %dma_wait3A_308 = tpu.memref_slice %arg3[%multiple_of3A_298] : memref<640000xi32, #tpu.memory_space<hbm>> -> memref<128xi32, #tpu.memory_space<hbm>>
        %dma_wait3A_309 = tpu.memref_slice %arg10[%rem3A_294] : memref<4x!tpu.dma_semaphore, #tpu.memory_space<semaphore_mem>> -> memref<1x!tpu.dma_semaphore, #tpu.memory_space<semaphore_mem>>
        %dma_wait3A_310 = tpu.memref_squeeze %dma_wait3A_309 : memref<1x!tpu.dma_semaphore, #tpu.memory_space<semaphore_mem>> -> memref<!tpu.dma_semaphore, #tpu.memory_space<semaphore_mem>>
        %dma_wait3A_311 = arith.constant 0 : i32
        %dma_wait3A_312 = tpu.memref_slice %arg6[%rem3A_288, %dma_wait3A_311] : memref<3x128xi32, #tpu.memory_space<vmem>> -> memref<1x128xi32, #tpu.memory_space<vmem>>
        %dma_wait3A_313 = tpu.memref_squeeze %dma_wait3A_312 : memref<1x128xi32, #tpu.memory_space<vmem>> -> memref<128xi32, #tpu.memory_space<vmem>>
        %dma_wait3A_314 = tpu.memref_slice %arg3[%multiple_of3A_298] : memref<640000xi32, #tpu.memory_space<hbm>> -> memref<128xi32, #tpu.memory_space<hbm>>
        tpu.wait_dma2 semaphore(%dma_wait3A_310 : memref<!tpu.dma_semaphore, #tpu.memory_space<semaphore_mem>>) src(%dma_wait3A_314 : memref<128xi32, #tpu.memory_space<hbm>>) dst(%dma_wait3A_313 : memref<128xi32, #tpu.memory_space<vmem>>)
        %dma_wait3A_315 = arith.constant 0 : i32
        %dma_wait3A_316 = tpu.memref_slice %arg7[%rem3A_294, %dma_wait3A_315] : memref<4x128xi32, #tpu.memory_space<vmem>> -> memref<1x128xi32, #tpu.memory_space<vmem>>
        %dma_wait3A_317 = tpu.memref_squeeze %dma_wait3A_316 : memref<1x128xi32, #tpu.memory_space<vmem>> -> memref<128xi32, #tpu.memory_space<vmem>>
        %dma_wait3A_318 = tpu.memref_slice %arg3[%multiple_of3A_304] : memref<640000xi32, #tpu.memory_space<hbm>> -> memref<128xi32, #tpu.memory_space<hbm>>
        %dma_wait3A_319 = tpu.memref_slice %arg10[%rem3A_294] : memref<4x!tpu.dma_semaphore, #tpu.memory_space<semaphore_mem>> -> memref<1x!tpu.dma_semaphore, #tpu.memory_space<semaphore_mem>>
        %dma_wait3A_320 = tpu.memref_squeeze %dma_wait3A_319 : memref<1x!tpu.dma_semaphore, #tpu.memory_space<semaphore_mem>> -> memref<!tpu.dma_semaphore, #tpu.memory_space<semaphore_mem>>
        %dma_wait3A_321 = arith.constant 0 : i32
        %dma_wait3A_322 = tpu.memref_slice %arg7[%rem3A_294, %dma_wait3A_321] : memref<4x128xi32, #tpu.memory_space<vmem>> -> memref<1x128xi32, #tpu.memory_space<vmem>>
        %dma_wait3A_323 = tpu.memref_squeeze %dma_wait3A_322 : memref<1x128xi32, #tpu.memory_space<vmem>> -> memref<128xi32, #tpu.memory_space<vmem>>
        %dma_wait3A_324 = tpu.memref_slice %arg3[%multiple_of3A_304] : memref<640000xi32, #tpu.memory_space<hbm>> -> memref<128xi32, #tpu.memory_space<hbm>>
        tpu.wait_dma2 semaphore(%dma_wait3A_320 : memref<!tpu.dma_semaphore, #tpu.memory_space<semaphore_mem>>) src(%dma_wait3A_324 : memref<128xi32, #tpu.memory_space<hbm>>) dst(%dma_wait3A_323 : memref<128xi32, #tpu.memory_space<vmem>>)
        %dma_start3A_325 = arith.constant 0 : i32
        %dma_start3A_326 = arith.constant 0 : i32
        %dma_start3A_327 = tpu.memref_slice %arg8[%rem3A_288, %dma_start3A_325, %dma_start3A_326] : memref<3x128x128xf32, #tpu.memory_space<vmem>> -> memref<1x128x128xf32, #tpu.memory_space<vmem>>
        %dma_start3A_328 = tpu.memref_squeeze %dma_start3A_327 : memref<1x128x128xf32, #tpu.memory_space<vmem>> -> memref<128x128xf32, #tpu.memory_space<vmem>>
        %dma_start3A_329 = arith.constant 0 : i32
        %dma_start3A_330 = tpu.memref_slice %arg6[%rem3A_288, %dma_start3A_329] : memref<3x128xi32, #tpu.memory_space<vmem>> -> memref<1x128xi32, #tpu.memory_space<vmem>>
        %dma_start3A_331 = tpu.memref_squeeze %dma_start3A_330 : memref<1x128xi32, #tpu.memory_space<vmem>> -> memref<128xi32, #tpu.memory_space<vmem>>
        %dma_start3A_332 = arith.constant 0 : i32
        %dma_start3A_333 = arith.constant 0 : i32
        %dma_start3A_334 = tpu.memref_slice %arg2[%dma_start3A_332, %dma_start3A_333] : memref<10240x128xf32, #tpu.memory_space<hbm>> -> memref<10240x128xf32, #tpu.memory_space<hbm>>
        %dma_start3A_335 = tpu.memref_slice %arg11[%rem3A_288] : memref<3x!tpu.dma_semaphore, #tpu.memory_space<semaphore_mem>> -> memref<1x!tpu.dma_semaphore, #tpu.memory_space<semaphore_mem>>
        %dma_start3A_336 = tpu.memref_squeeze %dma_start3A_335 : memref<1x!tpu.dma_semaphore, #tpu.memory_space<semaphore_mem>> -> memref<!tpu.dma_semaphore, #tpu.memory_space<semaphore_mem>>
        tpu.enqueue_indirect_dma source(%dma_start3A_334 : memref<10240x128xf32, #tpu.memory_space<hbm>>) target(%dma_start3A_328 : memref<128x128xf32, #tpu.memory_space<vmem>>) offsets(%dma_start3A_331 : memref<128xi32, #tpu.memory_space<vmem>>) semaphore(%dma_start3A_336 : memref<!tpu.dma_semaphore, #tpu.memory_space<semaphore_mem>>)
      } else {
      }
      %while3A_284 = arith.constant 0 : i32
      scf.yield %while3A_284 : i32
    }
    %sub3A = arith.constant 1 : i32
    %sub3A_212 = arith.subi %add3A_1, %sub3A : i32
    %rem3A = arith.constant 3 : i32
    %rem3A_213 = arith.remsi %sub3A_212, %rem3A : i32
    %sub3A_214 = arith.constant 1 : i32
    %sub3A_215 = arith.subi %add3A_1, %sub3A_214 : i32
    %rem3A_216 = arith.constant 4 : i32
    %rem3A_217 = arith.remsi %sub3A_215, %rem3A_216 : i32
    %dma_wait3A_218 = arith.constant 0 : i32
    %dma_wait3A_219 = arith.constant 0 : i32
    %dma_wait3A_220 = tpu.memref_slice %arg8[%rem3A_213, %dma_wait3A_218, %dma_wait3A_219] : memref<3x128x128xf32, #tpu.memory_space<vmem>> -> memref<1x128x128xf32, #tpu.memory_space<vmem>>
    %dma_wait3A_221 = tpu.memref_squeeze %dma_wait3A_220 : memref<1x128x128xf32, #tpu.memory_space<vmem>> -> memref<128x128xf32, #tpu.memory_space<vmem>>
    %dma_wait3A_222 = arith.constant 0 : i32
    %dma_wait3A_223 = tpu.memref_slice %arg7[%rem3A_217, %dma_wait3A_222] : memref<4x128xi32, #tpu.memory_space<vmem>> -> memref<1x128xi32, #tpu.memory_space<vmem>>
    %dma_wait3A_224 = tpu.memref_squeeze %dma_wait3A_223 : memref<1x128xi32, #tpu.memory_space<vmem>> -> memref<128xi32, #tpu.memory_space<vmem>>
    %dma_wait3A_225 = arith.constant 0 : i32
    %dma_wait3A_226 = arith.constant 0 : i32
    %dma_wait3A_227 = tpu.memref_slice %arg9[%dma_wait3A_225, %dma_wait3A_226] : memref<10112x128xf32, #tpu.memory_space<vmem_shared>> -> memref<10112x128xf32, #tpu.memory_space<vmem_shared>>
    %dma_wait3A_228 = tpu.memref_slice %arg12[%rem3A_213] : memref<3x!tpu.dma_semaphore, #tpu.memory_space<semaphore_mem>> -> memref<1x!tpu.dma_semaphore, #tpu.memory_space<semaphore_mem>>
    %dma_wait3A_229 = tpu.memref_squeeze %dma_wait3A_228 : memref<1x!tpu.dma_semaphore, #tpu.memory_space<semaphore_mem>> -> memref<!tpu.dma_semaphore, #tpu.memory_space<semaphore_mem>>
    tpu.wait_indirect_dma semaphore(%dma_wait3A_229 : memref<!tpu.dma_semaphore, #tpu.memory_space<semaphore_mem>>) src(%dma_wait3A_221 : memref<128x128xf32, #tpu.memory_space<vmem>>) dst(%dma_wait3A_227 : memref<10112x128xf32, #tpu.memory_space<vmem_shared>>)
    %barrier3A_230 = arith.constant 0 : index
    tpu.barrier barrier_id(%barrier3A_230)
    %mul3A_231 = arith.constant 10112 : i32
    %mul3A_232 = arith.muli %arg0, %mul3A_231 : i32
    %mul3A_233 = arith.constant 632 : i32
    %mul3A_234 = arith.muli %arg1, %mul3A_233 : i32
    %add3A_235 = arith.addi %mul3A_232, %mul3A_234 : i32
    %multiple_of3A_236 = tpu.assume_multiple %add3A_235, 8 : i32
    %mul3A_237 = arith.constant 632 : i32
    %mul3A_238 = arith.muli %arg1, %mul3A_237 : i32
    "tpu.region"() ({
      %run_scoped3A = tpu.sem_alloc : memref<!tpu.dma_semaphore, #tpu.memory_space<semaphore_mem>>
      %dma_start3A_239 = arith.constant 0 : i32
      %dma_start3A_240 = tpu.memref_slice %arg5[%multiple_of3A_236, %dma_start3A_239] : memref<20224x128xf32, #tpu.memory_space<hbm>> -> memref<632x128xf32, #tpu.memory_space<hbm>>
      %dma_start3A_241 = arith.constant 0 : i32
      %dma_start3A_242 = tpu.memref_slice %arg9[%mul3A_238, %dma_start3A_241] : memref<10112x128xf32, #tpu.memory_space<vmem_shared>> -> memref<632x128xf32, #tpu.memory_space<vmem_shared>>
      tpu.enqueue_dma source(%dma_start3A_242 : memref<632x128xf32, #tpu.memory_space<vmem_shared>>) target(%dma_start3A_240 : memref<632x128xf32, #tpu.memory_space<hbm>>) target_semaphore(%run_scoped3A : memref<!tpu.dma_semaphore, #tpu.memory_space<semaphore_mem>>)
      %dma_wait3A_243 = arith.constant 0 : i32
      %dma_wait3A_244 = tpu.memref_slice %arg5[%multiple_of3A_236, %dma_wait3A_243] : memref<20224x128xf32, #tpu.memory_space<hbm>> -> memref<632x128xf32, #tpu.memory_space<hbm>>
      %dma_wait3A_245 = arith.constant 0 : i32
      %dma_wait3A_246 = tpu.memref_slice %arg9[%mul3A_238, %dma_wait3A_245] : memref<10112x128xf32, #tpu.memory_space<vmem_shared>> -> memref<632x128xf32, #tpu.memory_space<vmem_shared>>
      tpu.wait_dma2 semaphore(%run_scoped3A : memref<!tpu.dma_semaphore, #tpu.memory_space<semaphore_mem>>) src(%dma_wait3A_246 : memref<632x128xf32, #tpu.memory_space<vmem_shared>>) dst(%dma_wait3A_244 : memref<632x128xf32, #tpu.memory_space<hbm>>)
      tpu.yield
    }) : () -> ()
    return
  }
}

module attributes {stable_mosaic.version = 14 : i64} {
  func.func @_f0_body(%arg0: memref<10000x128xf32, #tpu.memory_space<vmem>>, %arg1: memref<10000x1xf32, #tpu.memory_space<vmem>>, %arg2: memref<128x128xf32, #tpu.memory_space<vmem>>, %arg3: memref<10240x128xf32, #tpu.memory_space<vmem>>) attributes {dimension_semantics = [], scalar_prefetch = 0 : i64, scratch_operands = 0 : i64, tpu.core_type = #tpu.core_type<tc>} {
    %get3A = arith.constant 0 : index
    %get3A_0 = arith.constant 0 : index
    %get3A_1 = vector.load %arg0[%get3A, %get3A_0] : memref<10000x128xf32, #tpu.memory_space<vmem>>, vector<10000x128xf32>
    %get3A_2 = arith.constant 0 : index
    %get3A_3 = arith.constant 0 : index
    %get3A_4 = vector.load %arg1[%get3A_2, %get3A_3] : memref<10000x1xf32, #tpu.memory_space<vmem>>, vector<10000x1xf32>
    %max3A = arith.constant 1.000000e+00 : f32
    %max3A_5 = vector.broadcast %max3A : f32 to vector<10000x1xf32>
    %max3A_6 = arith.maximumf %get3A_4, %max3A_5 : vector<10000x1xf32>
    %rsqrt3A = math.rsqrt %max3A_6 : vector<10000x1xf32>
    %mul3A = vector.broadcast %rsqrt3A : vector<10000x1xf32> to vector<10000x128xf32>
    %mul3A_7 = arith.mulf %get3A_1, %mul3A : vector<10000x128xf32>
    %get3A_8 = arith.constant 0 : index
    %get3A_9 = arith.constant 0 : index
    %get3A_10 = vector.load %arg2[%get3A_8, %get3A_9] : memref<128x128xf32, #tpu.memory_space<vmem>>, vector<128x128xf32>
    %dot_general3A = arith.constant dense<0.000000e+00> : vector<10000x128xf32>
    %dot_general3A_11 = tpu.matmul %mul3A_7, %get3A_10, %dot_general3A {dimension_numbers = #tpu.dot_dimension_numbers<[1], [1], [0], [0], [0, 0, 1, 0], [], []>, transpose_lhs_hint = false} : vector<10000x128xf32>, vector<128x128xf32>, vector<10000x128xf32> -> vector<10000x128xf32>
    %swap3A = arith.constant 0 : index
    %swap3A_12 = arith.constant 0 : index
    %swap3A_13 = vector.load %arg3[%swap3A, %swap3A_12] : memref<10240x128xf32, #tpu.memory_space<vmem>>, vector<10000x128xf32>
    tpu.vector_store %arg3[%swap3A, %swap3A_12], %dot_general3A_11 {strides = array<i32>} : memref<10240x128xf32, #tpu.memory_space<vmem>>, vector<10000x128xf32>,
    return
  }
}

module attributes {stable_mosaic.version = 14 : i64} {
  func.func @_f1_body(%arg0: memref<20224x128xf32, #tpu.memory_space<vmem>>, %arg1: memref<10000x1xf32, #tpu.memory_space<vmem>>, %arg2: memref<10000x1xf32, #tpu.memory_space<vmem>>, %arg3: memref<1x128xf32, #tpu.memory_space<vmem>>, %arg4: memref<1x128xf32, #tpu.memory_space<vmem>>, %arg5: memref<128x128xf32, #tpu.memory_space<vmem>>, %arg6: memref<10240x128xf32, #tpu.memory_space<vmem>>) attributes {dimension_semantics = [], scalar_prefetch = 0 : i64, scratch_operands = 0 : i64, tpu.core_type = #tpu.core_type<tc>} {
    %get3A = arith.constant 0 : index
    %get3A_0 = arith.constant 0 : index
    %get3A_1 = vector.load %arg0[%get3A, %get3A_0] : memref<20224x128xf32, #tpu.memory_space<vmem>>, vector<20224x128xf32>
    %slice3A = vector.extract_strided_slice %get3A_1 {offsets = [0, 0], sizes = [10000, 128], strides = [1, 1]} : vector<20224x128xf32> to vector<10000x128xf32>
    %slice3A_2 = vector.extract_strided_slice %get3A_1 {offsets = [10112, 0], sizes = [10000, 128], strides = [1, 1]} : vector<20224x128xf32> to vector<10000x128xf32>
    %add3A = arith.addf %slice3A, %slice3A_2 : vector<10000x128xf32>
    %get3A_3 = arith.constant 0 : index
    %get3A_4 = arith.constant 0 : index
    %get3A_5 = vector.load %arg2[%get3A_3, %get3A_4] : memref<10000x1xf32, #tpu.memory_space<vmem>>, vector<10000x1xf32>
    %max3A = arith.constant 1.000000e+00 : f32
    %max3A_6 = vector.broadcast %max3A : f32 to vector<10000x1xf32>
    %max3A_7 = arith.maximumf %get3A_5, %max3A_6 : vector<10000x1xf32>
    %rsqrt3A = math.rsqrt %max3A_7 : vector<10000x1xf32>
    %mul3A = vector.broadcast %rsqrt3A : vector<10000x1xf32> to vector<10000x128xf32>
    %mul3A_8 = arith.mulf %add3A, %mul3A : vector<10000x128xf32>
    %reduce_sum3A = arith.constant dense<0.000000e+00> : vector<128xf32>
    %reduce_sum3A_9 = vector.multi_reduction <add>, %mul3A_8, %reduce_sum3A [0] : vector<10000x128xf32> to vector<128xf32>
    %broadcast_in_dim3A = vector.shape_cast %reduce_sum3A_9 : vector<128xf32> to vector<1x128xf32>
    %div3A = arith.constant 1.000000e+04 : f32
    %div3A_10 = vector.broadcast %div3A : f32 to vector<1x128xf32>
    %div3A_11 = arith.divf %broadcast_in_dim3A, %div3A_10 : vector<1x128xf32>
    %sub3A = vector.broadcast %div3A_11 : vector<1x128xf32> to vector<10000x128xf32>
    %sub3A_12 = arith.subf %mul3A_8, %sub3A : vector<10000x128xf32>
    %mul3A_13 = arith.mulf %sub3A_12, %sub3A_12 : vector<10000x128xf32>
    %reduce_sum3A_14 = arith.constant dense<0.000000e+00> : vector<128xf32>
    %reduce_sum3A_15 = vector.multi_reduction <add>, %mul3A_13, %reduce_sum3A_14 [0] : vector<10000x128xf32> to vector<128xf32>
    %broadcast_in_dim3A_16 = vector.shape_cast %reduce_sum3A_15 : vector<128xf32> to vector<1x128xf32>
    %div3A_17 = arith.constant 1.000000e+04 : f32
    %div3A_18 = vector.broadcast %div3A_17 : f32 to vector<1x128xf32>
    %div3A_19 = arith.divf %broadcast_in_dim3A_16, %div3A_18 : vector<1x128xf32>
    %add3A_20 = arith.constant 9.99999974E-6 : f32
    %add3A_21 = vector.broadcast %add3A_20 : f32 to vector<1x128xf32>
    %add3A_22 = arith.addf %div3A_19, %add3A_21 : vector<1x128xf32>
    %rsqrt3A_23 = math.rsqrt %add3A_22 : vector<1x128xf32>
    %mul3A_24 = vector.broadcast %rsqrt3A_23 : vector<1x128xf32> to vector<10000x128xf32>
    %mul3A_25 = arith.mulf %sub3A_12, %mul3A_24 : vector<10000x128xf32>
    %get3A_26 = arith.constant 0 : index
    %get3A_27 = arith.constant 0 : index
    %get3A_28 = vector.load %arg3[%get3A_26, %get3A_27] : memref<1x128xf32, #tpu.memory_space<vmem>>, vector<1x128xf32>
    %mul3A_29 = vector.broadcast %get3A_28 : vector<1x128xf32> to vector<10000x128xf32>
    %mul3A_30 = arith.mulf %mul3A_25, %mul3A_29 : vector<10000x128xf32>
    %get3A_31 = arith.constant 0 : index
    %get3A_32 = arith.constant 0 : index
    %get3A_33 = vector.load %arg4[%get3A_31, %get3A_32] : memref<1x128xf32, #tpu.memory_space<vmem>>, vector<1x128xf32>
    %add3A_34 = vector.broadcast %get3A_33 : vector<1x128xf32> to vector<10000x128xf32>
    %add3A_35 = arith.addf %mul3A_30, %add3A_34 : vector<10000x128xf32>
    %max3A_36 = arith.constant 0.000000e+00 : f32
    %max3A_37 = vector.broadcast %max3A_36 : f32 to vector<10000x128xf32>
    %max3A_38 = arith.maximumf %add3A_35, %max3A_37 : vector<10000x128xf32>
    %get3A_39 = arith.constant 0 : index
    %get3A_40 = arith.constant 0 : index
    %get3A_41 = vector.load %arg1[%get3A_39, %get3A_40] : memref<10000x1xf32, #tpu.memory_space<vmem>>, vector<10000x1xf32>
    %max3A_42 = arith.constant 1.000000e+00 : f32
    %max3A_43 = vector.broadcast %max3A_42 : f32 to vector<10000x1xf32>
    %max3A_44 = arith.maximumf %get3A_41, %max3A_43 : vector<10000x1xf32>
    %rsqrt3A_45 = math.rsqrt %max3A_44 : vector<10000x1xf32>
    %mul3A_46 = vector.broadcast %rsqrt3A_45 : vector<10000x1xf32> to vector<10000x128xf32>
    %mul3A_47 = arith.mulf %max3A_38, %mul3A_46 : vector<10000x128xf32>
    %get3A_48 = arith.constant 0 : index
    %get3A_49 = arith.constant 0 : index
    %get3A_50 = vector.load %arg5[%get3A_48, %get3A_49] : memref<128x128xf32, #tpu.memory_space<vmem>>, vector<128x128xf32>
    %dot_general3A = arith.constant dense<0.000000e+00> : vector<10000x128xf32>
    %dot_general3A_51 = tpu.matmul %mul3A_47, %get3A_50, %dot_general3A {dimension_numbers = #tpu.dot_dimension_numbers<[1], [1], [0], [0], [0, 0, 1, 0], [], []>, transpose_lhs_hint = false} : vector<10000x128xf32>, vector<128x128xf32>, vector<10000x128xf32> -> vector<10000x128xf32>
    %swap3A = arith.constant 0 : index
    %swap3A_52 = arith.constant 0 : index
    %swap3A_53 = vector.load %arg6[%swap3A, %swap3A_52] : memref<10240x128xf32, #tpu.memory_space<vmem>>, vector<10000x128xf32>
    tpu.vector_store %arg6[%swap3A, %swap3A_52], %dot_general3A_51 {strides = array<i32>} : memref<10240x128xf32, #tpu.memory_space<vmem>>, vector<10000x128xf32>,
    return
  }
}

module attributes {stable_mosaic.version = 14 : i64} {
  func.func @_fc_body(%arg0: memref<20224x128xf32, #tpu.memory_space<vmem>>, %arg1: memref<10000x1xf32, #tpu.memory_space<vmem>>, %arg2: memref<1x128xf32, #tpu.memory_space<vmem>>, %arg3: memref<1x128xf32, #tpu.memory_space<vmem>>, %arg4: memref<40x128xf32, #tpu.memory_space<vmem>>, %arg5: memref<1x40xf32, #tpu.memory_space<vmem>>, %arg6: memref<10000x40xf32, #tpu.memory_space<vmem>>) attributes {dimension_semantics = [], scalar_prefetch = 0 : i64, scratch_operands = 0 : i64, tpu.core_type = #tpu.core_type<tc>} {
    %get3A = arith.constant 0 : index
    %get3A_0 = arith.constant 0 : index
    %get3A_1 = vector.load %arg0[%get3A, %get3A_0] : memref<20224x128xf32, #tpu.memory_space<vmem>>, vector<20224x128xf32>
    %slice3A = vector.extract_strided_slice %get3A_1 {offsets = [0, 0], sizes = [10000, 128], strides = [1, 1]} : vector<20224x128xf32> to vector<10000x128xf32>
    %slice3A_2 = vector.extract_strided_slice %get3A_1 {offsets = [10112, 0], sizes = [10000, 128], strides = [1, 1]} : vector<20224x128xf32> to vector<10000x128xf32>
    %add3A = arith.addf %slice3A, %slice3A_2 : vector<10000x128xf32>
    %get3A_3 = arith.constant 0 : index
    %get3A_4 = arith.constant 0 : index
    %get3A_5 = vector.load %arg1[%get3A_3, %get3A_4] : memref<10000x1xf32, #tpu.memory_space<vmem>>, vector<10000x1xf32>
    %max3A = arith.constant 1.000000e+00 : f32
    %max3A_6 = vector.broadcast %max3A : f32 to vector<10000x1xf32>
    %max3A_7 = arith.maximumf %get3A_5, %max3A_6 : vector<10000x1xf32>
    %rsqrt3A = math.rsqrt %max3A_7 : vector<10000x1xf32>
    %mul3A = vector.broadcast %rsqrt3A : vector<10000x1xf32> to vector<10000x128xf32>
    %mul3A_8 = arith.mulf %add3A, %mul3A : vector<10000x128xf32>
    %reduce_sum3A = arith.constant dense<0.000000e+00> : vector<128xf32>
    %reduce_sum3A_9 = vector.multi_reduction <add>, %mul3A_8, %reduce_sum3A [0] : vector<10000x128xf32> to vector<128xf32>
    %broadcast_in_dim3A = vector.shape_cast %reduce_sum3A_9 : vector<128xf32> to vector<1x128xf32>
    %div3A = arith.constant 1.000000e+04 : f32
    %div3A_10 = vector.broadcast %div3A : f32 to vector<1x128xf32>
    %div3A_11 = arith.divf %broadcast_in_dim3A, %div3A_10 : vector<1x128xf32>
    %sub3A = vector.broadcast %div3A_11 : vector<1x128xf32> to vector<10000x128xf32>
    %sub3A_12 = arith.subf %mul3A_8, %sub3A : vector<10000x128xf32>
    %mul3A_13 = arith.mulf %sub3A_12, %sub3A_12 : vector<10000x128xf32>
    %reduce_sum3A_14 = arith.constant dense<0.000000e+00> : vector<128xf32>
    %reduce_sum3A_15 = vector.multi_reduction <add>, %mul3A_13, %reduce_sum3A_14 [0] : vector<10000x128xf32> to vector<128xf32>
    %broadcast_in_dim3A_16 = vector.shape_cast %reduce_sum3A_15 : vector<128xf32> to vector<1x128xf32>
    %div3A_17 = arith.constant 1.000000e+04 : f32
    %div3A_18 = vector.broadcast %div3A_17 : f32 to vector<1x128xf32>
    %div3A_19 = arith.divf %broadcast_in_dim3A_16, %div3A_18 : vector<1x128xf32>
    %add3A_20 = arith.constant 9.99999974E-6 : f32
    %add3A_21 = vector.broadcast %add3A_20 : f32 to vector<1x128xf32>
    %add3A_22 = arith.addf %div3A_19, %add3A_21 : vector<1x128xf32>
    %rsqrt3A_23 = math.rsqrt %add3A_22 : vector<1x128xf32>
    %mul3A_24 = vector.broadcast %rsqrt3A_23 : vector<1x128xf32> to vector<10000x128xf32>
    %mul3A_25 = arith.mulf %sub3A_12, %mul3A_24 : vector<10000x128xf32>
    %get3A_26 = arith.constant 0 : index
    %get3A_27 = arith.constant 0 : index
    %get3A_28 = vector.load %arg2[%get3A_26, %get3A_27] : memref<1x128xf32, #tpu.memory_space<vmem>>, vector<1x128xf32>
    %mul3A_29 = vector.broadcast %get3A_28 : vector<1x128xf32> to vector<10000x128xf32>
    %mul3A_30 = arith.mulf %mul3A_25, %mul3A_29 : vector<10000x128xf32>
    %get3A_31 = arith.constant 0 : index
    %get3A_32 = arith.constant 0 : index
    %get3A_33 = vector.load %arg3[%get3A_31, %get3A_32] : memref<1x128xf32, #tpu.memory_space<vmem>>, vector<1x128xf32>
    %add3A_34 = vector.broadcast %get3A_33 : vector<1x128xf32> to vector<10000x128xf32>
    %add3A_35 = arith.addf %mul3A_30, %add3A_34 : vector<10000x128xf32>
    %max3A_36 = arith.constant 0.000000e+00 : f32
    %max3A_37 = vector.broadcast %max3A_36 : f32 to vector<10000x128xf32>
    %max3A_38 = arith.maximumf %add3A_35, %max3A_37 : vector<10000x128xf32>
    %get3A_39 = arith.constant 0 : index
    %get3A_40 = arith.constant 0 : index
    %get3A_41 = vector.load %arg4[%get3A_39, %get3A_40] : memref<40x128xf32, #tpu.memory_space<vmem>>, vector<40x128xf32>
    %dot_general3A = arith.constant dense<0.000000e+00> : vector<10000x40xf32>
    %dot_general3A_42 = tpu.matmul %max3A_38, %get3A_41, %dot_general3A {dimension_numbers = #tpu.dot_dimension_numbers<[1], [1], [0], [0], [0, 0, 1, 0], [], []>, transpose_lhs_hint = false} : vector<10000x128xf32>, vector<40x128xf32>, vector<10000x40xf32> -> vector<10000x40xf32>
    %get3A_43 = arith.constant 0 : index
    %get3A_44 = arith.constant 0 : index
    %get3A_45 = vector.load %arg5[%get3A_43, %get3A_44] : memref<1x40xf32, #tpu.memory_space<vmem>>, vector<1x40xf32>
    %add3A_46 = vector.broadcast %get3A_45 : vector<1x40xf32> to vector<10000x40xf32>
    %add3A_47 = arith.addf %dot_general3A_42, %add3A_46 : vector<10000x40xf32>
    %swap3A = arith.constant 0 : index
    %swap3A_48 = arith.constant 0 : index
    %swap3A_49 = vector.load %arg6[%swap3A, %swap3A_48] : memref<10000x40xf32, #tpu.memory_space<vmem>>, vector<10000x40xf32>
    tpu.vector_store %arg6[%swap3A, %swap3A_48], %add3A_47 {strides = array<i32>} : memref<10000x40xf32, #tpu.memory_space<vmem>>, vector<10000x40xf32>,
    return
  }
}

</mosaic_0001>

<sc_bundles>
// kernel: kernel.10.cloned.1.call-start
scs
__scs_entry_jumppad:
0x0: {  	(pc) =	sbr.rel $0x88, $3  }
0x1: {  	(tag) =	ssettag $0x0;
	lr =	simm.s32 $0x1  }
0x2: {  	[smem:$0x3F94] =	sst lr;
	_ =	strace $0xD0000000  }
0x3: {  	_ = 	snop  }
0x4: {  	_ = 	snop  }
0x5: {  	_ = 	snop  }
0x6: {  	_ = 	snop  }
0x7: {  	_ = 	snop  }
__scs_overlays_trampoline_lowered:
0x8: {  	[smem:$0x3FA3] =	sst s0  }
0x9: {  	[smem:$0x3FA4] =	sst s1  }
0xa: {  	[smem:$0x3FA5] =	sst s2  }
0xb: {  	[smem:$0x3FA6] =	sst s3  }
0xc: {  	[smem:$0x3FA7] =	sst s4  }
0xd: {  	[smem:$0x3FA8] =	sst s5  }
0xe: {  	[smem:$0x3FA9] =	sst s6  }
0xf: {  	[smem:$0x3FAA] =	sst s7  }
0x10: {  	[smem:$0x3FAB] =	sst s8  }
0x11: {  	[smem:$0x3FAC] =	sst s9;
	s0 =	simm.s32 @!p0 $0x0  }
0x12: {  	s1 =	sld [smem:$0x3F92];
	s0 =	simm.s32 @p0 $0x1  }
0x13: {  	[smem:$0x3FAD] =	sst s0;
	s0 =	simm.s32 @!p1 $0x0  }
0x14: {  	s2 =	sld [smem:$0x3F91];
	s0 =	simm.s32 @p1 $0x1  }
0x15: {  	[smem:$0x3FAE] =	sst s0;
	s0 =	simm.s32 @!p2 $0x0  }
0x16: {  	s3 =	sld [smem:$0x3FDB];
	s0 =	simm.s32 @p2 $0x1  }
0x17: {  	s4 =	simm.s32 $0x1BF5;
	[smem:$0x3FB0] =	sst s0  }
0x18: {  	s0 =	sld [smem:$0x3F93];
	_ =	swait.ge [sflag:s4], $0x0  }
0x19: {  	s7 =	sld [smem:$0x3F94]  }
0x1a: {  	s8 =	sadd.s32 $0xFFFFE003, lr  }
0x1b: {  	s9 =	sadd.s32 $0xFFFFFEF7, lr;
	s5 =	simm.s32 $0xFFFFFFFF;
	p2 =	slt.u32 s8, $0xFFFFF086  }
0x1c: {  	p1 =	slt.u32 s9, $0xF7A;
	s5 =	simm.s32 @!p2 $0x0  }
0x1d: {  	s5 =	simm.s32 @p1 $0x1;
	p0 =	seq.s32 s7, s2  }
0x1e: {  	s7 =	smul.u32 @!p0 $0xF7A, s2;
	p2 =	seq.s32 @!p0 s5, $0x0  }
0x1f: {  	s9 =	smul.u32 $0xF7A, s1;
	s8 =	simm.s32 @!p0 $0x1BF5;
	p2 =	por !p2, p0  }
0x20: {  	[sflag:s8] =	ssyncset.s32 @!p0 $0xFFFFF086;
	s6 =	sadd.s32 @!p0 s3, s7;
	s7 =	simm.s32 @!p0 $0x108  }
0x21: {  	s3 =	sadd.s32 s3, s9;
	s6 =	sadd.s32 @!p0 $0x88, s6;
	s7 =	simm.s32 @p2 $0x1082  }
0x22: {  	[simem:s7], [sflag:s8] =	dma.local @!p0 [hbm:s6], $0xF7A  }
0x23: {  	s9 =	sor.u32 $0xD0000000, s2;
	s6 =	simm.s32 $0x108;
	_ =	swait.ge @!p0 [sflag:s8], $0x0  }
0x24: {  	s3 =	sadd.s32 $0x88, s3;
	s6 =	simm.s32 @!p1 $0x1082;
	[sflag:s4] =	ssyncset.s32 $0xFFFFF086  }
0x25: {  	[simem:s6], [sflag:s4] =	dma.local [hbm:s3], $0xF7A  }
0x26: {  	[smem:$0x3F94] =	sst s1;
	(tag) =	ssettag s2;
	_ =	strace s9  }
0x27: {  	s1 =	sld [smem:$0x3FA4]  }
0x28: {  	s2 =	sld [smem:$0x3FA5]  }
0x29: {  	s4 =	sld [smem:$0x3FA7]  }
0x2a: {  	p0 =	seq.s32 s5, $0x0;
	s5 =	sld [smem:$0x3FA8]  }
0x2b: {  	s6 =	sld [smem:$0x3FA9]  }
0x2c: {  	s7 =	sld [smem:$0x3FAA]  }
0x2d: {  	s3 =	simm.s32 $0x108;
	s8 =	sld [smem:$0x3FAB]  }
0x2e: {  	s3 =	simm.s32 @!p0 $0x1082;
	s9 =	sld [smem:$0x3FAC]  }
0x2f: {  	lr =	sadd.s32 s0, s3;
	s0 =	sld [smem:$0x3FA3]  }
0x30: {  	s3 =	sld [smem:$0x3FA6]  }
0x31: {  	[smem:$0x3FAF] =	sst s10  }
0x32: {  	s10 =	sld [smem:$0x3FAD];
	_ =	sdelay $0x3  }
0x33: {  	p0 =	seq.s32 s10, $0x1;
	s10 =	sld [smem:$0x3FAF];
	_ =	sdelay $0x3  }
0x34: {  	[smem:$0x3FAF] =	sst s10  }
0x35: {  	s10 =	sld [smem:$0x3FAE];
	_ =	sdelay $0x3  }
0x36: {  	p1 =	seq.s32 s10, $0x1;
	s10 =	sld [smem:$0x3FAF];
	_ =	sdelay $0x3  }
0x37: {  	[smem:$0x3FAF] =	sst s10  }
0x38: {  	s10 =	sld [smem:$0x3FB0]  }
0x39: {  	_ = 	snop;
	(pc) =	sbr.ind lr, $3  }
0x3a: {  	_ = 	snop  }
0x3b: {  	_ = 	snop  }
0x3c: {  	p2 =	seq.s32 s10, $0x1;
	s10 =	sld [smem:$0x3FAF]  }
0x3d: {  	_ =	shalt  }
0x3e: {  	_ =	shalt  }
0x3f: {  	_ =	shalt  }
0x40: {  	_ =	shalt  }
0x41: {  	_ =	shalt  }
0x42: {  	_ =	shalt  }
0x43: {  	_ =	shalt  }
0x44: {  	_ =	shalt  }
0x45: {  	_ =	shalt  }
0x46: {  	_ =	shalt  }
0x47: {  	_ =	shalt  }
0x48: {  	_ =	shalt  }
0x49: {  	_ =	shalt  }
0x4a: {  	_ =	shalt  }
0x4b: {  	_ =	shalt  }
0x4c: {  	_ =	shalt  }
0x4d: {  	_ =	shalt  }
0x4e: {  	_ =	shalt  }
0x4f: {  	_ =	shalt  }
0x50: {  	_ =	shalt  }
0x51: {  	_ =	shalt  }
0x52: {  	_ =	shalt  }
0x53: {  	_ =	shalt  }
0x54: {  	_ =	shalt  }
0x55: {  	_ =	shalt  }
0x56: {  	_ =	shalt  }
0x57: {  	_ =	shalt  }
0x58: {  	_ =	shalt  }
0x59: {  	_ =	shalt  }
0x5a: {  	_ =	shalt  }
0x5b: {  	_ =	shalt  }
0x5c: {  	_ =	shalt  }
0x5d: {  	_ =	shalt  }
0x5e: {  	_ =	shalt  }
0x5f: {  	_ =	shalt  }
0x60: {  	_ =	shalt  }
0x61: {  	_ =	shalt  }
0x62: {  	_ =	shalt  }
0x63: {  	_ =	shalt  }
0x64: {  	_ =	shalt  }
0x65: {  	_ =	shalt  }
0x66: {  	_ =	shalt  }
0x67: {  	_ =	shalt  }
0x68: {  	_ =	shalt  }
0x69: {  	_ =	shalt  }
0x6a: {  	_ =	shalt  }
0x6b: {  	_ =	shalt  }
0x6c: {  	_ =	shalt  }
0x6d: {  	_ =	shalt  }
0x6e: {  	_ =	shalt  }
0x6f: {  	_ =	shalt  }
0x70: {  	_ =	shalt  }
0x71: {  	_ =	shalt  }
0x72: {  	_ =	shalt  }
0x73: {  	_ =	shalt  }
0x74: {  	_ =	shalt  }
0x75: {  	_ =	shalt  }
0x76: {  	_ =	shalt  }
0x77: {  	_ =	shalt  }
0x78: {  	_ =	shalt  }
0x79: {  	_ =	shalt  }
0x7a: {  	_ =	shalt  }
0x7b: {  	_ =	shalt  }
0x7c: {  	_ =	shalt  }
0x7d: {  	_ =	shalt  }
0x7e: {  	_ =	shalt  }
0x7f: {  	_ =	shalt  }
0x80: {  	_ =	shalt  }
0x81: {  	_ =	shalt  }
0x82: {  	_ =	shalt  }
0x83: {  	_ =	shalt  }
0x84: {  	_ =	shalt  }
0x85: {  	_ =	shalt  }
0x86: {  	_ =	shalt  }
0x87: {  	_ =	shalt  }
.Lfunc_end0:
.L_simem_size_0:
called_computation_lowered:
.L_overlay_start_0:
0x88: {  	s2 =	sld [smem:$0x3FD9]  }
0x89: {  	s3 =	sld [smem:$0x3FFE];
	_ =	sdelay $0x1  }
0x8a: {  	s1 =	srdreg.scid  }
0x8b: {  	s0 =	sand.u32 $0x1, s1  }
0x8c: {  	s17 =	sshll.u32 s0, $0xA;
	s2 =	sadd.s32 s3, s2  }
0x8d: {  	s2 =	sadd.s32 s2, s17  }
0x8e: {  	[smem:$0x3FBB] =	sst s2  }
0x8f: {  	_ = 	snop  }
0x90: {  	s2 =	sld [smem:$0x3FD0];
	(tm) =	ssettm $0x1  }
0x91: {  	s18 =	sld [smem:$0x3FFB];
	_ =	sdelay $0x3  }
0x92: {  	_ =	strace s18  }
0x93: {  	s3 =	sld [smem:$0x3FFC];
	_ =	sdelay $0x3  }
0x94: {  	_ =	strace s3  }
0x95: {  	s3 =	sld [smem:$0x3FFD];
	_ =	sdelay $0x3  }
0x96: {  	_ =	strace s3  }
0x97: {  	_ =	strace $0x8FFFFFFF  }
0x98: {  	s19 =	sld [smem:$0x3FDB];
	_ =	sdelay $0x1  }
0x99: {  	s4 =	simm.s32 $_scs_section_size  }
0x9a: {  	s5 =	simm.s32 $_size__tile_overlayer_lowered;
	s6 =	simm.s32 $_tile_overlayer_lowered  }
0x9b: {  	s22 =	simm.s32 $0x1BFF;
	s21 =	sshll.u32 s6, $0x1;
	s3 =	sadd.s32 s4, s19  }
0x9c: {  	s7 =	simm.s32 $0x0;
	s20 =	sshll.u32 s5, $0x1;
	s5 =	sadd.s32 s21, s3  }
0x9d: {  	[timem:s7], [sflag:s22] =	dma.local [hbm:s5], s20  }
0x9e: {  	_ =	swait.ge [sflag:s22], s20  }
0x9f: {  	s4 =	ssub.s32 $0x0, s20;
	[sflag:s22] =	ssyncset.done $0x0  }
0xa0: {  	[sflag:s22] =	ssyncadd.s32 s4;
	_ =	sdelay $0x1  }
0xa1: {  	s23 =	simm.s32 $0x1B8B  }
0xa2: {  	_ =	swait.ge [sflag:s23], $0x1  }
0xa3: {  	[sflag:s23] =	ssyncset.done $0x0  }
0xa4: {  	s25 =	simm.s32 $0x1B8E;
	s24 =	sld [smem:$0x3FFE];
	[sflag:s23] =	ssyncadd.s32 $0xFFFFFFFF  }
0xa5: {  	s26 =	simm.s32 $execute0_lowered;
	[smem:$0x3FD2] =	sst s25  }
0xa6: {  	s5 =	sshll.u32 s26, $0x1;
	_ =	strace $0x80000046;
	[dreg:$0x1] =	wrdreg $0xFFFFFFFF  }
0xa7: {  	s28 =	simm.s32 $_size_execute0_lowered;
	s3 =	sadd.s32 s3, s5;
	[dreg:$0x0] =	wrdreg $0x0  }
0xa8: {  	s5 =	sshll.u32 s28, $0x1;
	[dreg:$0x2] =	wrdreg s3  }
0xa9: {  	[dreg:$0x3] =	wrdreg s5  }
0xaa: {  	[dreg:$0x4] =	wrdreg $0xC0  }
0xab: {  	_ =	task [dreg:s7], $0x5FFFF  }
0xac: {  	[dreg:$0x1] =	wrdreg $0xFFFFFFFF  }
0xad: {  	[dreg:$0x0] =	wrdreg $0x60  }
0xae: {  	[dreg:$0x2] =	wrdreg s24  }
0xaf: {  	[dreg:$0x3] =	wrdreg s2  }
0xb0: {  	[dreg:$0x4] =	wrdreg $0x51000  }
0xb1: {  	[dreg:$0x5] =	wrdreg $0x9  }
0xb2: {  	_ =	task.clear_ibuf [dreg:s7], $0x6FFFF;
	_ =	strace $0x90000046  }
0xb3: {  	s29 =	simm.s32 $0x9;
	_ =	strace $0x80000048  }
0xb4: {  	_ =	swait.ge [sflag:s29], $0x1  }
0xb5: {  	[sflag:s29] =	ssyncadd.s32 $0xFFFFFFFF  }
0xb6: {  	_ =	strace $0x90000048  }
0xb7: {  	_ =	sfence  }
0xb8: {  	s30 =	sld [smem:$0x0];
	_ =	sdelay $0x2  }
0xb9: {  	s31 =	sshll.u32 s1, $0xD;
	s1 =	sshrl.u32 s1, $0x2  }
0xba: {  	s3 =	sand.u32 $0x4000, s31;
	s1 =	sadd.s32 s1, s30  }
0xbb: {  	s0 =	sor.u32 s3, s0;
	s1 =	sshll.u32 s1, $0x11  }
0xbc: {  	s0 =	sor.u32 s1, s0  }
0xbd: {  	s0 =	sadd.s32 $0x8F2B, s0  }
0xbe: {  	[sflag:s0] =	ssyncadd.remote.s32 $0x1  }
0xbf: {  	_ =	sfence.sel $0xFFFF  }
0xc0: {  	[dreg:$0x0] =	wrdreg $0xFFFFFFFF;
	(pc) =	sbr.abs _section_cstart, $3  }
0xc1: {  	[dreg:$0x1] =	wrdreg $0xFFFFFFFF  }
0xc2: {  	_ =	task.clear_ibuf [dreg:s7], $0x2FFFF;
	_ =	strace $0x9FFFFFFF  }
0xc3: {  	(tm) =	ssettm $0x7FFFFFFF  }
tec
execute0_lowered:
.L_overlay_start_1:
0x0: {  	(tag) =	ssettag $0x1  }
0x1: {  	s4 =	rddreg [dreg:$0x0]  }
0x2: {  	s7 =	rddreg [dreg:$0x1]  }
0x3: {  	s2 =	rddreg [dreg:$0x2]  }
0x4: {  	s0 =	srdreg.scid;
	s1 =	rddreg [dreg:$0x3];
	s3 =	simm.s32 $0x0  }
0x5: {  	s13 =	simm.s32 $0x50;
	s14 =	simm.s32 $0x3;
	s5 =	sand.u32 $0x1, s0  }
0x6: {  	s15 =	simm.s32 $0x1;
	s0 =	stileid.u32;
	s6 =	smul.u32 $0x4E200, s5  }
0x7: {  	s16 =	simm.s32 $0x0;
	[smem:$0x7FF] =	sst s3;
	s8 =	smul.u32 $0x4E20, s0  }
0x8: {  	s28 =	smul.u32 $0x280, s0;
	_ =	strace $0x80000047;
	s10 =	ssub.s32 $0x2, s5  }
0x9: {  	s5 =	smul.u32 $0x2800, s5;
	s31 =	sshll.u32 s0, $0x6;
	s11 =	sshrl.u32 s10, $0x1  }
0xa: {  	s6 =	sadd.s32 s8, s6;
	s9 =	sshrl.u32 s28, $0x3;
	s10 =	ssub.s32 s10, s11  }
0xb: {  	s29 =	sadd.s32 s28, s5;
	s12 =	sadd.s32 s28, s2;
	s11 =	sor.u32 $0x1C04, s31  }
0xc: {  	s6 =	sshrl.u32 s6, $0x3;
	s9 =	sadd.s32 s9, s4;
	s30 =	sshrl.u32 s29, $0x3  }
0xd: {  	s8 =	smax.u32 s10, $0x1;
	s10 =	simm.s32 $0x4;
	s12 =	sshrl.u32 s12, $0x3  }
0xe: {  	s6 =	sadd.s32 s6, s4;
	s4 =	sadd.s32 $0x17200, s4;
	s7 =	sadd.s32 s7, s30  }
0xf: {  	s5 =	sadd.s32 $0x3800, s6;
	s6 =	sadd.s32 $0x17400, s9;
	s9 =	simm.s32 $0x5080  }
.LBB2_1:
0x10: {  	[tilespmem:s9], [sflag:$0x4] =	stream.linear.gather [hbm4b:s4+s3], $0x80, $0x38;
	[tilespmem:$0x5380] =	vst v63  }
0x11: {  	p0 =	por $0x1, $0x1  }
0x12: {  	_ =	swait.ge [sflag:s10], $0x80;
	s17 =	simm.s32 @!p0 $0x1  }
0x13: {  	[sflag:s10] =	ssyncset.done $0x0;
	s17 =	sand.u32 @!p0 $0xFF, s17  }
0x14: {  	[sflag:s10] =	ssyncadd.s32 $0xFFFFFF80;
	s17 =	smul.u32 @!p0 $0xAB, s17  }
0x15: {  	[tilespmem:s3], [sflag:$0x4] =	stream.linear.gather [hbm4b:s5+s3], $0x4E20, $0x38;
	[tilespmem:$0x5380] =	vst v63  }
0x16: {  	_ =	swait.ge [sflag:s10], $0x4E20  }
0x17: {  	s17 =	sshrl.u32 @!p0 s17, $0x9;
	[sflag:s10] =	ssyncset.done $0x0  }
0x18: {  	s17 =	smul.u32 @!p0 $0x3, s17;
	[sflag:s10] =	ssyncadd.s32 $0xFFFFB1E0  }
0x19: {  	[spmem:s12], [sflag:s11] =	dma.local [hbm:s6], $0x50  }
0x1a: {  	_ =	swait.ge [sflag:s10], $0x50  }
0x1b: {  	s17 =	ssub.s32 @!p0 $0x1, s17;
	[sflag:s10] =	ssyncset.done $0x0  }
0x1c: {  	s17 =	sand.u32 @!p0 $0xFF, s17;
	[sflag:s10] =	ssyncadd.s32 $0xFFFFFFB0  }
0x1d: {  	s18 =	smul.u32 $0xAB, s3;
	s17 =	sadd.s32 @!p0 $0x1, s17;
	[bflag:$0x0] =	sbarrier.arrive $0xFFFF  }
0x1e: {  	_ =	swait.ge @!p0 [sflag:s17], $0x50  }
0x1f: {  	s18 =	sshrl.u32 s18, $0x9;
	[sflag:s17] =	ssyncset.done @!p0 $0x0  }
0x20: {  	s21 =	simm.s32 $0x20;
	s18 =	sand.u32 $0x7F, s18;
	[sflag:s17] =	ssyncadd.s32 @!p0 $0xFFFFFFB0  }
0x21: {  	s31 =	smul.u32 $0x3, s18;
	v0 =	vld [tilespmem:s21+$0xFFFFFFE0];
	_ =	sdelay $0x1  }
0x22: {  	s17 =	ssub.s32 $0x0, s31  }
0x23: {  	s22 =	sand.u32 $0xFF, s17  }
0x24: {  	s20 =	sshll.u32 s22, $0x7  }
0x25: {  	[tilespmem:s20+$0x4E80] =	vst v0  }
0x26: {  	v0 =	vld [tilespmem:s21+$0xFFFFFFF0];
	_ =	sdelay $0x4  }
0x27: {  	[tilespmem:s20+$0x4E90] =	vst v0  }
0x28: {  	v0 =	vld [tilespmem:s21+$0x0];
	_ =	sdelay $0x4  }
0x29: {  	[tilespmem:s20+$0x4EA0] =	vst v0  }
0x2a: {  	p0 =	por $0x1, $0x1;
	v0 =	vld [tilespmem:s21+$0x10]  }
0x2b: {  	s17 =	simm.s32 @!p0 $0x2  }
0x2c: {  	s17 =	sand.u32 @!p0 $0xFF, s17  }
0x2d: {  	s17 =	smul.u32 @!p0 $0xAB, s17;
	_ =	sdelay $0x1  }
0x2e: {  	s17 =	sshrl.u32 @!p0 s17, $0x9;
	[tilespmem:s20+$0x4EB0] =	vst v0  }
0x2f: {  	s17 =	smul.u32 @!p0 $0x3, s17;
	v0 =	vld [tilespmem:s21+$0x20]  }
0x30: {  	s19 =	simm.s32 $0x2  }
0x31: {  	s18 =	simm.s32 $0x1;
	s22 =	sadd.s32 $0x1, s22;
	s23 =	ssub.s32 @!p0 $0x2, s17  }
0x32: {  	s17 =	simm.s32 $0x70;
	s23 =	sand.u32 @!p0 $0xFF, s23;
	s21 =	sadd.s32 $0x4E80, s20  }
.LBB2_2:
0x33: {  	s24 =	smul.u32 $0xAB, s18  }
0x34: {  	s23 =	sadd.s32 @!p0 $0x1, s23;
	[tilespmem:s20+$0x4EC0] =	vst v0;
	s20 =	smov.u32 s19;
	s19 =	sadd.s32 $0x1, s19  }
0x35: {  	[spmem:s2] =	stream.indirect.scatter.add.f32 [tilespmem:s9], [sflag:s22], $0x1, s21, s13, $0xb8;
	[tilespmem:$0x5380] =	vst v63  }
0x36: {  	p1 =	sne.s32 s19, $0xFA;
	s21 =	sshrl.u32 s24, $0x9;
	_ =	swait.ge @!p0 [sflag:s23], $0x50  }
0x37: {  	s21 =	sand.u32 $0x7F, s21;
	[sflag:s23] =	ssyncset.done @!p0 $0x0  }
0x38: {  	s21 =	smul.u32 $0x3, s21;
	[sflag:s23] =	ssyncadd.s32 @!p0 $0xFFFFFFB0  }
0x39: {  	v0 =	vld [tilespmem:s17+$0xFFFFFFE0]  }
0x3a: {  	s21 =	ssub.s32 s18, s21;
	s18 =	smov.u32 s20  }
0x3b: {  	s22 =	sand.u32 $0xFF, s21;
	_ =	sdelay $0x1  }
0x3c: {  	s20 =	sshll.u32 s22, $0x7  }
0x3d: {  	[tilespmem:s20+$0x4E80] =	vst v0  }
0x3e: {  	v0 =	vld [tilespmem:s17+$0xFFFFFFF0];
	_ =	sdelay $0x4  }
0x3f: {  	[tilespmem:s20+$0x4E90] =	vst v0  }
0x40: {  	v0 =	vld [tilespmem:s17+$0x0];
	_ =	sdelay $0x4  }
0x41: {  	[tilespmem:s20+$0x4EA0] =	vst v0  }
0x42: {  	v0 =	vld [tilespmem:s17+$0x10]  }
0x43: {  	p0 =	slt.u32 s18, $0x2  }
0x44: {  	s21 =	sadd.s32 @!p0 $0x1, s18  }
0x45: {  	s23 =	sand.u32 @!p0 $0xFF, s21  }
0x46: {  	s23 =	smul.u32 @!p0 $0xAB, s23  }
0x47: {  	[tilespmem:s20+$0x4EB0] =	vst v0  }
.Ltmp0:
0x48: {  	s23 =	sshrl.u32 @!p0 s23, $0x9;
	v0 =	vld [tilespmem:s17+$0x20];
	(pc) =	sbr.rel @p1 .LBB2_2-.Ltmp0, $3  }
0x49: {  	s23 =	smul.u32 @!p0 $0x3, s23;
	_ =	sdelay $0x1  }
0x4a: {  	s21 =	ssub.s32 @!p0 s21, s23;
	s17 =	sadd.s32 $0x50, s17  }
0x4b: {  	s22 =	sadd.s32 $0x1, s22;
	s23 =	sand.u32 @!p0 $0xFF, s21;
	s21 =	sadd.s32 $0x4E80, s20  }
0x4c: {  	s19 =	smul.u32 $0xAB, s18;
	s23 =	sadd.s32 @!p0 $0x1, s23;
	[tilespmem:s20+$0x4EC0] =	vst v0  }
0x4d: {  	[spmem:s2] =	stream.indirect.scatter.add.f32 [tilespmem:s9], [sflag:s22], $0x1, s21, s13, $0xb8;
	[tilespmem:$0x5380] =	vst v63  }
0x4e: {  	_ =	swait.ge @!p0 [sflag:s23], $0x50  }
0x4f: {  	s19 =	sshrl.u32 s19, $0x9;
	[sflag:s23] =	ssyncset.done @!p0 $0x0  }
0x50: {  	s19 =	sand.u32 $0x7F, s19;
	[sflag:s23] =	ssyncadd.s32 @!p0 $0xFFFFFFB0  }
0x51: {  	s19 =	smul.u32 $0x3, s19;
	v63 =	vld [tilespmem:s17+$0xFFFFFFE0];
	_ =	sdelay $0x1  }
0x52: {  	s29 =	ssub.s32 s18, s19  }
0x53: {  	s18 =	sand.u32 $0xFF, s29  }
0x54: {  	s30 =	sshll.u32 s18, $0x7  }
0x55: {  	[tilespmem:s30+$0x4E80] =	vst v63  }
0x56: {  	v0 =	vld [tilespmem:s17+$0xFFFFFFF0];
	_ =	sdelay $0x4  }
0x57: {  	[tilespmem:s30+$0x4E90] =	vst v0  }
0x58: {  	v0 =	vld [tilespmem:s17+$0x0];
	_ =	sdelay $0x4  }
0x59: {  	[tilespmem:s30+$0x4EA0] =	vst v0  }
0x5a: {  	v0 =	vld [tilespmem:s17+$0x10];
	_ =	sdelay $0x4  }
0x5b: {  	[tilespmem:s30+$0x4EB0] =	vst v0  }
0x5c: {  	v0 =	vld [tilespmem:s17+$0x20];
	_ =	sdelay $0x4  }
0x5d: {  	s18 =	sadd.s32 $0x1, s18;
	s31 =	sadd.s32 $0x4E80, s30;
	[tilespmem:s30+$0x4EC0] =	vst v0  }
0x5e: {  	[spmem:s2] =	stream.indirect.scatter.add.f32 [tilespmem:s9], [sflag:s18], $0x1, s31, s13, $0xb8;
	[tilespmem:$0x5380] =	vst v63  }
0x5f: {  	_ =	swait.ge [sflag:s14], $0x50  }
0x60: {  	[sflag:s14] =	ssyncset.done $0x0  }
0x61: {  	[sflag:s14] =	ssyncadd.s32 $0xFFFFFFB0  }
0x62: {  	_ =	swait.ge [sflag:s15], $0x50  }
0x63: {  	s16 =	sadd.s32 $0x1, s16;
	[sflag:s15] =	ssyncset.done $0x0  }
0x64: {  	p0 =	sne.s32 s16, s8;
	[sflag:s15] =	ssyncadd.s32 $0xFFFFFFB0  }
.Ltmp1:
0x65: {  	[bflag:$0x0] =	sbarrier.arrive $0xFFFF;
	(pc) =	sbr.rel @p0 .LBB2_1-.Ltmp1, $4  }
0x66: {  	[hbm:s7], [sflag:s11] =	dma.local [spmem:s12], $0x50  }
0x67: {  	_ =	swait.ge [sflag:s10], $0x50  }
0x68: {  	[sflag:s10] =	ssyncset.done $0x0  }
0x69: {  	[sflag:s10] =	ssyncadd.s32 $0xFFFFFFB0  }
0x6a: {  	_ =	sfence.sel $0x180000  }
0x6b: {  	[bflag:$0x0] =	sbarrier.arrive $0xFFFF  }
0x6c: {  	p0 =	sne.s32 s0, $0x0;
	_ =	strace $0x90000047  }
0x6d: {  	s0 =	sadd.s32 @!p0 $0x100000, s1;
	[bflag:$0x2] =	sbarrier.arrive $0xFFFF  }
0x6e: {  	[sflag:s0] =	ssyncadd.tile.s32 @!p0 $0x1;
	_ =	shalt  }
.Lfunc_end2:
_tile_overlayer_lowered:
.L_overlay_start_2:
0x6f: {  	(tag) =	ssettag $0x2  }
0x70: {  	s0 =	rddreg [dreg:$0x0];
	s2 =	stileid.u32  }
0x71: {  	s1 =	rddreg [dreg:$0x1];
	p0 =	sne.s32 s2, $0x0  }
0x72: {  	s3 =	rddreg [dreg:$0x2];
	[bflag:$0x3] =	sbarrier.arrive $0xFFFF;
	s2 =	simm.s32 @!p0 $0x1C04  }
0x73: {  	[timem:s3], [sflag:s2] =	dma.local @!p0 [hbm:s0], s1  }
0x74: {  	s0 =	simm.s32 @!p0 $0x4  }
0x75: {  	_ =	swait.ge @!p0 [sflag:s0], s1  }
0x76: {  	s1 =	ssub.s32 @!p0 $0x0, s1;
	[sflag:s0] =	ssyncset.done @!p0 $0x0  }
0x77: {  	[sflag:s0] =	ssyncadd.s32 @!p0 s1  }
0x78: {  	[bflag:$0x3] =	sbarrier.arrive $0xFFFF  }
0x79: {  	_ =	shalt  }

// kernel: kernel.13.cloned.1.call-start
scs
__scs_entry_jumppad:
0x0: {  	(pc) =	sbr.rel $0x88, $3  }
0x1: {  	(tag) =	ssettag $0x0;
	lr =	simm.s32 $0x1  }
0x2: {  	[smem:$0x3F94] =	sst lr;
	_ =	strace $0xD0000000  }
0x3: {  	_ = 	snop  }
0x4: {  	_ = 	snop  }
0x5: {  	_ = 	snop  }
0x6: {  	_ = 	snop  }
0x7: {  	_ = 	snop  }
__scs_overlays_trampoline_lowered:
0x8: {  	[smem:$0x3FA3] =	sst s0  }
0x9: {  	[smem:$0x3FA4] =	sst s1  }
0xa: {  	[smem:$0x3FA5] =	sst s2  }
0xb: {  	[smem:$0x3FA6] =	sst s3  }
0xc: {  	[smem:$0x3FA7] =	sst s4  }
0xd: {  	[smem:$0x3FA8] =	sst s5  }
0xe: {  	[smem:$0x3FA9] =	sst s6  }
0xf: {  	[smem:$0x3FAA] =	sst s7  }
0x10: {  	[smem:$0x3FAB] =	sst s8  }
0x11: {  	[smem:$0x3FAC] =	sst s9;
	s0 =	simm.s32 @!p0 $0x0  }
0x12: {  	s1 =	sld [smem:$0x3F92];
	s0 =	simm.s32 @p0 $0x1  }
0x13: {  	[smem:$0x3FAD] =	sst s0;
	s0 =	simm.s32 @!p1 $0x0  }
0x14: {  	s2 =	sld [smem:$0x3F91];
	s0 =	simm.s32 @p1 $0x1  }
0x15: {  	[smem:$0x3FAE] =	sst s0;
	s0 =	simm.s32 @!p2 $0x0  }
0x16: {  	s3 =	sld [smem:$0x3FDB];
	s0 =	simm.s32 @p2 $0x1  }
0x17: {  	s4 =	simm.s32 $0x1BF5;
	[smem:$0x3FB0] =	sst s0  }
0x18: {  	s0 =	sld [smem:$0x3F93];
	_ =	swait.ge [sflag:s4], $0x0  }
0x19: {  	s7 =	sld [smem:$0x3F94]  }
0x1a: {  	s8 =	sadd.s32 $0xFFFFE003, lr  }
0x1b: {  	s9 =	sadd.s32 $0xFFFFFEF7, lr;
	s5 =	simm.s32 $0xFFFFFFFF;
	p2 =	slt.u32 s8, $0xFFFFF086  }
0x1c: {  	p1 =	slt.u32 s9, $0xF7A;
	s5 =	simm.s32 @!p2 $0x0  }
0x1d: {  	s5 =	simm.s32 @p1 $0x1;
	p0 =	seq.s32 s7, s2  }
0x1e: {  	s7 =	smul.u32 @!p0 $0xF7A, s2;
	p2 =	seq.s32 @!p0 s5, $0x0  }
0x1f: {  	s9 =	smul.u32 $0xF7A, s1;
	s8 =	simm.s32 @!p0 $0x1BF5;
	p2 =	por !p2, p0  }
0x20: {  	[sflag:s8] =	ssyncset.s32 @!p0 $0xFFFFF086;
	s6 =	sadd.s32 @!p0 s3, s7;
	s7 =	simm.s32 @!p0 $0x108  }
0x21: {  	s3 =	sadd.s32 s3, s9;
	s6 =	sadd.s32 @!p0 $0x88, s6;
	s7 =	simm.s32 @p2 $0x1082  }
0x22: {  	[simem:s7], [sflag:s8] =	dma.local @!p0 [hbm:s6], $0xF7A  }
0x23: {  	s9 =	sor.u32 $0xD0000000, s2;
	s6 =	simm.s32 $0x108;
	_ =	swait.ge @!p0 [sflag:s8], $0x0  }
0x24: {  	s3 =	sadd.s32 $0x88, s3;
	s6 =	simm.s32 @!p1 $0x1082;
	[sflag:s4] =	ssyncset.s32 $0xFFFFF086  }
0x25: {  	[simem:s6], [sflag:s4] =	dma.local [hbm:s3], $0xF7A  }
0x26: {  	[smem:$0x3F94] =	sst s1;
	(tag) =	ssettag s2;
	_ =	strace s9  }
0x27: {  	s1 =	sld [smem:$0x3FA4]  }
0x28: {  	s2 =	sld [smem:$0x3FA5]  }
0x29: {  	s4 =	sld [smem:$0x3FA7]  }
0x2a: {  	p0 =	seq.s32 s5, $0x0;
	s5 =	sld [smem:$0x3FA8]  }
0x2b: {  	s6 =	sld [smem:$0x3FA9]  }
0x2c: {  	s7 =	sld [smem:$0x3FAA]  }
0x2d: {  	s3 =	simm.s32 $0x108;
	s8 =	sld [smem:$0x3FAB]  }
0x2e: {  	s3 =	simm.s32 @!p0 $0x1082;
	s9 =	sld [smem:$0x3FAC]  }
0x2f: {  	lr =	sadd.s32 s0, s3;
	s0 =	sld [smem:$0x3FA3]  }
0x30: {  	s3 =	sld [smem:$0x3FA6]  }
0x31: {  	[smem:$0x3FAF] =	sst s10  }
0x32: {  	s10 =	sld [smem:$0x3FAD];
	_ =	sdelay $0x3  }
0x33: {  	p0 =	seq.s32 s10, $0x1;
	s10 =	sld [smem:$0x3FAF];
	_ =	sdelay $0x3  }
0x34: {  	[smem:$0x3FAF] =	sst s10  }
0x35: {  	s10 =	sld [smem:$0x3FAE];
	_ =	sdelay $0x3  }
0x36: {  	p1 =	seq.s32 s10, $0x1;
	s10 =	sld [smem:$0x3FAF];
	_ =	sdelay $0x3  }
0x37: {  	[smem:$0x3FAF] =	sst s10  }
0x38: {  	s10 =	sld [smem:$0x3FB0]  }
0x39: {  	_ = 	snop;
	(pc) =	sbr.ind lr, $3  }
0x3a: {  	_ = 	snop  }
0x3b: {  	_ = 	snop  }
0x3c: {  	p2 =	seq.s32 s10, $0x1;
	s10 =	sld [smem:$0x3FAF]  }
0x3d: {  	_ =	shalt  }
0x3e: {  	_ =	shalt  }
0x3f: {  	_ =	shalt  }
0x40: {  	_ =	shalt  }
0x41: {  	_ =	shalt  }
0x42: {  	_ =	shalt  }
0x43: {  	_ =	shalt  }
0x44: {  	_ =	shalt  }
0x45: {  	_ =	shalt  }
0x46: {  	_ =	shalt  }
0x47: {  	_ =	shalt  }
0x48: {  	_ =	shalt  }
0x49: {  	_ =	shalt  }
0x4a: {  	_ =	shalt  }
0x4b: {  	_ =	shalt  }
0x4c: {  	_ =	shalt  }
0x4d: {  	_ =	shalt  }
0x4e: {  	_ =	shalt  }
0x4f: {  	_ =	shalt  }
0x50: {  	_ =	shalt  }
0x51: {  	_ =	shalt  }
0x52: {  	_ =	shalt  }
0x53: {  	_ =	shalt  }
0x54: {  	_ =	shalt  }
0x55: {  	_ =	shalt  }
0x56: {  	_ =	shalt  }
0x57: {  	_ =	shalt  }
0x58: {  	_ =	shalt  }
0x59: {  	_ =	shalt  }
0x5a: {  	_ =	shalt  }
0x5b: {  	_ =	shalt  }
0x5c: {  	_ =	shalt  }
0x5d: {  	_ =	shalt  }
0x5e: {  	_ =	shalt  }
0x5f: {  	_ =	shalt  }
0x60: {  	_ =	shalt  }
0x61: {  	_ =	shalt  }
0x62: {  	_ =	shalt  }
0x63: {  	_ =	shalt  }
0x64: {  	_ =	shalt  }
0x65: {  	_ =	shalt  }
0x66: {  	_ =	shalt  }
0x67: {  	_ =	shalt  }
0x68: {  	_ =	shalt  }
0x69: {  	_ =	shalt  }
0x6a: {  	_ =	shalt  }
0x6b: {  	_ =	shalt  }
0x6c: {  	_ =	shalt  }
0x6d: {  	_ =	shalt  }
0x6e: {  	_ =	shalt  }
0x6f: {  	_ =	shalt  }
0x70: {  	_ =	shalt  }
0x71: {  	_ =	shalt  }
0x72: {  	_ =	shalt  }
0x73: {  	_ =	shalt  }
0x74: {  	_ =	shalt  }
0x75: {  	_ =	shalt  }
0x76: {  	_ =	shalt  }
0x77: {  	_ =	shalt  }
0x78: {  	_ =	shalt  }
0x79: {  	_ =	shalt  }
0x7a: {  	_ =	shalt  }
0x7b: {  	_ =	shalt  }
0x7c: {  	_ =	shalt  }
0x7d: {  	_ =	shalt  }
0x7e: {  	_ =	shalt  }
0x7f: {  	_ =	shalt  }
0x80: {  	_ =	shalt  }
0x81: {  	_ =	shalt  }
0x82: {  	_ =	shalt  }
0x83: {  	_ =	shalt  }
0x84: {  	_ =	shalt  }
0x85: {  	_ =	shalt  }
0x86: {  	_ =	shalt  }
0x87: {  	_ =	shalt  }
.Lfunc_end0:
.L_simem_size_0:
called_computation.1_lowered:
.L_overlay_start_0:
0x88: {  	s2 =	sld [smem:$0x3FD9]  }
0x89: {  	s3 =	sld [smem:$0x3FFE];
	_ =	sdelay $0x1  }
0x8a: {  	s1 =	srdreg.scid  }
0x8b: {  	s0 =	sand.u32 $0x1, s1  }
0x8c: {  	s16 =	sshll.u32 s0, $0xA;
	s2 =	sadd.s32 s3, s2  }
0x8d: {  	s2 =	sadd.s32 s2, s16  }
0x8e: {  	[smem:$0x3FBB] =	sst s2  }
0x8f: {  	_ = 	snop  }
0x90: {  	(tm) =	ssettm $0x1  }
0x91: {  	s17 =	sld [smem:$0x3FFB];
	_ =	sdelay $0x3  }
0x92: {  	_ =	strace s17  }
0x93: {  	s2 =	sld [smem:$0x3FFC];
	_ =	sdelay $0x3  }
0x94: {  	_ =	strace s2  }
0x95: {  	s2 =	sld [smem:$0x3FFD];
	_ =	sdelay $0x3  }
0x96: {  	_ =	strace s2  }
0x97: {  	_ =	strace $0x8FFFFFFF  }
0x98: {  	s18 =	sld [smem:$0x3FDB];
	_ =	sdelay $0x1  }
0x99: {  	s19 =	simm.s32 $_scs_section_size  }
0x9a: {  	s4 =	simm.s32 $_size__tile_overlayer_lowered;
	s5 =	simm.s32 $_tile_overlayer_lowered  }
0x9b: {  	s22 =	simm.s32 $0x1BFF;
	s21 =	sshll.u32 s5, $0x1;
	s2 =	sadd.s32 s19, s18  }
0x9c: {  	s6 =	simm.s32 $0x0;
	s20 =	sshll.u32 s4, $0x1;
	s4 =	sadd.s32 s21, s2  }
0x9d: {  	[timem:s6], [sflag:s22] =	dma.local [hbm:s4], s20  }
0x9e: {  	_ =	swait.ge [sflag:s22], s20  }
0x9f: {  	s3 =	ssub.s32 $0x0, s20;
	[sflag:s22] =	ssyncset.done $0x0  }
0xa0: {  	[sflag:s22] =	ssyncadd.s32 s3;
	_ =	sdelay $0x1  }
0xa1: {  	s23 =	simm.s32 $0x1B8B  }
0xa2: {  	_ =	swait.ge [sflag:s23], $0x1  }
0xa3: {  	[sflag:s23] =	ssyncset.done $0x0  }
0xa4: {  	s25 =	simm.s32 $0x1B8E;
	s24 =	sld [smem:$0x3FFE];
	[sflag:s23] =	ssyncadd.s32 $0xFFFFFFFF  }
0xa5: {  	s26 =	simm.s32 $execute0_lowered;
	[smem:$0x3FD2] =	sst s25  }
0xa6: {  	s4 =	sshll.u32 s26, $0x1;
	_ =	strace $0x80000049;
	[dreg:$0x1] =	wrdreg $0xFFFFFFFF  }
0xa7: {  	s28 =	simm.s32 $_size_execute0_lowered;
	s2 =	sadd.s32 s2, s4;
	[dreg:$0x0] =	wrdreg $0x0  }
0xa8: {  	s4 =	sshll.u32 s28, $0x1;
	[dreg:$0x2] =	wrdreg s2  }
0xa9: {  	[dreg:$0x3] =	wrdreg s4  }
0xaa: {  	[dreg:$0x4] =	wrdreg $0xC0  }
0xab: {  	_ =	task [dreg:s6], $0x5FFFF  }
0xac: {  	[dreg:$0x1] =	wrdreg $0xFFFFFFFF  }
0xad: {  	[dreg:$0x0] =	wrdreg $0x60  }
0xae: {  	[dreg:$0x2] =	wrdreg s24  }
0xaf: {  	[dreg:$0x3] =	wrdreg $0xC4000  }
0xb0: {  	[dreg:$0x4] =	wrdreg $0x9  }
0xb1: {  	_ =	task.clear_ibuf [dreg:s6], $0x5FFFF;
	_ =	strace $0x90000049  }
0xb2: {  	s29 =	simm.s32 $0x9;
	_ =	strace $0x8000004B  }
0xb3: {  	_ =	swait.ge [sflag:s29], $0x1  }
0xb4: {  	[sflag:s29] =	ssyncadd.s32 $0xFFFFFFFF  }
0xb5: {  	_ =	strace $0x9000004B  }
0xb6: {  	_ =	sfence  }
0xb7: {  	s30 =	sld [smem:$0x0];
	_ =	sdelay $0x2  }
0xb8: {  	s31 =	sshll.u32 s1, $0xD;
	s1 =	sshrl.u32 s1, $0x2  }
0xb9: {  	s3 =	sand.u32 $0x4000, s31;
	s1 =	sadd.s32 s1, s30  }
0xba: {  	s0 =	sor.u32 s3, s0;
	s1 =	sshll.u32 s1, $0x11  }
0xbb: {  	s0 =	sor.u32 s1, s0  }
0xbc: {  	s0 =	sadd.s32 $0x8F2B, s0  }
0xbd: {  	[sflag:s0] =	ssyncadd.remote.s32 $0x1  }
0xbe: {  	_ =	sfence.sel $0xFFFF  }
0xbf: {  	[dreg:$0x0] =	wrdreg $0xFFFFFFFF;
	(pc) =	sbr.abs _section_cstart, $3  }
0xc0: {  	[dreg:$0x1] =	wrdreg $0xFFFFFFFF  }
0xc1: {  	_ =	task.clear_ibuf [dreg:s6], $0x2FFFF;
	_ =	strace $0x9FFFFFFF  }
0xc2: {  	(tm) =	ssettm $0x7FFFFFFF  }
0xc3: {  	_ =	shalt  }
tec
execute0_lowered:
.L_overlay_start_1:
0x0: {  	(tag) =	ssettag $0x1  }
0x1: {  	s0 =	rddreg [dreg:$0x0];
	s2 =	stileid.u32  }
0x2: {  	s20 =	rddreg [dreg:$0x1];
	s1 =	simm.s32 $0x0;
	s17 =	smul.u32 $0x2780, s2  }
0x3: {  	s4 =	srdreg.scid;
	s16 =	simm.s32 $0x80;
	s6 =	smul.u32 $0x4E, s2  }
0x4: {  	[smem:$0x7FF] =	sst s1;
	s5 =	sand.u32 $0x1, s4;
	s21 =	smul.u32 $0x4F000, s2  }
0x5: {  	s4 =	sadd.s32 $0x17200, s0;
	s8 =	smin.u32 s2, $0x2;
	s12 =	smul.u32 $0x2700, s2  }
0x6: {  	s9 =	sadd.s32 $0x3800, s0;
	p0 =	slt.u32 s2, $0x2;
	s7 =	smul.u32 $0x27800, s5  }
0x7: {  	s2 =	simm.s32 $0x8;
	_ =	strace $0x8000004A;
	s10 =	smul.u32 $0x27100, s5  }
0x8: {  	s5 =	ssub.s32 $0x2, s5;
	s2 =	simm.s32 @!p0 $0xA;
	s6 =	sadd.s32 s8, s6  }
0x9: {  	s11 =	sadd.s32 s17, s0;
	s18 =	sshrl.u32 s5, $0x1;
	s8 =	sshll.u32 s8, $0x7  }
0xa: {  	[dreg:$0xb] =	wrdreg s2;
	s6 =	sshll.u32 s6, $0x7;
	s1 =	sadd.s32 s17, s7  }
0xb: {  	s19 =	ssub.s32 s5, s18;
	s7 =	sshrl.u32 s21, $0x2;
	s29 =	sadd.s32 $0x3F200, s11  }
0xc: {  	s6 =	sadd.s32 s10, s6;
	s26 =	sadd.s32 s7, s20;
	[dreg:$0xa] =	wrdreg s29  }
0xd: {  	s0 =	sadd.s32 s1, s0;
	s1 =	smax.u32 s19, $0x1;
	[dreg:$0x9] =	wrdreg s26  }
0xe: {  	s6 =	sshrl.u32 s6, $0x3;
	s0 =	sadd.s32 $0x66A00, s0;
	[dreg:$0xd] =	wrdreg s1  }
0xf: {  	s5 =	simm.s32 $0x4F;
	s3 =	sadd.s32 s9, s6;
	[dreg:$0xc] =	wrdreg s0  }
0x10: {  	s28 =	sadd.s32 s12, s10;
	s6 =	sadd.s32 $0x9C40, s3;
	[dreg:$0x3] =	wrdreg s3  }
0x11: {  	s7 =	sadd.s32 s8, s28;
	s22 =	sadd.s32 $0x10, s3;
	[dreg:$0x4] =	wrdreg s6  }
0x12: {  	s8 =	sadd.s32 $0x180, s7;
	s23 =	sadd.s32 $0x9C50, s3;
	[dreg:$0x5] =	wrdreg s22  }
0x13: {  	s7 =	sadd.s32 $0x4E380, s7;
	s24 =	sadd.s32 $0x20, s3;
	[dreg:$0x6] =	wrdreg s23  }
0x14: {  	s30 =	sshrl.u32 s8, $0x3;
	s25 =	sadd.s32 $0x9C60, s3;
	[dreg:$0x7] =	wrdreg s24  }
0x15: {  	s7 =	sshrl.u32 s7, $0x3;
	s0 =	sadd.s32 s30, s9;
	[dreg:$0x8] =	wrdreg s25  }
0x16: {  	s5 =	simm.s32 @!p0 $0x4E;
	s31 =	sadd.s32 s7, s9;
	[dreg:$0xe] =	wrdreg s0  }
0x17: {  	s1 =	simm.s32 $0x0;
	s3 =	simm.s32 $0xB;
	[dreg:$0xf] =	wrdreg s31  }
.LBB2_1:
0x18: {  	[dreg:$0x10] =	wrdreg s1  }
0x19: {  	s0 =	rddreg [dreg:$0x3]  }
0x1a: {  	s2 =	simm.s32 $0x0;
	s7 =	rddreg [dreg:$0x4]  }
0x1b: {  	[tilespmem:s2], [sflag:$0x1] =	stream.linear.gather [hbm4b:s0+s2], $0x80, $0x38;
	v63 =	vld [tilespmem:$0x0]  }
0x1c: {  	s8 =	simm.s32 $0x200;
	s9 =	rddreg [dreg:$0x5]  }
0x1d: {  	[tilespmem:s8], [sflag:$0x1] =	stream.linear.gather [hbm4b:s7+s2], $0x80, $0x38;
	v63 =	vld [tilespmem:$0x0]  }
0x1e: {  	s10 =	rddreg [dreg:$0x6]  }
0x1f: {  	[tilespmem:s16], [sflag:$0x2] =	stream.linear.gather [hbm4b:s9+s2], $0x80, $0x38;
	v63 =	vld [tilespmem:$0x0]  }
0x20: {  	s11 =	simm.s32 $0x280;
	s12 =	rddreg [dreg:$0x7]  }
0x21: {  	[tilespmem:s11], [sflag:$0x2] =	stream.linear.gather [hbm4b:s10+s2], $0x80, $0x38;
	v63 =	vld [tilespmem:$0x0]  }
0x22: {  	s13 =	simm.s32 $0x100;
	s14 =	rddreg [dreg:$0x8];
	s15 =	simm.s32 $0x300  }
0x23: {  	[tilespmem:s13], [sflag:$0x3] =	stream.linear.gather [hbm4b:s12+s2], $0x80, $0x38;
	v63 =	vld [tilespmem:$0x0]  }
0x24: {  	s17 =	simm.s32 $0x1;
	s18 =	simm.s32 $0x400;
	s19 =	simm.s32 $0x4400  }
0x25: {  	[tilespmem:s15], [sflag:$0x3] =	stream.linear.gather [hbm4b:s14+s2], $0x80, $0x38;
	v63 =	vld [tilespmem:$0x0]  }
0x26: {  	s21 =	stileid.u32;
	s31 =	simm.s32 $0x1;
	_ =	swait.ge [sflag:s17], $0x80  }
0x27: {  	p0 =	sne.s32 s5, $0x1;
	s1 =	simm.s32 $0x3;
	[sflag:s17] =	ssyncset.done $0x0  }
0x28: {  	p2 =	sle.u32 s5, $0x3;
	p1 =	por $0x1, $0x1;
	[sflag:s17] =	ssyncadd.s32 $0xFFFFFF80  }
0x29: {  	s0 =	sshll.u32 s21, $0x6;
	s25 =	smulhi.u32 $0xAAAAAAAB, s2;
	_ =	swait.ge [sflag:s17], $0x80  }
0x2a: {  	s21 =	simm.s32 $0x8400;
	s28 =	sand.u32 $0x600, s2;
	[sflag:s17] =	ssyncset.done $0x0  }
0x2b: {  	s22 =	sor.u32 $0x1C0B, s0;
	s7 =	simm.s32 $0x2;
	[sflag:s17] =	ssyncadd.s32 $0xFFFFFF80  }
0x2c: {  	[tilespmem:s18], [sflag:$0x5] =	stream.indirect.gather [hbm4b:s4+s16], $0x80, s2, s16, $0xb8;
	v63 =	vld [tilespmem:$0x0]  }
0x2d: {  	s8 =	sshrl.u32 s25, $0x1;
	s26 =	smulhi.u32 $0xAAAAAAAB, s7;
	_ =	swait.ge [sflag:s7], $0x80  }
0x2e: {  	s0 =	simm.s32 $0x4400;
	s9 =	smul.u32 $0xFFFFFFF4, s8;
	[sflag:s7] =	ssyncset.done $0x0  }
0x2f: {  	s25 =	simm.s32 $0xC400;
	s10 =	smul.u32 $0xFFFD0000, s8;
	[sflag:s7] =	ssyncadd.s32 $0xFFFFFF80  }
0x30: {  	s11 =	sshrl.u32 s26, $0x1;
	_ =	swait.ge [sflag:s7], $0x80;
	[dreg:$0x11] =	wrdreg s22  }
0x31: {  	s8 =	smul.u32 $0xFFFFFA00, s8;
	[sflag:s7] =	ssyncset.done $0x0;
	s23 =	rddreg [dreg:$0x9]  }
0x32: {  	s24 =	rddreg [dreg:$0xa];
	[sflag:s7] =	ssyncadd.s32 $0xFFFFFF80;
	s6 =	sshrl.u32 s23, $0x3  }
0x33: {  	[tilespmem:s19], [sflag:$0x6] =	stream.indirect.gather [hbm4b:s4+s16], $0x80, s16, s16, $0xb8;
	v63 =	vld [tilespmem:$0x0]  }
0x34: {  	s9 =	sshra.s32 s9, $0x2;
	s29 =	smul.u32 $0xFFFFFA00, s11;
	[dreg:$0x12] =	wrdreg s6  }
0x35: {  	[spmem:s6], [sflag:s22] =	dma.local [hbm:s24], $0x2780  }
0x36: {  	s12 =	smul.u32 $0xFFFFFFF4, s11;
	s13 =	sadd.s32 $0x0, s9;
	_ =	swait.ge [sflag:s3], $0x2780  }
0x37: {  	s10 =	sshra.s32 s10, $0x2;
	s9 =	sadd.s32 $0x8, s9;
	[sflag:s3] =	ssyncset.done $0x0  }
0x38: {  	s8 =	sshra.s32 s8, $0x2;
	s11 =	smul.u32 $0xFFFD0000, s11;
	[sflag:s3] =	ssyncadd.s32 $0xFFFFD880  }
0x39: {  	s13 =	sadd.s32 $0x5, s13;
	s10 =	sadd.s32 $0x400, s10;
	[bflag:$0x0] =	sbarrier.arrive $0xFFFF  }
0x3a: {  	s12 =	sshra.s32 s12, $0x2;
	s3 =	rddreg [dreg:$0xf];
	_ =	swait.ge [sflag:s13], $0x4000  }
0x3b: {  	s9 =	sadd.s32 $0x0, s9;
	s15 =	sadd.s32 $0xA, s12;
	[sflag:s13] =	ssyncset.done $0x0  }
0x3c: {  	s8 =	sadd.s32 @!p2 $0x0, s8;
	s15 =	sadd.s32 @!p1 $0x0, s15;
	[sflag:s13] =	ssyncadd.s32 $0xFFFFC000  }
0x3d: {  	s30 =	sshra.s32 s29, $0x2;
	s12 =	sadd.s32 $0x7, s12;
	_ =	swait.ge @!p1 [sflag:s15], $0x4000  }
0x3e: {  	s23 =	simm.s32 $0x200;
	s13 =	sshrl.u32 s28, $0x2;
	[sflag:s15] =	ssyncset.done @!p1 $0x0  }
0x3f: {  	s19 =	sadd.s32 $0x10, s3;
	s13 =	sor.u32 $0x200, s13;
	[sflag:s15] =	ssyncadd.s32 @!p1 $0xFFFFC000  }
0x40: {  	[spmem:s20] =	stream.indirect.scatter.add.f32 [tilespmem:s10], [sflag:s9], $0x80, s13, s16, $0xb8;
	v63 =	vld [tilespmem:$0x0]  }
0x41: {  	s2 =	rddreg [dreg:$0xe];
	p1 =	sle.u32 s5, $0x2;
	s10 =	sand.u32 @!p2 $0x3, s1  }
0x42: {  	s9 =	simm.s32 @!p2 $0x0;
	s13 =	sshra.s32 s11, $0x2;
	s22 =	sadd.s32 @!p2 $0x1, s10  }
0x43: {  	[tilespmem:s8], [sflag:s22] =	stream.linear.gather @!p2 [hbm4b:s2+s9], $0x80, $0x38;
	v63 =	vld [tilespmem:$0x0]  }
.Ltmp0:
0x44: {  	s7 =	sand.u32 @!p1 $0x3, s7;
	s10 =	sshll.u32 @!p2 s10, $0x7;
	(pc) =	sbr.rel @!p0 .LBB2_3-.Ltmp0, $4  }
0x45: {  	s15 =	sadd.s32 @!p1 $0x0, s12;
	s11 =	sadd.s32 @!p1 $0x1, s7;
	s8 =	sor.u32 @!p2 $0x200, s10  }
0x46: {  	[tilespmem:s8], [sflag:s22] =	stream.linear.gather @!p2 [hbm4b:s3+s9], $0x80, $0x38;
	v63 =	vld [tilespmem:$0x0]  }
0x47: {  	s7 =	sadd.s32 $0x100, s30;
	s22 =	sadd.s32 $0x10, s2;
	_ =	swait.ge @!p1 [sflag:s11], $0x80  }
0x48: {  	s9 =	sadd.s32 @!p1 $0x0, s7;
	s7 =	simm.s32 $0x0;
	[sflag:s11] =	ssyncset.done @!p1 $0x0  }
.LBB2_2:
0x49: {  	[sflag:s11] =	ssyncadd.s32 @!p1 $0xFFFFFF80;
	s7 =	sadd.s32 $0x4, s7  }
0x4a: {  	s16 =	smov.u32 s31;
	s31 =	sadd.s32 $0x1, s31;
	s12 =	smov.u32 s0  }
0x4b: {  	s8 =	smov.u32 s19;
	s13 =	sadd.s32 s13, s21;
	s21 =	simm.s32 @!p1 $0x80  }
0x4c: {  	s10 =	smov.u32 s1;
	p0 =	sne.s32 s31, s5;
	_ =	swait.ge @!p1 [sflag:s11], $0x80  }
0x4d: {  	s0 =	sadd.s32 $0x4000, s0;
	s19 =	sadd.s32 $0x10, s19;
	[sflag:s11] =	ssyncset.done @!p1 $0x0  }
0x4e: {  	s6 =	smulhi.u32 $0xAAAAAAAB, s16;
	[sflag:s11] =	ssyncadd.s32 @!p1 $0xFFFFFF80;
	s11 =	smov.u32 s22  }
0x4f: {  	[tilespmem:s13], [sflag:s15] =	stream.indirect.gather @!p1 [hbm4b:s4+s21], $0x80, s9, s21, $0xb8;
	v63 =	vld [tilespmem:$0x0]  }
0x50: {  	s2 =	sand.u32 $0x600, s23;
	s9 =	smov.u32 s23;
	s21 =	smov.u32 s25  }
0x51: {  	s18 =	sadd.s32 $0x2, s16;
	s6 =	sshrl.u32 s6, $0x1;
	s13 =	smulhi.u32 $0xAAAAAAAB, s1  }
0x52: {  	s16 =	sadd.s32 $0x3, s16;
	s15 =	sshra.s32 s7, $0x2;
	s17 =	smul.u32 $0xFFFD0000, s6  }
0x53: {  	s2 =	sshrl.u32 s2, $0x2;
	s14 =	smul.u32 $0xFFFFFFF4, s6;
	s13 =	sshrl.u32 s13, $0x1  }
0x54: {  	p2 =	sge.u32 s16, s5;
	s1 =	sadd.s32 $0x1, s1;
	s24 =	smul.u32 $0xFFFFFFF4, s13  }
0x55: {  	s14 =	sshra.s32 s14, $0x2;
	s16 =	sshra.s32 s17, $0x2;
	s17 =	simm.s32 @!p2 $0x0  }
0x56: {  	s6 =	smul.u32 $0xFFFFFA00, s6;
	s26 =	sand.u32 @!p2 $0x3, s1;
	s24 =	sshra.s32 s24, $0x2  }
0x57: {  	p1 =	seq.s32 s7, $0x0;
	s30 =	sadd.s32 $0x8, s14;
	s29 =	sadd.s32 $0xA, s24  }
0x58: {  	s3 =	sshra.s32 @!p1 s7, $0x2;
	s6 =	sshra.s32 s6, $0x2;
	s14 =	sadd.s32 s15, s14  }
0x59: {  	s14 =	sadd.s32 $0x5, s14;
	s3 =	sadd.s32 @!p1 s3, s29;
	s29 =	sshra.s32 @!p2 s23, $0x2  }
0x5a: {  	s2 =	sor.u32 $0x200, s2;
	s28 =	smul.u32 $0xFFFFFA00, s13;
	_ =	swait.ge [sflag:s14], $0x4000  }
0x5b: {  	s22 =	sadd.s32 $0x10, s22;
	s24 =	sadd.s32 $0x7, s24;
	[sflag:s14] =	ssyncset.done $0x0  }
0x5c: {  	s12 =	sadd.s32 s16, s12;
	s16 =	sshll.u32 @!p2 s26, $0x7;
	[sflag:s14] =	ssyncadd.s32 $0xFFFFC000  }
0x5d: {  	s14 =	sadd.s32 s15, s30;
	s15 =	sadd.s32 @!p2 $0x1, s26;
	_ =	swait.ge @!p1 [sflag:s3], $0x4000  }
0x5e: {  	s13 =	smul.u32 $0xFFFD0000, s13;
	s6 =	sadd.s32 @!p2 s29, s6;
	[sflag:s3] =	ssyncset.done @!p1 $0x0  }
0x5f: {  	[sflag:s3] =	ssyncadd.s32 @!p1 $0xFFFFC000;
	s3 =	sor.u32 @!p2 $0x200, s16;
	s16 =	simm.s32 $0x80  }
0x60: {  	[spmem:s20] =	stream.indirect.scatter.add.f32 [tilespmem:s12], [sflag:s14], $0x80, s2, s16, $0xb8;
	v63 =	vld [tilespmem:$0x0]  }
0x61: {  	s25 =	sadd.s32 $0x4000, s25;
	s13 =	sshra.s32 s13, $0x2;
	p1 =	sge.u32 s18, s5  }
0x62: {  	[tilespmem:s6], [sflag:s15] =	stream.linear.gather @!p2 [hbm4b:s11+s17], $0x80, $0x38;
	v63 =	vld [tilespmem:$0x0]  }
.Ltmp1:
0x63: {  	s23 =	sadd.s32 $0x200, s23;
	s2 =	sand.u32 @!p1 $0x3, s10;
	(pc) =	sbr.rel @p0 .LBB2_2-.Ltmp1, $4  }
0x64: {  	[tilespmem:s3], [sflag:s15] =	stream.linear.gather @!p2 [hbm4b:s8+s17], $0x80, $0x38;
	v63 =	vld [tilespmem:$0x0]  }
0x65: {  	s11 =	sadd.s32 @!p1 $0x1, s2;
	s2 =	sshra.s32 @!p1 s7, $0x2;
	s3 =	sshra.s32 s28, $0x2  }
0x66: {  	s6 =	sshra.s32 @!p1 s9, $0x2;
	s3 =	sadd.s32 $0x100, s3;
	_ =	swait.ge @!p1 [sflag:s11], $0x80  }
0x67: {  	s15 =	sadd.s32 @!p1 s2, s24;
	s9 =	sadd.s32 @!p1 s6, s3;
	[sflag:s11] =	ssyncset.done @!p1 $0x0  }
.LBB2_3:
0x68: {  	[sflag:s11] =	ssyncadd.s32 @!p1 $0xFFFFFF80  }
0x69: {  	_ =	swait.ge @!p1 [sflag:s11], $0x80  }
0x6a: {  	s0 =	sadd.s32 s13, s21;
	[sflag:s11] =	ssyncset.done @!p1 $0x0  }
0x6b: {  	s1 =	simm.s32 @!p1 $0x80;
	s26 =	rddreg [dreg:$0xb];
	[sflag:s11] =	ssyncadd.s32 @!p1 $0xFFFFFF80  }
0x6c: {  	[tilespmem:s0], [sflag:s15] =	stream.indirect.gather @!p1 [hbm4b:s4+s1], $0x80, s9, s1, $0xb8;
	v63 =	vld [tilespmem:$0x0]  }
0x6d: {  	_ =	swait.ge [sflag:s26], $0x4000  }
0x6e: {  	[sflag:s26] =	ssyncset.done $0x0  }
0x6f: {  	[sflag:s26] =	ssyncadd.s32 $0xFFFFC000  }
0x70: {  	[bflag:$0x0] =	sbarrier.arrive $0xFFFF  }
0x71: {  	s28 =	rddreg [dreg:$0xc]  }
0x72: {  	s29 =	rddreg [dreg:$0x11]  }
0x73: {  	s3 =	simm.s32 $0xB;
	s2 =	rddreg [dreg:$0x12]  }
0x74: {  	[hbm:s28], [sflag:s29] =	dma.local [spmem:s2], $0x2780  }
0x75: {  	_ =	swait.ge [sflag:s3], $0x2780  }
0x76: {  	s30 =	rddreg [dreg:$0x10]  }
0x77: {  	s31 =	rddreg [dreg:$0xd];
	s1 =	sadd.s32 $0x1, s30  }
0x78: {  	p0 =	sne.s32 s1, s31  }
.Ltmp2:
0x79: {  	_ = 	snop;
	(pc) =	sbr.rel @p0 .LBB2_1-.Ltmp2, $3  }
0x7a: {  	_ =	sdelay $0x1  }
0x7b: {  	[sflag:s3] =	ssyncset.done $0x0  }
0x7c: {  	[sflag:s3] =	ssyncadd.s32 $0xFFFFD880  }
0x7d: {  	_ =	sfence.sel $0x180000  }
0x7e: {  	[bflag:$0x0] =	sbarrier.arrive $0xFFFF  }
0x7f: {  	_ =	strace $0x9000004A  }
0x80: {  	s0 =	stileid.u32;
	[bflag:$0x2] =	sbarrier.arrive $0xFFFF  }
0x81: {  	p0 =	sne.s32 s0, $0x0;
	s0 =	rddreg [dreg:$0x2]  }
0x82: {  	s0 =	sadd.s32 @!p0 $0x100000, s0  }
0x83: {  	[sflag:s0] =	ssyncadd.tile.s32 @!p0 $0x1;
	_ =	shalt  }
.Lfunc_end2:
_tile_overlayer_lowered:
.L_overlay_start_2:
0x84: {  	(tag) =	ssettag $0x2  }
0x85: {  	s0 =	rddreg [dreg:$0x0];
	s2 =	stileid.u32  }
0x86: {  	s1 =	rddreg [dreg:$0x1];
	p0 =	sne.s32 s2, $0x0  }
0x87: {  	s3 =	rddreg [dreg:$0x2];
	[bflag:$0x3] =	sbarrier.arrive $0xFFFF;
	s2 =	simm.s32 @!p0 $0x1C0B  }
0x88: {  	[timem:s3], [sflag:s2] =	dma.local @!p0 [hbm:s0], s1  }
0x89: {  	s0 =	simm.s32 @!p0 $0xB  }
0x8a: {  	_ =	swait.ge @!p0 [sflag:s0], s1  }
0x8b: {  	s1 =	ssub.s32 @!p0 $0x0, s1;
	[sflag:s0] =	ssyncset.done @!p0 $0x0  }
0x8c: {  	[sflag:s0] =	ssyncadd.s32 @!p0 s1  }
0x8d: {  	[bflag:$0x3] =	sbarrier.arrive $0xFFFF  }
0x8e: {  	_ =	shalt  }

// kernel: kernel.16.cloned.1.call-start
scs
__scs_entry_jumppad:
0x0: {  	(pc) =	sbr.rel $0x88, $3  }
0x1: {  	(tag) =	ssettag $0x0;
	lr =	simm.s32 $0x1  }
0x2: {  	[smem:$0x3F94] =	sst lr;
	_ =	strace $0xD0000000  }
0x3: {  	_ = 	snop  }
0x4: {  	_ = 	snop  }
0x5: {  	_ = 	snop  }
0x6: {  	_ = 	snop  }
0x7: {  	_ = 	snop  }
__scs_overlays_trampoline_lowered:
0x8: {  	[smem:$0x3FA3] =	sst s0  }
0x9: {  	[smem:$0x3FA4] =	sst s1  }
0xa: {  	[smem:$0x3FA5] =	sst s2  }
0xb: {  	[smem:$0x3FA6] =	sst s3  }
0xc: {  	[smem:$0x3FA7] =	sst s4  }
0xd: {  	[smem:$0x3FA8] =	sst s5  }
0xe: {  	[smem:$0x3FA9] =	sst s6  }
0xf: {  	[smem:$0x3FAA] =	sst s7  }
0x10: {  	[smem:$0x3FAB] =	sst s8  }
0x11: {  	[smem:$0x3FAC] =	sst s9;
	s0 =	simm.s32 @!p0 $0x0  }
0x12: {  	s1 =	sld [smem:$0x3F92];
	s0 =	simm.s32 @p0 $0x1  }
0x13: {  	[smem:$0x3FAD] =	sst s0;
	s0 =	simm.s32 @!p1 $0x0  }
0x14: {  	s2 =	sld [smem:$0x3F91];
	s0 =	simm.s32 @p1 $0x1  }
0x15: {  	[smem:$0x3FAE] =	sst s0;
	s0 =	simm.s32 @!p2 $0x0  }
0x16: {  	s3 =	sld [smem:$0x3FDB];
	s0 =	simm.s32 @p2 $0x1  }
0x17: {  	s4 =	simm.s32 $0x1BF5;
	[smem:$0x3FB0] =	sst s0  }
0x18: {  	s0 =	sld [smem:$0x3F93];
	_ =	swait.ge [sflag:s4], $0x0  }
0x19: {  	s7 =	sld [smem:$0x3F94]  }
0x1a: {  	s8 =	sadd.s32 $0xFFFFE003, lr  }
0x1b: {  	s9 =	sadd.s32 $0xFFFFFEF7, lr;
	s5 =	simm.s32 $0xFFFFFFFF;
	p2 =	slt.u32 s8, $0xFFFFF086  }
0x1c: {  	p1 =	slt.u32 s9, $0xF7A;
	s5 =	simm.s32 @!p2 $0x0  }
0x1d: {  	s5 =	simm.s32 @p1 $0x1;
	p0 =	seq.s32 s7, s2  }
0x1e: {  	s7 =	smul.u32 @!p0 $0xF7A, s2;
	p2 =	seq.s32 @!p0 s5, $0x0  }
0x1f: {  	s9 =	smul.u32 $0xF7A, s1;
	s8 =	simm.s32 @!p0 $0x1BF5;
	p2 =	por !p2, p0  }
0x20: {  	[sflag:s8] =	ssyncset.s32 @!p0 $0xFFFFF086;
	s6 =	sadd.s32 @!p0 s3, s7;
	s7 =	simm.s32 @!p0 $0x108  }
0x21: {  	s3 =	sadd.s32 s3, s9;
	s6 =	sadd.s32 @!p0 $0x88, s6;
	s7 =	simm.s32 @p2 $0x1082  }
0x22: {  	[simem:s7], [sflag:s8] =	dma.local @!p0 [hbm:s6], $0xF7A  }
0x23: {  	s9 =	sor.u32 $0xD0000000, s2;
	s6 =	simm.s32 $0x108;
	_ =	swait.ge @!p0 [sflag:s8], $0x0  }
0x24: {  	s3 =	sadd.s32 $0x88, s3;
	s6 =	simm.s32 @!p1 $0x1082;
	[sflag:s4] =	ssyncset.s32 $0xFFFFF086  }
0x25: {  	[simem:s6], [sflag:s4] =	dma.local [hbm:s3], $0xF7A  }
0x26: {  	[smem:$0x3F94] =	sst s1;
	(tag) =	ssettag s2;
	_ =	strace s9  }
0x27: {  	s1 =	sld [smem:$0x3FA4]  }
0x28: {  	s2 =	sld [smem:$0x3FA5]  }
0x29: {  	s4 =	sld [smem:$0x3FA7]  }
0x2a: {  	p0 =	seq.s32 s5, $0x0;
	s5 =	sld [smem:$0x3FA8]  }
0x2b: {  	s6 =	sld [smem:$0x3FA9]  }
0x2c: {  	s7 =	sld [smem:$0x3FAA]  }
0x2d: {  	s3 =	simm.s32 $0x108;
	s8 =	sld [smem:$0x3FAB]  }
0x2e: {  	s3 =	simm.s32 @!p0 $0x1082;
	s9 =	sld [smem:$0x3FAC]  }
0x2f: {  	lr =	sadd.s32 s0, s3;
	s0 =	sld [smem:$0x3FA3]  }
0x30: {  	s3 =	sld [smem:$0x3FA6]  }
0x31: {  	[smem:$0x3FAF] =	sst s10  }
0x32: {  	s10 =	sld [smem:$0x3FAD];
	_ =	sdelay $0x3  }
0x33: {  	p0 =	seq.s32 s10, $0x1;
	s10 =	sld [smem:$0x3FAF];
	_ =	sdelay $0x3  }
0x34: {  	[smem:$0x3FAF] =	sst s10  }
0x35: {  	s10 =	sld [smem:$0x3FAE];
	_ =	sdelay $0x3  }
0x36: {  	p1 =	seq.s32 s10, $0x1;
	s10 =	sld [smem:$0x3FAF];
	_ =	sdelay $0x3  }
0x37: {  	[smem:$0x3FAF] =	sst s10  }
0x38: {  	s10 =	sld [smem:$0x3FB0]  }
0x39: {  	_ = 	snop;
	(pc) =	sbr.ind lr, $3  }
0x3a: {  	_ = 	snop  }
0x3b: {  	_ = 	snop  }
0x3c: {  	p2 =	seq.s32 s10, $0x1;
	s10 =	sld [smem:$0x3FAF]  }
0x3d: {  	_ =	shalt  }
0x3e: {  	_ =	shalt  }
0x3f: {  	_ =	shalt  }
0x40: {  	_ =	shalt  }
0x41: {  	_ =	shalt  }
0x42: {  	_ =	shalt  }
0x43: {  	_ =	shalt  }
0x44: {  	_ =	shalt  }
0x45: {  	_ =	shalt  }
0x46: {  	_ =	shalt  }
0x47: {  	_ =	shalt  }
0x48: {  	_ =	shalt  }
0x49: {  	_ =	shalt  }
0x4a: {  	_ =	shalt  }
0x4b: {  	_ =	shalt  }
0x4c: {  	_ =	shalt  }
0x4d: {  	_ =	shalt  }
0x4e: {  	_ =	shalt  }
0x4f: {  	_ =	shalt  }
0x50: {  	_ =	shalt  }
0x51: {  	_ =	shalt  }
0x52: {  	_ =	shalt  }
0x53: {  	_ =	shalt  }
0x54: {  	_ =	shalt  }
0x55: {  	_ =	shalt  }
0x56: {  	_ =	shalt  }
0x57: {  	_ =	shalt  }
0x58: {  	_ =	shalt  }
0x59: {  	_ =	shalt  }
0x5a: {  	_ =	shalt  }
0x5b: {  	_ =	shalt  }
0x5c: {  	_ =	shalt  }
0x5d: {  	_ =	shalt  }
0x5e: {  	_ =	shalt  }
0x5f: {  	_ =	shalt  }
0x60: {  	_ =	shalt  }
0x61: {  	_ =	shalt  }
0x62: {  	_ =	shalt  }
0x63: {  	_ =	shalt  }
0x64: {  	_ =	shalt  }
0x65: {  	_ =	shalt  }
0x66: {  	_ =	shalt  }
0x67: {  	_ =	shalt  }
0x68: {  	_ =	shalt  }
0x69: {  	_ =	shalt  }
0x6a: {  	_ =	shalt  }
0x6b: {  	_ =	shalt  }
0x6c: {  	_ =	shalt  }
0x6d: {  	_ =	shalt  }
0x6e: {  	_ =	shalt  }
0x6f: {  	_ =	shalt  }
0x70: {  	_ =	shalt  }
0x71: {  	_ =	shalt  }
0x72: {  	_ =	shalt  }
0x73: {  	_ =	shalt  }
0x74: {  	_ =	shalt  }
0x75: {  	_ =	shalt  }
0x76: {  	_ =	shalt  }
0x77: {  	_ =	shalt  }
0x78: {  	_ =	shalt  }
0x79: {  	_ =	shalt  }
0x7a: {  	_ =	shalt  }
0x7b: {  	_ =	shalt  }
0x7c: {  	_ =	shalt  }
0x7d: {  	_ =	shalt  }
0x7e: {  	_ =	shalt  }
0x7f: {  	_ =	shalt  }
0x80: {  	_ =	shalt  }
0x81: {  	_ =	shalt  }
0x82: {  	_ =	shalt  }
0x83: {  	_ =	shalt  }
0x84: {  	_ =	shalt  }
0x85: {  	_ =	shalt  }
0x86: {  	_ =	shalt  }
0x87: {  	_ =	shalt  }
.Lfunc_end0:
.L_simem_size_0:
called_computation.2_lowered:
.L_overlay_start_0:
0x88: {  	s2 =	sld [smem:$0x3FD9]  }
0x89: {  	s3 =	sld [smem:$0x3FFE];
	_ =	sdelay $0x1  }
0x8a: {  	s1 =	srdreg.scid  }
0x8b: {  	s0 =	sand.u32 $0x1, s1  }
0x8c: {  	s16 =	sshll.u32 s0, $0xA;
	s2 =	sadd.s32 s3, s2  }
0x8d: {  	s2 =	sadd.s32 s2, s16  }
0x8e: {  	[smem:$0x3FBB] =	sst s2  }
0x8f: {  	_ = 	snop  }
0x90: {  	(tm) =	ssettm $0x1  }
0x91: {  	s17 =	sld [smem:$0x3FFB];
	_ =	sdelay $0x3  }
0x92: {  	_ =	strace s17  }
0x93: {  	s2 =	sld [smem:$0x3FFC];
	_ =	sdelay $0x3  }
0x94: {  	_ =	strace s2  }
0x95: {  	s2 =	sld [smem:$0x3FFD];
	_ =	sdelay $0x3  }
0x96: {  	_ =	strace s2  }
0x97: {  	_ =	strace $0x8FFFFFFF  }
0x98: {  	s18 =	sld [smem:$0x3FDB];
	_ =	sdelay $0x1  }
0x99: {  	s19 =	simm.s32 $_scs_section_size  }
0x9a: {  	s4 =	simm.s32 $_size__tile_overlayer_lowered;
	s5 =	simm.s32 $_tile_overlayer_lowered  }
0x9b: {  	s22 =	simm.s32 $0x1BFF;
	s21 =	sshll.u32 s5, $0x1;
	s2 =	sadd.s32 s19, s18  }
0x9c: {  	s6 =	simm.s32 $0x0;
	s20 =	sshll.u32 s4, $0x1;
	s4 =	sadd.s32 s21, s2  }
0x9d: {  	[timem:s6], [sflag:s22] =	dma.local [hbm:s4], s20  }
0x9e: {  	_ =	swait.ge [sflag:s22], s20  }
0x9f: {  	s3 =	ssub.s32 $0x0, s20;
	[sflag:s22] =	ssyncset.done $0x0  }
0xa0: {  	[sflag:s22] =	ssyncadd.s32 s3;
	_ =	sdelay $0x1  }
0xa1: {  	s23 =	simm.s32 $0x1B8B  }
0xa2: {  	_ =	swait.ge [sflag:s23], $0x1  }
0xa3: {  	[sflag:s23] =	ssyncset.done $0x0  }
0xa4: {  	s25 =	simm.s32 $0x1B8E;
	s24 =	sld [smem:$0x3FFE];
	[sflag:s23] =	ssyncadd.s32 $0xFFFFFFFF  }
0xa5: {  	s26 =	simm.s32 $execute0_lowered;
	[smem:$0x3FD2] =	sst s25  }
0xa6: {  	s4 =	sshll.u32 s26, $0x1;
	_ =	strace $0x8000004C;
	[dreg:$0x1] =	wrdreg $0xFFFFFFFF  }
0xa7: {  	s28 =	simm.s32 $_size_execute0_lowered;
	s2 =	sadd.s32 s2, s4;
	[dreg:$0x0] =	wrdreg $0x0  }
0xa8: {  	s4 =	sshll.u32 s28, $0x1;
	[dreg:$0x2] =	wrdreg s2  }
0xa9: {  	[dreg:$0x3] =	wrdreg s4  }
0xaa: {  	[dreg:$0x4] =	wrdreg $0xC0  }
0xab: {  	_ =	task [dreg:s6], $0x5FFFF  }
0xac: {  	[dreg:$0x1] =	wrdreg $0xFFFFFFFF  }
0xad: {  	[dreg:$0x0] =	wrdreg $0x60  }
0xae: {  	[dreg:$0x2] =	wrdreg s24  }
0xaf: {  	[dreg:$0x3] =	wrdreg $0xC4000  }
0xb0: {  	[dreg:$0x4] =	wrdreg $0x9  }
0xb1: {  	_ =	task.clear_ibuf [dreg:s6], $0x5FFFF;
	_ =	strace $0x9000004C  }
0xb2: {  	s29 =	simm.s32 $0x9;
	_ =	strace $0x8000004E  }
0xb3: {  	_ =	swait.ge [sflag:s29], $0x1  }
0xb4: {  	[sflag:s29] =	ssyncadd.s32 $0xFFFFFFFF  }
0xb5: {  	_ =	strace $0x9000004E  }
0xb6: {  	_ =	sfence  }
0xb7: {  	s30 =	sld [smem:$0x0];
	_ =	sdelay $0x2  }
0xb8: {  	s31 =	sshll.u32 s1, $0xD;
	s1 =	sshrl.u32 s1, $0x2  }
0xb9: {  	s3 =	sand.u32 $0x4000, s31;
	s1 =	sadd.s32 s1, s30  }
0xba: {  	s0 =	sor.u32 s3, s0;
	s1 =	sshll.u32 s1, $0x11  }
0xbb: {  	s0 =	sor.u32 s1, s0  }
0xbc: {  	s0 =	sadd.s32 $0x8F2B, s0  }
0xbd: {  	[sflag:s0] =	ssyncadd.remote.s32 $0x1  }
0xbe: {  	_ =	sfence.sel $0xFFFF  }
0xbf: {  	[dreg:$0x0] =	wrdreg $0xFFFFFFFF;
	(pc) =	sbr.abs _section_cstart, $3  }
0xc0: {  	[dreg:$0x1] =	wrdreg $0xFFFFFFFF  }
0xc1: {  	_ =	task.clear_ibuf [dreg:s6], $0x2FFFF;
	_ =	strace $0x9FFFFFFF  }
0xc2: {  	(tm) =	ssettm $0x7FFFFFFF  }
0xc3: {  	_ =	shalt  }
tec
execute0_lowered:
.L_overlay_start_1:
0x0: {  	(tag) =	ssettag $0x1  }
0x1: {  	s0 =	rddreg [dreg:$0x0];
	s2 =	stileid.u32  }
0x2: {  	s20 =	rddreg [dreg:$0x1];
	s1 =	simm.s32 $0x0;
	s17 =	smul.u32 $0x2780, s2  }
0x3: {  	s4 =	srdreg.scid;
	s16 =	simm.s32 $0x80;
	s6 =	smul.u32 $0x4E, s2  }
0x4: {  	[smem:$0x7FF] =	sst s1;
	s5 =	sand.u32 $0x1, s4;
	s21 =	smul.u32 $0x4F000, s2  }
0x5: {  	s4 =	sadd.s32 $0x17200, s0;
	s8 =	smin.u32 s2, $0x2;
	s12 =	smul.u32 $0x2700, s2  }
0x6: {  	s9 =	sadd.s32 $0x3800, s0;
	p0 =	slt.u32 s2, $0x2;
	s7 =	smul.u32 $0x27800, s5  }
0x7: {  	s2 =	simm.s32 $0x8;
	_ =	strace $0x8000004D;
	s10 =	smul.u32 $0x27100, s5  }
0x8: {  	s5 =	ssub.s32 $0x2, s5;
	s2 =	simm.s32 @!p0 $0xA;
	s6 =	sadd.s32 s8, s6  }
0x9: {  	s11 =	sadd.s32 s17, s0;
	s18 =	sshrl.u32 s5, $0x1;
	s8 =	sshll.u32 s8, $0x7  }
0xa: {  	[dreg:$0xb] =	wrdreg s2;
	s6 =	sshll.u32 s6, $0x7;
	s1 =	sadd.s32 s17, s7  }
0xb: {  	s19 =	ssub.s32 s5, s18;
	s7 =	sshrl.u32 s21, $0x2;
	s29 =	sadd.s32 $0x3F200, s11  }
0xc: {  	s6 =	sadd.s32 s10, s6;
	s26 =	sadd.s32 s7, s20;
	[dreg:$0xa] =	wrdreg s29  }
0xd: {  	s0 =	sadd.s32 s1, s0;
	s1 =	smax.u32 s19, $0x1;
	[dreg:$0x9] =	wrdreg s26  }
0xe: {  	s6 =	sshrl.u32 s6, $0x3;
	s0 =	sadd.s32 $0x66A00, s0;
	[dreg:$0xd] =	wrdreg s1  }
0xf: {  	s5 =	simm.s32 $0x4F;
	s3 =	sadd.s32 s9, s6;
	[dreg:$0xc] =	wrdreg s0  }
0x10: {  	s28 =	sadd.s32 s12, s10;
	s6 =	sadd.s32 $0x9C40, s3;
	[dreg:$0x3] =	wrdreg s3  }
0x11: {  	s7 =	sadd.s32 s8, s28;
	s22 =	sadd.s32 $0x10, s3;
	[dreg:$0x4] =	wrdreg s6  }
0x12: {  	s8 =	sadd.s32 $0x180, s7;
	s23 =	sadd.s32 $0x9C50, s3;
	[dreg:$0x5] =	wrdreg s22  }
0x13: {  	s7 =	sadd.s32 $0x4E380, s7;
	s24 =	sadd.s32 $0x20, s3;
	[dreg:$0x6] =	wrdreg s23  }
0x14: {  	s30 =	sshrl.u32 s8, $0x3;
	s25 =	sadd.s32 $0x9C60, s3;
	[dreg:$0x7] =	wrdreg s24  }
0x15: {  	s7 =	sshrl.u32 s7, $0x3;
	s0 =	sadd.s32 s30, s9;
	[dreg:$0x8] =	wrdreg s25  }
0x16: {  	s5 =	simm.s32 @!p0 $0x4E;
	s31 =	sadd.s32 s7, s9;
	[dreg:$0xe] =	wrdreg s0  }
0x17: {  	s1 =	simm.s32 $0x0;
	s3 =	simm.s32 $0xB;
	[dreg:$0xf] =	wrdreg s31  }
.LBB2_1:
0x18: {  	[dreg:$0x10] =	wrdreg s1  }
0x19: {  	s0 =	rddreg [dreg:$0x3]  }
0x1a: {  	s2 =	simm.s32 $0x0;
	s7 =	rddreg [dreg:$0x4]  }
0x1b: {  	[tilespmem:s2], [sflag:$0x1] =	stream.linear.gather [hbm4b:s0+s2], $0x80, $0x38;
	v63 =	vld [tilespmem:$0x0]  }
0x1c: {  	s8 =	simm.s32 $0x200;
	s9 =	rddreg [dreg:$0x5]  }
0x1d: {  	[tilespmem:s8], [sflag:$0x1] =	stream.linear.gather [hbm4b:s7+s2], $0x80, $0x38;
	v63 =	vld [tilespmem:$0x0]  }
0x1e: {  	s10 =	rddreg [dreg:$0x6]  }
0x1f: {  	[tilespmem:s16], [sflag:$0x2] =	stream.linear.gather [hbm4b:s9+s2], $0x80, $0x38;
	v63 =	vld [tilespmem:$0x0]  }
0x20: {  	s11 =	simm.s32 $0x280;
	s12 =	rddreg [dreg:$0x7]  }
0x21: {  	[tilespmem:s11], [sflag:$0x2] =	stream.linear.gather [hbm4b:s10+s2], $0x80, $0x38;
	v63 =	vld [tilespmem:$0x0]  }
0x22: {  	s13 =	simm.s32 $0x100;
	s14 =	rddreg [dreg:$0x8];
	s15 =	simm.s32 $0x300  }
0x23: {  	[tilespmem:s13], [sflag:$0x3] =	stream.linear.gather [hbm4b:s12+s2], $0x80, $0x38;
	v63 =	vld [tilespmem:$0x0]  }
0x24: {  	s17 =	simm.s32 $0x1;
	s18 =	simm.s32 $0x400;
	s19 =	simm.s32 $0x4400  }
0x25: {  	[tilespmem:s15], [sflag:$0x3] =	stream.linear.gather [hbm4b:s14+s2], $0x80, $0x38;
	v63 =	vld [tilespmem:$0x0]  }
0x26: {  	s21 =	stileid.u32;
	s31 =	simm.s32 $0x1;
	_ =	swait.ge [sflag:s17], $0x80  }
0x27: {  	p0 =	sne.s32 s5, $0x1;
	s1 =	simm.s32 $0x3;
	[sflag:s17] =	ssyncset.done $0x0  }
0x28: {  	p2 =	sle.u32 s5, $0x3;
	p1 =	por $0x1, $0x1;
	[sflag:s17] =	ssyncadd.s32 $0xFFFFFF80  }
0x29: {  	s0 =	sshll.u32 s21, $0x6;
	s25 =	smulhi.u32 $0xAAAAAAAB, s2;
	_ =	swait.ge [sflag:s17], $0x80  }
0x2a: {  	s21 =	simm.s32 $0x8400;
	s28 =	sand.u32 $0x600, s2;
	[sflag:s17] =	ssyncset.done $0x0  }
0x2b: {  	s22 =	sor.u32 $0x1C0B, s0;
	s7 =	simm.s32 $0x2;
	[sflag:s17] =	ssyncadd.s32 $0xFFFFFF80  }
0x2c: {  	[tilespmem:s18], [sflag:$0x5] =	stream.indirect.gather [hbm4b:s4+s16], $0x80, s2, s16, $0xb8;
	v63 =	vld [tilespmem:$0x0]  }
0x2d: {  	s8 =	sshrl.u32 s25, $0x1;
	s26 =	smulhi.u32 $0xAAAAAAAB, s7;
	_ =	swait.ge [sflag:s7], $0x80  }
0x2e: {  	s0 =	simm.s32 $0x4400;
	s9 =	smul.u32 $0xFFFFFFF4, s8;
	[sflag:s7] =	ssyncset.done $0x0  }
0x2f: {  	s25 =	simm.s32 $0xC400;
	s10 =	smul.u32 $0xFFFD0000, s8;
	[sflag:s7] =	ssyncadd.s32 $0xFFFFFF80  }
0x30: {  	s11 =	sshrl.u32 s26, $0x1;
	_ =	swait.ge [sflag:s7], $0x80;
	[dreg:$0x11] =	wrdreg s22  }
0x31: {  	s8 =	smul.u32 $0xFFFFFA00, s8;
	[sflag:s7] =	ssyncset.done $0x0;
	s23 =	rddreg [dreg:$0x9]  }
0x32: {  	s24 =	rddreg [dreg:$0xa];
	[sflag:s7] =	ssyncadd.s32 $0xFFFFFF80;
	s6 =	sshrl.u32 s23, $0x3  }
0x33: {  	[tilespmem:s19], [sflag:$0x6] =	stream.indirect.gather [hbm4b:s4+s16], $0x80, s16, s16, $0xb8;
	v63 =	vld [tilespmem:$0x0]  }
0x34: {  	s9 =	sshra.s32 s9, $0x2;
	s29 =	smul.u32 $0xFFFFFA00, s11;
	[dreg:$0x12] =	wrdreg s6  }
0x35: {  	[spmem:s6], [sflag:s22] =	dma.local [hbm:s24], $0x2780  }
0x36: {  	s12 =	smul.u32 $0xFFFFFFF4, s11;
	s13 =	sadd.s32 $0x0, s9;
	_ =	swait.ge [sflag:s3], $0x2780  }
0x37: {  	s10 =	sshra.s32 s10, $0x2;
	s9 =	sadd.s32 $0x8, s9;
	[sflag:s3] =	ssyncset.done $0x0  }
0x38: {  	s8 =	sshra.s32 s8, $0x2;
	s11 =	smul.u32 $0xFFFD0000, s11;
	[sflag:s3] =	ssyncadd.s32 $0xFFFFD880  }
0x39: {  	s13 =	sadd.s32 $0x5, s13;
	s10 =	sadd.s32 $0x400, s10;
	[bflag:$0x0] =	sbarrier.arrive $0xFFFF  }
0x3a: {  	s12 =	sshra.s32 s12, $0x2;
	s3 =	rddreg [dreg:$0xf];
	_ =	swait.ge [sflag:s13], $0x4000  }
0x3b: {  	s9 =	sadd.s32 $0x0, s9;
	s15 =	sadd.s32 $0xA, s12;
	[sflag:s13] =	ssyncset.done $0x0  }
0x3c: {  	s8 =	sadd.s32 @!p2 $0x0, s8;
	s15 =	sadd.s32 @!p1 $0x0, s15;
	[sflag:s13] =	ssyncadd.s32 $0xFFFFC000  }
0x3d: {  	s30 =	sshra.s32 s29, $0x2;
	s12 =	sadd.s32 $0x7, s12;
	_ =	swait.ge @!p1 [sflag:s15], $0x4000  }
0x3e: {  	s23 =	simm.s32 $0x200;
	s13 =	sshrl.u32 s28, $0x2;
	[sflag:s15] =	ssyncset.done @!p1 $0x0  }
0x3f: {  	s19 =	sadd.s32 $0x10, s3;
	s13 =	sor.u32 $0x200, s13;
	[sflag:s15] =	ssyncadd.s32 @!p1 $0xFFFFC000  }
0x40: {  	[spmem:s20] =	stream.indirect.scatter.add.f32 [tilespmem:s10], [sflag:s9], $0x80, s13, s16, $0xb8;
	v63 =	vld [tilespmem:$0x0]  }
0x41: {  	s2 =	rddreg [dreg:$0xe];
	p1 =	sle.u32 s5, $0x2;
	s10 =	sand.u32 @!p2 $0x3, s1  }
0x42: {  	s9 =	simm.s32 @!p2 $0x0;
	s13 =	sshra.s32 s11, $0x2;
	s22 =	sadd.s32 @!p2 $0x1, s10  }
0x43: {  	[tilespmem:s8], [sflag:s22] =	stream.linear.gather @!p2 [hbm4b:s2+s9], $0x80, $0x38;
	v63 =	vld [tilespmem:$0x0]  }
.Ltmp0:
0x44: {  	s7 =	sand.u32 @!p1 $0x3, s7;
	s10 =	sshll.u32 @!p2 s10, $0x7;
	(pc) =	sbr.rel @!p0 .LBB2_3-.Ltmp0, $4  }
0x45: {  	s15 =	sadd.s32 @!p1 $0x0, s12;
	s11 =	sadd.s32 @!p1 $0x1, s7;
	s8 =	sor.u32 @!p2 $0x200, s10  }
0x46: {  	[tilespmem:s8], [sflag:s22] =	stream.linear.gather @!p2 [hbm4b:s3+s9], $0x80, $0x38;
	v63 =	vld [tilespmem:$0x0]  }
0x47: {  	s7 =	sadd.s32 $0x100, s30;
	s22 =	sadd.s32 $0x10, s2;
	_ =	swait.ge @!p1 [sflag:s11], $0x80  }
0x48: {  	s9 =	sadd.s32 @!p1 $0x0, s7;
	s7 =	simm.s32 $0x0;
	[sflag:s11] =	ssyncset.done @!p1 $0x0  }
.LBB2_2:
0x49: {  	[sflag:s11] =	ssyncadd.s32 @!p1 $0xFFFFFF80;
	s7 =	sadd.s32 $0x4, s7  }
0x4a: {  	s16 =	smov.u32 s31;
	s31 =	sadd.s32 $0x1, s31;
	s12 =	smov.u32 s0  }
0x4b: {  	s8 =	smov.u32 s19;
	s13 =	sadd.s32 s13, s21;
	s21 =	simm.s32 @!p1 $0x80  }
0x4c: {  	s10 =	smov.u32 s1;
	p0 =	sne.s32 s31, s5;
	_ =	swait.ge @!p1 [sflag:s11], $0x80  }
0x4d: {  	s0 =	sadd.s32 $0x4000, s0;
	s19 =	sadd.s32 $0x10, s19;
	[sflag:s11] =	ssyncset.done @!p1 $0x0  }
0x4e: {  	s6 =	smulhi.u32 $0xAAAAAAAB, s16;
	[sflag:s11] =	ssyncadd.s32 @!p1 $0xFFFFFF80;
	s11 =	smov.u32 s22  }
0x4f: {  	[tilespmem:s13], [sflag:s15] =	stream.indirect.gather @!p1 [hbm4b:s4+s21], $0x80, s9, s21, $0xb8;
	v63 =	vld [tilespmem:$0x0]  }
0x50: {  	s2 =	sand.u32 $0x600, s23;
	s9 =	smov.u32 s23;
	s21 =	smov.u32 s25  }
0x51: {  	s18 =	sadd.s32 $0x2, s16;
	s6 =	sshrl.u32 s6, $0x1;
	s13 =	smulhi.u32 $0xAAAAAAAB, s1  }
0x52: {  	s16 =	sadd.s32 $0x3, s16;
	s15 =	sshra.s32 s7, $0x2;
	s17 =	smul.u32 $0xFFFD0000, s6  }
0x53: {  	s2 =	sshrl.u32 s2, $0x2;
	s14 =	smul.u32 $0xFFFFFFF4, s6;
	s13 =	sshrl.u32 s13, $0x1  }
0x54: {  	p2 =	sge.u32 s16, s5;
	s1 =	sadd.s32 $0x1, s1;
	s24 =	smul.u32 $0xFFFFFFF4, s13  }
0x55: {  	s14 =	sshra.s32 s14, $0x2;
	s16 =	sshra.s32 s17, $0x2;
	s17 =	simm.s32 @!p2 $0x0  }
0x56: {  	s6 =	smul.u32 $0xFFFFFA00, s6;
	s26 =	sand.u32 @!p2 $0x3, s1;
	s24 =	sshra.s32 s24, $0x2  }
0x57: {  	p1 =	seq.s32 s7, $0x0;
	s30 =	sadd.s32 $0x8, s14;
	s29 =	sadd.s32 $0xA, s24  }
0x58: {  	s3 =	sshra.s32 @!p1 s7, $0x2;
	s6 =	sshra.s32 s6, $0x2;
	s14 =	sadd.s32 s15, s14  }
0x59: {  	s14 =	sadd.s32 $0x5, s14;
	s3 =	sadd.s32 @!p1 s3, s29;
	s29 =	sshra.s32 @!p2 s23, $0x2  }
0x5a: {  	s2 =	sor.u32 $0x200, s2;
	s28 =	smul.u32 $0xFFFFFA00, s13;
	_ =	swait.ge [sflag:s14], $0x4000  }
0x5b: {  	s22 =	sadd.s32 $0x10, s22;
	s24 =	sadd.s32 $0x7, s24;
	[sflag:s14] =	ssyncset.done $0x0  }
0x5c: {  	s12 =	sadd.s32 s16, s12;
	s16 =	sshll.u32 @!p2 s26, $0x7;
	[sflag:s14] =	ssyncadd.s32 $0xFFFFC000  }
0x5d: {  	s14 =	sadd.s32 s15, s30;
	s15 =	sadd.s32 @!p2 $0x1, s26;
	_ =	swait.ge @!p1 [sflag:s3], $0x4000  }
0x5e: {  	s13 =	smul.u32 $0xFFFD0000, s13;
	s6 =	sadd.s32 @!p2 s29, s6;
	[sflag:s3] =	ssyncset.done @!p1 $0x0  }
0x5f: {  	[sflag:s3] =	ssyncadd.s32 @!p1 $0xFFFFC000;
	s3 =	sor.u32 @!p2 $0x200, s16;
	s16 =	simm.s32 $0x80  }
0x60: {  	[spmem:s20] =	stream.indirect.scatter.add.f32 [tilespmem:s12], [sflag:s14], $0x80, s2, s16, $0xb8;
	v63 =	vld [tilespmem:$0x0]  }
0x61: {  	s25 =	sadd.s32 $0x4000, s25;
	s13 =	sshra.s32 s13, $0x2;
	p1 =	sge.u32 s18, s5  }
0x62: {  	[tilespmem:s6], [sflag:s15] =	stream.linear.gather @!p2 [hbm4b:s11+s17], $0x80, $0x38;
	v63 =	vld [tilespmem:$0x0]  }
.Ltmp1:
0x63: {  	s23 =	sadd.s32 $0x200, s23;
	s2 =	sand.u32 @!p1 $0x3, s10;
	(pc) =	sbr.rel @p0 .LBB2_2-.Ltmp1, $4  }
0x64: {  	[tilespmem:s3], [sflag:s15] =	stream.linear.gather @!p2 [hbm4b:s8+s17], $0x80, $0x38;
	v63 =	vld [tilespmem:$0x0]  }
0x65: {  	s11 =	sadd.s32 @!p1 $0x1, s2;
	s2 =	sshra.s32 @!p1 s7, $0x2;
	s3 =	sshra.s32 s28, $0x2  }
0x66: {  	s6 =	sshra.s32 @!p1 s9, $0x2;
	s3 =	sadd.s32 $0x100, s3;
	_ =	swait.ge @!p1 [sflag:s11], $0x80  }
0x67: {  	s15 =	sadd.s32 @!p1 s2, s24;
	s9 =	sadd.s32 @!p1 s6, s3;
	[sflag:s11] =	ssyncset.done @!p1 $0x0  }
.LBB2_3:
0x68: {  	[sflag:s11] =	ssyncadd.s32 @!p1 $0xFFFFFF80  }
0x69: {  	_ =	swait.ge @!p1 [sflag:s11], $0x80  }
0x6a: {  	s0 =	sadd.s32 s13, s21;
	[sflag:s11] =	ssyncset.done @!p1 $0x0  }
0x6b: {  	s1 =	simm.s32 @!p1 $0x80;
	s26 =	rddreg [dreg:$0xb];
	[sflag:s11] =	ssyncadd.s32 @!p1 $0xFFFFFF80  }
0x6c: {  	[tilespmem:s0], [sflag:s15] =	stream.indirect.gather @!p1 [hbm4b:s4+s1], $0x80, s9, s1, $0xb8;
	v63 =	vld [tilespmem:$0x0]  }
0x6d: {  	_ =	swait.ge [sflag:s26], $0x4000  }
0x6e: {  	[sflag:s26] =	ssyncset.done $0x0  }
0x6f: {  	[sflag:s26] =	ssyncadd.s32 $0xFFFFC000  }
0x70: {  	[bflag:$0x0] =	sbarrier.arrive $0xFFFF  }
0x71: {  	s28 =	rddreg [dreg:$0xc]  }
0x72: {  	s29 =	rddreg [dreg:$0x11]  }
0x73: {  	s3 =	simm.s32 $0xB;
	s2 =	rddreg [dreg:$0x12]  }
0x74: {  	[hbm:s28], [sflag:s29] =	dma.local [spmem:s2], $0x2780  }
0x75: {  	_ =	swait.ge [sflag:s3], $0x2780  }
0x76: {  	s30 =	rddreg [dreg:$0x10]  }
0x77: {  	s31 =	rddreg [dreg:$0xd];
	s1 =	sadd.s32 $0x1, s30  }
0x78: {  	p0 =	sne.s32 s1, s31  }
.Ltmp2:
0x79: {  	_ = 	snop;
	(pc) =	sbr.rel @p0 .LBB2_1-.Ltmp2, $3  }
0x7a: {  	_ =	sdelay $0x1  }
0x7b: {  	[sflag:s3] =	ssyncset.done $0x0  }
0x7c: {  	[sflag:s3] =	ssyncadd.s32 $0xFFFFD880  }
0x7d: {  	_ =	sfence.sel $0x180000  }
0x7e: {  	[bflag:$0x0] =	sbarrier.arrive $0xFFFF  }
0x7f: {  	_ =	strace $0x9000004D  }
0x80: {  	s0 =	stileid.u32;
	[bflag:$0x2] =	sbarrier.arrive $0xFFFF  }
0x81: {  	p0 =	sne.s32 s0, $0x0;
	s0 =	rddreg [dreg:$0x2]  }
0x82: {  	s0 =	sadd.s32 @!p0 $0x100000, s0  }
0x83: {  	[sflag:s0] =	ssyncadd.tile.s32 @!p0 $0x1;
	_ =	shalt  }
.Lfunc_end2:
_tile_overlayer_lowered:
.L_overlay_start_2:
0x84: {  	(tag) =	ssettag $0x2  }
0x85: {  	s0 =	rddreg [dreg:$0x0];
	s2 =	stileid.u32  }
0x86: {  	s1 =	rddreg [dreg:$0x1];
	p0 =	sne.s32 s2, $0x0  }
0x87: {  	s3 =	rddreg [dreg:$0x2];
	[bflag:$0x3] =	sbarrier.arrive $0xFFFF;
	s2 =	simm.s32 @!p0 $0x1C0B  }
0x88: {  	[timem:s3], [sflag:s2] =	dma.local @!p0 [hbm:s0], s1  }
0x89: {  	s0 =	simm.s32 @!p0 $0xB  }
0x8a: {  	_ =	swait.ge @!p0 [sflag:s0], s1  }
0x8b: {  	s1 =	ssub.s32 @!p0 $0x0, s1;
	[sflag:s0] =	ssyncset.done @!p0 $0x0  }
0x8c: {  	[sflag:s0] =	ssyncadd.s32 @!p0 s1  }
0x8d: {  	[bflag:$0x3] =	sbarrier.arrive $0xFFFF  }
0x8e: {  	_ =	shalt  }

// kernel: kernel.19.cloned.1.call-start
scs
__scs_entry_jumppad:
0x0: {  	(pc) =	sbr.rel $0x88, $3  }
0x1: {  	(tag) =	ssettag $0x0;
	lr =	simm.s32 $0x1  }
0x2: {  	[smem:$0x3F94] =	sst lr;
	_ =	strace $0xD0000000  }
0x3: {  	_ = 	snop  }
0x4: {  	_ = 	snop  }
0x5: {  	_ = 	snop  }
0x6: {  	_ = 	snop  }
0x7: {  	_ = 	snop  }
__scs_overlays_trampoline_lowered:
0x8: {  	[smem:$0x3FA3] =	sst s0  }
0x9: {  	[smem:$0x3FA4] =	sst s1  }
0xa: {  	[smem:$0x3FA5] =	sst s2  }
0xb: {  	[smem:$0x3FA6] =	sst s3  }
0xc: {  	[smem:$0x3FA7] =	sst s4  }
0xd: {  	[smem:$0x3FA8] =	sst s5  }
0xe: {  	[smem:$0x3FA9] =	sst s6  }
0xf: {  	[smem:$0x3FAA] =	sst s7  }
0x10: {  	[smem:$0x3FAB] =	sst s8  }
0x11: {  	[smem:$0x3FAC] =	sst s9;
	s0 =	simm.s32 @!p0 $0x0  }
0x12: {  	s1 =	sld [smem:$0x3F92];
	s0 =	simm.s32 @p0 $0x1  }
0x13: {  	[smem:$0x3FAD] =	sst s0;
	s0 =	simm.s32 @!p1 $0x0  }
0x14: {  	s2 =	sld [smem:$0x3F91];
	s0 =	simm.s32 @p1 $0x1  }
0x15: {  	[smem:$0x3FAE] =	sst s0;
	s0 =	simm.s32 @!p2 $0x0  }
0x16: {  	s3 =	sld [smem:$0x3FDB];
	s0 =	simm.s32 @p2 $0x1  }
0x17: {  	s4 =	simm.s32 $0x1BF5;
	[smem:$0x3FB0] =	sst s0  }
0x18: {  	s0 =	sld [smem:$0x3F93];
	_ =	swait.ge [sflag:s4], $0x0  }
0x19: {  	s7 =	sld [smem:$0x3F94]  }
0x1a: {  	s8 =	sadd.s32 $0xFFFFE003, lr  }
0x1b: {  	s9 =	sadd.s32 $0xFFFFFEF7, lr;
	s5 =	simm.s32 $0xFFFFFFFF;
	p2 =	slt.u32 s8, $0xFFFFF086  }
0x1c: {  	p1 =	slt.u32 s9, $0xF7A;
	s5 =	simm.s32 @!p2 $0x0  }
0x1d: {  	s5 =	simm.s32 @p1 $0x1;
	p0 =	seq.s32 s7, s2  }
0x1e: {  	s7 =	smul.u32 @!p0 $0xF7A, s2;
	p2 =	seq.s32 @!p0 s5, $0x0  }
0x1f: {  	s9 =	smul.u32 $0xF7A, s1;
	s8 =	simm.s32 @!p0 $0x1BF5;
	p2 =	por !p2, p0  }
0x20: {  	[sflag:s8] =	ssyncset.s32 @!p0 $0xFFFFF086;
	s6 =	sadd.s32 @!p0 s3, s7;
	s7 =	simm.s32 @!p0 $0x108  }
0x21: {  	s3 =	sadd.s32 s3, s9;
	s6 =	sadd.s32 @!p0 $0x88, s6;
	s7 =	simm.s32 @p2 $0x1082  }
0x22: {  	[simem:s7], [sflag:s8] =	dma.local @!p0 [hbm:s6], $0xF7A  }
0x23: {  	s9 =	sor.u32 $0xD0000000, s2;
	s6 =	simm.s32 $0x108;
	_ =	swait.ge @!p0 [sflag:s8], $0x0  }
0x24: {  	s3 =	sadd.s32 $0x88, s3;
	s6 =	simm.s32 @!p1 $0x1082;
	[sflag:s4] =	ssyncset.s32 $0xFFFFF086  }
0x25: {  	[simem:s6], [sflag:s4] =	dma.local [hbm:s3], $0xF7A  }
0x26: {  	[smem:$0x3F94] =	sst s1;
	(tag) =	ssettag s2;
	_ =	strace s9  }
0x27: {  	s1 =	sld [smem:$0x3FA4]  }
0x28: {  	s2 =	sld [smem:$0x3FA5]  }
0x29: {  	s4 =	sld [smem:$0x3FA7]  }
0x2a: {  	p0 =	seq.s32 s5, $0x0;
	s5 =	sld [smem:$0x3FA8]  }
0x2b: {  	s6 =	sld [smem:$0x3FA9]  }
0x2c: {  	s7 =	sld [smem:$0x3FAA]  }
0x2d: {  	s3 =	simm.s32 $0x108;
	s8 =	sld [smem:$0x3FAB]  }
0x2e: {  	s3 =	simm.s32 @!p0 $0x1082;
	s9 =	sld [smem:$0x3FAC]  }
0x2f: {  	lr =	sadd.s32 s0, s3;
	s0 =	sld [smem:$0x3FA3]  }
0x30: {  	s3 =	sld [smem:$0x3FA6]  }
0x31: {  	[smem:$0x3FAF] =	sst s10  }
0x32: {  	s10 =	sld [smem:$0x3FAD];
	_ =	sdelay $0x3  }
0x33: {  	p0 =	seq.s32 s10, $0x1;
	s10 =	sld [smem:$0x3FAF];
	_ =	sdelay $0x3  }
0x34: {  	[smem:$0x3FAF] =	sst s10  }
0x35: {  	s10 =	sld [smem:$0x3FAE];
	_ =	sdelay $0x3  }
0x36: {  	p1 =	seq.s32 s10, $0x1;
	s10 =	sld [smem:$0x3FAF];
	_ =	sdelay $0x3  }
0x37: {  	[smem:$0x3FAF] =	sst s10  }
0x38: {  	s10 =	sld [smem:$0x3FB0]  }
0x39: {  	_ = 	snop;
	(pc) =	sbr.ind lr, $3  }
0x3a: {  	_ = 	snop  }
0x3b: {  	_ = 	snop  }
0x3c: {  	p2 =	seq.s32 s10, $0x1;
	s10 =	sld [smem:$0x3FAF]  }
0x3d: {  	_ =	shalt  }
0x3e: {  	_ =	shalt  }
0x3f: {  	_ =	shalt  }
0x40: {  	_ =	shalt  }
0x41: {  	_ =	shalt  }
0x42: {  	_ =	shalt  }
0x43: {  	_ =	shalt  }
0x44: {  	_ =	shalt  }
0x45: {  	_ =	shalt  }
0x46: {  	_ =	shalt  }
0x47: {  	_ =	shalt  }
0x48: {  	_ =	shalt  }
0x49: {  	_ =	shalt  }
0x4a: {  	_ =	shalt  }
0x4b: {  	_ =	shalt  }
0x4c: {  	_ =	shalt  }
0x4d: {  	_ =	shalt  }
0x4e: {  	_ =	shalt  }
0x4f: {  	_ =	shalt  }
0x50: {  	_ =	shalt  }
0x51: {  	_ =	shalt  }
0x52: {  	_ =	shalt  }
0x53: {  	_ =	shalt  }
0x54: {  	_ =	shalt  }
0x55: {  	_ =	shalt  }
0x56: {  	_ =	shalt  }
0x57: {  	_ =	shalt  }
0x58: {  	_ =	shalt  }
0x59: {  	_ =	shalt  }
0x5a: {  	_ =	shalt  }
0x5b: {  	_ =	shalt  }
0x5c: {  	_ =	shalt  }
0x5d: {  	_ =	shalt  }
0x5e: {  	_ =	shalt  }
0x5f: {  	_ =	shalt  }
0x60: {  	_ =	shalt  }
0x61: {  	_ =	shalt  }
0x62: {  	_ =	shalt  }
0x63: {  	_ =	shalt  }
0x64: {  	_ =	shalt  }
0x65: {  	_ =	shalt  }
0x66: {  	_ =	shalt  }
0x67: {  	_ =	shalt  }
0x68: {  	_ =	shalt  }
0x69: {  	_ =	shalt  }
0x6a: {  	_ =	shalt  }
0x6b: {  	_ =	shalt  }
0x6c: {  	_ =	shalt  }
0x6d: {  	_ =	shalt  }
0x6e: {  	_ =	shalt  }
0x6f: {  	_ =	shalt  }
0x70: {  	_ =	shalt  }
0x71: {  	_ =	shalt  }
0x72: {  	_ =	shalt  }
0x73: {  	_ =	shalt  }
0x74: {  	_ =	shalt  }
0x75: {  	_ =	shalt  }
0x76: {  	_ =	shalt  }
0x77: {  	_ =	shalt  }
0x78: {  	_ =	shalt  }
0x79: {  	_ =	shalt  }
0x7a: {  	_ =	shalt  }
0x7b: {  	_ =	shalt  }
0x7c: {  	_ =	shalt  }
0x7d: {  	_ =	shalt  }
0x7e: {  	_ =	shalt  }
0x7f: {  	_ =	shalt  }
0x80: {  	_ =	shalt  }
0x81: {  	_ =	shalt  }
0x82: {  	_ =	shalt  }
0x83: {  	_ =	shalt  }
0x84: {  	_ =	shalt  }
0x85: {  	_ =	shalt  }
0x86: {  	_ =	shalt  }
0x87: {  	_ =	shalt  }
.Lfunc_end0:
.L_simem_size_0:
called_computation.3_lowered:
.L_overlay_start_0:
0x88: {  	s2 =	sld [smem:$0x3FD9]  }
0x89: {  	s3 =	sld [smem:$0x3FFE];
	_ =	sdelay $0x1  }
0x8a: {  	s1 =	srdreg.scid  }
0x8b: {  	s0 =	sand.u32 $0x1, s1  }
0x8c: {  	s16 =	sshll.u32 s0, $0xA;
	s2 =	sadd.s32 s3, s2  }
0x8d: {  	s2 =	sadd.s32 s2, s16  }
0x8e: {  	[smem:$0x3FBB] =	sst s2  }
0x8f: {  	_ = 	snop  }
0x90: {  	(tm) =	ssettm $0x1  }
0x91: {  	s17 =	sld [smem:$0x3FFB];
	_ =	sdelay $0x3  }
0x92: {  	_ =	strace s17  }
0x93: {  	s2 =	sld [smem:$0x3FFC];
	_ =	sdelay $0x3  }
0x94: {  	_ =	strace s2  }
0x95: {  	s2 =	sld [smem:$0x3FFD];
	_ =	sdelay $0x3  }
0x96: {  	_ =	strace s2  }
0x97: {  	_ =	strace $0x8FFFFFFF  }
0x98: {  	s18 =	sld [smem:$0x3FDB];
	_ =	sdelay $0x1  }
0x99: {  	s19 =	simm.s32 $_scs_section_size  }
0x9a: {  	s4 =	simm.s32 $_size__tile_overlayer_lowered;
	s5 =	simm.s32 $_tile_overlayer_lowered  }
0x9b: {  	s22 =	simm.s32 $0x1BFF;
	s21 =	sshll.u32 s5, $0x1;
	s2 =	sadd.s32 s19, s18  }
0x9c: {  	s6 =	simm.s32 $0x0;
	s20 =	sshll.u32 s4, $0x1;
	s4 =	sadd.s32 s21, s2  }
0x9d: {  	[timem:s6], [sflag:s22] =	dma.local [hbm:s4], s20  }
0x9e: {  	_ =	swait.ge [sflag:s22], s20  }
0x9f: {  	s3 =	ssub.s32 $0x0, s20;
	[sflag:s22] =	ssyncset.done $0x0  }
0xa0: {  	[sflag:s22] =	ssyncadd.s32 s3;
	_ =	sdelay $0x1  }
0xa1: {  	s23 =	simm.s32 $0x1B8B  }
0xa2: {  	_ =	swait.ge [sflag:s23], $0x1  }
0xa3: {  	[sflag:s23] =	ssyncset.done $0x0  }
0xa4: {  	s25 =	simm.s32 $0x1B8E;
	s24 =	sld [smem:$0x3FFE];
	[sflag:s23] =	ssyncadd.s32 $0xFFFFFFFF  }
0xa5: {  	s26 =	simm.s32 $execute0_lowered;
	[smem:$0x3FD2] =	sst s25  }
0xa6: {  	s4 =	sshll.u32 s26, $0x1;
	_ =	strace $0x8000004F;
	[dreg:$0x1] =	wrdreg $0xFFFFFFFF  }
0xa7: {  	s28 =	simm.s32 $_size_execute0_lowered;
	s2 =	sadd.s32 s2, s4;
	[dreg:$0x0] =	wrdreg $0x0  }
0xa8: {  	s4 =	sshll.u32 s28, $0x1;
	[dreg:$0x2] =	wrdreg s2  }
0xa9: {  	[dreg:$0x3] =	wrdreg s4  }
0xaa: {  	[dreg:$0x4] =	wrdreg $0xC0  }
0xab: {  	_ =	task [dreg:s6], $0x5FFFF  }
0xac: {  	[dreg:$0x1] =	wrdreg $0xFFFFFFFF  }
0xad: {  	[dreg:$0x0] =	wrdreg $0x60  }
0xae: {  	[dreg:$0x2] =	wrdreg s24  }
0xaf: {  	[dreg:$0x3] =	wrdreg $0xC4000  }
0xb0: {  	[dreg:$0x4] =	wrdreg $0x9  }
0xb1: {  	_ =	task.clear_ibuf [dreg:s6], $0x5FFFF;
	_ =	strace $0x9000004F  }
0xb2: {  	s29 =	simm.s32 $0x9;
	_ =	strace $0x80000051  }
0xb3: {  	_ =	swait.ge [sflag:s29], $0x1  }
0xb4: {  	[sflag:s29] =	ssyncadd.s32 $0xFFFFFFFF  }
0xb5: {  	_ =	strace $0x90000051  }
0xb6: {  	_ =	sfence  }
0xb7: {  	s30 =	sld [smem:$0x0];
	_ =	sdelay $0x2  }
0xb8: {  	s31 =	sshll.u32 s1, $0xD;
	s1 =	sshrl.u32 s1, $0x2  }
0xb9: {  	s3 =	sand.u32 $0x4000, s31;
	s1 =	sadd.s32 s1, s30  }
0xba: {  	s0 =	sor.u32 s3, s0;
	s1 =	sshll.u32 s1, $0x11  }
0xbb: {  	s0 =	sor.u32 s1, s0  }
0xbc: {  	s0 =	sadd.s32 $0x8F2B, s0  }
0xbd: {  	[sflag:s0] =	ssyncadd.remote.s32 $0x1  }
0xbe: {  	_ =	sfence.sel $0xFFFF  }
0xbf: {  	[dreg:$0x0] =	wrdreg $0xFFFFFFFF;
	(pc) =	sbr.abs _section_cstart, $3  }
0xc0: {  	[dreg:$0x1] =	wrdreg $0xFFFFFFFF  }
0xc1: {  	_ =	task.clear_ibuf [dreg:s6], $0x2FFFF;
	_ =	strace $0x9FFFFFFF  }
0xc2: {  	(tm) =	ssettm $0x7FFFFFFF  }
0xc3: {  	_ =	shalt  }
tec
execute0_lowered:
.L_overlay_start_1:
0x0: {  	(tag) =	ssettag $0x1  }
0x1: {  	s0 =	rddreg [dreg:$0x0];
	s2 =	stileid.u32  }
0x2: {  	s20 =	rddreg [dreg:$0x1];
	s1 =	simm.s32 $0x0;
	s17 =	smul.u32 $0x2780, s2  }
0x3: {  	s4 =	srdreg.scid;
	s16 =	simm.s32 $0x80;
	s6 =	smul.u32 $0x4E, s2  }
0x4: {  	[smem:$0x7FF] =	sst s1;
	s5 =	sand.u32 $0x1, s4;
	s21 =	smul.u32 $0x4F000, s2  }
0x5: {  	s4 =	sadd.s32 $0x17200, s0;
	s8 =	smin.u32 s2, $0x2;
	s12 =	smul.u32 $0x2700, s2  }
0x6: {  	s9 =	sadd.s32 $0x3800, s0;
	p0 =	slt.u32 s2, $0x2;
	s7 =	smul.u32 $0x27800, s5  }
0x7: {  	s2 =	simm.s32 $0x8;
	_ =	strace $0x80000050;
	s10 =	smul.u32 $0x27100, s5  }
0x8: {  	s5 =	ssub.s32 $0x2, s5;
	s2 =	simm.s32 @!p0 $0xA;
	s6 =	sadd.s32 s8, s6  }
0x9: {  	s11 =	sadd.s32 s17, s0;
	s18 =	sshrl.u32 s5, $0x1;
	s8 =	sshll.u32 s8, $0x7  }
0xa: {  	[dreg:$0xb] =	wrdreg s2;
	s6 =	sshll.u32 s6, $0x7;
	s1 =	sadd.s32 s17, s7  }
0xb: {  	s19 =	ssub.s32 s5, s18;
	s7 =	sshrl.u32 s21, $0x2;
	s29 =	sadd.s32 $0x3F200, s11  }
0xc: {  	s6 =	sadd.s32 s10, s6;
	s26 =	sadd.s32 s7, s20;
	[dreg:$0xa] =	wrdreg s29  }
0xd: {  	s0 =	sadd.s32 s1, s0;
	s1 =	smax.u32 s19, $0x1;
	[dreg:$0x9] =	wrdreg s26  }
0xe: {  	s6 =	sshrl.u32 s6, $0x3;
	s0 =	sadd.s32 $0x66A00, s0;
	[dreg:$0xd] =	wrdreg s1  }
0xf: {  	s5 =	simm.s32 $0x4F;
	s3 =	sadd.s32 s9, s6;
	[dreg:$0xc] =	wrdreg s0  }
0x10: {  	s28 =	sadd.s32 s12, s10;
	s6 =	sadd.s32 $0x9C40, s3;
	[dreg:$0x3] =	wrdreg s3  }
0x11: {  	s7 =	sadd.s32 s8, s28;
	s22 =	sadd.s32 $0x10, s3;
	[dreg:$0x4] =	wrdreg s6  }
0x12: {  	s8 =	sadd.s32 $0x180, s7;
	s23 =	sadd.s32 $0x9C50, s3;
	[dreg:$0x5] =	wrdreg s22  }
0x13: {  	s7 =	sadd.s32 $0x4E380, s7;
	s24 =	sadd.s32 $0x20, s3;
	[dreg:$0x6] =	wrdreg s23  }
0x14: {  	s30 =	sshrl.u32 s8, $0x3;
	s25 =	sadd.s32 $0x9C60, s3;
	[dreg:$0x7] =	wrdreg s24  }
0x15: {  	s7 =	sshrl.u32 s7, $0x3;
	s0 =	sadd.s32 s30, s9;
	[dreg:$0x8] =	wrdreg s25  }
0x16: {  	s5 =	simm.s32 @!p0 $0x4E;
	s31 =	sadd.s32 s7, s9;
	[dreg:$0xe] =	wrdreg s0  }
0x17: {  	s1 =	simm.s32 $0x0;
	s3 =	simm.s32 $0xB;
	[dreg:$0xf] =	wrdreg s31  }
.LBB2_1:
0x18: {  	[dreg:$0x10] =	wrdreg s1  }
0x19: {  	s0 =	rddreg [dreg:$0x3]  }
0x1a: {  	s2 =	simm.s32 $0x0;
	s7 =	rddreg [dreg:$0x4]  }
0x1b: {  	[tilespmem:s2], [sflag:$0x1] =	stream.linear.gather [hbm4b:s0+s2], $0x80, $0x38;
	v63 =	vld [tilespmem:$0x0]  }
0x1c: {  	s8 =	simm.s32 $0x200;
	s9 =	rddreg [dreg:$0x5]  }
0x1d: {  	[tilespmem:s8], [sflag:$0x1] =	stream.linear.gather [hbm4b:s7+s2], $0x80, $0x38;
	v63 =	vld [tilespmem:$0x0]  }
0x1e: {  	s10 =	rddreg [dreg:$0x6]  }
0x1f: {  	[tilespmem:s16], [sflag:$0x2] =	stream.linear.gather [hbm4b:s9+s2], $0x80, $0x38;
	v63 =	vld [tilespmem:$0x0]  }
0x20: {  	s11 =	simm.s32 $0x280;
	s12 =	rddreg [dreg:$0x7]  }
0x21: {  	[tilespmem:s11], [sflag:$0x2] =	stream.linear.gather [hbm4b:s10+s2], $0x80, $0x38;
	v63 =	vld [tilespmem:$0x0]  }
0x22: {  	s13 =	simm.s32 $0x100;
	s14 =	rddreg [dreg:$0x8];
	s15 =	simm.s32 $0x300  }
0x23: {  	[tilespmem:s13], [sflag:$0x3] =	stream.linear.gather [hbm4b:s12+s2], $0x80, $0x38;
	v63 =	vld [tilespmem:$0x0]  }
0x24: {  	s17 =	simm.s32 $0x1;
	s18 =	simm.s32 $0x400;
	s19 =	simm.s32 $0x4400  }
0x25: {  	[tilespmem:s15], [sflag:$0x3] =	stream.linear.gather [hbm4b:s14+s2], $0x80, $0x38;
	v63 =	vld [tilespmem:$0x0]  }
0x26: {  	s21 =	stileid.u32;
	s31 =	simm.s32 $0x1;
	_ =	swait.ge [sflag:s17], $0x80  }
0x27: {  	p0 =	sne.s32 s5, $0x1;
	s1 =	simm.s32 $0x3;
	[sflag:s17] =	ssyncset.done $0x0  }
0x28: {  	p2 =	sle.u32 s5, $0x3;
	p1 =	por $0x1, $0x1;
	[sflag:s17] =	ssyncadd.s32 $0xFFFFFF80  }
0x29: {  	s0 =	sshll.u32 s21, $0x6;
	s25 =	smulhi.u32 $0xAAAAAAAB, s2;
	_ =	swait.ge [sflag:s17], $0x80  }
0x2a: {  	s21 =	simm.s32 $0x8400;
	s28 =	sand.u32 $0x600, s2;
	[sflag:s17] =	ssyncset.done $0x0  }
0x2b: {  	s22 =	sor.u32 $0x1C0B, s0;
	s7 =	simm.s32 $0x2;
	[sflag:s17] =	ssyncadd.s32 $0xFFFFFF80  }
0x2c: {  	[tilespmem:s18], [sflag:$0x5] =	stream.indirect.gather [hbm4b:s4+s16], $0x80, s2, s16, $0xb8;
	v63 =	vld [tilespmem:$0x0]  }
0x2d: {  	s8 =	sshrl.u32 s25, $0x1;
	s26 =	smulhi.u32 $0xAAAAAAAB, s7;
	_ =	swait.ge [sflag:s7], $0x80  }
0x2e: {  	s0 =	simm.s32 $0x4400;
	s9 =	smul.u32 $0xFFFFFFF4, s8;
	[sflag:s7] =	ssyncset.done $0x0  }
0x2f: {  	s25 =	simm.s32 $0xC400;
	s10 =	smul.u32 $0xFFFD0000, s8;
	[sflag:s7] =	ssyncadd.s32 $0xFFFFFF80  }
0x30: {  	s11 =	sshrl.u32 s26, $0x1;
	_ =	swait.ge [sflag:s7], $0x80;
	[dreg:$0x11] =	wrdreg s22  }
0x31: {  	s8 =	smul.u32 $0xFFFFFA00, s8;
	[sflag:s7] =	ssyncset.done $0x0;
	s23 =	rddreg [dreg:$0x9]  }
0x32: {  	s24 =	rddreg [dreg:$0xa];
	[sflag:s7] =	ssyncadd.s32 $0xFFFFFF80;
	s6 =	sshrl.u32 s23, $0x3  }
0x33: {  	[tilespmem:s19], [sflag:$0x6] =	stream.indirect.gather [hbm4b:s4+s16], $0x80, s16, s16, $0xb8;
	v63 =	vld [tilespmem:$0x0]  }
0x34: {  	s9 =	sshra.s32 s9, $0x2;
	s29 =	smul.u32 $0xFFFFFA00, s11;
	[dreg:$0x12] =	wrdreg s6  }
0x35: {  	[spmem:s6], [sflag:s22] =	dma.local [hbm:s24], $0x2780  }
0x36: {  	s12 =	smul.u32 $0xFFFFFFF4, s11;
	s13 =	sadd.s32 $0x0, s9;
	_ =	swait.ge [sflag:s3], $0x2780  }
0x37: {  	s10 =	sshra.s32 s10, $0x2;
	s9 =	sadd.s32 $0x8, s9;
	[sflag:s3] =	ssyncset.done $0x0  }
0x38: {  	s8 =	sshra.s32 s8, $0x2;
	s11 =	smul.u32 $0xFFFD0000, s11;
	[sflag:s3] =	ssyncadd.s32 $0xFFFFD880  }
0x39: {  	s13 =	sadd.s32 $0x5, s13;
	s10 =	sadd.s32 $0x400, s10;
	[bflag:$0x0] =	sbarrier.arrive $0xFFFF  }
0x3a: {  	s12 =	sshra.s32 s12, $0x2;
	s3 =	rddreg [dreg:$0xf];
	_ =	swait.ge [sflag:s13], $0x4000  }
0x3b: {  	s9 =	sadd.s32 $0x0, s9;
	s15 =	sadd.s32 $0xA, s12;
	[sflag:s13] =	ssyncset.done $0x0  }
0x3c: {  	s8 =	sadd.s32 @!p2 $0x0, s8;
	s15 =	sadd.s32 @!p1 $0x0, s15;
	[sflag:s13] =	ssyncadd.s32 $0xFFFFC000  }
0x3d: {  	s30 =	sshra.s32 s29, $0x2;
	s12 =	sadd.s32 $0x7, s12;
	_ =	swait.ge @!p1 [sflag:s15], $0x4000  }
0x3e: {  	s23 =	simm.s32 $0x200;
	s13 =	sshrl.u32 s28, $0x2;
	[sflag:s15] =	ssyncset.done @!p1 $0x0  }
0x3f: {  	s19 =	sadd.s32 $0x10, s3;
	s13 =	sor.u32 $0x200, s13;
	[sflag:s15] =	ssyncadd.s32 @!p1 $0xFFFFC000  }
0x40: {  	[spmem:s20] =	stream.indirect.scatter.add.f32 [tilespmem:s10], [sflag:s9], $0x80, s13, s16, $0xb8;
	v63 =	vld [tilespmem:$0x0]  }
0x41: {  	s2 =	rddreg [dreg:$0xe];
	p1 =	sle.u32 s5, $0x2;
	s10 =	sand.u32 @!p2 $0x3, s1  }
0x42: {  	s9 =	simm.s32 @!p2 $0x0;
	s13 =	sshra.s32 s11, $0x2;
	s22 =	sadd.s32 @!p2 $0x1, s10  }
0x43: {  	[tilespmem:s8], [sflag:s22] =	stream.linear.gather @!p2 [hbm4b:s2+s9], $0x80, $0x38;
	v63 =	vld [tilespmem:$0x0]  }
.Ltmp0:
0x44: {  	s7 =	sand.u32 @!p1 $0x3, s7;
	s10 =	sshll.u32 @!p2 s10, $0x7;
	(pc) =	sbr.rel @!p0 .LBB2_3-.Ltmp0, $4  }
0x45: {  	s15 =	sadd.s32 @!p1 $0x0, s12;
	s11 =	sadd.s32 @!p1 $0x1, s7;
	s8 =	sor.u32 @!p2 $0x200, s10  }
0x46: {  	[tilespmem:s8], [sflag:s22] =	stream.linear.gather @!p2 [hbm4b:s3+s9], $0x80, $0x38;
	v63 =	vld [tilespmem:$0x0]  }
0x47: {  	s7 =	sadd.s32 $0x100, s30;
	s22 =	sadd.s32 $0x10, s2;
	_ =	swait.ge @!p1 [sflag:s11], $0x80  }
0x48: {  	s9 =	sadd.s32 @!p1 $0x0, s7;
	s7 =	simm.s32 $0x0;
	[sflag:s11] =	ssyncset.done @!p1 $0x0  }
.LBB2_2:
0x49: {  	[sflag:s11] =	ssyncadd.s32 @!p1 $0xFFFFFF80;
	s7 =	sadd.s32 $0x4, s7  }
0x4a: {  	s16 =	smov.u32 s31;
	s31 =	sadd.s32 $0x1, s31;
	s12 =	smov.u32 s0  }
0x4b: {  	s8 =	smov.u32 s19;
	s13 =	sadd.s32 s13, s21;
	s21 =	simm.s32 @!p1 $0x80  }
0x4c: {  	s10 =	smov.u32 s1;
	p0 =	sne.s32 s31, s5;
	_ =	swait.ge @!p1 [sflag:s11], $0x80  }
0x4d: {  	s0 =	sadd.s32 $0x4000, s0;
	s19 =	sadd.s32 $0x10, s19;
	[sflag:s11] =	ssyncset.done @!p1 $0x0  }
0x4e: {  	s6 =	smulhi.u32 $0xAAAAAAAB, s16;
	[sflag:s11] =	ssyncadd.s32 @!p1 $0xFFFFFF80;
	s11 =	smov.u32 s22  }
0x4f: {  	[tilespmem:s13], [sflag:s15] =	stream.indirect.gather @!p1 [hbm4b:s4+s21], $0x80, s9, s21, $0xb8;
	v63 =	vld [tilespmem:$0x0]  }
0x50: {  	s2 =	sand.u32 $0x600, s23;
	s9 =	smov.u32 s23;
	s21 =	smov.u32 s25  }
0x51: {  	s18 =	sadd.s32 $0x2, s16;
	s6 =	sshrl.u32 s6, $0x1;
	s13 =	smulhi.u32 $0xAAAAAAAB, s1  }
0x52: {  	s16 =	sadd.s32 $0x3, s16;
	s15 =	sshra.s32 s7, $0x2;
	s17 =	smul.u32 $0xFFFD0000, s6  }
0x53: {  	s2 =	sshrl.u32 s2, $0x2;
	s14 =	smul.u32 $0xFFFFFFF4, s6;
	s13 =	sshrl.u32 s13, $0x1  }
0x54: {  	p2 =	sge.u32 s16, s5;
	s1 =	sadd.s32 $0x1, s1;
	s24 =	smul.u32 $0xFFFFFFF4, s13  }
0x55: {  	s14 =	sshra.s32 s14, $0x2;
	s16 =	sshra.s32 s17, $0x2;
	s17 =	simm.s32 @!p2 $0x0  }
0x56: {  	s6 =	smul.u32 $0xFFFFFA00, s6;
	s26 =	sand.u32 @!p2 $0x3, s1;
	s24 =	sshra.s32 s24, $0x2  }
0x57: {  	p1 =	seq.s32 s7, $0x0;
	s30 =	sadd.s32 $0x8, s14;
	s29 =	sadd.s32 $0xA, s24  }
0x58: {  	s3 =	sshra.s32 @!p1 s7, $0x2;
	s6 =	sshra.s32 s6, $0x2;
	s14 =	sadd.s32 s15, s14  }
0x59: {  	s14 =	sadd.s32 $0x5, s14;
	s3 =	sadd.s32 @!p1 s3, s29;
	s29 =	sshra.s32 @!p2 s23, $0x2  }
0x5a: {  	s2 =	sor.u32 $0x200, s2;
	s28 =	smul.u32 $0xFFFFFA00, s13;
	_ =	swait.ge [sflag:s14], $0x4000  }
0x5b: {  	s22 =	sadd.s32 $0x10, s22;
	s24 =	sadd.s32 $0x7, s24;
	[sflag:s14] =	ssyncset.done $0x0  }
0x5c: {  	s12 =	sadd.s32 s16, s12;
	s16 =	sshll.u32 @!p2 s26, $0x7;
	[sflag:s14] =	ssyncadd.s32 $0xFFFFC000  }
0x5d: {  	s14 =	sadd.s32 s15, s30;
	s15 =	sadd.s32 @!p2 $0x1, s26;
	_ =	swait.ge @!p1 [sflag:s3], $0x4000  }
0x5e: {  	s13 =	smul.u32 $0xFFFD0000, s13;
	s6 =	sadd.s32 @!p2 s29, s6;
	[sflag:s3] =	ssyncset.done @!p1 $0x0  }
0x5f: {  	[sflag:s3] =	ssyncadd.s32 @!p1 $0xFFFFC000;
	s3 =	sor.u32 @!p2 $0x200, s16;
	s16 =	simm.s32 $0x80  }
0x60: {  	[spmem:s20] =	stream.indirect.scatter.add.f32 [tilespmem:s12], [sflag:s14], $0x80, s2, s16, $0xb8;
	v63 =	vld [tilespmem:$0x0]  }
0x61: {  	s25 =	sadd.s32 $0x4000, s25;
	s13 =	sshra.s32 s13, $0x2;
	p1 =	sge.u32 s18, s5  }
0x62: {  	[tilespmem:s6], [sflag:s15] =	stream.linear.gather @!p2 [hbm4b:s11+s17], $0x80, $0x38;
	v63 =	vld [tilespmem:$0x0]  }
.Ltmp1:
0x63: {  	s23 =	sadd.s32 $0x200, s23;
	s2 =	sand.u32 @!p1 $0x3, s10;
	(pc) =	sbr.rel @p0 .LBB2_2-.Ltmp1, $4  }
0x64: {  	[tilespmem:s3], [sflag:s15] =	stream.linear.gather @!p2 [hbm4b:s8+s17], $0x80, $0x38;
	v63 =	vld [tilespmem:$0x0]  }
0x65: {  	s11 =	sadd.s32 @!p1 $0x1, s2;
	s2 =	sshra.s32 @!p1 s7, $0x2;
	s3 =	sshra.s32 s28, $0x2  }
0x66: {  	s6 =	sshra.s32 @!p1 s9, $0x2;
	s3 =	sadd.s32 $0x100, s3;
	_ =	swait.ge @!p1 [sflag:s11], $0x80  }
0x67: {  	s15 =	sadd.s32 @!p1 s2, s24;
	s9 =	sadd.s32 @!p1 s6, s3;
	[sflag:s11] =	ssyncset.done @!p1 $0x0  }
.LBB2_3:
0x68: {  	[sflag:s11] =	ssyncadd.s32 @!p1 $0xFFFFFF80  }
0x69: {  	_ =	swait.ge @!p1 [sflag:s11], $0x80  }
0x6a: {  	s0 =	sadd.s32 s13, s21;
	[sflag:s11] =	ssyncset.done @!p1 $0x0  }
0x6b: {  	s1 =	simm.s32 @!p1 $0x80;
	s26 =	rddreg [dreg:$0xb];
	[sflag:s11] =	ssyncadd.s32 @!p1 $0xFFFFFF80  }
0x6c: {  	[tilespmem:s0], [sflag:s15] =	stream.indirect.gather @!p1 [hbm4b:s4+s1], $0x80, s9, s1, $0xb8;
	v63 =	vld [tilespmem:$0x0]  }
0x6d: {  	_ =	swait.ge [sflag:s26], $0x4000  }
0x6e: {  	[sflag:s26] =	ssyncset.done $0x0  }
0x6f: {  	[sflag:s26] =	ssyncadd.s32 $0xFFFFC000  }
0x70: {  	[bflag:$0x0] =	sbarrier.arrive $0xFFFF  }
0x71: {  	s28 =	rddreg [dreg:$0xc]  }
0x72: {  	s29 =	rddreg [dreg:$0x11]  }
0x73: {  	s3 =	simm.s32 $0xB;
	s2 =	rddreg [dreg:$0x12]  }
0x74: {  	[hbm:s28], [sflag:s29] =	dma.local [spmem:s2], $0x2780  }
0x75: {  	_ =	swait.ge [sflag:s3], $0x2780  }
0x76: {  	s30 =	rddreg [dreg:$0x10]  }
0x77: {  	s31 =	rddreg [dreg:$0xd];
	s1 =	sadd.s32 $0x1, s30  }
0x78: {  	p0 =	sne.s32 s1, s31  }
.Ltmp2:
0x79: {  	_ = 	snop;
	(pc) =	sbr.rel @p0 .LBB2_1-.Ltmp2, $3  }
0x7a: {  	_ =	sdelay $0x1  }
0x7b: {  	[sflag:s3] =	ssyncset.done $0x0  }
0x7c: {  	[sflag:s3] =	ssyncadd.s32 $0xFFFFD880  }
0x7d: {  	_ =	sfence.sel $0x180000  }
0x7e: {  	[bflag:$0x0] =	sbarrier.arrive $0xFFFF  }
0x7f: {  	_ =	strace $0x90000050  }
0x80: {  	s0 =	stileid.u32;
	[bflag:$0x2] =	sbarrier.arrive $0xFFFF  }
0x81: {  	p0 =	sne.s32 s0, $0x0;
	s0 =	rddreg [dreg:$0x2]  }
0x82: {  	s0 =	sadd.s32 @!p0 $0x100000, s0  }
0x83: {  	[sflag:s0] =	ssyncadd.tile.s32 @!p0 $0x1;
	_ =	shalt  }
.Lfunc_end2:
_tile_overlayer_lowered:
.L_overlay_start_2:
0x84: {  	(tag) =	ssettag $0x2  }
0x85: {  	s0 =	rddreg [dreg:$0x0];
	s2 =	stileid.u32  }
0x86: {  	s1 =	rddreg [dreg:$0x1];
	p0 =	sne.s32 s2, $0x0  }
0x87: {  	s3 =	rddreg [dreg:$0x2];
	[bflag:$0x3] =	sbarrier.arrive $0xFFFF;
	s2 =	simm.s32 @!p0 $0x1C0B  }
0x88: {  	[timem:s3], [sflag:s2] =	dma.local @!p0 [hbm:s0], s1  }
0x89: {  	s0 =	simm.s32 @!p0 $0xB  }
0x8a: {  	_ =	swait.ge @!p0 [sflag:s0], s1  }
0x8b: {  	s1 =	ssub.s32 @!p0 $0x0, s1;
	[sflag:s0] =	ssyncset.done @!p0 $0x0  }
0x8c: {  	[sflag:s0] =	ssyncadd.s32 @!p0 s1  }
0x8d: {  	[bflag:$0x3] =	sbarrier.arrive $0xFFFF  }
0x8e: {  	_ =	shalt  }

</sc_bundles>
